<compile_context>
chip_gen: v7x
topology: tpu7x:2x2x1
jax: 0.10.2.dev20260603
libtpu: 0.0.44.dev20260713+nightly
codegen_flags: <defaults>
</compile_context>

<pallas_src>
import functools

import jax
import jax.numpy as jnp
from jax import lax
from jax.experimental import pallas as pl
from jax.experimental.pallas import tpu as pltpu
from jax.experimental.pallas import tpu_sc as plsc

NC, NS, L = 2, 16, 16
NW = NC * NS
N_KP = 16
ROWS, COLS = 16384, 100
ROWS_PER_TILE = ROWS // NW
RCHUNK = 128
NCHUNK = ROWS_PER_TILE // RCHUNK
COL_OFFS = (0, 16, 32, 48, 64, 80, 84)
MAGIC = 12582912.0


def _vgather(vec, idx):
    dn = lax.GatherDimensionNumbers(
        offset_dims=(), collapsed_slice_dims=(0,), start_index_map=(0,)
    )
    return lax.gather(
        vec, idx[:, None], dn, slice_sizes=(1,),
        mode=lax.GatherScatterMode.PROMISE_IN_BOUNDS,
    )


_mesh = plsc.VectorSubcoreMesh(
    core_axis_name="c", subcore_axis_name="s", num_cores=NC, num_subcores=NS
)


@functools.partial(
    pl.kernel,
    out_type=jax.ShapeDtypeStruct((ROWS, COLS), jnp.float32),
    mesh=_mesh,
    compiler_params=pltpu.CompilerParams(
        use_tc_tiling_on_sc=True, needs_layout_passes=False
    ),
    scratch_types=[
        pltpu.VMEM((RCHUNK, COLS), jnp.float32),
        pltpu.VMEM((RCHUNK, COLS), jnp.float32),
        pltpu.VMEM((RCHUNK, COLS), jnp.float32),
        pltpu.VMEM((RCHUNK, COLS), jnp.float32),
        pltpu.VMEM((RCHUNK, COLS), jnp.float32),
        pltpu.VMEM((RCHUNK, COLS), jnp.float32),
        pltpu.VMEM((N_KP,), jnp.float32),
        pltpu.SemaphoreType.DMA,
        pltpu.SemaphoreType.DMA,
        pltpu.SemaphoreType.DMA,
        pltpu.SemaphoreType.DMA,
        pltpu.SemaphoreType.DMA,
        pltpu.SemaphoreType.DMA,
    ],
)
def _calib(x_hbm, kp_hbm, out_hbm,
           x_v0, x_v1, x_v2, y_v0, y_v1, y_v2, kp_v,
           in_sem0, in_sem1, in_sem2, out_sem0, out_sem1, out_sem2):
    NBUF = 3
    x_bufs = (x_v0, x_v1, x_v2)
    y_bufs = (y_v0, y_v1, y_v2)
    in_sems = (in_sem0, in_sem1, in_sem2)
    out_sems = (out_sem0, out_sem1, out_sem2)
    wid = lax.axis_index("s") * NC + lax.axis_index("c")
    base_row = wid * ROWS_PER_TILE

    in_dma = [None] * NCHUNK
    out_dma = [None] * NCHUNK
    for k in range(min(NBUF - 1, NCHUNK)):
        in_dma[k] = pltpu.async_copy(
            x_hbm.at[pl.ds(base_row + k * RCHUNK, RCHUNK), :],
            x_bufs[k], in_sems[k])

    pltpu.sync_copy(kp_hbm, kp_v)

    lane = lax.iota(jnp.int32, L)
    lane_l = jnp.maximum(lane - 1, 0)
    raw = kp_v[...]
    y_r = 1.0 / (1.0 + jnp.exp(-raw))
    y_l = _vgather(y_r, lane_l)
    x_r = lane.astype(jnp.float32) * (1.0 / 15.0)
    x_l = lane_l.astype(jnp.float32) * (1.0 / 15.0)
    b_seg = (y_r - y_l) / (x_r - x_l + 1e-8)
    a_seg = y_l - x_l * b_seg
    shift = jnp.minimum(lane + 1, 15)
    tab_b_vec = _vgather(b_seg, shift) * (1.0 / 15.0)
    tab_a_vec = _vgather(a_seg, shift)

    for k in range(NCHUNK):
        cur = k % NBUF
        r0 = base_row + k * RCHUNK
        if k + NBUF - 1 < NCHUNK:
            nxt = (k + NBUF - 1) % NBUF
            in_dma[k + NBUF - 1] = pltpu.async_copy(
                x_hbm.at[pl.ds(r0 + (NBUF - 1) * RCHUNK, RCHUNK), :],
                x_bufs[nxt], in_sems[nxt])
        in_dma[k].wait()
        if k >= NBUF:
            out_dma[k - NBUF].wait()
        x_v = x_bufs[cur]
        y_v = y_bufs[cur]

        @plsc.parallel_loop(0, RCHUNK, step=1, unroll=4)
        def _body(r):
            for c in COL_OFFS:
                v = x_v[r, pl.ds(c, L)]
                u = jnp.minimum(jnp.maximum(v * 15.0, 0.0), 15.0)
                idx = plsc.bitcast((u - 0.5) + MAGIC, jnp.int32) & 15
                av = _vgather(tab_a_vec, idx)
                bv = _vgather(tab_b_vec, idx)
                y_v[r, pl.ds(c, L)] = av + u * bv

        out_dma[k] = pltpu.async_copy(
            y_v, out_hbm.at[pl.ds(r0, RCHUNK), :], out_sems[cur])
    for k in range(max(0, NCHUNK - NBUF), NCHUNK):
        out_dma[k].wait()


def kernel(x, keypoint_y):
    return _calib(x, keypoint_y)

# --- scband reference (transcript-rebuilt; emitter-appended) ---
"""Pipeline reference for scband-non-monotonic-calibrator-66838281060608 (READ-ONLY COPY).

The authoritative reference and input builder live on the scoring server;
editing this copy changes nothing except your own understanding.
"""

import jax, jax.numpy as jnp
import numpy as np

N_KEYPOINTS = 16
INPUT_MIN = 0.0
INPUT_MAX = 1.0


def setup_inputs(seed: int = 0) -> dict:
    key = jax.random.key(seed)
    x = jax.random.uniform(key, (16384, 100), dtype=jnp.float32)
    # learned parameter: raw keypoint_y initialized as exp(-4 * linspace(-1,1,K)^2)
    init_y = jnp.exp(-4.0 * jnp.linspace(-1.0, 1.0, N_KEYPOINTS) ** 2).astype(jnp.float32)
    return {"x": x, "keypoint_y": init_y}


def reference(x, keypoint_y):
    kp_x = jnp.linspace(INPUT_MIN, INPUT_MAX, N_KEYPOINTS, dtype=jnp.float32)
    x_clamped = jnp.clip(x, INPUT_MIN, INPUT_MAX)
    kp_y = jax.nn.sigmoid(keypoint_y)
    flat_x = x_clamped.reshape(-1)
    indices_right = jnp.clip(jnp.searchsorted(kp_x, flat_x), 1, N_KEYPOINTS - 1)
    indices_left = indices_right - 1
    x_left = jnp.take(kp_x, indices_left)
    x_right = jnp.take(kp_x, indices_right)
    y_left = jnp.take(kp_y, indices_left)
    y_right = jnp.take(kp_y, indices_right)
    t = (flat_x - x_left) / (x_right - x_left + 1e-08)
    y = y_left + t * (y_right - y_left)
    return y.reshape(x_clamped.shape)

if __name__ == "__main__":
    import jax
    _d = setup_inputs()
    print(jax.jit(kernel)(*tuple(_d.values())))

</pallas_src>

<mosaic_0001>
#map = affine_map<(d0, d1) -> (0, 0)>
#map1 = affine_map<(d0, d1) -> (0)>
module attributes {stable_mosaic.version = 14 : i64} {
  func.func @_calib(%arg0: i32, %arg1: i32, %arg2: memref<16384x100xf32, #tpu.memory_space<hbm>>, %arg3: memref<16xf32, #tpu.memory_space<hbm>>, %arg4: memref<16384x100xf32, #tpu.memory_space<hbm>>, %arg5: memref<128x100xf32, #tpu.memory_space<vmem>>, %arg6: memref<128x100xf32, #tpu.memory_space<vmem>>, %arg7: memref<128x100xf32, #tpu.memory_space<vmem>>, %arg8: memref<128x100xf32, #tpu.memory_space<vmem>>, %arg9: memref<128x100xf32, #tpu.memory_space<vmem>>, %arg10: memref<128x100xf32, #tpu.memory_space<vmem>>, %arg11: memref<16xf32, #tpu.memory_space<vmem>>, %arg12: memref<!tpu.dma_semaphore, #tpu.memory_space<semaphore_mem>>, %arg13: memref<!tpu.dma_semaphore, #tpu.memory_space<semaphore_mem>>, %arg14: memref<!tpu.dma_semaphore, #tpu.memory_space<semaphore_mem>>, %arg15: memref<!tpu.dma_semaphore, #tpu.memory_space<semaphore_mem>>, %arg16: memref<!tpu.dma_semaphore, #tpu.memory_space<semaphore_mem>>, %arg17: memref<!tpu.dma_semaphore, #tpu.memory_space<semaphore_mem>>) attributes {dimension_semantics = [#tpu.dimension_semantics<core_parallel>, #tpu.dimension_semantics<subcore_parallel>], iteration_bounds = array<i64: 2, 16>, scalar_prefetch = 0 : i64, scratch_operands = 13 : i64, tpu.core_type = #tpu.core_type<sc_vector_subcore>, window_params = [{transform_indices = #map}, {transform_indices = #map1}, {transform_indices = #map}]} {
    %mul3A = arith.constant 2 : i32
    %mul3A_0 = arith.muli %arg1, %mul3A : i32
    %add3A = arith.addi %mul3A_0, %arg0 : i32
    %mul3A_1 = arith.constant 512 : i32
    %mul3A_2 = arith.muli %add3A, %mul3A_1 : i32
    %add3A_3 = arith.constant 0 : i32
    %add3A_4 = arith.addi %mul3A_2, %add3A_3 : i32
    %dma_start3A = arith.constant 0 : i32
    %dma_start3A_5 = tpu.memref_slice %arg2[%add3A_4, %dma_start3A] : memref<16384x100xf32, #tpu.memory_space<hbm>> -> memref<128x100xf32, #tpu.memory_space<hbm>>
    %dma_start3A_6 = arith.constant 0 : i32
    %dma_start3A_7 = tpu.memref_slice %arg2[%add3A_4, %dma_start3A_6] : memref<16384x100xf32, #tpu.memory_space<hbm>> -> memref<128x100xf32, #tpu.memory_space<hbm>>
    tpu.enqueue_dma source(%dma_start3A_7 : memref<128x100xf32, #tpu.memory_space<hbm>>) target(%arg5 : memref<128x100xf32, #tpu.memory_space<vmem>>) target_semaphore(%arg12 : memref<!tpu.dma_semaphore, #tpu.memory_space<semaphore_mem>>)
    %add3A_8 = arith.constant 128 : i32
    %add3A_9 = arith.addi %mul3A_2, %add3A_8 : i32
    %dma_start3A_10 = arith.constant 0 : i32
    %dma_start3A_11 = tpu.memref_slice %arg2[%add3A_9, %dma_start3A_10] : memref<16384x100xf32, #tpu.memory_space<hbm>> -> memref<128x100xf32, #tpu.memory_space<hbm>>
    %dma_start3A_12 = arith.constant 0 : i32
    %dma_start3A_13 = tpu.memref_slice %arg2[%add3A_9, %dma_start3A_12] : memref<16384x100xf32, #tpu.memory_space<hbm>> -> memref<128x100xf32, #tpu.memory_space<hbm>>
    tpu.enqueue_dma source(%dma_start3A_13 : memref<128x100xf32, #tpu.memory_space<hbm>>) target(%arg6 : memref<128x100xf32, #tpu.memory_space<vmem>>) target_semaphore(%arg13 : memref<!tpu.dma_semaphore, #tpu.memory_space<semaphore_mem>>)
    "tpu.region"() ({
      %run_scoped3A = tpu.sem_alloc : memref<!tpu.dma_semaphore, #tpu.memory_space<semaphore_mem>>
      tpu.enqueue_dma source(%arg3 : memref<16xf32, #tpu.memory_space<hbm>>) target(%arg11 : memref<16xf32, #tpu.memory_space<vmem>>) target_semaphore(%run_scoped3A : memref<!tpu.dma_semaphore, #tpu.memory_space<semaphore_mem>>)
      tpu.wait_dma2 semaphore(%run_scoped3A : memref<!tpu.dma_semaphore, #tpu.memory_space<semaphore_mem>>) src(%arg3 : memref<16xf32, #tpu.memory_space<hbm>>) dst(%arg11 : memref<16xf32, #tpu.memory_space<vmem>>)
      tpu.yield
    }) : () -> ()
    %iota3A = tpu.iota {dimensions = array<i32: 0>} : vector<16xi32>
    %sub3A = arith.constant 1 : i32
    %sub3A_14 = vector.broadcast %sub3A : i32 to vector<16xi32>
    %sub3A_15 = arith.subi %iota3A, %sub3A_14 : vector<16xi32>
    %max3A = arith.constant 0 : i32
    %max3A_16 = vector.broadcast %max3A : i32 to vector<16xi32>
    %max3A_17 = arith.maxsi %sub3A_15, %max3A_16 : vector<16xi32>
    %get3A = arith.constant 0 : index
    %get3A_18 = tpu.vector_load %arg11[%get3A] {strides = array<i32>} : memref<16xf32, #tpu.memory_space<vmem>>, vector<16xf32>,
    %neg3A = arith.constant 0.000000e+00 : f32
    %neg3A_19 = vector.broadcast %neg3A : f32 to vector<16xf32>
    %neg3A_20 = arith.subf %neg3A_19, %get3A_18 : vector<16xf32>
    %exp3A = math.exp %neg3A_20 : vector<16xf32>
    %add3A_21 = arith.constant 1.000000e+00 : f32
    %add3A_22 = vector.broadcast %add3A_21 : f32 to vector<16xf32>
    %add3A_23 = arith.addf %add3A_22, %exp3A : vector<16xf32>
    %div3A = arith.constant 1.000000e+00 : f32
    %div3A_24 = vector.broadcast %div3A : f32 to vector<16xf32>
    %div3A_25 = arith.divf %div3A_24, %add3A_23 : vector<16xf32>
    %broadcast_in_dim3A = vector.shape_cast %max3A_17 : vector<16xi32> to vector<16x1xi32>
    %gather3A = vector.shape_cast %broadcast_in_dim3A : vector<16x1xi32> to vector<16xi32>
    %gather3A_26 = tpu.dynamic_gather %div3A_25[%gather3A] in [0] : vector<16xf32>, vector<16xi32> -> vector<16xf32>
    %convert_element_type3A = arith.sitofp %iota3A : vector<16xi32> to vector<16xf32>
    %mul3A_27 = arith.constant 0.0666666701 : f32
    %mul3A_28 = vector.broadcast %mul3A_27 : f32 to vector<16xf32>
    %mul3A_29 = arith.mulf %convert_element_type3A, %mul3A_28 : vector<16xf32>
    %convert_element_type3A_30 = arith.sitofp %max3A_17 : vector<16xi32> to vector<16xf32>
    %mul3A_31 = arith.constant 0.0666666701 : f32
    %mul3A_32 = vector.broadcast %mul3A_31 : f32 to vector<16xf32>
    %mul3A_33 = arith.mulf %convert_element_type3A_30, %mul3A_32 : vector<16xf32>
    %sub3A_34 = arith.subf %div3A_25, %gather3A_26 : vector<16xf32>
    %sub3A_35 = arith.subf %mul3A_29, %mul3A_33 : vector<16xf32>
    %add3A_36 = arith.constant 9.99999993E-9 : f32
    %add3A_37 = vector.broadcast %add3A_36 : f32 to vector<16xf32>
    %add3A_38 = arith.addf %sub3A_35, %add3A_37 : vector<16xf32>
    %div3A_39 = arith.divf %sub3A_34, %add3A_38 : vector<16xf32>
    %mul3A_40 = arith.mulf %mul3A_33, %div3A_39 : vector<16xf32>
    %sub3A_41 = arith.subf %gather3A_26, %mul3A_40 : vector<16xf32>
    %add3A_42 = arith.constant 1 : i32
    %add3A_43 = vector.broadcast %add3A_42 : i32 to vector<16xi32>
    %add3A_44 = arith.addi %iota3A, %add3A_43 : vector<16xi32>
    %min3A = arith.constant 15 : i32
    %min3A_45 = vector.broadcast %min3A : i32 to vector<16xi32>
    %min3A_46 = arith.minsi %add3A_44, %min3A_45 : vector<16xi32>
    %broadcast_in_dim3A_47 = vector.shape_cast %min3A_46 : vector<16xi32> to vector<16x1xi32>
    %gather3A_48 = vector.shape_cast %broadcast_in_dim3A_47 : vector<16x1xi32> to vector<16xi32>
    %gather3A_49 = tpu.dynamic_gather %div3A_39[%gather3A_48] in [0] : vector<16xf32>, vector<16xi32> -> vector<16xf32>
    %mul3A_50 = arith.constant 0.0666666701 : f32
    %mul3A_51 = vector.broadcast %mul3A_50 : f32 to vector<16xf32>
    %mul3A_52 = arith.mulf %gather3A_49, %mul3A_51 : vector<16xf32>
    %broadcast_in_dim3A_53 = vector.shape_cast %min3A_46 : vector<16xi32> to vector<16x1xi32>
    %gather3A_54 = vector.shape_cast %broadcast_in_dim3A_53 : vector<16x1xi32> to vector<16xi32>
    %gather3A_55 = tpu.dynamic_gather %sub3A_41[%gather3A_54] in [0] : vector<16xf32>, vector<16xi32> -> vector<16xf32>
    %add3A_56 = arith.constant 0 : i32
    %add3A_57 = arith.addi %mul3A_2, %add3A_56 : i32
    %add3A_58 = arith.constant 256 : i32
    %add3A_59 = arith.addi %add3A_57, %add3A_58 : i32
    %dma_start3A_60 = arith.constant 0 : i32
    %dma_start3A_61 = tpu.memref_slice %arg2[%add3A_59, %dma_start3A_60] : memref<16384x100xf32, #tpu.memory_space<hbm>> -> memref<128x100xf32, #tpu.memory_space<hbm>>
    %dma_start3A_62 = arith.constant 0 : i32
    %dma_start3A_63 = tpu.memref_slice %arg2[%add3A_59, %dma_start3A_62] : memref<16384x100xf32, #tpu.memory_space<hbm>> -> memref<128x100xf32, #tpu.memory_space<hbm>>
    tpu.enqueue_dma source(%dma_start3A_63 : memref<128x100xf32, #tpu.memory_space<hbm>>) target(%arg7 : memref<128x100xf32, #tpu.memory_space<vmem>>) target_semaphore(%arg14 : memref<!tpu.dma_semaphore, #tpu.memory_space<semaphore_mem>>)
    %dma_wait3A = arith.constant 0 : i32
    %dma_wait3A_64 = tpu.memref_slice %arg2[%add3A_4, %dma_wait3A] : memref<16384x100xf32, #tpu.memory_space<hbm>> -> memref<128x100xf32, #tpu.memory_space<hbm>>
    %dma_wait3A_65 = arith.constant 0 : i32
    %dma_wait3A_66 = tpu.memref_slice %arg2[%add3A_4, %dma_wait3A_65] : memref<16384x100xf32, #tpu.memory_space<hbm>> -> memref<128x100xf32, #tpu.memory_space<hbm>>
    tpu.wait_dma2 semaphore(%arg12 : memref<!tpu.dma_semaphore, #tpu.memory_space<semaphore_mem>>) src(%dma_wait3A_66 : memref<128x100xf32, #tpu.memory_space<hbm>>) dst(%arg5 : memref<128x100xf32, #tpu.memory_space<vmem>>)
    %parallel_loop3A = arith.constant 0 : i32
    %parallel_loop3A_67 = arith.constant 128 : i32
    %parallel_loop3A_68 = arith.constant 1 : i32
    scf.for %parallel_loop3A_134 = %parallel_loop3A to %parallel_loop3A_67 step %parallel_loop3A_68  : i32 {
      %parallel_loop3A_135 = arith.index_cast %parallel_loop3A_134 : i32 to index
      %parallel_loop3A_136 = arith.constant 0 : index
      %parallel_loop3A_137 = tpu.vector_load %arg5[%parallel_loop3A_135, %parallel_loop3A_136] {strides = array<i32>} : memref<128x100xf32, #tpu.memory_space<vmem>>, vector<16xf32>,
      %parallel_loop3A_138 = arith.constant 1.500000e+01 : f32
      %parallel_loop3A_139 = vector.broadcast %parallel_loop3A_138 : f32 to vector<16xf32>
      %parallel_loop3A_140 = arith.mulf %parallel_loop3A_137, %parallel_loop3A_139 : vector<16xf32>
      %parallel_loop3A_141 = arith.constant 0.000000e+00 : f32
      %parallel_loop3A_142 = vector.broadcast %parallel_loop3A_141 : f32 to vector<16xf32>
      %parallel_loop3A_143 = arith.maximumf %parallel_loop3A_140, %parallel_loop3A_142 : vector<16xf32>
      %parallel_loop3A_144 = arith.constant 1.500000e+01 : f32
      %parallel_loop3A_145 = vector.broadcast %parallel_loop3A_144 : f32 to vector<16xf32>
      %parallel_loop3A_146 = arith.minimumf %parallel_loop3A_143, %parallel_loop3A_145 : vector<16xf32>
      %parallel_loop3A_147 = arith.constant 5.000000e-01 : f32
      %parallel_loop3A_148 = vector.broadcast %parallel_loop3A_147 : f32 to vector<16xf32>
      %parallel_loop3A_149 = arith.subf %parallel_loop3A_146, %parallel_loop3A_148 : vector<16xf32>
      %parallel_loop3A_150 = arith.constant 0x4B400000 : f32
      %parallel_loop3A_151 = vector.broadcast %parallel_loop3A_150 : f32 to vector<16xf32>
      %parallel_loop3A_152 = arith.addf %parallel_loop3A_149, %parallel_loop3A_151 : vector<16xf32>
      %parallel_loop3A_153 = vector.bitcast %parallel_loop3A_152 : vector<16xf32> to vector<16xi32>
      %parallel_loop3A_154 = arith.constant 15 : i32
      %parallel_loop3A_155 = vector.broadcast %parallel_loop3A_154 : i32 to vector<16xi32>
      %parallel_loop3A_156 = arith.andi %parallel_loop3A_153, %parallel_loop3A_155 : vector<16xi32>
      %parallel_loop3A_157 = vector.shape_cast %parallel_loop3A_156 : vector<16xi32> to vector<16x1xi32>
      %parallel_loop3A_158 = vector.shape_cast %parallel_loop3A_157 : vector<16x1xi32> to vector<16xi32>
      %parallel_loop3A_159 = tpu.dynamic_gather %gather3A_55[%parallel_loop3A_158] in [0] : vector<16xf32>, vector<16xi32> -> vector<16xf32>
      %parallel_loop3A_160 = vector.shape_cast %parallel_loop3A_156 : vector<16xi32> to vector<16x1xi32>
      %parallel_loop3A_161 = vector.shape_cast %parallel_loop3A_160 : vector<16x1xi32> to vector<16xi32>
      %parallel_loop3A_162 = tpu.dynamic_gather %mul3A_52[%parallel_loop3A_161] in [0] : vector<16xf32>, vector<16xi32> -> vector<16xf32>
      %parallel_loop3A_163 = arith.mulf %parallel_loop3A_146, %parallel_loop3A_162 : vector<16xf32>
      %parallel_loop3A_164 = arith.addf %parallel_loop3A_159, %parallel_loop3A_163 : vector<16xf32>
      %parallel_loop3A_165 = arith.index_cast %parallel_loop3A_134 : i32 to index
      %parallel_loop3A_166 = arith.constant 0 : index
      %parallel_loop3A_167 = tpu.vector_load %arg8[%parallel_loop3A_165, %parallel_loop3A_166] {strides = array<i32>} : memref<128x100xf32, #tpu.memory_space<vmem>>, vector<16xf32>,
      tpu.vector_store %arg8[%parallel_loop3A_165, %parallel_loop3A_166], %parallel_loop3A_164 {strides = array<i32>} : memref<128x100xf32, #tpu.memory_space<vmem>>, vector<16xf32>,
      %parallel_loop3A_168 = arith.index_cast %parallel_loop3A_134 : i32 to index
      %parallel_loop3A_169 = arith.constant 16 : index
      %parallel_loop3A_170 = tpu.vector_load %arg5[%parallel_loop3A_168, %parallel_loop3A_169] {strides = array<i32>} : memref<128x100xf32, #tpu.memory_space<vmem>>, vector<16xf32>,
      %parallel_loop3A_171 = arith.constant 1.500000e+01 : f32
      %parallel_loop3A_172 = vector.broadcast %parallel_loop3A_171 : f32 to vector<16xf32>
      %parallel_loop3A_173 = arith.mulf %parallel_loop3A_170, %parallel_loop3A_172 : vector<16xf32>
      %parallel_loop3A_174 = arith.constant 0.000000e+00 : f32
      %parallel_loop3A_175 = vector.broadcast %parallel_loop3A_174 : f32 to vector<16xf32>
      %parallel_loop3A_176 = arith.maximumf %parallel_loop3A_173, %parallel_loop3A_175 : vector<16xf32>
      %parallel_loop3A_177 = arith.constant 1.500000e+01 : f32
      %parallel_loop3A_178 = vector.broadcast %parallel_loop3A_177 : f32 to vector<16xf32>
      %parallel_loop3A_179 = arith.minimumf %parallel_loop3A_176, %parallel_loop3A_178 : vector<16xf32>
      %parallel_loop3A_180 = arith.constant 5.000000e-01 : f32
      %parallel_loop3A_181 = vector.broadcast %parallel_loop3A_180 : f32 to vector<16xf32>
      %parallel_loop3A_182 = arith.subf %parallel_loop3A_179, %parallel_loop3A_181 : vector<16xf32>
      %parallel_loop3A_183 = arith.constant 0x4B400000 : f32
      %parallel_loop3A_184 = vector.broadcast %parallel_loop3A_183 : f32 to vector<16xf32>
      %parallel_loop3A_185 = arith.addf %parallel_loop3A_182, %parallel_loop3A_184 : vector<16xf32>
      %parallel_loop3A_186 = vector.bitcast %parallel_loop3A_185 : vector<16xf32> to vector<16xi32>
      %parallel_loop3A_187 = arith.constant 15 : i32
      %parallel_loop3A_188 = vector.broadcast %parallel_loop3A_187 : i32 to vector<16xi32>
      %parallel_loop3A_189 = arith.andi %parallel_loop3A_186, %parallel_loop3A_188 : vector<16xi32>
      %parallel_loop3A_190 = vector.shape_cast %parallel_loop3A_189 : vector<16xi32> to vector<16x1xi32>
      %parallel_loop3A_191 = vector.shape_cast %parallel_loop3A_190 : vector<16x1xi32> to vector<16xi32>
      %parallel_loop3A_192 = tpu.dynamic_gather %gather3A_55[%parallel_loop3A_191] in [0] : vector<16xf32>, vector<16xi32> -> vector<16xf32>
      %parallel_loop3A_193 = vector.shape_cast %parallel_loop3A_189 : vector<16xi32> to vector<16x1xi32>
      %parallel_loop3A_194 = vector.shape_cast %parallel_loop3A_193 : vector<16x1xi32> to vector<16xi32>
      %parallel_loop3A_195 = tpu.dynamic_gather %mul3A_52[%parallel_loop3A_194] in [0] : vector<16xf32>, vector<16xi32> -> vector<16xf32>
      %parallel_loop3A_196 = arith.mulf %parallel_loop3A_179, %parallel_loop3A_195 : vector<16xf32>
      %parallel_loop3A_197 = arith.addf %parallel_loop3A_192, %parallel_loop3A_196 : vector<16xf32>
      %parallel_loop3A_198 = arith.index_cast %parallel_loop3A_134 : i32 to index
      %parallel_loop3A_199 = arith.constant 16 : index
      %parallel_loop3A_200 = tpu.vector_load %arg8[%parallel_loop3A_198, %parallel_loop3A_199] {strides = array<i32>} : memref<128x100xf32, #tpu.memory_space<vmem>>, vector<16xf32>,
      tpu.vector_store %arg8[%parallel_loop3A_198, %parallel_loop3A_199], %parallel_loop3A_197 {strides = array<i32>} : memref<128x100xf32, #tpu.memory_space<vmem>>, vector<16xf32>,
      %parallel_loop3A_201 = arith.index_cast %parallel_loop3A_134 : i32 to index
      %parallel_loop3A_202 = arith.constant 32 : index
      %parallel_loop3A_203 = tpu.vector_load %arg5[%parallel_loop3A_201, %parallel_loop3A_202] {strides = array<i32>} : memref<128x100xf32, #tpu.memory_space<vmem>>, vector<16xf32>,
      %parallel_loop3A_204 = arith.constant 1.500000e+01 : f32
      %parallel_loop3A_205 = vector.broadcast %parallel_loop3A_204 : f32 to vector<16xf32>
      %parallel_loop3A_206 = arith.mulf %parallel_loop3A_203, %parallel_loop3A_205 : vector<16xf32>
      %parallel_loop3A_207 = arith.constant 0.000000e+00 : f32
      %parallel_loop3A_208 = vector.broadcast %parallel_loop3A_207 : f32 to vector<16xf32>
      %parallel_loop3A_209 = arith.maximumf %parallel_loop3A_206, %parallel_loop3A_208 : vector<16xf32>
      %parallel_loop3A_210 = arith.constant 1.500000e+01 : f32
      %parallel_loop3A_211 = vector.broadcast %parallel_loop3A_210 : f32 to vector<16xf32>
      %parallel_loop3A_212 = arith.minimumf %parallel_loop3A_209, %parallel_loop3A_211 : vector<16xf32>
      %parallel_loop3A_213 = arith.constant 5.000000e-01 : f32
      %parallel_loop3A_214 = vector.broadcast %parallel_loop3A_213 : f32 to vector<16xf32>
      %parallel_loop3A_215 = arith.subf %parallel_loop3A_212, %parallel_loop3A_214 : vector<16xf32>
      %parallel_loop3A_216 = arith.constant 0x4B400000 : f32
      %parallel_loop3A_217 = vector.broadcast %parallel_loop3A_216 : f32 to vector<16xf32>
      %parallel_loop3A_218 = arith.addf %parallel_loop3A_215, %parallel_loop3A_217 : vector<16xf32>
      %parallel_loop3A_219 = vector.bitcast %parallel_loop3A_218 : vector<16xf32> to vector<16xi32>
      %parallel_loop3A_220 = arith.constant 15 : i32
      %parallel_loop3A_221 = vector.broadcast %parallel_loop3A_220 : i32 to vector<16xi32>
      %parallel_loop3A_222 = arith.andi %parallel_loop3A_219, %parallel_loop3A_221 : vector<16xi32>
      %parallel_loop3A_223 = vector.shape_cast %parallel_loop3A_222 : vector<16xi32> to vector<16x1xi32>
      %parallel_loop3A_224 = vector.shape_cast %parallel_loop3A_223 : vector<16x1xi32> to vector<16xi32>
      %parallel_loop3A_225 = tpu.dynamic_gather %gather3A_55[%parallel_loop3A_224] in [0] : vector<16xf32>, vector<16xi32> -> vector<16xf32>
      %parallel_loop3A_226 = vector.shape_cast %parallel_loop3A_222 : vector<16xi32> to vector<16x1xi32>
      %parallel_loop3A_227 = vector.shape_cast %parallel_loop3A_226 : vector<16x1xi32> to vector<16xi32>
      %parallel_loop3A_228 = tpu.dynamic_gather %mul3A_52[%parallel_loop3A_227] in [0] : vector<16xf32>, vector<16xi32> -> vector<16xf32>
      %parallel_loop3A_229 = arith.mulf %parallel_loop3A_212, %parallel_loop3A_228 : vector<16xf32>
      %parallel_loop3A_230 = arith.addf %parallel_loop3A_225, %parallel_loop3A_229 : vector<16xf32>
      %parallel_loop3A_231 = arith.index_cast %parallel_loop3A_134 : i32 to index
      %parallel_loop3A_232 = arith.constant 32 : index
      %parallel_loop3A_233 = tpu.vector_load %arg8[%parallel_loop3A_231, %parallel_loop3A_232] {strides = array<i32>} : memref<128x100xf32, #tpu.memory_space<vmem>>, vector<16xf32>,
      tpu.vector_store %arg8[%parallel_loop3A_231, %parallel_loop3A_232], %parallel_loop3A_230 {strides = array<i32>} : memref<128x100xf32, #tpu.memory_space<vmem>>, vector<16xf32>,
      %parallel_loop3A_234 = arith.index_cast %parallel_loop3A_134 : i32 to index
      %parallel_loop3A_235 = arith.constant 48 : index
      %parallel_loop3A_236 = tpu.vector_load %arg5[%parallel_loop3A_234, %parallel_loop3A_235] {strides = array<i32>} : memref<128x100xf32, #tpu.memory_space<vmem>>, vector<16xf32>,
      %parallel_loop3A_237 = arith.constant 1.500000e+01 : f32
      %parallel_loop3A_238 = vector.broadcast %parallel_loop3A_237 : f32 to vector<16xf32>
      %parallel_loop3A_239 = arith.mulf %parallel_loop3A_236, %parallel_loop3A_238 : vector<16xf32>
      %parallel_loop3A_240 = arith.constant 0.000000e+00 : f32
      %parallel_loop3A_241 = vector.broadcast %parallel_loop3A_240 : f32 to vector<16xf32>
      %parallel_loop3A_242 = arith.maximumf %parallel_loop3A_239, %parallel_loop3A_241 : vector<16xf32>
      %parallel_loop3A_243 = arith.constant 1.500000e+01 : f32
      %parallel_loop3A_244 = vector.broadcast %parallel_loop3A_243 : f32 to vector<16xf32>
      %parallel_loop3A_245 = arith.minimumf %parallel_loop3A_242, %parallel_loop3A_244 : vector<16xf32>
      %parallel_loop3A_246 = arith.constant 5.000000e-01 : f32
      %parallel_loop3A_247 = vector.broadcast %parallel_loop3A_246 : f32 to vector<16xf32>
      %parallel_loop3A_248 = arith.subf %parallel_loop3A_245, %parallel_loop3A_247 : vector<16xf32>
      %parallel_loop3A_249 = arith.constant 0x4B400000 : f32
      %parallel_loop3A_250 = vector.broadcast %parallel_loop3A_249 : f32 to vector<16xf32>
      %parallel_loop3A_251 = arith.addf %parallel_loop3A_248, %parallel_loop3A_250 : vector<16xf32>
      %parallel_loop3A_252 = vector.bitcast %parallel_loop3A_251 : vector<16xf32> to vector<16xi32>
      %parallel_loop3A_253 = arith.constant 15 : i32
      %parallel_loop3A_254 = vector.broadcast %parallel_loop3A_253 : i32 to vector<16xi32>
      %parallel_loop3A_255 = arith.andi %parallel_loop3A_252, %parallel_loop3A_254 : vector<16xi32>
      %parallel_loop3A_256 = vector.shape_cast %parallel_loop3A_255 : vector<16xi32> to vector<16x1xi32>
      %parallel_loop3A_257 = vector.shape_cast %parallel_loop3A_256 : vector<16x1xi32> to vector<16xi32>
      %parallel_loop3A_258 = tpu.dynamic_gather %gather3A_55[%parallel_loop3A_257] in [0] : vector<16xf32>, vector<16xi32> -> vector<16xf32>
      %parallel_loop3A_259 = vector.shape_cast %parallel_loop3A_255 : vector<16xi32> to vector<16x1xi32>
      %parallel_loop3A_260 = vector.shape_cast %parallel_loop3A_259 : vector<16x1xi32> to vector<16xi32>
      %parallel_loop3A_261 = tpu.dynamic_gather %mul3A_52[%parallel_loop3A_260] in [0] : vector<16xf32>, vector<16xi32> -> vector<16xf32>
      %parallel_loop3A_262 = arith.mulf %parallel_loop3A_245, %parallel_loop3A_261 : vector<16xf32>
      %parallel_loop3A_263 = arith.addf %parallel_loop3A_258, %parallel_loop3A_262 : vector<16xf32>
      %parallel_loop3A_264 = arith.index_cast %parallel_loop3A_134 : i32 to index
      %parallel_loop3A_265 = arith.constant 48 : index
      %parallel_loop3A_266 = tpu.vector_load %arg8[%parallel_loop3A_264, %parallel_loop3A_265] {strides = array<i32>} : memref<128x100xf32, #tpu.memory_space<vmem>>, vector<16xf32>,
      tpu.vector_store %arg8[%parallel_loop3A_264, %parallel_loop3A_265], %parallel_loop3A_263 {strides = array<i32>} : memref<128x100xf32, #tpu.memory_space<vmem>>, vector<16xf32>,
      %parallel_loop3A_267 = arith.index_cast %parallel_loop3A_134 : i32 to index
      %parallel_loop3A_268 = arith.constant 64 : index
      %parallel_loop3A_269 = tpu.vector_load %arg5[%parallel_loop3A_267, %parallel_loop3A_268] {strides = array<i32>} : memref<128x100xf32, #tpu.memory_space<vmem>>, vector<16xf32>,
      %parallel_loop3A_270 = arith.constant 1.500000e+01 : f32
      %parallel_loop3A_271 = vector.broadcast %parallel_loop3A_270 : f32 to vector<16xf32>
      %parallel_loop3A_272 = arith.mulf %parallel_loop3A_269, %parallel_loop3A_271 : vector<16xf32>
      %parallel_loop3A_273 = arith.constant 0.000000e+00 : f32
      %parallel_loop3A_274 = vector.broadcast %parallel_loop3A_273 : f32 to vector<16xf32>
      %parallel_loop3A_275 = arith.maximumf %parallel_loop3A_272, %parallel_loop3A_274 : vector<16xf32>
      %parallel_loop3A_276 = arith.constant 1.500000e+01 : f32
      %parallel_loop3A_277 = vector.broadcast %parallel_loop3A_276 : f32 to vector<16xf32>
      %parallel_loop3A_278 = arith.minimumf %parallel_loop3A_275, %parallel_loop3A_277 : vector<16xf32>
      %parallel_loop3A_279 = arith.constant 5.000000e-01 : f32
      %parallel_loop3A_280 = vector.broadcast %parallel_loop3A_279 : f32 to vector<16xf32>
      %parallel_loop3A_281 = arith.subf %parallel_loop3A_278, %parallel_loop3A_280 : vector<16xf32>
      %parallel_loop3A_282 = arith.constant 0x4B400000 : f32
      %parallel_loop3A_283 = vector.broadcast %parallel_loop3A_282 : f32 to vector<16xf32>
      %parallel_loop3A_284 = arith.addf %parallel_loop3A_281, %parallel_loop3A_283 : vector<16xf32>
      %parallel_loop3A_285 = vector.bitcast %parallel_loop3A_284 : vector<16xf32> to vector<16xi32>
      %parallel_loop3A_286 = arith.constant 15 : i32
      %parallel_loop3A_287 = vector.broadcast %parallel_loop3A_286 : i32 to vector<16xi32>
      %parallel_loop3A_288 = arith.andi %parallel_loop3A_285, %parallel_loop3A_287 : vector<16xi32>
      %parallel_loop3A_289 = vector.shape_cast %parallel_loop3A_288 : vector<16xi32> to vector<16x1xi32>
      %parallel_loop3A_290 = vector.shape_cast %parallel_loop3A_289 : vector<16x1xi32> to vector<16xi32>
      %parallel_loop3A_291 = tpu.dynamic_gather %gather3A_55[%parallel_loop3A_290] in [0] : vector<16xf32>, vector<16xi32> -> vector<16xf32>
      %parallel_loop3A_292 = vector.shape_cast %parallel_loop3A_288 : vector<16xi32> to vector<16x1xi32>
      %parallel_loop3A_293 = vector.shape_cast %parallel_loop3A_292 : vector<16x1xi32> to vector<16xi32>
      %parallel_loop3A_294 = tpu.dynamic_gather %mul3A_52[%parallel_loop3A_293] in [0] : vector<16xf32>, vector<16xi32> -> vector<16xf32>
      %parallel_loop3A_295 = arith.mulf %parallel_loop3A_278, %parallel_loop3A_294 : vector<16xf32>
      %parallel_loop3A_296 = arith.addf %parallel_loop3A_291, %parallel_loop3A_295 : vector<16xf32>
      %parallel_loop3A_297 = arith.index_cast %parallel_loop3A_134 : i32 to index
      %parallel_loop3A_298 = arith.constant 64 : index
      %parallel_loop3A_299 = tpu.vector_load %arg8[%parallel_loop3A_297, %parallel_loop3A_298] {strides = array<i32>} : memref<128x100xf32, #tpu.memory_space<vmem>>, vector<16xf32>,
      tpu.vector_store %arg8[%parallel_loop3A_297, %parallel_loop3A_298], %parallel_loop3A_296 {strides = array<i32>} : memref<128x100xf32, #tpu.memory_space<vmem>>, vector<16xf32>,
      %parallel_loop3A_300 = arith.index_cast %parallel_loop3A_134 : i32 to index
      %parallel_loop3A_301 = arith.constant 80 : index
      %parallel_loop3A_302 = tpu.vector_load %arg5[%parallel_loop3A_300, %parallel_loop3A_301] {strides = array<i32>} : memref<128x100xf32, #tpu.memory_space<vmem>>, vector<16xf32>,
      %parallel_loop3A_303 = arith.constant 1.500000e+01 : f32
      %parallel_loop3A_304 = vector.broadcast %parallel_loop3A_303 : f32 to vector<16xf32>
      %parallel_loop3A_305 = arith.mulf %parallel_loop3A_302, %parallel_loop3A_304 : vector<16xf32>
      %parallel_loop3A_306 = arith.constant 0.000000e+00 : f32
      %parallel_loop3A_307 = vector.broadcast %parallel_loop3A_306 : f32 to vector<16xf32>
      %parallel_loop3A_308 = arith.maximumf %parallel_loop3A_305, %parallel_loop3A_307 : vector<16xf32>
      %parallel_loop3A_309 = arith.constant 1.500000e+01 : f32
      %parallel_loop3A_310 = vector.broadcast %parallel_loop3A_309 : f32 to vector<16xf32>
      %parallel_loop3A_311 = arith.minimumf %parallel_loop3A_308, %parallel_loop3A_310 : vector<16xf32>
      %parallel_loop3A_312 = arith.constant 5.000000e-01 : f32
      %parallel_loop3A_313 = vector.broadcast %parallel_loop3A_312 : f32 to vector<16xf32>
      %parallel_loop3A_314 = arith.subf %parallel_loop3A_311, %parallel_loop3A_313 : vector<16xf32>
      %parallel_loop3A_315 = arith.constant 0x4B400000 : f32
      %parallel_loop3A_316 = vector.broadcast %parallel_loop3A_315 : f32 to vector<16xf32>
      %parallel_loop3A_317 = arith.addf %parallel_loop3A_314, %parallel_loop3A_316 : vector<16xf32>
      %parallel_loop3A_318 = vector.bitcast %parallel_loop3A_317 : vector<16xf32> to vector<16xi32>
      %parallel_loop3A_319 = arith.constant 15 : i32
      %parallel_loop3A_320 = vector.broadcast %parallel_loop3A_319 : i32 to vector<16xi32>
      %parallel_loop3A_321 = arith.andi %parallel_loop3A_318, %parallel_loop3A_320 : vector<16xi32>
      %parallel_loop3A_322 = vector.shape_cast %parallel_loop3A_321 : vector<16xi32> to vector<16x1xi32>
      %parallel_loop3A_323 = vector.shape_cast %parallel_loop3A_322 : vector<16x1xi32> to vector<16xi32>
      %parallel_loop3A_324 = tpu.dynamic_gather %gather3A_55[%parallel_loop3A_323] in [0] : vector<16xf32>, vector<16xi32> -> vector<16xf32>
      %parallel_loop3A_325 = vector.shape_cast %parallel_loop3A_321 : vector<16xi32> to vector<16x1xi32>
      %parallel_loop3A_326 = vector.shape_cast %parallel_loop3A_325 : vector<16x1xi32> to vector<16xi32>
      %parallel_loop3A_327 = tpu.dynamic_gather %mul3A_52[%parallel_loop3A_326] in [0] : vector<16xf32>, vector<16xi32> -> vector<16xf32>
      %parallel_loop3A_328 = arith.mulf %parallel_loop3A_311, %parallel_loop3A_327 : vector<16xf32>
      %parallel_loop3A_329 = arith.addf %parallel_loop3A_324, %parallel_loop3A_328 : vector<16xf32>
      %parallel_loop3A_330 = arith.index_cast %parallel_loop3A_134 : i32 to index
      %parallel_loop3A_331 = arith.constant 80 : index
      %parallel_loop3A_332 = tpu.vector_load %arg8[%parallel_loop3A_330, %parallel_loop3A_331] {strides = array<i32>} : memref<128x100xf32, #tpu.memory_space<vmem>>, vector<16xf32>,
      tpu.vector_store %arg8[%parallel_loop3A_330, %parallel_loop3A_331], %parallel_loop3A_329 {strides = array<i32>} : memref<128x100xf32, #tpu.memory_space<vmem>>, vector<16xf32>,
      %parallel_loop3A_333 = arith.index_cast %parallel_loop3A_134 : i32 to index
      %parallel_loop3A_334 = arith.constant 84 : index
      %parallel_loop3A_335 = tpu.vector_load %arg5[%parallel_loop3A_333, %parallel_loop3A_334] {strides = array<i32>} : memref<128x100xf32, #tpu.memory_space<vmem>>, vector<16xf32>,
      %parallel_loop3A_336 = arith.constant 1.500000e+01 : f32
      %parallel_loop3A_337 = vector.broadcast %parallel_loop3A_336 : f32 to vector<16xf32>
      %parallel_loop3A_338 = arith.mulf %parallel_loop3A_335, %parallel_loop3A_337 : vector<16xf32>
      %parallel_loop3A_339 = arith.constant 0.000000e+00 : f32
      %parallel_loop3A_340 = vector.broadcast %parallel_loop3A_339 : f32 to vector<16xf32>
      %parallel_loop3A_341 = arith.maximumf %parallel_loop3A_338, %parallel_loop3A_340 : vector<16xf32>
      %parallel_loop3A_342 = arith.constant 1.500000e+01 : f32
      %parallel_loop3A_343 = vector.broadcast %parallel_loop3A_342 : f32 to vector<16xf32>
      %parallel_loop3A_344 = arith.minimumf %parallel_loop3A_341, %parallel_loop3A_343 : vector<16xf32>
      %parallel_loop3A_345 = arith.constant 5.000000e-01 : f32
      %parallel_loop3A_346 = vector.broadcast %parallel_loop3A_345 : f32 to vector<16xf32>
      %parallel_loop3A_347 = arith.subf %parallel_loop3A_344, %parallel_loop3A_346 : vector<16xf32>
      %parallel_loop3A_348 = arith.constant 0x4B400000 : f32
      %parallel_loop3A_349 = vector.broadcast %parallel_loop3A_348 : f32 to vector<16xf32>
      %parallel_loop3A_350 = arith.addf %parallel_loop3A_347, %parallel_loop3A_349 : vector<16xf32>
      %parallel_loop3A_351 = vector.bitcast %parallel_loop3A_350 : vector<16xf32> to vector<16xi32>
      %parallel_loop3A_352 = arith.constant 15 : i32
      %parallel_loop3A_353 = vector.broadcast %parallel_loop3A_352 : i32 to vector<16xi32>
      %parallel_loop3A_354 = arith.andi %parallel_loop3A_351, %parallel_loop3A_353 : vector<16xi32>
      %parallel_loop3A_355 = vector.shape_cast %parallel_loop3A_354 : vector<16xi32> to vector<16x1xi32>
      %parallel_loop3A_356 = vector.shape_cast %parallel_loop3A_355 : vector<16x1xi32> to vector<16xi32>
      %parallel_loop3A_357 = tpu.dynamic_gather %gather3A_55[%parallel_loop3A_356] in [0] : vector<16xf32>, vector<16xi32> -> vector<16xf32>
      %parallel_loop3A_358 = vector.shape_cast %parallel_loop3A_354 : vector<16xi32> to vector<16x1xi32>
      %parallel_loop3A_359 = vector.shape_cast %parallel_loop3A_358 : vector<16x1xi32> to vector<16xi32>
      %parallel_loop3A_360 = tpu.dynamic_gather %mul3A_52[%parallel_loop3A_359] in [0] : vector<16xf32>, vector<16xi32> -> vector<16xf32>
      %parallel_loop3A_361 = arith.mulf %parallel_loop3A_344, %parallel_loop3A_360 : vector<16xf32>
      %parallel_loop3A_362 = arith.addf %parallel_loop3A_357, %parallel_loop3A_361 : vector<16xf32>
      %parallel_loop3A_363 = arith.index_cast %parallel_loop3A_134 : i32 to index
      %parallel_loop3A_364 = arith.constant 84 : index
      %parallel_loop3A_365 = tpu.vector_load %arg8[%parallel_loop3A_363, %parallel_loop3A_364] {strides = array<i32>} : memref<128x100xf32, #tpu.memory_space<vmem>>, vector<16xf32>,
      tpu.vector_store %arg8[%parallel_loop3A_363, %parallel_loop3A_364], %parallel_loop3A_362 {strides = array<i32>} : memref<128x100xf32, #tpu.memory_space<vmem>>, vector<16xf32>,
    } {sc.loop_unroll_factor = 4 : i64, sc.parallel_access}
    %dma_start3A_69 = arith.constant 0 : i32
    %dma_start3A_70 = tpu.memref_slice %arg4[%add3A_57, %dma_start3A_69] : memref<16384x100xf32, #tpu.memory_space<hbm>> -> memref<128x100xf32, #tpu.memory_space<hbm>>
    %dma_start3A_71 = arith.constant 0 : i32
    %dma_start3A_72 = tpu.memref_slice %arg4[%add3A_57, %dma_start3A_71] : memref<16384x100xf32, #tpu.memory_space<hbm>> -> memref<128x100xf32, #tpu.memory_space<hbm>>
    tpu.enqueue_dma source(%arg8 : memref<128x100xf32, #tpu.memory_space<vmem>>) target(%dma_start3A_72 : memref<128x100xf32, #tpu.memory_space<hbm>>) target_semaphore(%arg15 : memref<!tpu.dma_semaphore, #tpu.memory_space<semaphore_mem>>)
    %add3A_73 = arith.constant 128 : i32
    %add3A_74 = arith.addi %mul3A_2, %add3A_73 : i32
    %add3A_75 = arith.constant 256 : i32
    %add3A_76 = arith.addi %add3A_74, %add3A_75 : i32
    %dma_start3A_77 = arith.constant 0 : i32
    %dma_start3A_78 = tpu.memref_slice %arg2[%add3A_76, %dma_start3A_77] : memref<16384x100xf32, #tpu.memory_space<hbm>> -> memref<128x100xf32, #tpu.memory_space<hbm>>
    %dma_start3A_79 = arith.constant 0 : i32
    %dma_start3A_80 = tpu.memref_slice %arg2[%add3A_76, %dma_start3A_79] : memref<16384x100xf32, #tpu.memory_space<hbm>> -> memref<128x100xf32, #tpu.memory_space<hbm>>
    tpu.enqueue_dma source(%dma_start3A_80 : memref<128x100xf32, #tpu.memory_space<hbm>>) target(%arg5 : memref<128x100xf32, #tpu.memory_space<vmem>>) target_semaphore(%arg12 : memref<!tpu.dma_semaphore, #tpu.memory_space<semaphore_mem>>)
    %dma_wait3A_81 = arith.constant 0 : i32
    %dma_wait3A_82 = tpu.memref_slice %arg2[%add3A_9, %dma_wait3A_81] : memref<16384x100xf32, #tpu.memory_space<hbm>> -> memref<128x100xf32, #tpu.memory_space<hbm>>
    %dma_wait3A_83 = arith.constant 0 : i32
    %dma_wait3A_84 = tpu.memref_slice %arg2[%add3A_9, %dma_wait3A_83] : memref<16384x100xf32, #tpu.memory_space<hbm>> -> memref<128x100xf32, #tpu.memory_space<hbm>>
    tpu.wait_dma2 semaphore(%arg13 : memref<!tpu.dma_semaphore, #tpu.memory_space<semaphore_mem>>) src(%dma_wait3A_84 : memref<128x100xf32, #tpu.memory_space<hbm>>) dst(%arg6 : memref<128x100xf32, #tpu.memory_space<vmem>>)
    %parallel_loop3A_85 = arith.constant 0 : i32
    %parallel_loop3A_86 = arith.constant 128 : i32
    %parallel_loop3A_87 = arith.constant 1 : i32
    scf.for %parallel_loop3A_134 = %parallel_loop3A_85 to %parallel_loop3A_86 step %parallel_loop3A_87  : i32 {
      %parallel_loop3A_135 = arith.index_cast %parallel_loop3A_134 : i32 to index
      %parallel_loop3A_136 = arith.constant 0 : index
      %parallel_loop3A_137 = tpu.vector_load %arg6[%parallel_loop3A_135, %parallel_loop3A_136] {strides = array<i32>} : memref<128x100xf32, #tpu.memory_space<vmem>>, vector<16xf32>,
      %parallel_loop3A_138 = arith.constant 1.500000e+01 : f32
      %parallel_loop3A_139 = vector.broadcast %parallel_loop3A_138 : f32 to vector<16xf32>
      %parallel_loop3A_140 = arith.mulf %parallel_loop3A_137, %parallel_loop3A_139 : vector<16xf32>
      %parallel_loop3A_141 = arith.constant 0.000000e+00 : f32
      %parallel_loop3A_142 = vector.broadcast %parallel_loop3A_141 : f32 to vector<16xf32>
      %parallel_loop3A_143 = arith.maximumf %parallel_loop3A_140, %parallel_loop3A_142 : vector<16xf32>
      %parallel_loop3A_144 = arith.constant 1.500000e+01 : f32
      %parallel_loop3A_145 = vector.broadcast %parallel_loop3A_144 : f32 to vector<16xf32>
      %parallel_loop3A_146 = arith.minimumf %parallel_loop3A_143, %parallel_loop3A_145 : vector<16xf32>
      %parallel_loop3A_147 = arith.constant 5.000000e-01 : f32
      %parallel_loop3A_148 = vector.broadcast %parallel_loop3A_147 : f32 to vector<16xf32>
      %parallel_loop3A_149 = arith.subf %parallel_loop3A_146, %parallel_loop3A_148 : vector<16xf32>
      %parallel_loop3A_150 = arith.constant 0x4B400000 : f32
      %parallel_loop3A_151 = vector.broadcast %parallel_loop3A_150 : f32 to vector<16xf32>
      %parallel_loop3A_152 = arith.addf %parallel_loop3A_149, %parallel_loop3A_151 : vector<16xf32>
      %parallel_loop3A_153 = vector.bitcast %parallel_loop3A_152 : vector<16xf32> to vector<16xi32>
      %parallel_loop3A_154 = arith.constant 15 : i32
      %parallel_loop3A_155 = vector.broadcast %parallel_loop3A_154 : i32 to vector<16xi32>
      %parallel_loop3A_156 = arith.andi %parallel_loop3A_153, %parallel_loop3A_155 : vector<16xi32>
      %parallel_loop3A_157 = vector.shape_cast %parallel_loop3A_156 : vector<16xi32> to vector<16x1xi32>
      %parallel_loop3A_158 = vector.shape_cast %parallel_loop3A_157 : vector<16x1xi32> to vector<16xi32>
      %parallel_loop3A_159 = tpu.dynamic_gather %gather3A_55[%parallel_loop3A_158] in [0] : vector<16xf32>, vector<16xi32> -> vector<16xf32>
      %parallel_loop3A_160 = vector.shape_cast %parallel_loop3A_156 : vector<16xi32> to vector<16x1xi32>
      %parallel_loop3A_161 = vector.shape_cast %parallel_loop3A_160 : vector<16x1xi32> to vector<16xi32>
      %parallel_loop3A_162 = tpu.dynamic_gather %mul3A_52[%parallel_loop3A_161] in [0] : vector<16xf32>, vector<16xi32> -> vector<16xf32>
      %parallel_loop3A_163 = arith.mulf %parallel_loop3A_146, %parallel_loop3A_162 : vector<16xf32>
      %parallel_loop3A_164 = arith.addf %parallel_loop3A_159, %parallel_loop3A_163 : vector<16xf32>
      %parallel_loop3A_165 = arith.index_cast %parallel_loop3A_134 : i32 to index
      %parallel_loop3A_166 = arith.constant 0 : index
      %parallel_loop3A_167 = tpu.vector_load %arg9[%parallel_loop3A_165, %parallel_loop3A_166] {strides = array<i32>} : memref<128x100xf32, #tpu.memory_space<vmem>>, vector<16xf32>,
      tpu.vector_store %arg9[%parallel_loop3A_165, %parallel_loop3A_166], %parallel_loop3A_164 {strides = array<i32>} : memref<128x100xf32, #tpu.memory_space<vmem>>, vector<16xf32>,
      %parallel_loop3A_168 = arith.index_cast %parallel_loop3A_134 : i32 to index
      %parallel_loop3A_169 = arith.constant 16 : index
      %parallel_loop3A_170 = tpu.vector_load %arg6[%parallel_loop3A_168, %parallel_loop3A_169] {strides = array<i32>} : memref<128x100xf32, #tpu.memory_space<vmem>>, vector<16xf32>,
      %parallel_loop3A_171 = arith.constant 1.500000e+01 : f32
      %parallel_loop3A_172 = vector.broadcast %parallel_loop3A_171 : f32 to vector<16xf32>
      %parallel_loop3A_173 = arith.mulf %parallel_loop3A_170, %parallel_loop3A_172 : vector<16xf32>
      %parallel_loop3A_174 = arith.constant 0.000000e+00 : f32
      %parallel_loop3A_175 = vector.broadcast %parallel_loop3A_174 : f32 to vector<16xf32>
      %parallel_loop3A_176 = arith.maximumf %parallel_loop3A_173, %parallel_loop3A_175 : vector<16xf32>
      %parallel_loop3A_177 = arith.constant 1.500000e+01 : f32
      %parallel_loop3A_178 = vector.broadcast %parallel_loop3A_177 : f32 to vector<16xf32>
      %parallel_loop3A_179 = arith.minimumf %parallel_loop3A_176, %parallel_loop3A_178 : vector<16xf32>
      %parallel_loop3A_180 = arith.constant 5.000000e-01 : f32
      %parallel_loop3A_181 = vector.broadcast %parallel_loop3A_180 : f32 to vector<16xf32>
      %parallel_loop3A_182 = arith.subf %parallel_loop3A_179, %parallel_loop3A_181 : vector<16xf32>
      %parallel_loop3A_183 = arith.constant 0x4B400000 : f32
      %parallel_loop3A_184 = vector.broadcast %parallel_loop3A_183 : f32 to vector<16xf32>
      %parallel_loop3A_185 = arith.addf %parallel_loop3A_182, %parallel_loop3A_184 : vector<16xf32>
      %parallel_loop3A_186 = vector.bitcast %parallel_loop3A_185 : vector<16xf32> to vector<16xi32>
      %parallel_loop3A_187 = arith.constant 15 : i32
      %parallel_loop3A_188 = vector.broadcast %parallel_loop3A_187 : i32 to vector<16xi32>
      %parallel_loop3A_189 = arith.andi %parallel_loop3A_186, %parallel_loop3A_188 : vector<16xi32>
      %parallel_loop3A_190 = vector.shape_cast %parallel_loop3A_189 : vector<16xi32> to vector<16x1xi32>
      %parallel_loop3A_191 = vector.shape_cast %parallel_loop3A_190 : vector<16x1xi32> to vector<16xi32>
      %parallel_loop3A_192 = tpu.dynamic_gather %gather3A_55[%parallel_loop3A_191] in [0] : vector<16xf32>, vector<16xi32> -> vector<16xf32>
      %parallel_loop3A_193 = vector.shape_cast %parallel_loop3A_189 : vector<16xi32> to vector<16x1xi32>
      %parallel_loop3A_194 = vector.shape_cast %parallel_loop3A_193 : vector<16x1xi32> to vector<16xi32>
      %parallel_loop3A_195 = tpu.dynamic_gather %mul3A_52[%parallel_loop3A_194] in [0] : vector<16xf32>, vector<16xi32> -> vector<16xf32>
      %parallel_loop3A_196 = arith.mulf %parallel_loop3A_179, %parallel_loop3A_195 : vector<16xf32>
      %parallel_loop3A_197 = arith.addf %parallel_loop3A_192, %parallel_loop3A_196 : vector<16xf32>
      %parallel_loop3A_198 = arith.index_cast %parallel_loop3A_134 : i32 to index
      %parallel_loop3A_199 = arith.constant 16 : index
      %parallel_loop3A_200 = tpu.vector_load %arg9[%parallel_loop3A_198, %parallel_loop3A_199] {strides = array<i32>} : memref<128x100xf32, #tpu.memory_space<vmem>>, vector<16xf32>,
      tpu.vector_store %arg9[%parallel_loop3A_198, %parallel_loop3A_199], %parallel_loop3A_197 {strides = array<i32>} : memref<128x100xf32, #tpu.memory_space<vmem>>, vector<16xf32>,
      %parallel_loop3A_201 = arith.index_cast %parallel_loop3A_134 : i32 to index
      %parallel_loop3A_202 = arith.constant 32 : index
      %parallel_loop3A_203 = tpu.vector_load %arg6[%parallel_loop3A_201, %parallel_loop3A_202] {strides = array<i32>} : memref<128x100xf32, #tpu.memory_space<vmem>>, vector<16xf32>,
      %parallel_loop3A_204 = arith.constant 1.500000e+01 : f32
      %parallel_loop3A_205 = vector.broadcast %parallel_loop3A_204 : f32 to vector<16xf32>
      %parallel_loop3A_206 = arith.mulf %parallel_loop3A_203, %parallel_loop3A_205 : vector<16xf32>
      %parallel_loop3A_207 = arith.constant 0.000000e+00 : f32
      %parallel_loop3A_208 = vector.broadcast %parallel_loop3A_207 : f32 to vector<16xf32>
      %parallel_loop3A_209 = arith.maximumf %parallel_loop3A_206, %parallel_loop3A_208 : vector<16xf32>
      %parallel_loop3A_210 = arith.constant 1.500000e+01 : f32
      %parallel_loop3A_211 = vector.broadcast %parallel_loop3A_210 : f32 to vector<16xf32>
      %parallel_loop3A_212 = arith.minimumf %parallel_loop3A_209, %parallel_loop3A_211 : vector<16xf32>
      %parallel_loop3A_213 = arith.constant 5.000000e-01 : f32
      %parallel_loop3A_214 = vector.broadcast %parallel_loop3A_213 : f32 to vector<16xf32>
      %parallel_loop3A_215 = arith.subf %parallel_loop3A_212, %parallel_loop3A_214 : vector<16xf32>
      %parallel_loop3A_216 = arith.constant 0x4B400000 : f32
      %parallel_loop3A_217 = vector.broadcast %parallel_loop3A_216 : f32 to vector<16xf32>
      %parallel_loop3A_218 = arith.addf %parallel_loop3A_215, %parallel_loop3A_217 : vector<16xf32>
      %parallel_loop3A_219 = vector.bitcast %parallel_loop3A_218 : vector<16xf32> to vector<16xi32>
      %parallel_loop3A_220 = arith.constant 15 : i32
      %parallel_loop3A_221 = vector.broadcast %parallel_loop3A_220 : i32 to vector<16xi32>
      %parallel_loop3A_222 = arith.andi %parallel_loop3A_219, %parallel_loop3A_221 : vector<16xi32>
      %parallel_loop3A_223 = vector.shape_cast %parallel_loop3A_222 : vector<16xi32> to vector<16x1xi32>
      %parallel_loop3A_224 = vector.shape_cast %parallel_loop3A_223 : vector<16x1xi32> to vector<16xi32>
      %parallel_loop3A_225 = tpu.dynamic_gather %gather3A_55[%parallel_loop3A_224] in [0] : vector<16xf32>, vector<16xi32> -> vector<16xf32>
      %parallel_loop3A_226 = vector.shape_cast %parallel_loop3A_222 : vector<16xi32> to vector<16x1xi32>
      %parallel_loop3A_227 = vector.shape_cast %parallel_loop3A_226 : vector<16x1xi32> to vector<16xi32>
      %parallel_loop3A_228 = tpu.dynamic_gather %mul3A_52[%parallel_loop3A_227] in [0] : vector<16xf32>, vector<16xi32> -> vector<16xf32>
      %parallel_loop3A_229 = arith.mulf %parallel_loop3A_212, %parallel_loop3A_228 : vector<16xf32>
      %parallel_loop3A_230 = arith.addf %parallel_loop3A_225, %parallel_loop3A_229 : vector<16xf32>
      %parallel_loop3A_231 = arith.index_cast %parallel_loop3A_134 : i32 to index
      %parallel_loop3A_232 = arith.constant 32 : index
      %parallel_loop3A_233 = tpu.vector_load %arg9[%parallel_loop3A_231, %parallel_loop3A_232] {strides = array<i32>} : memref<128x100xf32, #tpu.memory_space<vmem>>, vector<16xf32>,
      tpu.vector_store %arg9[%parallel_loop3A_231, %parallel_loop3A_232], %parallel_loop3A_230 {strides = array<i32>} : memref<128x100xf32, #tpu.memory_space<vmem>>, vector<16xf32>,
      %parallel_loop3A_234 = arith.index_cast %parallel_loop3A_134 : i32 to index
      %parallel_loop3A_235 = arith.constant 48 : index
      %parallel_loop3A_236 = tpu.vector_load %arg6[%parallel_loop3A_234, %parallel_loop3A_235] {strides = array<i32>} : memref<128x100xf32, #tpu.memory_space<vmem>>, vector<16xf32>,
      %parallel_loop3A_237 = arith.constant 1.500000e+01 : f32
      %parallel_loop3A_238 = vector.broadcast %parallel_loop3A_237 : f32 to vector<16xf32>
      %parallel_loop3A_239 = arith.mulf %parallel_loop3A_236, %parallel_loop3A_238 : vector<16xf32>
      %parallel_loop3A_240 = arith.constant 0.000000e+00 : f32
      %parallel_loop3A_241 = vector.broadcast %parallel_loop3A_240 : f32 to vector<16xf32>
      %parallel_loop3A_242 = arith.maximumf %parallel_loop3A_239, %parallel_loop3A_241 : vector<16xf32>
      %parallel_loop3A_243 = arith.constant 1.500000e+01 : f32
      %parallel_loop3A_244 = vector.broadcast %parallel_loop3A_243 : f32 to vector<16xf32>
      %parallel_loop3A_245 = arith.minimumf %parallel_loop3A_242, %parallel_loop3A_244 : vector<16xf32>
      %parallel_loop3A_246 = arith.constant 5.000000e-01 : f32
      %parallel_loop3A_247 = vector.broadcast %parallel_loop3A_246 : f32 to vector<16xf32>
      %parallel_loop3A_248 = arith.subf %parallel_loop3A_245, %parallel_loop3A_247 : vector<16xf32>
      %parallel_loop3A_249 = arith.constant 0x4B400000 : f32
      %parallel_loop3A_250 = vector.broadcast %parallel_loop3A_249 : f32 to vector<16xf32>
      %parallel_loop3A_251 = arith.addf %parallel_loop3A_248, %parallel_loop3A_250 : vector<16xf32>
      %parallel_loop3A_252 = vector.bitcast %parallel_loop3A_251 : vector<16xf32> to vector<16xi32>
      %parallel_loop3A_253 = arith.constant 15 : i32
      %parallel_loop3A_254 = vector.broadcast %parallel_loop3A_253 : i32 to vector<16xi32>
      %parallel_loop3A_255 = arith.andi %parallel_loop3A_252, %parallel_loop3A_254 : vector<16xi32>
      %parallel_loop3A_256 = vector.shape_cast %parallel_loop3A_255 : vector<16xi32> to vector<16x1xi32>
      %parallel_loop3A_257 = vector.shape_cast %parallel_loop3A_256 : vector<16x1xi32> to vector<16xi32>
      %parallel_loop3A_258 = tpu.dynamic_gather %gather3A_55[%parallel_loop3A_257] in [0] : vector<16xf32>, vector<16xi32> -> vector<16xf32>
      %parallel_loop3A_259 = vector.shape_cast %parallel_loop3A_255 : vector<16xi32> to vector<16x1xi32>
      %parallel_loop3A_260 = vector.shape_cast %parallel_loop3A_259 : vector<16x1xi32> to vector<16xi32>
      %parallel_loop3A_261 = tpu.dynamic_gather %mul3A_52[%parallel_loop3A_260] in [0] : vector<16xf32>, vector<16xi32> -> vector<16xf32>
      %parallel_loop3A_262 = arith.mulf %parallel_loop3A_245, %parallel_loop3A_261 : vector<16xf32>
      %parallel_loop3A_263 = arith.addf %parallel_loop3A_258, %parallel_loop3A_262 : vector<16xf32>
      %parallel_loop3A_264 = arith.index_cast %parallel_loop3A_134 : i32 to index
      %parallel_loop3A_265 = arith.constant 48 : index
      %parallel_loop3A_266 = tpu.vector_load %arg9[%parallel_loop3A_264, %parallel_loop3A_265] {strides = array<i32>} : memref<128x100xf32, #tpu.memory_space<vmem>>, vector<16xf32>,
      tpu.vector_store %arg9[%parallel_loop3A_264, %parallel_loop3A_265], %parallel_loop3A_263 {strides = array<i32>} : memref<128x100xf32, #tpu.memory_space<vmem>>, vector<16xf32>,
      %parallel_loop3A_267 = arith.index_cast %parallel_loop3A_134 : i32 to index
      %parallel_loop3A_268 = arith.constant 64 : index
      %parallel_loop3A_269 = tpu.vector_load %arg6[%parallel_loop3A_267, %parallel_loop3A_268] {strides = array<i32>} : memref<128x100xf32, #tpu.memory_space<vmem>>, vector<16xf32>,
      %parallel_loop3A_270 = arith.constant 1.500000e+01 : f32
      %parallel_loop3A_271 = vector.broadcast %parallel_loop3A_270 : f32 to vector<16xf32>
      %parallel_loop3A_272 = arith.mulf %parallel_loop3A_269, %parallel_loop3A_271 : vector<16xf32>
      %parallel_loop3A_273 = arith.constant 0.000000e+00 : f32
      %parallel_loop3A_274 = vector.broadcast %parallel_loop3A_273 : f32 to vector<16xf32>
      %parallel_loop3A_275 = arith.maximumf %parallel_loop3A_272, %parallel_loop3A_274 : vector<16xf32>
      %parallel_loop3A_276 = arith.constant 1.500000e+01 : f32
      %parallel_loop3A_277 = vector.broadcast %parallel_loop3A_276 : f32 to vector<16xf32>
      %parallel_loop3A_278 = arith.minimumf %parallel_loop3A_275, %parallel_loop3A_277 : vector<16xf32>
      %parallel_loop3A_279 = arith.constant 5.000000e-01 : f32
      %parallel_loop3A_280 = vector.broadcast %parallel_loop3A_279 : f32 to vector<16xf32>
      %parallel_loop3A_281 = arith.subf %parallel_loop3A_278, %parallel_loop3A_280 : vector<16xf32>
      %parallel_loop3A_282 = arith.constant 0x4B400000 : f32
      %parallel_loop3A_283 = vector.broadcast %parallel_loop3A_282 : f32 to vector<16xf32>
      %parallel_loop3A_284 = arith.addf %parallel_loop3A_281, %parallel_loop3A_283 : vector<16xf32>
      %parallel_loop3A_285 = vector.bitcast %parallel_loop3A_284 : vector<16xf32> to vector<16xi32>
      %parallel_loop3A_286 = arith.constant 15 : i32
      %parallel_loop3A_287 = vector.broadcast %parallel_loop3A_286 : i32 to vector<16xi32>
      %parallel_loop3A_288 = arith.andi %parallel_loop3A_285, %parallel_loop3A_287 : vector<16xi32>
      %parallel_loop3A_289 = vector.shape_cast %parallel_loop3A_288 : vector<16xi32> to vector<16x1xi32>
      %parallel_loop3A_290 = vector.shape_cast %parallel_loop3A_289 : vector<16x1xi32> to vector<16xi32>
      %parallel_loop3A_291 = tpu.dynamic_gather %gather3A_55[%parallel_loop3A_290] in [0] : vector<16xf32>, vector<16xi32> -> vector<16xf32>
      %parallel_loop3A_292 = vector.shape_cast %parallel_loop3A_288 : vector<16xi32> to vector<16x1xi32>
      %parallel_loop3A_293 = vector.shape_cast %parallel_loop3A_292 : vector<16x1xi32> to vector<16xi32>
      %parallel_loop3A_294 = tpu.dynamic_gather %mul3A_52[%parallel_loop3A_293] in [0] : vector<16xf32>, vector<16xi32> -> vector<16xf32>
      %parallel_loop3A_295 = arith.mulf %parallel_loop3A_278, %parallel_loop3A_294 : vector<16xf32>
      %parallel_loop3A_296 = arith.addf %parallel_loop3A_291, %parallel_loop3A_295 : vector<16xf32>
      %parallel_loop3A_297 = arith.index_cast %parallel_loop3A_134 : i32 to index
      %parallel_loop3A_298 = arith.constant 64 : index
      %parallel_loop3A_299 = tpu.vector_load %arg9[%parallel_loop3A_297, %parallel_loop3A_298] {strides = array<i32>} : memref<128x100xf32, #tpu.memory_space<vmem>>, vector<16xf32>,
      tpu.vector_store %arg9[%parallel_loop3A_297, %parallel_loop3A_298], %parallel_loop3A_296 {strides = array<i32>} : memref<128x100xf32, #tpu.memory_space<vmem>>, vector<16xf32>,
      %parallel_loop3A_300 = arith.index_cast %parallel_loop3A_134 : i32 to index
      %parallel_loop3A_301 = arith.constant 80 : index
      %parallel_loop3A_302 = tpu.vector_load %arg6[%parallel_loop3A_300, %parallel_loop3A_301] {strides = array<i32>} : memref<128x100xf32, #tpu.memory_space<vmem>>, vector<16xf32>,
      %parallel_loop3A_303 = arith.constant 1.500000e+01 : f32
      %parallel_loop3A_304 = vector.broadcast %parallel_loop3A_303 : f32 to vector<16xf32>
      %parallel_loop3A_305 = arith.mulf %parallel_loop3A_302, %parallel_loop3A_304 : vector<16xf32>
      %parallel_loop3A_306 = arith.constant 0.000000e+00 : f32
      %parallel_loop3A_307 = vector.broadcast %parallel_loop3A_306 : f32 to vector<16xf32>
      %parallel_loop3A_308 = arith.maximumf %parallel_loop3A_305, %parallel_loop3A_307 : vector<16xf32>
      %parallel_loop3A_309 = arith.constant 1.500000e+01 : f32
      %parallel_loop3A_310 = vector.broadcast %parallel_loop3A_309 : f32 to vector<16xf32>
      %parallel_loop3A_311 = arith.minimumf %parallel_loop3A_308, %parallel_loop3A_310 : vector<16xf32>
      %parallel_loop3A_312 = arith.constant 5.000000e-01 : f32
      %parallel_loop3A_313 = vector.broadcast %parallel_loop3A_312 : f32 to vector<16xf32>
      %parallel_loop3A_314 = arith.subf %parallel_loop3A_311, %parallel_loop3A_313 : vector<16xf32>
      %parallel_loop3A_315 = arith.constant 0x4B400000 : f32
      %parallel_loop3A_316 = vector.broadcast %parallel_loop3A_315 : f32 to vector<16xf32>
      %parallel_loop3A_317 = arith.addf %parallel_loop3A_314, %parallel_loop3A_316 : vector<16xf32>
      %parallel_loop3A_318 = vector.bitcast %parallel_loop3A_317 : vector<16xf32> to vector<16xi32>
      %parallel_loop3A_319 = arith.constant 15 : i32
      %parallel_loop3A_320 = vector.broadcast %parallel_loop3A_319 : i32 to vector<16xi32>
      %parallel_loop3A_321 = arith.andi %parallel_loop3A_318, %parallel_loop3A_320 : vector<16xi32>
      %parallel_loop3A_322 = vector.shape_cast %parallel_loop3A_321 : vector<16xi32> to vector<16x1xi32>
      %parallel_loop3A_323 = vector.shape_cast %parallel_loop3A_322 : vector<16x1xi32> to vector<16xi32>
      %parallel_loop3A_324 = tpu.dynamic_gather %gather3A_55[%parallel_loop3A_323] in [0] : vector<16xf32>, vector<16xi32> -> vector<16xf32>
      %parallel_loop3A_325 = vector.shape_cast %parallel_loop3A_321 : vector<16xi32> to vector<16x1xi32>
      %parallel_loop3A_326 = vector.shape_cast %parallel_loop3A_325 : vector<16x1xi32> to vector<16xi32>
      %parallel_loop3A_327 = tpu.dynamic_gather %mul3A_52[%parallel_loop3A_326] in [0] : vector<16xf32>, vector<16xi32> -> vector<16xf32>
      %parallel_loop3A_328 = arith.mulf %parallel_loop3A_311, %parallel_loop3A_327 : vector<16xf32>
      %parallel_loop3A_329 = arith.addf %parallel_loop3A_324, %parallel_loop3A_328 : vector<16xf32>
      %parallel_loop3A_330 = arith.index_cast %parallel_loop3A_134 : i32 to index
      %parallel_loop3A_331 = arith.constant 80 : index
      %parallel_loop3A_332 = tpu.vector_load %arg9[%parallel_loop3A_330, %parallel_loop3A_331] {strides = array<i32>} : memref<128x100xf32, #tpu.memory_space<vmem>>, vector<16xf32>,
      tpu.vector_store %arg9[%parallel_loop3A_330, %parallel_loop3A_331], %parallel_loop3A_329 {strides = array<i32>} : memref<128x100xf32, #tpu.memory_space<vmem>>, vector<16xf32>,
      %parallel_loop3A_333 = arith.index_cast %parallel_loop3A_134 : i32 to index
      %parallel_loop3A_334 = arith.constant 84 : index
      %parallel_loop3A_335 = tpu.vector_load %arg6[%parallel_loop3A_333, %parallel_loop3A_334] {strides = array<i32>} : memref<128x100xf32, #tpu.memory_space<vmem>>, vector<16xf32>,
      %parallel_loop3A_336 = arith.constant 1.500000e+01 : f32
      %parallel_loop3A_337 = vector.broadcast %parallel_loop3A_336 : f32 to vector<16xf32>
      %parallel_loop3A_338 = arith.mulf %parallel_loop3A_335, %parallel_loop3A_337 : vector<16xf32>
      %parallel_loop3A_339 = arith.constant 0.000000e+00 : f32
      %parallel_loop3A_340 = vector.broadcast %parallel_loop3A_339 : f32 to vector<16xf32>
      %parallel_loop3A_341 = arith.maximumf %parallel_loop3A_338, %parallel_loop3A_340 : vector<16xf32>
      %parallel_loop3A_342 = arith.constant 1.500000e+01 : f32
      %parallel_loop3A_343 = vector.broadcast %parallel_loop3A_342 : f32 to vector<16xf32>
      %parallel_loop3A_344 = arith.minimumf %parallel_loop3A_341, %parallel_loop3A_343 : vector<16xf32>
      %parallel_loop3A_345 = arith.constant 5.000000e-01 : f32
      %parallel_loop3A_346 = vector.broadcast %parallel_loop3A_345 : f32 to vector<16xf32>
      %parallel_loop3A_347 = arith.subf %parallel_loop3A_344, %parallel_loop3A_346 : vector<16xf32>
      %parallel_loop3A_348 = arith.constant 0x4B400000 : f32
      %parallel_loop3A_349 = vector.broadcast %parallel_loop3A_348 : f32 to vector<16xf32>
      %parallel_loop3A_350 = arith.addf %parallel_loop3A_347, %parallel_loop3A_349 : vector<16xf32>
      %parallel_loop3A_351 = vector.bitcast %parallel_loop3A_350 : vector<16xf32> to vector<16xi32>
      %parallel_loop3A_352 = arith.constant 15 : i32
      %parallel_loop3A_353 = vector.broadcast %parallel_loop3A_352 : i32 to vector<16xi32>
      %parallel_loop3A_354 = arith.andi %parallel_loop3A_351, %parallel_loop3A_353 : vector<16xi32>
      %parallel_loop3A_355 = vector.shape_cast %parallel_loop3A_354 : vector<16xi32> to vector<16x1xi32>
      %parallel_loop3A_356 = vector.shape_cast %parallel_loop3A_355 : vector<16x1xi32> to vector<16xi32>
      %parallel_loop3A_357 = tpu.dynamic_gather %gather3A_55[%parallel_loop3A_356] in [0] : vector<16xf32>, vector<16xi32> -> vector<16xf32>
      %parallel_loop3A_358 = vector.shape_cast %parallel_loop3A_354 : vector<16xi32> to vector<16x1xi32>
      %parallel_loop3A_359 = vector.shape_cast %parallel_loop3A_358 : vector<16x1xi32> to vector<16xi32>
      %parallel_loop3A_360 = tpu.dynamic_gather %mul3A_52[%parallel_loop3A_359] in [0] : vector<16xf32>, vector<16xi32> -> vector<16xf32>
      %parallel_loop3A_361 = arith.mulf %parallel_loop3A_344, %parallel_loop3A_360 : vector<16xf32>
      %parallel_loop3A_362 = arith.addf %parallel_loop3A_357, %parallel_loop3A_361 : vector<16xf32>
      %parallel_loop3A_363 = arith.index_cast %parallel_loop3A_134 : i32 to index
      %parallel_loop3A_364 = arith.constant 84 : index
      %parallel_loop3A_365 = tpu.vector_load %arg9[%parallel_loop3A_363, %parallel_loop3A_364] {strides = array<i32>} : memref<128x100xf32, #tpu.memory_space<vmem>>, vector<16xf32>,
      tpu.vector_store %arg9[%parallel_loop3A_363, %parallel_loop3A_364], %parallel_loop3A_362 {strides = array<i32>} : memref<128x100xf32, #tpu.memory_space<vmem>>, vector<16xf32>,
    } {sc.loop_unroll_factor = 4 : i64, sc.parallel_access}
    %dma_start3A_88 = arith.constant 0 : i32
    %dma_start3A_89 = tpu.memref_slice %arg4[%add3A_74, %dma_start3A_88] : memref<16384x100xf32, #tpu.memory_space<hbm>> -> memref<128x100xf32, #tpu.memory_space<hbm>>
    %dma_start3A_90 = arith.constant 0 : i32
    %dma_start3A_91 = tpu.memref_slice %arg4[%add3A_74, %dma_start3A_90] : memref<16384x100xf32, #tpu.memory_space<hbm>> -> memref<128x100xf32, #tpu.memory_space<hbm>>
    tpu.enqueue_dma source(%arg9 : memref<128x100xf32, #tpu.memory_space<vmem>>) target(%dma_start3A_91 : memref<128x100xf32, #tpu.memory_space<hbm>>) target_semaphore(%arg16 : memref<!tpu.dma_semaphore, #tpu.memory_space<semaphore_mem>>)
    %add3A_92 = arith.constant 256 : i32
    %add3A_93 = arith.addi %mul3A_2, %add3A_92 : i32
    %dma_wait3A_94 = arith.constant 0 : i32
    %dma_wait3A_95 = tpu.memref_slice %arg2[%add3A_59, %dma_wait3A_94] : memref<16384x100xf32, #tpu.memory_space<hbm>> -> memref<128x100xf32, #tpu.memory_space<hbm>>
    %dma_wait3A_96 = arith.constant 0 : i32
    %dma_wait3A_97 = tpu.memref_slice %arg2[%add3A_59, %dma_wait3A_96] : memref<16384x100xf32, #tpu.memory_space<hbm>> -> memref<128x100xf32, #tpu.memory_space<hbm>>
    tpu.wait_dma2 semaphore(%arg14 : memref<!tpu.dma_semaphore, #tpu.memory_space<semaphore_mem>>) src(%dma_wait3A_97 : memref<128x100xf32, #tpu.memory_space<hbm>>) dst(%arg7 : memref<128x100xf32, #tpu.memory_space<vmem>>)
    %parallel_loop3A_98 = arith.constant 0 : i32
    %parallel_loop3A_99 = arith.constant 128 : i32
    %parallel_loop3A_100 = arith.constant 1 : i32
    scf.for %parallel_loop3A_134 = %parallel_loop3A_98 to %parallel_loop3A_99 step %parallel_loop3A_100  : i32 {
      %parallel_loop3A_135 = arith.index_cast %parallel_loop3A_134 : i32 to index
      %parallel_loop3A_136 = arith.constant 0 : index
      %parallel_loop3A_137 = tpu.vector_load %arg7[%parallel_loop3A_135, %parallel_loop3A_136] {strides = array<i32>} : memref<128x100xf32, #tpu.memory_space<vmem>>, vector<16xf32>,
      %parallel_loop3A_138 = arith.constant 1.500000e+01 : f32
      %parallel_loop3A_139 = vector.broadcast %parallel_loop3A_138 : f32 to vector<16xf32>
      %parallel_loop3A_140 = arith.mulf %parallel_loop3A_137, %parallel_loop3A_139 : vector<16xf32>
      %parallel_loop3A_141 = arith.constant 0.000000e+00 : f32
      %parallel_loop3A_142 = vector.broadcast %parallel_loop3A_141 : f32 to vector<16xf32>
      %parallel_loop3A_143 = arith.maximumf %parallel_loop3A_140, %parallel_loop3A_142 : vector<16xf32>
      %parallel_loop3A_144 = arith.constant 1.500000e+01 : f32
      %parallel_loop3A_145 = vector.broadcast %parallel_loop3A_144 : f32 to vector<16xf32>
      %parallel_loop3A_146 = arith.minimumf %parallel_loop3A_143, %parallel_loop3A_145 : vector<16xf32>
      %parallel_loop3A_147 = arith.constant 5.000000e-01 : f32
      %parallel_loop3A_148 = vector.broadcast %parallel_loop3A_147 : f32 to vector<16xf32>
      %parallel_loop3A_149 = arith.subf %parallel_loop3A_146, %parallel_loop3A_148 : vector<16xf32>
      %parallel_loop3A_150 = arith.constant 0x4B400000 : f32
      %parallel_loop3A_151 = vector.broadcast %parallel_loop3A_150 : f32 to vector<16xf32>
      %parallel_loop3A_152 = arith.addf %parallel_loop3A_149, %parallel_loop3A_151 : vector<16xf32>
      %parallel_loop3A_153 = vector.bitcast %parallel_loop3A_152 : vector<16xf32> to vector<16xi32>
      %parallel_loop3A_154 = arith.constant 15 : i32
      %parallel_loop3A_155 = vector.broadcast %parallel_loop3A_154 : i32 to vector<16xi32>
      %parallel_loop3A_156 = arith.andi %parallel_loop3A_153, %parallel_loop3A_155 : vector<16xi32>
      %parallel_loop3A_157 = vector.shape_cast %parallel_loop3A_156 : vector<16xi32> to vector<16x1xi32>
      %parallel_loop3A_158 = vector.shape_cast %parallel_loop3A_157 : vector<16x1xi32> to vector<16xi32>
      %parallel_loop3A_159 = tpu.dynamic_gather %gather3A_55[%parallel_loop3A_158] in [0] : vector<16xf32>, vector<16xi32> -> vector<16xf32>
      %parallel_loop3A_160 = vector.shape_cast %parallel_loop3A_156 : vector<16xi32> to vector<16x1xi32>
      %parallel_loop3A_161 = vector.shape_cast %parallel_loop3A_160 : vector<16x1xi32> to vector<16xi32>
      %parallel_loop3A_162 = tpu.dynamic_gather %mul3A_52[%parallel_loop3A_161] in [0] : vector<16xf32>, vector<16xi32> -> vector<16xf32>
      %parallel_loop3A_163 = arith.mulf %parallel_loop3A_146, %parallel_loop3A_162 : vector<16xf32>
      %parallel_loop3A_164 = arith.addf %parallel_loop3A_159, %parallel_loop3A_163 : vector<16xf32>
      %parallel_loop3A_165 = arith.index_cast %parallel_loop3A_134 : i32 to index
      %parallel_loop3A_166 = arith.constant 0 : index
      %parallel_loop3A_167 = tpu.vector_load %arg10[%parallel_loop3A_165, %parallel_loop3A_166] {strides = array<i32>} : memref<128x100xf32, #tpu.memory_space<vmem>>, vector<16xf32>,
      tpu.vector_store %arg10[%parallel_loop3A_165, %parallel_loop3A_166], %parallel_loop3A_164 {strides = array<i32>} : memref<128x100xf32, #tpu.memory_space<vmem>>, vector<16xf32>,
      %parallel_loop3A_168 = arith.index_cast %parallel_loop3A_134 : i32 to index
      %parallel_loop3A_169 = arith.constant 16 : index
      %parallel_loop3A_170 = tpu.vector_load %arg7[%parallel_loop3A_168, %parallel_loop3A_169] {strides = array<i32>} : memref<128x100xf32, #tpu.memory_space<vmem>>, vector<16xf32>,
      %parallel_loop3A_171 = arith.constant 1.500000e+01 : f32
      %parallel_loop3A_172 = vector.broadcast %parallel_loop3A_171 : f32 to vector<16xf32>
      %parallel_loop3A_173 = arith.mulf %parallel_loop3A_170, %parallel_loop3A_172 : vector<16xf32>
      %parallel_loop3A_174 = arith.constant 0.000000e+00 : f32
      %parallel_loop3A_175 = vector.broadcast %parallel_loop3A_174 : f32 to vector<16xf32>
      %parallel_loop3A_176 = arith.maximumf %parallel_loop3A_173, %parallel_loop3A_175 : vector<16xf32>
      %parallel_loop3A_177 = arith.constant 1.500000e+01 : f32
      %parallel_loop3A_178 = vector.broadcast %parallel_loop3A_177 : f32 to vector<16xf32>
      %parallel_loop3A_179 = arith.minimumf %parallel_loop3A_176, %parallel_loop3A_178 : vector<16xf32>
      %parallel_loop3A_180 = arith.constant 5.000000e-01 : f32
      %parallel_loop3A_181 = vector.broadcast %parallel_loop3A_180 : f32 to vector<16xf32>
      %parallel_loop3A_182 = arith.subf %parallel_loop3A_179, %parallel_loop3A_181 : vector<16xf32>
      %parallel_loop3A_183 = arith.constant 0x4B400000 : f32
      %parallel_loop3A_184 = vector.broadcast %parallel_loop3A_183 : f32 to vector<16xf32>
      %parallel_loop3A_185 = arith.addf %parallel_loop3A_182, %parallel_loop3A_184 : vector<16xf32>
      %parallel_loop3A_186 = vector.bitcast %parallel_loop3A_185 : vector<16xf32> to vector<16xi32>
      %parallel_loop3A_187 = arith.constant 15 : i32
      %parallel_loop3A_188 = vector.broadcast %parallel_loop3A_187 : i32 to vector<16xi32>
      %parallel_loop3A_189 = arith.andi %parallel_loop3A_186, %parallel_loop3A_188 : vector<16xi32>
      %parallel_loop3A_190 = vector.shape_cast %parallel_loop3A_189 : vector<16xi32> to vector<16x1xi32>
      %parallel_loop3A_191 = vector.shape_cast %parallel_loop3A_190 : vector<16x1xi32> to vector<16xi32>
      %parallel_loop3A_192 = tpu.dynamic_gather %gather3A_55[%parallel_loop3A_191] in [0] : vector<16xf32>, vector<16xi32> -> vector<16xf32>
      %parallel_loop3A_193 = vector.shape_cast %parallel_loop3A_189 : vector<16xi32> to vector<16x1xi32>
      %parallel_loop3A_194 = vector.shape_cast %parallel_loop3A_193 : vector<16x1xi32> to vector<16xi32>
      %parallel_loop3A_195 = tpu.dynamic_gather %mul3A_52[%parallel_loop3A_194] in [0] : vector<16xf32>, vector<16xi32> -> vector<16xf32>
      %parallel_loop3A_196 = arith.mulf %parallel_loop3A_179, %parallel_loop3A_195 : vector<16xf32>
      %parallel_loop3A_197 = arith.addf %parallel_loop3A_192, %parallel_loop3A_196 : vector<16xf32>
      %parallel_loop3A_198 = arith.index_cast %parallel_loop3A_134 : i32 to index
      %parallel_loop3A_199 = arith.constant 16 : index
      %parallel_loop3A_200 = tpu.vector_load %arg10[%parallel_loop3A_198, %parallel_loop3A_199] {strides = array<i32>} : memref<128x100xf32, #tpu.memory_space<vmem>>, vector<16xf32>,
      tpu.vector_store %arg10[%parallel_loop3A_198, %parallel_loop3A_199], %parallel_loop3A_197 {strides = array<i32>} : memref<128x100xf32, #tpu.memory_space<vmem>>, vector<16xf32>,
      %parallel_loop3A_201 = arith.index_cast %parallel_loop3A_134 : i32 to index
      %parallel_loop3A_202 = arith.constant 32 : index
      %parallel_loop3A_203 = tpu.vector_load %arg7[%parallel_loop3A_201, %parallel_loop3A_202] {strides = array<i32>} : memref<128x100xf32, #tpu.memory_space<vmem>>, vector<16xf32>,
      %parallel_loop3A_204 = arith.constant 1.500000e+01 : f32
      %parallel_loop3A_205 = vector.broadcast %parallel_loop3A_204 : f32 to vector<16xf32>
      %parallel_loop3A_206 = arith.mulf %parallel_loop3A_203, %parallel_loop3A_205 : vector<16xf32>
      %parallel_loop3A_207 = arith.constant 0.000000e+00 : f32
      %parallel_loop3A_208 = vector.broadcast %parallel_loop3A_207 : f32 to vector<16xf32>
      %parallel_loop3A_209 = arith.maximumf %parallel_loop3A_206, %parallel_loop3A_208 : vector<16xf32>
      %parallel_loop3A_210 = arith.constant 1.500000e+01 : f32
      %parallel_loop3A_211 = vector.broadcast %parallel_loop3A_210 : f32 to vector<16xf32>
      %parallel_loop3A_212 = arith.minimumf %parallel_loop3A_209, %parallel_loop3A_211 : vector<16xf32>
      %parallel_loop3A_213 = arith.constant 5.000000e-01 : f32
      %parallel_loop3A_214 = vector.broadcast %parallel_loop3A_213 : f32 to vector<16xf32>
      %parallel_loop3A_215 = arith.subf %parallel_loop3A_212, %parallel_loop3A_214 : vector<16xf32>
      %parallel_loop3A_216 = arith.constant 0x4B400000 : f32
      %parallel_loop3A_217 = vector.broadcast %parallel_loop3A_216 : f32 to vector<16xf32>
      %parallel_loop3A_218 = arith.addf %parallel_loop3A_215, %parallel_loop3A_217 : vector<16xf32>
      %parallel_loop3A_219 = vector.bitcast %parallel_loop3A_218 : vector<16xf32> to vector<16xi32>
      %parallel_loop3A_220 = arith.constant 15 : i32
      %parallel_loop3A_221 = vector.broadcast %parallel_loop3A_220 : i32 to vector<16xi32>
      %parallel_loop3A_222 = arith.andi %parallel_loop3A_219, %parallel_loop3A_221 : vector<16xi32>
      %parallel_loop3A_223 = vector.shape_cast %parallel_loop3A_222 : vector<16xi32> to vector<16x1xi32>
      %parallel_loop3A_224 = vector.shape_cast %parallel_loop3A_223 : vector<16x1xi32> to vector<16xi32>
      %parallel_loop3A_225 = tpu.dynamic_gather %gather3A_55[%parallel_loop3A_224] in [0] : vector<16xf32>, vector<16xi32> -> vector<16xf32>
      %parallel_loop3A_226 = vector.shape_cast %parallel_loop3A_222 : vector<16xi32> to vector<16x1xi32>
      %parallel_loop3A_227 = vector.shape_cast %parallel_loop3A_226 : vector<16x1xi32> to vector<16xi32>
      %parallel_loop3A_228 = tpu.dynamic_gather %mul3A_52[%parallel_loop3A_227] in [0] : vector<16xf32>, vector<16xi32> -> vector<16xf32>
      %parallel_loop3A_229 = arith.mulf %parallel_loop3A_212, %parallel_loop3A_228 : vector<16xf32>
      %parallel_loop3A_230 = arith.addf %parallel_loop3A_225, %parallel_loop3A_229 : vector<16xf32>
      %parallel_loop3A_231 = arith.index_cast %parallel_loop3A_134 : i32 to index
      %parallel_loop3A_232 = arith.constant 32 : index
      %parallel_loop3A_233 = tpu.vector_load %arg10[%parallel_loop3A_231, %parallel_loop3A_232] {strides = array<i32>} : memref<128x100xf32, #tpu.memory_space<vmem>>, vector<16xf32>,
      tpu.vector_store %arg10[%parallel_loop3A_231, %parallel_loop3A_232], %parallel_loop3A_230 {strides = array<i32>} : memref<128x100xf32, #tpu.memory_space<vmem>>, vector<16xf32>,
      %parallel_loop3A_234 = arith.index_cast %parallel_loop3A_134 : i32 to index
      %parallel_loop3A_235 = arith.constant 48 : index
      %parallel_loop3A_236 = tpu.vector_load %arg7[%parallel_loop3A_234, %parallel_loop3A_235] {strides = array<i32>} : memref<128x100xf32, #tpu.memory_space<vmem>>, vector<16xf32>,
      %parallel_loop3A_237 = arith.constant 1.500000e+01 : f32
      %parallel_loop3A_238 = vector.broadcast %parallel_loop3A_237 : f32 to vector<16xf32>
      %parallel_loop3A_239 = arith.mulf %parallel_loop3A_236, %parallel_loop3A_238 : vector<16xf32>
      %parallel_loop3A_240 = arith.constant 0.000000e+00 : f32
      %parallel_loop3A_241 = vector.broadcast %parallel_loop3A_240 : f32 to vector<16xf32>
      %parallel_loop3A_242 = arith.maximumf %parallel_loop3A_239, %parallel_loop3A_241 : vector<16xf32>
      %parallel_loop3A_243 = arith.constant 1.500000e+01 : f32
      %parallel_loop3A_244 = vector.broadcast %parallel_loop3A_243 : f32 to vector<16xf32>
      %parallel_loop3A_245 = arith.minimumf %parallel_loop3A_242, %parallel_loop3A_244 : vector<16xf32>
      %parallel_loop3A_246 = arith.constant 5.000000e-01 : f32
      %parallel_loop3A_247 = vector.broadcast %parallel_loop3A_246 : f32 to vector<16xf32>
      %parallel_loop3A_248 = arith.subf %parallel_loop3A_245, %parallel_loop3A_247 : vector<16xf32>
      %parallel_loop3A_249 = arith.constant 0x4B400000 : f32
      %parallel_loop3A_250 = vector.broadcast %parallel_loop3A_249 : f32 to vector<16xf32>
      %parallel_loop3A_251 = arith.addf %parallel_loop3A_248, %parallel_loop3A_250 : vector<16xf32>
      %parallel_loop3A_252 = vector.bitcast %parallel_loop3A_251 : vector<16xf32> to vector<16xi32>
      %parallel_loop3A_253 = arith.constant 15 : i32
      %parallel_loop3A_254 = vector.broadcast %parallel_loop3A_253 : i32 to vector<16xi32>
      %parallel_loop3A_255 = arith.andi %parallel_loop3A_252, %parallel_loop3A_254 : vector<16xi32>
      %parallel_loop3A_256 = vector.shape_cast %parallel_loop3A_255 : vector<16xi32> to vector<16x1xi32>
      %parallel_loop3A_257 = vector.shape_cast %parallel_loop3A_256 : vector<16x1xi32> to vector<16xi32>
      %parallel_loop3A_258 = tpu.dynamic_gather %gather3A_55[%parallel_loop3A_257] in [0] : vector<16xf32>, vector<16xi32> -> vector<16xf32>
      %parallel_loop3A_259 = vector.shape_cast %parallel_loop3A_255 : vector<16xi32> to vector<16x1xi32>
      %parallel_loop3A_260 = vector.shape_cast %parallel_loop3A_259 : vector<16x1xi32> to vector<16xi32>
      %parallel_loop3A_261 = tpu.dynamic_gather %mul3A_52[%parallel_loop3A_260] in [0] : vector<16xf32>, vector<16xi32> -> vector<16xf32>
      %parallel_loop3A_262 = arith.mulf %parallel_loop3A_245, %parallel_loop3A_261 : vector<16xf32>
      %parallel_loop3A_263 = arith.addf %parallel_loop3A_258, %parallel_loop3A_262 : vector<16xf32>
      %parallel_loop3A_264 = arith.index_cast %parallel_loop3A_134 : i32 to index
      %parallel_loop3A_265 = arith.constant 48 : index
      %parallel_loop3A_266 = tpu.vector_load %arg10[%parallel_loop3A_264, %parallel_loop3A_265] {strides = array<i32>} : memref<128x100xf32, #tpu.memory_space<vmem>>, vector<16xf32>,
      tpu.vector_store %arg10[%parallel_loop3A_264, %parallel_loop3A_265], %parallel_loop3A_263 {strides = array<i32>} : memref<128x100xf32, #tpu.memory_space<vmem>>, vector<16xf32>,
      %parallel_loop3A_267 = arith.index_cast %parallel_loop3A_134 : i32 to index
      %parallel_loop3A_268 = arith.constant 64 : index
      %parallel_loop3A_269 = tpu.vector_load %arg7[%parallel_loop3A_267, %parallel_loop3A_268] {strides = array<i32>} : memref<128x100xf32, #tpu.memory_space<vmem>>, vector<16xf32>,
      %parallel_loop3A_270 = arith.constant 1.500000e+01 : f32
      %parallel_loop3A_271 = vector.broadcast %parallel_loop3A_270 : f32 to vector<16xf32>
      %parallel_loop3A_272 = arith.mulf %parallel_loop3A_269, %parallel_loop3A_271 : vector<16xf32>
      %parallel_loop3A_273 = arith.constant 0.000000e+00 : f32
      %parallel_loop3A_274 = vector.broadcast %parallel_loop3A_273 : f32 to vector<16xf32>
      %parallel_loop3A_275 = arith.maximumf %parallel_loop3A_272, %parallel_loop3A_274 : vector<16xf32>
      %parallel_loop3A_276 = arith.constant 1.500000e+01 : f32
      %parallel_loop3A_277 = vector.broadcast %parallel_loop3A_276 : f32 to vector<16xf32>
      %parallel_loop3A_278 = arith.minimumf %parallel_loop3A_275, %parallel_loop3A_277 : vector<16xf32>
      %parallel_loop3A_279 = arith.constant 5.000000e-01 : f32
      %parallel_loop3A_280 = vector.broadcast %parallel_loop3A_279 : f32 to vector<16xf32>
      %parallel_loop3A_281 = arith.subf %parallel_loop3A_278, %parallel_loop3A_280 : vector<16xf32>
      %parallel_loop3A_282 = arith.constant 0x4B400000 : f32
      %parallel_loop3A_283 = vector.broadcast %parallel_loop3A_282 : f32 to vector<16xf32>
      %parallel_loop3A_284 = arith.addf %parallel_loop3A_281, %parallel_loop3A_283 : vector<16xf32>
      %parallel_loop3A_285 = vector.bitcast %parallel_loop3A_284 : vector<16xf32> to vector<16xi32>
      %parallel_loop3A_286 = arith.constant 15 : i32
      %parallel_loop3A_287 = vector.broadcast %parallel_loop3A_286 : i32 to vector<16xi32>
      %parallel_loop3A_288 = arith.andi %parallel_loop3A_285, %parallel_loop3A_287 : vector<16xi32>
      %parallel_loop3A_289 = vector.shape_cast %parallel_loop3A_288 : vector<16xi32> to vector<16x1xi32>
      %parallel_loop3A_290 = vector.shape_cast %parallel_loop3A_289 : vector<16x1xi32> to vector<16xi32>
      %parallel_loop3A_291 = tpu.dynamic_gather %gather3A_55[%parallel_loop3A_290] in [0] : vector<16xf32>, vector<16xi32> -> vector<16xf32>
      %parallel_loop3A_292 = vector.shape_cast %parallel_loop3A_288 : vector<16xi32> to vector<16x1xi32>
      %parallel_loop3A_293 = vector.shape_cast %parallel_loop3A_292 : vector<16x1xi32> to vector<16xi32>
      %parallel_loop3A_294 = tpu.dynamic_gather %mul3A_52[%parallel_loop3A_293] in [0] : vector<16xf32>, vector<16xi32> -> vector<16xf32>
      %parallel_loop3A_295 = arith.mulf %parallel_loop3A_278, %parallel_loop3A_294 : vector<16xf32>
      %parallel_loop3A_296 = arith.addf %parallel_loop3A_291, %parallel_loop3A_295 : vector<16xf32>
      %parallel_loop3A_297 = arith.index_cast %parallel_loop3A_134 : i32 to index
      %parallel_loop3A_298 = arith.constant 64 : index
      %parallel_loop3A_299 = tpu.vector_load %arg10[%parallel_loop3A_297, %parallel_loop3A_298] {strides = array<i32>} : memref<128x100xf32, #tpu.memory_space<vmem>>, vector<16xf32>,
      tpu.vector_store %arg10[%parallel_loop3A_297, %parallel_loop3A_298], %parallel_loop3A_296 {strides = array<i32>} : memref<128x100xf32, #tpu.memory_space<vmem>>, vector<16xf32>,
      %parallel_loop3A_300 = arith.index_cast %parallel_loop3A_134 : i32 to index
      %parallel_loop3A_301 = arith.constant 80 : index
      %parallel_loop3A_302 = tpu.vector_load %arg7[%parallel_loop3A_300, %parallel_loop3A_301] {strides = array<i32>} : memref<128x100xf32, #tpu.memory_space<vmem>>, vector<16xf32>,
      %parallel_loop3A_303 = arith.constant 1.500000e+01 : f32
      %parallel_loop3A_304 = vector.broadcast %parallel_loop3A_303 : f32 to vector<16xf32>
      %parallel_loop3A_305 = arith.mulf %parallel_loop3A_302, %parallel_loop3A_304 : vector<16xf32>
      %parallel_loop3A_306 = arith.constant 0.000000e+00 : f32
      %parallel_loop3A_307 = vector.broadcast %parallel_loop3A_306 : f32 to vector<16xf32>
      %parallel_loop3A_308 = arith.maximumf %parallel_loop3A_305, %parallel_loop3A_307 : vector<16xf32>
      %parallel_loop3A_309 = arith.constant 1.500000e+01 : f32
      %parallel_loop3A_310 = vector.broadcast %parallel_loop3A_309 : f32 to vector<16xf32>
      %parallel_loop3A_311 = arith.minimumf %parallel_loop3A_308, %parallel_loop3A_310 : vector<16xf32>
      %parallel_loop3A_312 = arith.constant 5.000000e-01 : f32
      %parallel_loop3A_313 = vector.broadcast %parallel_loop3A_312 : f32 to vector<16xf32>
      %parallel_loop3A_314 = arith.subf %parallel_loop3A_311, %parallel_loop3A_313 : vector<16xf32>
      %parallel_loop3A_315 = arith.constant 0x4B400000 : f32
      %parallel_loop3A_316 = vector.broadcast %parallel_loop3A_315 : f32 to vector<16xf32>
      %parallel_loop3A_317 = arith.addf %parallel_loop3A_314, %parallel_loop3A_316 : vector<16xf32>
      %parallel_loop3A_318 = vector.bitcast %parallel_loop3A_317 : vector<16xf32> to vector<16xi32>
      %parallel_loop3A_319 = arith.constant 15 : i32
      %parallel_loop3A_320 = vector.broadcast %parallel_loop3A_319 : i32 to vector<16xi32>
      %parallel_loop3A_321 = arith.andi %parallel_loop3A_318, %parallel_loop3A_320 : vector<16xi32>
      %parallel_loop3A_322 = vector.shape_cast %parallel_loop3A_321 : vector<16xi32> to vector<16x1xi32>
      %parallel_loop3A_323 = vector.shape_cast %parallel_loop3A_322 : vector<16x1xi32> to vector<16xi32>
      %parallel_loop3A_324 = tpu.dynamic_gather %gather3A_55[%parallel_loop3A_323] in [0] : vector<16xf32>, vector<16xi32> -> vector<16xf32>
      %parallel_loop3A_325 = vector.shape_cast %parallel_loop3A_321 : vector<16xi32> to vector<16x1xi32>
      %parallel_loop3A_326 = vector.shape_cast %parallel_loop3A_325 : vector<16x1xi32> to vector<16xi32>
      %parallel_loop3A_327 = tpu.dynamic_gather %mul3A_52[%parallel_loop3A_326] in [0] : vector<16xf32>, vector<16xi32> -> vector<16xf32>
      %parallel_loop3A_328 = arith.mulf %parallel_loop3A_311, %parallel_loop3A_327 : vector<16xf32>
      %parallel_loop3A_329 = arith.addf %parallel_loop3A_324, %parallel_loop3A_328 : vector<16xf32>
      %parallel_loop3A_330 = arith.index_cast %parallel_loop3A_134 : i32 to index
      %parallel_loop3A_331 = arith.constant 80 : index
      %parallel_loop3A_332 = tpu.vector_load %arg10[%parallel_loop3A_330, %parallel_loop3A_331] {strides = array<i32>} : memref<128x100xf32, #tpu.memory_space<vmem>>, vector<16xf32>,
      tpu.vector_store %arg10[%parallel_loop3A_330, %parallel_loop3A_331], %parallel_loop3A_329 {strides = array<i32>} : memref<128x100xf32, #tpu.memory_space<vmem>>, vector<16xf32>,
      %parallel_loop3A_333 = arith.index_cast %parallel_loop3A_134 : i32 to index
      %parallel_loop3A_334 = arith.constant 84 : index
      %parallel_loop3A_335 = tpu.vector_load %arg7[%parallel_loop3A_333, %parallel_loop3A_334] {strides = array<i32>} : memref<128x100xf32, #tpu.memory_space<vmem>>, vector<16xf32>,
      %parallel_loop3A_336 = arith.constant 1.500000e+01 : f32
      %parallel_loop3A_337 = vector.broadcast %parallel_loop3A_336 : f32 to vector<16xf32>
      %parallel_loop3A_338 = arith.mulf %parallel_loop3A_335, %parallel_loop3A_337 : vector<16xf32>
      %parallel_loop3A_339 = arith.constant 0.000000e+00 : f32
      %parallel_loop3A_340 = vector.broadcast %parallel_loop3A_339 : f32 to vector<16xf32>
      %parallel_loop3A_341 = arith.maximumf %parallel_loop3A_338, %parallel_loop3A_340 : vector<16xf32>
      %parallel_loop3A_342 = arith.constant 1.500000e+01 : f32
      %parallel_loop3A_343 = vector.broadcast %parallel_loop3A_342 : f32 to vector<16xf32>
      %parallel_loop3A_344 = arith.minimumf %parallel_loop3A_341, %parallel_loop3A_343 : vector<16xf32>
      %parallel_loop3A_345 = arith.constant 5.000000e-01 : f32
      %parallel_loop3A_346 = vector.broadcast %parallel_loop3A_345 : f32 to vector<16xf32>
      %parallel_loop3A_347 = arith.subf %parallel_loop3A_344, %parallel_loop3A_346 : vector<16xf32>
      %parallel_loop3A_348 = arith.constant 0x4B400000 : f32
      %parallel_loop3A_349 = vector.broadcast %parallel_loop3A_348 : f32 to vector<16xf32>
      %parallel_loop3A_350 = arith.addf %parallel_loop3A_347, %parallel_loop3A_349 : vector<16xf32>
      %parallel_loop3A_351 = vector.bitcast %parallel_loop3A_350 : vector<16xf32> to vector<16xi32>
      %parallel_loop3A_352 = arith.constant 15 : i32
      %parallel_loop3A_353 = vector.broadcast %parallel_loop3A_352 : i32 to vector<16xi32>
      %parallel_loop3A_354 = arith.andi %parallel_loop3A_351, %parallel_loop3A_353 : vector<16xi32>
      %parallel_loop3A_355 = vector.shape_cast %parallel_loop3A_354 : vector<16xi32> to vector<16x1xi32>
      %parallel_loop3A_356 = vector.shape_cast %parallel_loop3A_355 : vector<16x1xi32> to vector<16xi32>
      %parallel_loop3A_357 = tpu.dynamic_gather %gather3A_55[%parallel_loop3A_356] in [0] : vector<16xf32>, vector<16xi32> -> vector<16xf32>
      %parallel_loop3A_358 = vector.shape_cast %parallel_loop3A_354 : vector<16xi32> to vector<16x1xi32>
      %parallel_loop3A_359 = vector.shape_cast %parallel_loop3A_358 : vector<16x1xi32> to vector<16xi32>
      %parallel_loop3A_360 = tpu.dynamic_gather %mul3A_52[%parallel_loop3A_359] in [0] : vector<16xf32>, vector<16xi32> -> vector<16xf32>
      %parallel_loop3A_361 = arith.mulf %parallel_loop3A_344, %parallel_loop3A_360 : vector<16xf32>
      %parallel_loop3A_362 = arith.addf %parallel_loop3A_357, %parallel_loop3A_361 : vector<16xf32>
      %parallel_loop3A_363 = arith.index_cast %parallel_loop3A_134 : i32 to index
      %parallel_loop3A_364 = arith.constant 84 : index
      %parallel_loop3A_365 = tpu.vector_load %arg10[%parallel_loop3A_363, %parallel_loop3A_364] {strides = array<i32>} : memref<128x100xf32, #tpu.memory_space<vmem>>, vector<16xf32>,
      tpu.vector_store %arg10[%parallel_loop3A_363, %parallel_loop3A_364], %parallel_loop3A_362 {strides = array<i32>} : memref<128x100xf32, #tpu.memory_space<vmem>>, vector<16xf32>,
    } {sc.loop_unroll_factor = 4 : i64, sc.parallel_access}
    %dma_start3A_101 = arith.constant 0 : i32
    %dma_start3A_102 = tpu.memref_slice %arg4[%add3A_93, %dma_start3A_101] : memref<16384x100xf32, #tpu.memory_space<hbm>> -> memref<128x100xf32, #tpu.memory_space<hbm>>
    %dma_start3A_103 = arith.constant 0 : i32
    %dma_start3A_104 = tpu.memref_slice %arg4[%add3A_93, %dma_start3A_103] : memref<16384x100xf32, #tpu.memory_space<hbm>> -> memref<128x100xf32, #tpu.memory_space<hbm>>
    tpu.enqueue_dma source(%arg10 : memref<128x100xf32, #tpu.memory_space<vmem>>) target(%dma_start3A_104 : memref<128x100xf32, #tpu.memory_space<hbm>>) target_semaphore(%arg17 : memref<!tpu.dma_semaphore, #tpu.memory_space<semaphore_mem>>)
    %add3A_105 = arith.constant 384 : i32
    %add3A_106 = arith.addi %mul3A_2, %add3A_105 : i32
    %dma_wait3A_107 = arith.constant 0 : i32
    %dma_wait3A_108 = tpu.memref_slice %arg2[%add3A_76, %dma_wait3A_107] : memref<16384x100xf32, #tpu.memory_space<hbm>> -> memref<128x100xf32, #tpu.memory_space<hbm>>
    %dma_wait3A_109 = arith.constant 0 : i32
    %dma_wait3A_110 = tpu.memref_slice %arg2[%add3A_76, %dma_wait3A_109] : memref<16384x100xf32, #tpu.memory_space<hbm>> -> memref<128x100xf32, #tpu.memory_space<hbm>>
    tpu.wait_dma2 semaphore(%arg12 : memref<!tpu.dma_semaphore, #tpu.memory_space<semaphore_mem>>) src(%dma_wait3A_110 : memref<128x100xf32, #tpu.memory_space<hbm>>) dst(%arg5 : memref<128x100xf32, #tpu.memory_space<vmem>>)
    %dma_wait3A_111 = arith.constant 0 : i32
    %dma_wait3A_112 = tpu.memref_slice %arg4[%add3A_57, %dma_wait3A_111] : memref<16384x100xf32, #tpu.memory_space<hbm>> -> memref<128x100xf32, #tpu.memory_space<hbm>>
    %dma_wait3A_113 = arith.constant 0 : i32
    %dma_wait3A_114 = tpu.memref_slice %arg4[%add3A_57, %dma_wait3A_113] : memref<16384x100xf32, #tpu.memory_space<hbm>> -> memref<128x100xf32, #tpu.memory_space<hbm>>
    tpu.wait_dma2 semaphore(%arg15 : memref<!tpu.dma_semaphore, #tpu.memory_space<semaphore_mem>>) src(%arg8 : memref<128x100xf32, #tpu.memory_space<vmem>>) dst(%dma_wait3A_114 : memref<128x100xf32, #tpu.memory_space<hbm>>)
    %parallel_loop3A_115 = arith.constant 0 : i32
    %parallel_loop3A_116 = arith.constant 128 : i32
    %parallel_loop3A_117 = arith.constant 1 : i32
    scf.for %parallel_loop3A_134 = %parallel_loop3A_115 to %parallel_loop3A_116 step %parallel_loop3A_117  : i32 {
      %parallel_loop3A_135 = arith.index_cast %parallel_loop3A_134 : i32 to index
      %parallel_loop3A_136 = arith.constant 0 : index
      %parallel_loop3A_137 = tpu.vector_load %arg5[%parallel_loop3A_135, %parallel_loop3A_136] {strides = array<i32>} : memref<128x100xf32, #tpu.memory_space<vmem>>, vector<16xf32>,
      %parallel_loop3A_138 = arith.constant 1.500000e+01 : f32
      %parallel_loop3A_139 = vector.broadcast %parallel_loop3A_138 : f32 to vector<16xf32>
      %parallel_loop3A_140 = arith.mulf %parallel_loop3A_137, %parallel_loop3A_139 : vector<16xf32>
      %parallel_loop3A_141 = arith.constant 0.000000e+00 : f32
      %parallel_loop3A_142 = vector.broadcast %parallel_loop3A_141 : f32 to vector<16xf32>
      %parallel_loop3A_143 = arith.maximumf %parallel_loop3A_140, %parallel_loop3A_142 : vector<16xf32>
      %parallel_loop3A_144 = arith.constant 1.500000e+01 : f32
      %parallel_loop3A_145 = vector.broadcast %parallel_loop3A_144 : f32 to vector<16xf32>
      %parallel_loop3A_146 = arith.minimumf %parallel_loop3A_143, %parallel_loop3A_145 : vector<16xf32>
      %parallel_loop3A_147 = arith.constant 5.000000e-01 : f32
      %parallel_loop3A_148 = vector.broadcast %parallel_loop3A_147 : f32 to vector<16xf32>
      %parallel_loop3A_149 = arith.subf %parallel_loop3A_146, %parallel_loop3A_148 : vector<16xf32>
      %parallel_loop3A_150 = arith.constant 0x4B400000 : f32
      %parallel_loop3A_151 = vector.broadcast %parallel_loop3A_150 : f32 to vector<16xf32>
      %parallel_loop3A_152 = arith.addf %parallel_loop3A_149, %parallel_loop3A_151 : vector<16xf32>
      %parallel_loop3A_153 = vector.bitcast %parallel_loop3A_152 : vector<16xf32> to vector<16xi32>
      %parallel_loop3A_154 = arith.constant 15 : i32
      %parallel_loop3A_155 = vector.broadcast %parallel_loop3A_154 : i32 to vector<16xi32>
      %parallel_loop3A_156 = arith.andi %parallel_loop3A_153, %parallel_loop3A_155 : vector<16xi32>
      %parallel_loop3A_157 = vector.shape_cast %parallel_loop3A_156 : vector<16xi32> to vector<16x1xi32>
      %parallel_loop3A_158 = vector.shape_cast %parallel_loop3A_157 : vector<16x1xi32> to vector<16xi32>
      %parallel_loop3A_159 = tpu.dynamic_gather %gather3A_55[%parallel_loop3A_158] in [0] : vector<16xf32>, vector<16xi32> -> vector<16xf32>
      %parallel_loop3A_160 = vector.shape_cast %parallel_loop3A_156 : vector<16xi32> to vector<16x1xi32>
      %parallel_loop3A_161 = vector.shape_cast %parallel_loop3A_160 : vector<16x1xi32> to vector<16xi32>
      %parallel_loop3A_162 = tpu.dynamic_gather %mul3A_52[%parallel_loop3A_161] in [0] : vector<16xf32>, vector<16xi32> -> vector<16xf32>
      %parallel_loop3A_163 = arith.mulf %parallel_loop3A_146, %parallel_loop3A_162 : vector<16xf32>
      %parallel_loop3A_164 = arith.addf %parallel_loop3A_159, %parallel_loop3A_163 : vector<16xf32>
      %parallel_loop3A_165 = arith.index_cast %parallel_loop3A_134 : i32 to index
      %parallel_loop3A_166 = arith.constant 0 : index
      %parallel_loop3A_167 = tpu.vector_load %arg8[%parallel_loop3A_165, %parallel_loop3A_166] {strides = array<i32>} : memref<128x100xf32, #tpu.memory_space<vmem>>, vector<16xf32>,
      tpu.vector_store %arg8[%parallel_loop3A_165, %parallel_loop3A_166], %parallel_loop3A_164 {strides = array<i32>} : memref<128x100xf32, #tpu.memory_space<vmem>>, vector<16xf32>,
      %parallel_loop3A_168 = arith.index_cast %parallel_loop3A_134 : i32 to index
      %parallel_loop3A_169 = arith.constant 16 : index
      %parallel_loop3A_170 = tpu.vector_load %arg5[%parallel_loop3A_168, %parallel_loop3A_169] {strides = array<i32>} : memref<128x100xf32, #tpu.memory_space<vmem>>, vector<16xf32>,
      %parallel_loop3A_171 = arith.constant 1.500000e+01 : f32
      %parallel_loop3A_172 = vector.broadcast %parallel_loop3A_171 : f32 to vector<16xf32>
      %parallel_loop3A_173 = arith.mulf %parallel_loop3A_170, %parallel_loop3A_172 : vector<16xf32>
      %parallel_loop3A_174 = arith.constant 0.000000e+00 : f32
      %parallel_loop3A_175 = vector.broadcast %parallel_loop3A_174 : f32 to vector<16xf32>
      %parallel_loop3A_176 = arith.maximumf %parallel_loop3A_173, %parallel_loop3A_175 : vector<16xf32>
      %parallel_loop3A_177 = arith.constant 1.500000e+01 : f32
      %parallel_loop3A_178 = vector.broadcast %parallel_loop3A_177 : f32 to vector<16xf32>
      %parallel_loop3A_179 = arith.minimumf %parallel_loop3A_176, %parallel_loop3A_178 : vector<16xf32>
      %parallel_loop3A_180 = arith.constant 5.000000e-01 : f32
      %parallel_loop3A_181 = vector.broadcast %parallel_loop3A_180 : f32 to vector<16xf32>
      %parallel_loop3A_182 = arith.subf %parallel_loop3A_179, %parallel_loop3A_181 : vector<16xf32>
      %parallel_loop3A_183 = arith.constant 0x4B400000 : f32
      %parallel_loop3A_184 = vector.broadcast %parallel_loop3A_183 : f32 to vector<16xf32>
      %parallel_loop3A_185 = arith.addf %parallel_loop3A_182, %parallel_loop3A_184 : vector<16xf32>
      %parallel_loop3A_186 = vector.bitcast %parallel_loop3A_185 : vector<16xf32> to vector<16xi32>
      %parallel_loop3A_187 = arith.constant 15 : i32
      %parallel_loop3A_188 = vector.broadcast %parallel_loop3A_187 : i32 to vector<16xi32>
      %parallel_loop3A_189 = arith.andi %parallel_loop3A_186, %parallel_loop3A_188 : vector<16xi32>
      %parallel_loop3A_190 = vector.shape_cast %parallel_loop3A_189 : vector<16xi32> to vector<16x1xi32>
      %parallel_loop3A_191 = vector.shape_cast %parallel_loop3A_190 : vector<16x1xi32> to vector<16xi32>
      %parallel_loop3A_192 = tpu.dynamic_gather %gather3A_55[%parallel_loop3A_191] in [0] : vector<16xf32>, vector<16xi32> -> vector<16xf32>
      %parallel_loop3A_193 = vector.shape_cast %parallel_loop3A_189 : vector<16xi32> to vector<16x1xi32>
      %parallel_loop3A_194 = vector.shape_cast %parallel_loop3A_193 : vector<16x1xi32> to vector<16xi32>
      %parallel_loop3A_195 = tpu.dynamic_gather %mul3A_52[%parallel_loop3A_194] in [0] : vector<16xf32>, vector<16xi32> -> vector<16xf32>
      %parallel_loop3A_196 = arith.mulf %parallel_loop3A_179, %parallel_loop3A_195 : vector<16xf32>
      %parallel_loop3A_197 = arith.addf %parallel_loop3A_192, %parallel_loop3A_196 : vector<16xf32>
      %parallel_loop3A_198 = arith.index_cast %parallel_loop3A_134 : i32 to index
      %parallel_loop3A_199 = arith.constant 16 : index
      %parallel_loop3A_200 = tpu.vector_load %arg8[%parallel_loop3A_198, %parallel_loop3A_199] {strides = array<i32>} : memref<128x100xf32, #tpu.memory_space<vmem>>, vector<16xf32>,
      tpu.vector_store %arg8[%parallel_loop3A_198, %parallel_loop3A_199], %parallel_loop3A_197 {strides = array<i32>} : memref<128x100xf32, #tpu.memory_space<vmem>>, vector<16xf32>,
      %parallel_loop3A_201 = arith.index_cast %parallel_loop3A_134 : i32 to index
      %parallel_loop3A_202 = arith.constant 32 : index
      %parallel_loop3A_203 = tpu.vector_load %arg5[%parallel_loop3A_201, %parallel_loop3A_202] {strides = array<i32>} : memref<128x100xf32, #tpu.memory_space<vmem>>, vector<16xf32>,
      %parallel_loop3A_204 = arith.constant 1.500000e+01 : f32
      %parallel_loop3A_205 = vector.broadcast %parallel_loop3A_204 : f32 to vector<16xf32>
      %parallel_loop3A_206 = arith.mulf %parallel_loop3A_203, %parallel_loop3A_205 : vector<16xf32>
      %parallel_loop3A_207 = arith.constant 0.000000e+00 : f32
      %parallel_loop3A_208 = vector.broadcast %parallel_loop3A_207 : f32 to vector<16xf32>
      %parallel_loop3A_209 = arith.maximumf %parallel_loop3A_206, %parallel_loop3A_208 : vector<16xf32>
      %parallel_loop3A_210 = arith.constant 1.500000e+01 : f32
      %parallel_loop3A_211 = vector.broadcast %parallel_loop3A_210 : f32 to vector<16xf32>
      %parallel_loop3A_212 = arith.minimumf %parallel_loop3A_209, %parallel_loop3A_211 : vector<16xf32>
      %parallel_loop3A_213 = arith.constant 5.000000e-01 : f32
      %parallel_loop3A_214 = vector.broadcast %parallel_loop3A_213 : f32 to vector<16xf32>
      %parallel_loop3A_215 = arith.subf %parallel_loop3A_212, %parallel_loop3A_214 : vector<16xf32>
      %parallel_loop3A_216 = arith.constant 0x4B400000 : f32
      %parallel_loop3A_217 = vector.broadcast %parallel_loop3A_216 : f32 to vector<16xf32>
      %parallel_loop3A_218 = arith.addf %parallel_loop3A_215, %parallel_loop3A_217 : vector<16xf32>
      %parallel_loop3A_219 = vector.bitcast %parallel_loop3A_218 : vector<16xf32> to vector<16xi32>
      %parallel_loop3A_220 = arith.constant 15 : i32
      %parallel_loop3A_221 = vector.broadcast %parallel_loop3A_220 : i32 to vector<16xi32>
      %parallel_loop3A_222 = arith.andi %parallel_loop3A_219, %parallel_loop3A_221 : vector<16xi32>
      %parallel_loop3A_223 = vector.shape_cast %parallel_loop3A_222 : vector<16xi32> to vector<16x1xi32>
      %parallel_loop3A_224 = vector.shape_cast %parallel_loop3A_223 : vector<16x1xi32> to vector<16xi32>
      %parallel_loop3A_225 = tpu.dynamic_gather %gather3A_55[%parallel_loop3A_224] in [0] : vector<16xf32>, vector<16xi32> -> vector<16xf32>
      %parallel_loop3A_226 = vector.shape_cast %parallel_loop3A_222 : vector<16xi32> to vector<16x1xi32>
      %parallel_loop3A_227 = vector.shape_cast %parallel_loop3A_226 : vector<16x1xi32> to vector<16xi32>
      %parallel_loop3A_228 = tpu.dynamic_gather %mul3A_52[%parallel_loop3A_227] in [0] : vector<16xf32>, vector<16xi32> -> vector<16xf32>
      %parallel_loop3A_229 = arith.mulf %parallel_loop3A_212, %parallel_loop3A_228 : vector<16xf32>
      %parallel_loop3A_230 = arith.addf %parallel_loop3A_225, %parallel_loop3A_229 : vector<16xf32>
      %parallel_loop3A_231 = arith.index_cast %parallel_loop3A_134 : i32 to index
      %parallel_loop3A_232 = arith.constant 32 : index
      %parallel_loop3A_233 = tpu.vector_load %arg8[%parallel_loop3A_231, %parallel_loop3A_232] {strides = array<i32>} : memref<128x100xf32, #tpu.memory_space<vmem>>, vector<16xf32>,
      tpu.vector_store %arg8[%parallel_loop3A_231, %parallel_loop3A_232], %parallel_loop3A_230 {strides = array<i32>} : memref<128x100xf32, #tpu.memory_space<vmem>>, vector<16xf32>,
      %parallel_loop3A_234 = arith.index_cast %parallel_loop3A_134 : i32 to index
      %parallel_loop3A_235 = arith.constant 48 : index
      %parallel_loop3A_236 = tpu.vector_load %arg5[%parallel_loop3A_234, %parallel_loop3A_235] {strides = array<i32>} : memref<128x100xf32, #tpu.memory_space<vmem>>, vector<16xf32>,
      %parallel_loop3A_237 = arith.constant 1.500000e+01 : f32
      %parallel_loop3A_238 = vector.broadcast %parallel_loop3A_237 : f32 to vector<16xf32>
      %parallel_loop3A_239 = arith.mulf %parallel_loop3A_236, %parallel_loop3A_238 : vector<16xf32>
      %parallel_loop3A_240 = arith.constant 0.000000e+00 : f32
      %parallel_loop3A_241 = vector.broadcast %parallel_loop3A_240 : f32 to vector<16xf32>
      %parallel_loop3A_242 = arith.maximumf %parallel_loop3A_239, %parallel_loop3A_241 : vector<16xf32>
      %parallel_loop3A_243 = arith.constant 1.500000e+01 : f32
      %parallel_loop3A_244 = vector.broadcast %parallel_loop3A_243 : f32 to vector<16xf32>
      %parallel_loop3A_245 = arith.minimumf %parallel_loop3A_242, %parallel_loop3A_244 : vector<16xf32>
      %parallel_loop3A_246 = arith.constant 5.000000e-01 : f32
      %parallel_loop3A_247 = vector.broadcast %parallel_loop3A_246 : f32 to vector<16xf32>
      %parallel_loop3A_248 = arith.subf %parallel_loop3A_245, %parallel_loop3A_247 : vector<16xf32>
      %parallel_loop3A_249 = arith.constant 0x4B400000 : f32
      %parallel_loop3A_250 = vector.broadcast %parallel_loop3A_249 : f32 to vector<16xf32>
      %parallel_loop3A_251 = arith.addf %parallel_loop3A_248, %parallel_loop3A_250 : vector<16xf32>
      %parallel_loop3A_252 = vector.bitcast %parallel_loop3A_251 : vector<16xf32> to vector<16xi32>
      %parallel_loop3A_253 = arith.constant 15 : i32
      %parallel_loop3A_254 = vector.broadcast %parallel_loop3A_253 : i32 to vector<16xi32>
      %parallel_loop3A_255 = arith.andi %parallel_loop3A_252, %parallel_loop3A_254 : vector<16xi32>
      %parallel_loop3A_256 = vector.shape_cast %parallel_loop3A_255 : vector<16xi32> to vector<16x1xi32>
      %parallel_loop3A_257 = vector.shape_cast %parallel_loop3A_256 : vector<16x1xi32> to vector<16xi32>
      %parallel_loop3A_258 = tpu.dynamic_gather %gather3A_55[%parallel_loop3A_257] in [0] : vector<16xf32>, vector<16xi32> -> vector<16xf32>
      %parallel_loop3A_259 = vector.shape_cast %parallel_loop3A_255 : vector<16xi32> to vector<16x1xi32>
      %parallel_loop3A_260 = vector.shape_cast %parallel_loop3A_259 : vector<16x1xi32> to vector<16xi32>
      %parallel_loop3A_261 = tpu.dynamic_gather %mul3A_52[%parallel_loop3A_260] in [0] : vector<16xf32>, vector<16xi32> -> vector<16xf32>
      %parallel_loop3A_262 = arith.mulf %parallel_loop3A_245, %parallel_loop3A_261 : vector<16xf32>
      %parallel_loop3A_263 = arith.addf %parallel_loop3A_258, %parallel_loop3A_262 : vector<16xf32>
      %parallel_loop3A_264 = arith.index_cast %parallel_loop3A_134 : i32 to index
      %parallel_loop3A_265 = arith.constant 48 : index
      %parallel_loop3A_266 = tpu.vector_load %arg8[%parallel_loop3A_264, %parallel_loop3A_265] {strides = array<i32>} : memref<128x100xf32, #tpu.memory_space<vmem>>, vector<16xf32>,
      tpu.vector_store %arg8[%parallel_loop3A_264, %parallel_loop3A_265], %parallel_loop3A_263 {strides = array<i32>} : memref<128x100xf32, #tpu.memory_space<vmem>>, vector<16xf32>,
      %parallel_loop3A_267 = arith.index_cast %parallel_loop3A_134 : i32 to index
      %parallel_loop3A_268 = arith.constant 64 : index
      %parallel_loop3A_269 = tpu.vector_load %arg5[%parallel_loop3A_267, %parallel_loop3A_268] {strides = array<i32>} : memref<128x100xf32, #tpu.memory_space<vmem>>, vector<16xf32>,
      %parallel_loop3A_270 = arith.constant 1.500000e+01 : f32
      %parallel_loop3A_271 = vector.broadcast %parallel_loop3A_270 : f32 to vector<16xf32>
      %parallel_loop3A_272 = arith.mulf %parallel_loop3A_269, %parallel_loop3A_271 : vector<16xf32>
      %parallel_loop3A_273 = arith.constant 0.000000e+00 : f32
      %parallel_loop3A_274 = vector.broadcast %parallel_loop3A_273 : f32 to vector<16xf32>
      %parallel_loop3A_275 = arith.maximumf %parallel_loop3A_272, %parallel_loop3A_274 : vector<16xf32>
      %parallel_loop3A_276 = arith.constant 1.500000e+01 : f32
      %parallel_loop3A_277 = vector.broadcast %parallel_loop3A_276 : f32 to vector<16xf32>
      %parallel_loop3A_278 = arith.minimumf %parallel_loop3A_275, %parallel_loop3A_277 : vector<16xf32>
      %parallel_loop3A_279 = arith.constant 5.000000e-01 : f32
      %parallel_loop3A_280 = vector.broadcast %parallel_loop3A_279 : f32 to vector<16xf32>
      %parallel_loop3A_281 = arith.subf %parallel_loop3A_278, %parallel_loop3A_280 : vector<16xf32>
      %parallel_loop3A_282 = arith.constant 0x4B400000 : f32
      %parallel_loop3A_283 = vector.broadcast %parallel_loop3A_282 : f32 to vector<16xf32>
      %parallel_loop3A_284 = arith.addf %parallel_loop3A_281, %parallel_loop3A_283 : vector<16xf32>
      %parallel_loop3A_285 = vector.bitcast %parallel_loop3A_284 : vector<16xf32> to vector<16xi32>
      %parallel_loop3A_286 = arith.constant 15 : i32
      %parallel_loop3A_287 = vector.broadcast %parallel_loop3A_286 : i32 to vector<16xi32>
      %parallel_loop3A_288 = arith.andi %parallel_loop3A_285, %parallel_loop3A_287 : vector<16xi32>
      %parallel_loop3A_289 = vector.shape_cast %parallel_loop3A_288 : vector<16xi32> to vector<16x1xi32>
      %parallel_loop3A_290 = vector.shape_cast %parallel_loop3A_289 : vector<16x1xi32> to vector<16xi32>
      %parallel_loop3A_291 = tpu.dynamic_gather %gather3A_55[%parallel_loop3A_290] in [0] : vector<16xf32>, vector<16xi32> -> vector<16xf32>
      %parallel_loop3A_292 = vector.shape_cast %parallel_loop3A_288 : vector<16xi32> to vector<16x1xi32>
      %parallel_loop3A_293 = vector.shape_cast %parallel_loop3A_292 : vector<16x1xi32> to vector<16xi32>
      %parallel_loop3A_294 = tpu.dynamic_gather %mul3A_52[%parallel_loop3A_293] in [0] : vector<16xf32>, vector<16xi32> -> vector<16xf32>
      %parallel_loop3A_295 = arith.mulf %parallel_loop3A_278, %parallel_loop3A_294 : vector<16xf32>
      %parallel_loop3A_296 = arith.addf %parallel_loop3A_291, %parallel_loop3A_295 : vector<16xf32>
      %parallel_loop3A_297 = arith.index_cast %parallel_loop3A_134 : i32 to index
      %parallel_loop3A_298 = arith.constant 64 : index
      %parallel_loop3A_299 = tpu.vector_load %arg8[%parallel_loop3A_297, %parallel_loop3A_298] {strides = array<i32>} : memref<128x100xf32, #tpu.memory_space<vmem>>, vector<16xf32>,
      tpu.vector_store %arg8[%parallel_loop3A_297, %parallel_loop3A_298], %parallel_loop3A_296 {strides = array<i32>} : memref<128x100xf32, #tpu.memory_space<vmem>>, vector<16xf32>,
      %parallel_loop3A_300 = arith.index_cast %parallel_loop3A_134 : i32 to index
      %parallel_loop3A_301 = arith.constant 80 : index
      %parallel_loop3A_302 = tpu.vector_load %arg5[%parallel_loop3A_300, %parallel_loop3A_301] {strides = array<i32>} : memref<128x100xf32, #tpu.memory_space<vmem>>, vector<16xf32>,
      %parallel_loop3A_303 = arith.constant 1.500000e+01 : f32
      %parallel_loop3A_304 = vector.broadcast %parallel_loop3A_303 : f32 to vector<16xf32>
      %parallel_loop3A_305 = arith.mulf %parallel_loop3A_302, %parallel_loop3A_304 : vector<16xf32>
      %parallel_loop3A_306 = arith.constant 0.000000e+00 : f32
      %parallel_loop3A_307 = vector.broadcast %parallel_loop3A_306 : f32 to vector<16xf32>
      %parallel_loop3A_308 = arith.maximumf %parallel_loop3A_305, %parallel_loop3A_307 : vector<16xf32>
      %parallel_loop3A_309 = arith.constant 1.500000e+01 : f32
      %parallel_loop3A_310 = vector.broadcast %parallel_loop3A_309 : f32 to vector<16xf32>
      %parallel_loop3A_311 = arith.minimumf %parallel_loop3A_308, %parallel_loop3A_310 : vector<16xf32>
      %parallel_loop3A_312 = arith.constant 5.000000e-01 : f32
      %parallel_loop3A_313 = vector.broadcast %parallel_loop3A_312 : f32 to vector<16xf32>
      %parallel_loop3A_314 = arith.subf %parallel_loop3A_311, %parallel_loop3A_313 : vector<16xf32>
      %parallel_loop3A_315 = arith.constant 0x4B400000 : f32
      %parallel_loop3A_316 = vector.broadcast %parallel_loop3A_315 : f32 to vector<16xf32>
      %parallel_loop3A_317 = arith.addf %parallel_loop3A_314, %parallel_loop3A_316 : vector<16xf32>
      %parallel_loop3A_318 = vector.bitcast %parallel_loop3A_317 : vector<16xf32> to vector<16xi32>
      %parallel_loop3A_319 = arith.constant 15 : i32
      %parallel_loop3A_320 = vector.broadcast %parallel_loop3A_319 : i32 to vector<16xi32>
      %parallel_loop3A_321 = arith.andi %parallel_loop3A_318, %parallel_loop3A_320 : vector<16xi32>
      %parallel_loop3A_322 = vector.shape_cast %parallel_loop3A_321 : vector<16xi32> to vector<16x1xi32>
      %parallel_loop3A_323 = vector.shape_cast %parallel_loop3A_322 : vector<16x1xi32> to vector<16xi32>
      %parallel_loop3A_324 = tpu.dynamic_gather %gather3A_55[%parallel_loop3A_323] in [0] : vector<16xf32>, vector<16xi32> -> vector<16xf32>
      %parallel_loop3A_325 = vector.shape_cast %parallel_loop3A_321 : vector<16xi32> to vector<16x1xi32>
      %parallel_loop3A_326 = vector.shape_cast %parallel_loop3A_325 : vector<16x1xi32> to vector<16xi32>
      %parallel_loop3A_327 = tpu.dynamic_gather %mul3A_52[%parallel_loop3A_326] in [0] : vector<16xf32>, vector<16xi32> -> vector<16xf32>
      %parallel_loop3A_328 = arith.mulf %parallel_loop3A_311, %parallel_loop3A_327 : vector<16xf32>
      %parallel_loop3A_329 = arith.addf %parallel_loop3A_324, %parallel_loop3A_328 : vector<16xf32>
      %parallel_loop3A_330 = arith.index_cast %parallel_loop3A_134 : i32 to index
      %parallel_loop3A_331 = arith.constant 80 : index
      %parallel_loop3A_332 = tpu.vector_load %arg8[%parallel_loop3A_330, %parallel_loop3A_331] {strides = array<i32>} : memref<128x100xf32, #tpu.memory_space<vmem>>, vector<16xf32>,
      tpu.vector_store %arg8[%parallel_loop3A_330, %parallel_loop3A_331], %parallel_loop3A_329 {strides = array<i32>} : memref<128x100xf32, #tpu.memory_space<vmem>>, vector<16xf32>,
      %parallel_loop3A_333 = arith.index_cast %parallel_loop3A_134 : i32 to index
      %parallel_loop3A_334 = arith.constant 84 : index
      %parallel_loop3A_335 = tpu.vector_load %arg5[%parallel_loop3A_333, %parallel_loop3A_334] {strides = array<i32>} : memref<128x100xf32, #tpu.memory_space<vmem>>, vector<16xf32>,
      %parallel_loop3A_336 = arith.constant 1.500000e+01 : f32
      %parallel_loop3A_337 = vector.broadcast %parallel_loop3A_336 : f32 to vector<16xf32>
      %parallel_loop3A_338 = arith.mulf %parallel_loop3A_335, %parallel_loop3A_337 : vector<16xf32>
      %parallel_loop3A_339 = arith.constant 0.000000e+00 : f32
      %parallel_loop3A_340 = vector.broadcast %parallel_loop3A_339 : f32 to vector<16xf32>
      %parallel_loop3A_341 = arith.maximumf %parallel_loop3A_338, %parallel_loop3A_340 : vector<16xf32>
      %parallel_loop3A_342 = arith.constant 1.500000e+01 : f32
      %parallel_loop3A_343 = vector.broadcast %parallel_loop3A_342 : f32 to vector<16xf32>
      %parallel_loop3A_344 = arith.minimumf %parallel_loop3A_341, %parallel_loop3A_343 : vector<16xf32>
      %parallel_loop3A_345 = arith.constant 5.000000e-01 : f32
      %parallel_loop3A_346 = vector.broadcast %parallel_loop3A_345 : f32 to vector<16xf32>
      %parallel_loop3A_347 = arith.subf %parallel_loop3A_344, %parallel_loop3A_346 : vector<16xf32>
      %parallel_loop3A_348 = arith.constant 0x4B400000 : f32
      %parallel_loop3A_349 = vector.broadcast %parallel_loop3A_348 : f32 to vector<16xf32>
      %parallel_loop3A_350 = arith.addf %parallel_loop3A_347, %parallel_loop3A_349 : vector<16xf32>
      %parallel_loop3A_351 = vector.bitcast %parallel_loop3A_350 : vector<16xf32> to vector<16xi32>
      %parallel_loop3A_352 = arith.constant 15 : i32
      %parallel_loop3A_353 = vector.broadcast %parallel_loop3A_352 : i32 to vector<16xi32>
      %parallel_loop3A_354 = arith.andi %parallel_loop3A_351, %parallel_loop3A_353 : vector<16xi32>
      %parallel_loop3A_355 = vector.shape_cast %parallel_loop3A_354 : vector<16xi32> to vector<16x1xi32>
      %parallel_loop3A_356 = vector.shape_cast %parallel_loop3A_355 : vector<16x1xi32> to vector<16xi32>
      %parallel_loop3A_357 = tpu.dynamic_gather %gather3A_55[%parallel_loop3A_356] in [0] : vector<16xf32>, vector<16xi32> -> vector<16xf32>
      %parallel_loop3A_358 = vector.shape_cast %parallel_loop3A_354 : vector<16xi32> to vector<16x1xi32>
      %parallel_loop3A_359 = vector.shape_cast %parallel_loop3A_358 : vector<16x1xi32> to vector<16xi32>
      %parallel_loop3A_360 = tpu.dynamic_gather %mul3A_52[%parallel_loop3A_359] in [0] : vector<16xf32>, vector<16xi32> -> vector<16xf32>
      %parallel_loop3A_361 = arith.mulf %parallel_loop3A_344, %parallel_loop3A_360 : vector<16xf32>
      %parallel_loop3A_362 = arith.addf %parallel_loop3A_357, %parallel_loop3A_361 : vector<16xf32>
      %parallel_loop3A_363 = arith.index_cast %parallel_loop3A_134 : i32 to index
      %parallel_loop3A_364 = arith.constant 84 : index
      %parallel_loop3A_365 = tpu.vector_load %arg8[%parallel_loop3A_363, %parallel_loop3A_364] {strides = array<i32>} : memref<128x100xf32, #tpu.memory_space<vmem>>, vector<16xf32>,
      tpu.vector_store %arg8[%parallel_loop3A_363, %parallel_loop3A_364], %parallel_loop3A_362 {strides = array<i32>} : memref<128x100xf32, #tpu.memory_space<vmem>>, vector<16xf32>,
    } {sc.loop_unroll_factor = 4 : i64, sc.parallel_access}
    %dma_start3A_118 = arith.constant 0 : i32
    %dma_start3A_119 = tpu.memref_slice %arg4[%add3A_106, %dma_start3A_118] : memref<16384x100xf32, #tpu.memory_space<hbm>> -> memref<128x100xf32, #tpu.memory_space<hbm>>
    %dma_start3A_120 = arith.constant 0 : i32
    %dma_start3A_121 = tpu.memref_slice %arg4[%add3A_106, %dma_start3A_120] : memref<16384x100xf32, #tpu.memory_space<hbm>> -> memref<128x100xf32, #tpu.memory_space<hbm>>
    tpu.enqueue_dma source(%arg8 : memref<128x100xf32, #tpu.memory_space<vmem>>) target(%dma_start3A_121 : memref<128x100xf32, #tpu.memory_space<hbm>>) target_semaphore(%arg15 : memref<!tpu.dma_semaphore, #tpu.memory_space<semaphore_mem>>)
    %dma_wait3A_122 = arith.constant 0 : i32
    %dma_wait3A_123 = tpu.memref_slice %arg4[%add3A_74, %dma_wait3A_122] : memref<16384x100xf32, #tpu.memory_space<hbm>> -> memref<128x100xf32, #tpu.memory_space<hbm>>
    %dma_wait3A_124 = arith.constant 0 : i32
    %dma_wait3A_125 = tpu.memref_slice %arg4[%add3A_74, %dma_wait3A_124] : memref<16384x100xf32, #tpu.memory_space<hbm>> -> memref<128x100xf32, #tpu.memory_space<hbm>>
    tpu.wait_dma2 semaphore(%arg16 : memref<!tpu.dma_semaphore, #tpu.memory_space<semaphore_mem>>) src(%arg9 : memref<128x100xf32, #tpu.memory_space<vmem>>) dst(%dma_wait3A_125 : memref<128x100xf32, #tpu.memory_space<hbm>>)
    %dma_wait3A_126 = arith.constant 0 : i32
    %dma_wait3A_127 = tpu.memref_slice %arg4[%add3A_93, %dma_wait3A_126] : memref<16384x100xf32, #tpu.memory_space<hbm>> -> memref<128x100xf32, #tpu.memory_space<hbm>>
    %dma_wait3A_128 = arith.constant 0 : i32
    %dma_wait3A_129 = tpu.memref_slice %arg4[%add3A_93, %dma_wait3A_128] : memref<16384x100xf32, #tpu.memory_space<hbm>> -> memref<128x100xf32, #tpu.memory_space<hbm>>
    tpu.wait_dma2 semaphore(%arg17 : memref<!tpu.dma_semaphore, #tpu.memory_space<semaphore_mem>>) src(%arg10 : memref<128x100xf32, #tpu.memory_space<vmem>>) dst(%dma_wait3A_129 : memref<128x100xf32, #tpu.memory_space<hbm>>)
    %dma_wait3A_130 = arith.constant 0 : i32
    %dma_wait3A_131 = tpu.memref_slice %arg4[%add3A_106, %dma_wait3A_130] : memref<16384x100xf32, #tpu.memory_space<hbm>> -> memref<128x100xf32, #tpu.memory_space<hbm>>
    %dma_wait3A_132 = arith.constant 0 : i32
    %dma_wait3A_133 = tpu.memref_slice %arg4[%add3A_106, %dma_wait3A_132] : memref<16384x100xf32, #tpu.memory_space<hbm>> -> memref<128x100xf32, #tpu.memory_space<hbm>>
    tpu.wait_dma2 semaphore(%arg15 : memref<!tpu.dma_semaphore, #tpu.memory_space<semaphore_mem>>) src(%arg8 : memref<128x100xf32, #tpu.memory_space<vmem>>) dst(%dma_wait3A_133 : memref<128x100xf32, #tpu.memory_space<hbm>>)
    return
  }
}

</mosaic_0001>

<sc_bundles>
// kernel: kernel.3.cloned.1.call-start
scs
__scs_entry_jumppad:
0x0: {  	(pc) =	sbr.rel $0x88, $3  }
0x1: {  	(tag) =	ssettag $0x0;
	lr =	simm.s32 $0x1  }
0x2: {  	[smem:$0x3F9F] =	sst lr;
	_ =	strace $0xD0000000  }
0x3: {  	_ = 	snop  }
0x4: {  	_ = 	snop  }
0x5: {  	_ = 	snop  }
0x6: {  	_ = 	snop  }
0x7: {  	_ = 	snop  }
__scs_overlays_trampoline_lowered:
0x8: {  	[smem:$0x3FAE] =	sst s0  }
0x9: {  	[smem:$0x3FAF] =	sst s1  }
0xa: {  	[smem:$0x3FB0] =	sst s2  }
0xb: {  	[smem:$0x3FB1] =	sst s3  }
0xc: {  	[smem:$0x3FB2] =	sst s4  }
0xd: {  	[smem:$0x3FB3] =	sst s5  }
0xe: {  	[smem:$0x3FB4] =	sst s6  }
0xf: {  	[smem:$0x3FB5] =	sst s7  }
0x10: {  	[smem:$0x3FB6] =	sst s8  }
0x11: {  	[smem:$0x3FB7] =	sst s9;
	s0 =	simm.s32 @!p0 $0x0  }
0x12: {  	s1 =	sld [smem:$0x3F9D];
	s0 =	simm.s32 @p0 $0x1  }
0x13: {  	[smem:$0x3FB8] =	sst s0;
	s0 =	simm.s32 @!p1 $0x0  }
0x14: {  	s2 =	sld [smem:$0x3F9C];
	s0 =	simm.s32 @p1 $0x1  }
0x15: {  	[smem:$0x3FB9] =	sst s0;
	s0 =	simm.s32 @!p2 $0x0  }
0x16: {  	s3 =	sld [smem:$0x3FDB];
	s0 =	simm.s32 @p2 $0x1  }
0x17: {  	s4 =	simm.s32 $0x1BF5;
	[smem:$0x3FBB] =	sst s0  }
0x18: {  	s0 =	sld [smem:$0x3F9E];
	_ =	swait.ge [sflag:s4], $0x0  }
0x19: {  	s7 =	sld [smem:$0x3F9F]  }
0x1a: {  	s8 =	sadd.s32 $0xFFFFE003, lr  }
0x1b: {  	s9 =	sadd.s32 $0xFFFFFEF7, lr;
	s5 =	simm.s32 $0xFFFFFFFF;
	p2 =	slt.u32 s8, $0xFFFFF086  }
0x1c: {  	p1 =	slt.u32 s9, $0xF7A;
	s5 =	simm.s32 @!p2 $0x0  }
0x1d: {  	s5 =	simm.s32 @p1 $0x1;
	p0 =	seq.s32 s7, s2  }
0x1e: {  	s7 =	smul.u32 @!p0 $0xF7A, s2;
	p2 =	seq.s32 @!p0 s5, $0x0  }
0x1f: {  	s9 =	smul.u32 $0xF7A, s1;
	s8 =	simm.s32 @!p0 $0x1BF5;
	p2 =	por !p2, p0  }
0x20: {  	[sflag:s8] =	ssyncset.s32 @!p0 $0xFFFFF086;
	s6 =	sadd.s32 @!p0 s3, s7;
	s7 =	simm.s32 @!p0 $0x108  }
0x21: {  	s3 =	sadd.s32 s3, s9;
	s6 =	sadd.s32 @!p0 $0x88, s6;
	s7 =	simm.s32 @p2 $0x1082  }
0x22: {  	[simem:s7], [sflag:s8] =	dma.local @!p0 [hbm:s6], $0xF7A  }
0x23: {  	s9 =	sor.u32 $0xD0000000, s2;
	s6 =	simm.s32 $0x108;
	_ =	swait.ge @!p0 [sflag:s8], $0x0  }
0x24: {  	s3 =	sadd.s32 $0x88, s3;
	s6 =	simm.s32 @!p1 $0x1082;
	[sflag:s4] =	ssyncset.s32 $0xFFFFF086  }
0x25: {  	[simem:s6], [sflag:s4] =	dma.local [hbm:s3], $0xF7A  }
0x26: {  	[smem:$0x3F9F] =	sst s1;
	(tag) =	ssettag s2;
	_ =	strace s9  }
0x27: {  	s1 =	sld [smem:$0x3FAF]  }
0x28: {  	s2 =	sld [smem:$0x3FB0]  }
0x29: {  	s4 =	sld [smem:$0x3FB2]  }
0x2a: {  	p0 =	seq.s32 s5, $0x0;
	s5 =	sld [smem:$0x3FB3]  }
0x2b: {  	s6 =	sld [smem:$0x3FB4]  }
0x2c: {  	s7 =	sld [smem:$0x3FB5]  }
0x2d: {  	s3 =	simm.s32 $0x108;
	s8 =	sld [smem:$0x3FB6]  }
0x2e: {  	s3 =	simm.s32 @!p0 $0x1082;
	s9 =	sld [smem:$0x3FB7]  }
0x2f: {  	lr =	sadd.s32 s0, s3;
	s0 =	sld [smem:$0x3FAE]  }
0x30: {  	s3 =	sld [smem:$0x3FB1]  }
0x31: {  	[smem:$0x3FBA] =	sst s10  }
0x32: {  	s10 =	sld [smem:$0x3FB8];
	_ =	sdelay $0x3  }
0x33: {  	p0 =	seq.s32 s10, $0x1;
	s10 =	sld [smem:$0x3FBA];
	_ =	sdelay $0x3  }
0x34: {  	[smem:$0x3FBA] =	sst s10  }
0x35: {  	s10 =	sld [smem:$0x3FB9];
	_ =	sdelay $0x3  }
0x36: {  	p1 =	seq.s32 s10, $0x1;
	s10 =	sld [smem:$0x3FBA];
	_ =	sdelay $0x3  }
0x37: {  	[smem:$0x3FBA] =	sst s10  }
0x38: {  	s10 =	sld [smem:$0x3FBB]  }
0x39: {  	_ = 	snop;
	(pc) =	sbr.ind lr, $3  }
0x3a: {  	_ = 	snop  }
0x3b: {  	_ = 	snop  }
0x3c: {  	p2 =	seq.s32 s10, $0x1;
	s10 =	sld [smem:$0x3FBA]  }
0x3d: {  	_ =	shalt  }
0x3e: {  	_ =	shalt  }
0x3f: {  	_ =	shalt  }
0x40: {  	_ =	shalt  }
0x41: {  	_ =	shalt  }
0x42: {  	_ =	shalt  }
0x43: {  	_ =	shalt  }
0x44: {  	_ =	shalt  }
0x45: {  	_ =	shalt  }
0x46: {  	_ =	shalt  }
0x47: {  	_ =	shalt  }
0x48: {  	_ =	shalt  }
0x49: {  	_ =	shalt  }
0x4a: {  	_ =	shalt  }
0x4b: {  	_ =	shalt  }
0x4c: {  	_ =	shalt  }
0x4d: {  	_ =	shalt  }
0x4e: {  	_ =	shalt  }
0x4f: {  	_ =	shalt  }
0x50: {  	_ =	shalt  }
0x51: {  	_ =	shalt  }
0x52: {  	_ =	shalt  }
0x53: {  	_ =	shalt  }
0x54: {  	_ =	shalt  }
0x55: {  	_ =	shalt  }
0x56: {  	_ =	shalt  }
0x57: {  	_ =	shalt  }
0x58: {  	_ =	shalt  }
0x59: {  	_ =	shalt  }
0x5a: {  	_ =	shalt  }
0x5b: {  	_ =	shalt  }
0x5c: {  	_ =	shalt  }
0x5d: {  	_ =	shalt  }
0x5e: {  	_ =	shalt  }
0x5f: {  	_ =	shalt  }
0x60: {  	_ =	shalt  }
0x61: {  	_ =	shalt  }
0x62: {  	_ =	shalt  }
0x63: {  	_ =	shalt  }
0x64: {  	_ =	shalt  }
0x65: {  	_ =	shalt  }
0x66: {  	_ =	shalt  }
0x67: {  	_ =	shalt  }
0x68: {  	_ =	shalt  }
0x69: {  	_ =	shalt  }
0x6a: {  	_ =	shalt  }
0x6b: {  	_ =	shalt  }
0x6c: {  	_ =	shalt  }
0x6d: {  	_ =	shalt  }
0x6e: {  	_ =	shalt  }
0x6f: {  	_ =	shalt  }
0x70: {  	_ =	shalt  }
0x71: {  	_ =	shalt  }
0x72: {  	_ =	shalt  }
0x73: {  	_ =	shalt  }
0x74: {  	_ =	shalt  }
0x75: {  	_ =	shalt  }
0x76: {  	_ =	shalt  }
0x77: {  	_ =	shalt  }
0x78: {  	_ =	shalt  }
0x79: {  	_ =	shalt  }
0x7a: {  	_ =	shalt  }
0x7b: {  	_ =	shalt  }
0x7c: {  	_ =	shalt  }
0x7d: {  	_ =	shalt  }
0x7e: {  	_ =	shalt  }
0x7f: {  	_ =	shalt  }
0x80: {  	_ =	shalt  }
0x81: {  	_ =	shalt  }
0x82: {  	_ =	shalt  }
0x83: {  	_ =	shalt  }
0x84: {  	_ =	shalt  }
0x85: {  	_ =	shalt  }
0x86: {  	_ =	shalt  }
0x87: {  	_ =	shalt  }
.Lfunc_end0:
.L_simem_size_0:
called_computation_lowered:
.L_overlay_start_0:
0x88: {  	s2 =	sld [smem:$0x3FD9]  }
0x89: {  	s3 =	sld [smem:$0x3FFE];
	_ =	sdelay $0x1  }
0x8a: {  	s1 =	srdreg.scid  }
0x8b: {  	s0 =	sand.u32 $0x1, s1  }
0x8c: {  	s17 =	sshll.u32 s0, $0xA;
	s2 =	sadd.s32 s3, s2  }
0x8d: {  	s2 =	sadd.s32 s2, s17  }
0x8e: {  	[smem:$0x3FC6] =	sst s2  }
0x8f: {  	_ = 	snop  }
0x90: {  	s2 =	sld [smem:$0x3FC8];
	(tm) =	ssettm $0x1  }
0x91: {  	s18 =	sld [smem:$0x3FFB];
	_ =	sdelay $0x3  }
0x92: {  	_ =	strace s18  }
0x93: {  	s3 =	sld [smem:$0x3FFC];
	_ =	sdelay $0x3  }
0x94: {  	_ =	strace s3  }
0x95: {  	s3 =	sld [smem:$0x3FFD];
	_ =	sdelay $0x3  }
0x96: {  	_ =	strace s3  }
0x97: {  	_ =	strace $0x8FFFFFFF  }
0x98: {  	s19 =	sld [smem:$0x3FDB];
	_ =	sdelay $0x1  }
0x99: {  	s4 =	simm.s32 $_scs_section_size  }
0x9a: {  	s5 =	simm.s32 $_size__tile_overlayer_lowered;
	s6 =	simm.s32 $_tile_overlayer_lowered  }
0x9b: {  	s22 =	simm.s32 $0x1BFF;
	s21 =	sshll.u32 s6, $0x1;
	s3 =	sadd.s32 s4, s19  }
0x9c: {  	s7 =	simm.s32 $0x0;
	s20 =	sshll.u32 s5, $0x1;
	s5 =	sadd.s32 s21, s3  }
0x9d: {  	[timem:s7], [sflag:s22] =	dma.local [hbm:s5], s20  }
0x9e: {  	_ =	swait.ge [sflag:s22], s20  }
0x9f: {  	s4 =	ssub.s32 $0x0, s20;
	[sflag:s22] =	ssyncset.done $0x0  }
0xa0: {  	[sflag:s22] =	ssyncadd.s32 s4;
	_ =	sdelay $0x1  }
0xa1: {  	s23 =	simm.s32 $0x1B8B  }
0xa2: {  	_ =	swait.ge [sflag:s23], $0x1  }
0xa3: {  	[sflag:s23] =	ssyncset.done $0x0  }
0xa4: {  	s25 =	simm.s32 $0x1B8E;
	s24 =	sld [smem:$0x3FFE];
	[sflag:s23] =	ssyncadd.s32 $0xFFFFFFFF  }
0xa5: {  	s26 =	simm.s32 $execute0_lowered;
	[smem:$0x3FD2] =	sst s25  }
0xa6: {  	s5 =	sshll.u32 s26, $0x1;
	_ =	strace $0x80000046;
	[dreg:$0x1] =	wrdreg $0xFFFFFFFF  }
0xa7: {  	s28 =	simm.s32 $_size_execute0_lowered;
	s3 =	sadd.s32 s3, s5;
	[dreg:$0x0] =	wrdreg $0x0  }
0xa8: {  	s5 =	sshll.u32 s28, $0x1;
	[dreg:$0x2] =	wrdreg s3  }
0xa9: {  	[dreg:$0x3] =	wrdreg s5  }
0xaa: {  	[dreg:$0x4] =	wrdreg $0xC0  }
0xab: {  	_ =	task [dreg:s7], $0x5FFFF  }
0xac: {  	[dreg:$0x1] =	wrdreg $0xFFFFFFFF  }
0xad: {  	[dreg:$0x0] =	wrdreg $0x60  }
0xae: {  	[dreg:$0x2] =	wrdreg s24  }
0xaf: {  	[dreg:$0x3] =	wrdreg s2  }
0xb0: {  	[dreg:$0x4] =	wrdreg $0x9  }
0xb1: {  	_ =	task.clear_ibuf [dreg:s7], $0x5FFFF;
	_ =	strace $0x90000046  }
0xb2: {  	s29 =	simm.s32 $0x9;
	_ =	strace $0x80000048  }
0xb3: {  	_ =	swait.ge [sflag:s29], $0x1  }
0xb4: {  	[sflag:s29] =	ssyncadd.s32 $0xFFFFFFFF  }
0xb5: {  	_ =	strace $0x90000048  }
0xb6: {  	_ =	sfence  }
0xb7: {  	s30 =	sld [smem:$0x0];
	_ =	sdelay $0x2  }
0xb8: {  	s31 =	sshll.u32 s1, $0xD;
	s1 =	sshrl.u32 s1, $0x2  }
0xb9: {  	s3 =	sand.u32 $0x4000, s31;
	s1 =	sadd.s32 s1, s30  }
0xba: {  	s0 =	sor.u32 s3, s0;
	s1 =	sshll.u32 s1, $0x11  }
0xbb: {  	s0 =	sor.u32 s1, s0  }
0xbc: {  	s0 =	sadd.s32 $0x8F2B, s0  }
0xbd: {  	[sflag:s0] =	ssyncadd.remote.s32 $0x1  }
0xbe: {  	_ =	sfence.sel $0xFFFF  }
0xbf: {  	[dreg:$0x0] =	wrdreg $0xFFFFFFFF;
	(pc) =	sbr.abs _section_cstart, $3  }
0xc0: {  	[dreg:$0x1] =	wrdreg $0xFFFFFFFF  }
0xc1: {  	_ =	task.clear_ibuf [dreg:s7], $0x2FFFF;
	_ =	strace $0x9FFFFFFF  }
0xc2: {  	(tm) =	ssettm $0x7FFFFFFF  }
0xc3: {  	_ =	shalt  }
tec
execute0_lowered:
.L_overlay_start_1:
0x0: {  	(tag) =	ssettag $0x1  }
0x1: {  	v0 =	vimm.f32 $6.666661050e-02;
	vm0 =	vcmask $0x300;
	vm12 =	vcmask $0xB04  }
0x2: {  	vm1 =	vcmask $0xF0C;
	vm13 =	vcmask $0x1710;
	vm2 =	vcmask $0x1B18  }
0x3: {  	v1 =	vimm.f32 $-9.333333960e-01;
	vm14 =	vcmask $0x700;
	vm3 =	vcmask $0x2F1C  }
0x4: {  	vm4 =	vcmask $0xB08;
	vm15 =	vcmask $0x3330;
	v0 =	vsel vm0, $0x322BCC77, v0  }
0x5: {  	vm6 =	vcmask $0x1310;
	vm7 =	vcmask $0x3B34;
	v0 =	vsel vm12, $0x3D88888A, v0  }
0x6: {  	vm8 =	vcmask $0x1714;
	vm9 =	vcmask $0x1F1C;
	v0 =	vsel vm1, $0x3D88888B, v0  }
0x7: {  	vm10 =	vcmask $0x2320;
	v1 =	vsel vm14, $0x80000000, v1;
	v0 =	vsel vm13, $0x3D888889, v0  }
0x8: {  	s0 =	rddreg [dreg:$0x0];
	v2 =	vimm.s32 $0xEDCBA987;
	v1 =	vsel vm4, $0xBD888889, v1;
	v0 =	vsel vm2, $0x3D88888D, v0  }
0x9: {  	s2 =	simm.s32 $0x0;
	s1 =	srdreg.scid;
	s3 =	stileid.u32;
	vm11 =	vcmask $0x2724;
	v1 =	vsel vm1, $0xBE088889, v1;
	v0 =	vsel vm3, $0x3D888889, v0  }
0xa: {  	s14 =	simm.s32 $0x18000;
	s15 =	simm.s32 $0x7;
	[smem:$0x7FF] =	sst s2;
	v1 =	vsel vm6, $0xBE4CCCCE, v1;
	v0 =	vsel vm15, $0x3D888891, v0  }
0xb: {  	s16 =	simm.s32 $0x8000;
	s17 =	simm.s32 $0x1;
	_ =	strace $0x80000047;
	v1 =	vsel vm8, $0xBE888889, v1;
	v0 =	vsel vm7, $0x3D888889, v0  }
0xc: {  	v3 =	vimm.s32 $0xFFEDCBA9;
	s18 =	simm.s32 $0xC000;
	s19 =	simm.s32 $0x2;
	s20 =	simm.s32 $0x10000;
	(erf) = vrcp.f32 v0;
	v0 =	vsel vm2, $0xBEAAAAAB, v1  }
0xd: {  	v4 =	vimm.s32 $0x87654321;
	s21 =	simm.s32 $0x3;
	s22 =	simm.s32 $0x14000;
	s23 =	simm.s32 $0x4;
	v3 =	vunpack.c.l.s4.s8 v3;
	v0 =	vsel vm9, $0xBECCCCCE, v0  }
0xe: {  	s24 =	simm.s32 $0x5;
	s25 =	simm.s32 $0x6;
	s1 =	sand.u32 $0x1, s1;
	v4 =	vunpack.c.l.s4.s8 v4;
	v2 =	vunpack.c.l.s4.s8 v2;
	v0 =	vsel vm10, $0xBEEEEEF0, v0  }
0xf: {  	s26 =	simm.s32 $0x0;
	s3 =	sshll.u32 s3, $0xE;
	s4 =	sshll.u32 s1, $0xD;
	vm12 =	vcmask $0x2B28;
	v3 =	vunpack.c.0.s8.s32 v3;
	v0 =	vsel vm11, $0xBF088889, v0  }
0x10: {  	s8 =	sadd.s32 $0x400, s0;
	s1 =	ssub.s32 $0x2, s1;
	s3 =	sor.u32 s4, s3;
	vm13 =	vcmask $0x2F2C;
	v1 =	vimm.s32 $0x65432100;
	v0 =	vsel vm12, $0xBF19999A, v0  }
0x11: {  	s0 =	sadd.s32 $0x40400, s0;
	s31 =	sshrl.u32 s1, $0x1;
	v4 =	vunpack.c.0.s8.s32 v4;
	s9 =	sor.u32 $0x800, s3;
	v1 =	vunpack.c.l.s4.s8 v1;
	v0 =	vsel vm13, $0xBF2AAAAB, v0  }
0x12: {  	v2 =	vunpack.c.0.s8.s32 v2;
	s10 =	sor.u32 $0x1000, s3;
	s11 =	sor.u32 $0x1800, s3;
	s1 =	ssub.s32 s1, s31;
	v0 =	vsel vm15, $0xBF3BBBBC, v0  }
0x13: {  	vm14 =	vcmask $0x3734;
	s4 =	sadd.s32 s8, s3;
	s7 =	sadd.s32 s0, s3;
	s5 =	sadd.s32 s8, s9;
	v3 =	vcombine.low v4, v3;
	v1 =	vunpack.c.0.s8.s32 v1  }
0x14: {  	s6 =	sadd.s32 s8, s10;
	s8 =	sadd.s32 s8, s11;
	s9 =	sadd.s32 s0, s9;
	v2 =	vand.u32 $0xF, v2;
	vm15 =	vcmask $0x3B38;
	v4 =	vsel vm14, $0xBF4CCCCE, v0  }
0x15: {  	s10 =	sadd.s32 s0, s10;
	s11 =	sadd.s32 s0, s11;
	s12 =	smax.u32 s1, $0x1;
	v3 =	vand.u32 $0xF, v3;
	v1 =	vcombine.low v1, v2;
	v2 =	vsel vm15, $0xBF5DDDDF, v4;
	v0 =	vpop (erf)  }
.LBB2_1:
0x16: {  	[tilespmem:s2], [sflag:$0x1] =	stream.linear.gather [hbm4b:s4+s2], $0x4000, $0x38;
	[tilespmem:$0x18080] =	vst v63  }
0x17: {  	s0 =	simm.s32 $0x4000  }
0x18: {  	[tilespmem:s0], [sflag:$0x2] =	stream.linear.gather [hbm4b:s5+s2], $0x4000, $0x38;
	[tilespmem:$0x18080] =	vst v63  }
0x19: {  	s3 =	rddreg [dreg:$0x1]  }
0x1a: {  	[tilespmem:s14], [sflag:$0x7] =	stream.linear.gather [hbm4b:s3+s2], $0x80, $0x38;
	[tilespmem:$0x18080] =	vst v63  }
0x1b: {  	_ =	swait.ge [sflag:s15], $0x80  }
0x1c: {  	[sflag:s15] =	ssyncset.done $0x0  }
0x1d: {  	[sflag:s15] =	ssyncadd.s32 $0xFFFFFF80  }
0x1e: {  	v4 =	vld [tilespmem:$0x18000];
	_ =	sdelay $0x4  }
0x1f: {  	v4 =	vsub.f32 $0.0e+00, v4;
	_ =	sdelay $0x1  }
0x20: {  	v4 =	vmul.f32 $1.442695020e+00, v4;
	_ =	sdelay $0x1  }
0x21: {  	(erf) = vpow2.f32 v4;
	_ =	sdelay $0x8  }
0x22: {  	v4 =	vpop (erf)  }
0x23: {  	v4 =	vadd.f32 $1.000000000e+00, v4;
	_ =	sdelay $0x1  }
0x24: {  	(erf) = vrcp.f32 v4;
	_ =	sdelay $0x8  }
0x25: {  	[tilespmem:s16], [sflag:$0x3] =	stream.linear.gather [hbm4b:s6+s2], $0x4000, $0x38;
	v4 =	vpop (erf);
	[tilespmem:$0x18080] =	vst v63  }
0x26: {  	_ =	swait.ge [sflag:s17], $0x4000  }
0x27: {  	[sflag:s17] =	ssyncset.done $0x0  }
0x28: {  	s13 =	simm.s32 $0x100;
	[sflag:s17] =	ssyncadd.s32 $0xFFFFC000  }
0x29: {  	v5 =	vld [tilespmem:s13+$0x80];
	_ =	sdelay $0x1  }
0x2a: {  	v6 =	vperm.xlane v4, v1;
	_ =	sdelay $0x1  }
0x2b: {  	v4 =	vsub.f32 v4, v6  }
0x2c: {  	v5 =	vmul.f32 $1.500000000e+01, v5  }
0x2d: {  	v4 =	vmul.f32 v4, v0  }
0x2e: {  	v5 =	vmax.f32 v5, $0.0e+00  }
0x2f: {  	v7 =	vmin.f32 v5, $1.500000000e+01;
	v5 =	vmul.f32 v2, v4  }
0x30: {  	v8 =	vld [tilespmem:s13+$0xFFFFFF00];
	v9 =	vadd.f32 $-5.000000000e-01, v7  }
0x31: {  	v4 =	vperm.xlane v4, v3;
	v6 =	vadd.f32 v5, v6  }
0x32: {  	v9 =	vadd.f32 $1.258291200e+07, v9  }
0x33: {  	v5 =	vmul.f32 $6.666667010e-02, v4;
	v4 =	vperm.xlane v6, v3;
	v6 =	vld [tilespmem:s13+$0xFFFFFF80]  }
0x34: {  	v10 =	vld [tilespmem:s13+$0x0];
	v9 =	vand.u32 $0xF, v9  }
0x35: {  	v8 =	vmul.f32 $1.500000000e+01, v8;
	v11 =	vperm.xlane v5, v9;
	_ =	sdelay $0x1  }
0x36: {  	v8 =	vmax.f32 v8, $0.0e+00;
	v9 =	vperm.xlane v4, v9;
	v7 =	vmul.f32 v7, v11  }
0x37: {  	v8 =	vmin.f32 v8, $1.500000000e+01;
	v6 =	vmul.f32 $1.500000000e+01, v6  }
0x38: {  	v11 =	vadd.f32 $-5.000000000e-01, v8;
	v7 =	vadd.f32 v7, v9;
	v9 =	vmul.f32 $1.500000000e+01, v10  }
0x39: {  	s28 =	simm.s32 $0xC100;
	v6 =	vmax.f32 v6, $0.0e+00  }
0x3a: {  	v10 =	vadd.f32 $1.258291200e+07, v11;
	[tilespmem:s28+$0x80] =	vst v7;
	v7 =	vmax.f32 v9, $0.0e+00;
	v6 =	vmin.f32 v6, $1.500000000e+01  }
0x3b: {  	v9 =	vld [tilespmem:s13+$0x90];
	v7 =	vmin.f32 v7, $1.500000000e+01;
	v11 =	vadd.f32 $-5.000000000e-01, v6  }
0x3c: {  	v10 =	vand.u32 $0xF, v10;
	v12 =	vadd.f32 $-5.000000000e-01, v7  }
0x3d: {  	v13 =	vperm.xlane v5, v10;
	v11 =	vadd.f32 $1.258291200e+07, v11  }
0x3e: {  	v12 =	vadd.f32 $1.258291200e+07, v12  }
0x3f: {  	v10 =	vperm.xlane v4, v10;
	v8 =	vmul.f32 v8, v13;
	v11 =	vand.u32 $0xF, v11  }
0x40: {  	v9 =	vmul.f32 $1.500000000e+01, v9;
	v13 =	vperm.xlane v5, v11;
	v12 =	vand.u32 $0xF, v12  }
0x41: {  	v8 =	vadd.f32 v8, v10;
	v14 =	vperm.xlane v5, v12  }
0x42: {  	v10 =	vperm.xlane v4, v11;
	v9 =	vmax.f32 v9, $0.0e+00;
	v6 =	vmul.f32 v6, v13  }
0x43: {  	v11 =	vperm.xlane v4, v12;
	[tilespmem:s28+$0xFFFFFF00] =	vst v8;
	v9 =	vmin.f32 v9, $1.500000000e+01;
	v7 =	vmul.f32 v7, v14  }
0x44: {  	v8 =	vadd.f32 $-5.000000000e-01, v9;
	v6 =	vadd.f32 v6, v10;
	v10 =	vld [tilespmem:s13+$0xFFFFFF10]  }
0x45: {  	v7 =	vadd.f32 v7, v11  }
0x46: {  	v8 =	vadd.f32 $1.258291200e+07, v8;
	[tilespmem:s28+$0xFFFFFF80] =	vst v6  }
0x47: {  	v6 =	vld [tilespmem:s13+$0xFFFFFF90];
	[tilespmem:s28+$0x0] =	vst v7  }
0x48: {  	v7 =	vand.u32 $0xF, v8;
	v8 =	vld [tilespmem:s13+$0x10]  }
0x49: {  	v11 =	vperm.xlane v5, v7;
	v10 =	vmul.f32 $1.500000000e+01, v10;
	_ =	sdelay $0x1  }
0x4a: {  	v7 =	vperm.xlane v4, v7;
	v9 =	vmul.f32 v9, v11;
	v10 =	vmax.f32 v10, $0.0e+00  }
0x4b: {  	v6 =	vmul.f32 $1.500000000e+01, v6;
	v10 =	vmin.f32 v10, $1.500000000e+01  }
0x4c: {  	v7 =	vadd.f32 v9, v7;
	v8 =	vmul.f32 $1.500000000e+01, v8;
	v9 =	vadd.f32 $-5.000000000e-01, v10  }
0x4d: {  	v6 =	vmax.f32 v6, $0.0e+00  }
0x4e: {  	[tilespmem:s28+$0x90] =	vst v7;
	v6 =	vmin.f32 v6, $1.500000000e+01;
	v7 =	vmax.f32 v8, $0.0e+00;
	v8 =	vadd.f32 $1.258291200e+07, v9  }
0x4f: {  	v9 =	vld [tilespmem:s13+$0xA0];
	v7 =	vmin.f32 v7, $1.500000000e+01;
	v11 =	vadd.f32 $-5.000000000e-01, v6  }
0x50: {  	v12 =	vadd.f32 $-5.000000000e-01, v7;
	v8 =	vand.u32 $0xF, v8  }
0x51: {  	v11 =	vadd.f32 $1.258291200e+07, v11;
	v13 =	vperm.xlane v5, v8  }
0x52: {  	v12 =	vadd.f32 $1.258291200e+07, v12  }
0x53: {  	v8 =	vperm.xlane v4, v8;
	v11 =	vand.u32 $0xF, v11;
	v10 =	vmul.f32 v10, v13  }
0x54: {  	v9 =	vmul.f32 $1.500000000e+01, v9;
	v12 =	vand.u32 $0xF, v12;
	v13 =	vperm.xlane v5, v11  }
0x55: {  	v14 =	vperm.xlane v5, v12;
	v8 =	vadd.f32 v10, v8  }
0x56: {  	v10 =	vperm.xlane v4, v11;
	v9 =	vmax.f32 v9, $0.0e+00;
	v6 =	vmul.f32 v6, v13  }
0x57: {  	v11 =	vperm.xlane v4, v12;
	v9 =	vmin.f32 v9, $1.500000000e+01;
	v7 =	vmul.f32 v7, v14;
	[tilespmem:s28+$0xFFFFFF10] =	vst v8  }
0x58: {  	v8 =	vadd.f32 $-5.000000000e-01, v9;
	v6 =	vadd.f32 v6, v10;
	v10 =	vld [tilespmem:s13+$0xFFFFFF20]  }
0x59: {  	v7 =	vadd.f32 v7, v11  }
0x5a: {  	v8 =	vadd.f32 $1.258291200e+07, v8;
	[tilespmem:s28+$0xFFFFFF90] =	vst v6  }
0x5b: {  	v6 =	vld [tilespmem:s13+$0xFFFFFFA0];
	[tilespmem:s28+$0x10] =	vst v7  }
0x5c: {  	v7 =	vand.u32 $0xF, v8;
	v8 =	vld [tilespmem:s13+$0x20]  }
0x5d: {  	v11 =	vperm.xlane v5, v7;
	v10 =	vmul.f32 $1.500000000e+01, v10;
	_ =	sdelay $0x1  }
0x5e: {  	v7 =	vperm.xlane v4, v7;
	v9 =	vmul.f32 v9, v11;
	v10 =	vmax.f32 v10, $0.0e+00  }
0x5f: {  	v6 =	vmul.f32 $1.500000000e+01, v6;
	v10 =	vmin.f32 v10, $1.500000000e+01  }
0x60: {  	v7 =	vadd.f32 v9, v7;
	v8 =	vmul.f32 $1.500000000e+01, v8;
	v9 =	vadd.f32 $-5.000000000e-01, v10  }
0x61: {  	v6 =	vmax.f32 v6, $0.0e+00  }
0x62: {  	[tilespmem:s28+$0xA0] =	vst v7;
	v6 =	vmin.f32 v6, $1.500000000e+01;
	v7 =	vmax.f32 v8, $0.0e+00;
	v8 =	vadd.f32 $1.258291200e+07, v9  }
0x63: {  	v9 =	vld [tilespmem:s13+$0xB0];
	v7 =	vmin.f32 v7, $1.500000000e+01;
	v11 =	vadd.f32 $-5.000000000e-01, v6  }
0x64: {  	v12 =	vadd.f32 $-5.000000000e-01, v7;
	v8 =	vand.u32 $0xF, v8  }
0x65: {  	v11 =	vadd.f32 $1.258291200e+07, v11;
	v13 =	vperm.xlane v5, v8  }
0x66: {  	v12 =	vadd.f32 $1.258291200e+07, v12  }
0x67: {  	v8 =	vperm.xlane v4, v8;
	v11 =	vand.u32 $0xF, v11;
	v10 =	vmul.f32 v10, v13  }
0x68: {  	v9 =	vmul.f32 $1.500000000e+01, v9;
	v12 =	vand.u32 $0xF, v12;
	v13 =	vperm.xlane v5, v11  }
0x69: {  	v14 =	vperm.xlane v5, v12;
	v8 =	vadd.f32 v10, v8  }
0x6a: {  	v10 =	vperm.xlane v4, v11;
	v9 =	vmax.f32 v9, $0.0e+00;
	v6 =	vmul.f32 v6, v13  }
0x6b: {  	v11 =	vperm.xlane v4, v12;
	v9 =	vmin.f32 v9, $1.500000000e+01;
	v7 =	vmul.f32 v7, v14  }
0x6c: {  	[tilespmem:s28+$0xFFFFFF20] =	vst v8;
	v8 =	vadd.f32 $-5.000000000e-01, v9;
	v6 =	vadd.f32 v6, v10  }
0x6d: {  	v10 =	vld [tilespmem:s13+$0xFFFFFF30];
	v7 =	vadd.f32 v7, v11  }
0x6e: {  	v8 =	vadd.f32 $1.258291200e+07, v8;
	[tilespmem:s28+$0xFFFFFFA0] =	vst v6  }
0x6f: {  	v6 =	vld [tilespmem:s13+$0xFFFFFFB0];
	[tilespmem:s28+$0x20] =	vst v7  }
0x70: {  	v7 =	vand.u32 $0xF, v8;
	v8 =	vld [tilespmem:s13+$0x30]  }
0x71: {  	v11 =	vperm.xlane v5, v7  }
0x72: {  	v10 =	vmul.f32 $1.500000000e+01, v10  }
0x73: {  	v7 =	vperm.xlane v4, v7;
	v9 =	vmul.f32 v9, v11  }
0x74: {  	v6 =	vmul.f32 $1.500000000e+01, v6  }
0x75: {  	s1 =	simm.s32 $0x300;
	v10 =	vmax.f32 v10, $0.0e+00;
	v7 =	vadd.f32 v9, v7;
	v8 =	vmul.f32 $1.500000000e+01, v8  }
0x76: {  	v12 =	vld [tilespmem:s1+$0x80];
	v9 =	vmin.f32 v10, $1.500000000e+01;
	v6 =	vmax.f32 v6, $0.0e+00  }
0x77: {  	v10 =	vadd.f32 $-5.000000000e-01, v9;
	[tilespmem:s28+$0xB0] =	vst v7;
	v6 =	vmin.f32 v6, $1.500000000e+01;
	v7 =	vmax.f32 v8, $0.0e+00  }
0x78: {  	v8 =	vld [tilespmem:s13+$0xC0];
	v11 =	vadd.f32 $-5.000000000e-01, v6;
	v7 =	vmin.f32 v7, $1.500000000e+01  }
0x79: {  	v10 =	vadd.f32 $1.258291200e+07, v10;
	v13 =	vadd.f32 $-5.000000000e-01, v7  }
0x7a: {  	v11 =	vadd.f32 $1.258291200e+07, v11  }
0x7b: {  	v12 =	vmul.f32 $1.500000000e+01, v12;
	v10 =	vand.u32 $0xF, v10;
	v13 =	vadd.f32 $1.258291200e+07, v13  }
0x7c: {  	v14 =	vperm.xlane v4, v10;
	v10 =	vperm.xlane v5, v10;
	v11 =	vand.u32 $0xF, v11  }
0x7d: {  	v16 =	vld [tilespmem:s1+$0xFFFFFF00];
	v12 =	vmax.f32 v12, $0.0e+00;
	v8 =	vmul.f32 $1.500000000e+01, v8;
	v15 =	vperm.xlane v4, v11  }
0x7e: {  	v11 =	vperm.xlane v5, v11;
	v13 =	vand.u32 $0xF, v13;
	v9 =	vmul.f32 v9, v10;
	v10 =	vld [tilespmem:s1+$0xFFFFFF80]  }
0x7f: {  	v12 =	vmin.f32 v12, $1.500000000e+01;
	v17 =	vperm.xlane v5, v13  }
0x80: {  	v8 =	vmax.f32 v8, $0.0e+00;
	v6 =	vmul.f32 v6, v11;
	v11 =	vperm.xlane v4, v13  }
0x81: {  	v13 =	vadd.f32 $-5.000000000e-01, v12;
	v8 =	vmin.f32 v8, $1.500000000e+01;
	v7 =	vmul.f32 v7, v17  }
0x82: {  	v18 =	vadd.f32 $-5.000000000e-01, v8;
	v6 =	vadd.f32 v6, v15;
	v15 =	vmul.f32 $1.500000000e+01, v16  }
0x83: {  	v9 =	vadd.f32 v9, v14;
	v13 =	vadd.f32 $1.258291200e+07, v13;
	v10 =	vmul.f32 $1.500000000e+01, v10  }
0x84: {  	v7 =	vadd.f32 v7, v11;
	v11 =	vld [tilespmem:s1+$0x0];
	v14 =	vadd.f32 $1.258291200e+07, v18;
	v15 =	vmax.f32 v15, $0.0e+00  }
0x85: {  	v13 =	vand.u32 $0xF, v13;
	v10 =	vmax.f32 v10, $0.0e+00;
	v15 =	vmin.f32 v15, $1.500000000e+01  }
0x86: {  	v17 =	vperm.xlane v5, v13;
	v13 =	vperm.xlane v4, v13;
	v14 =	vand.u32 $0xF, v14  }
0x87: {  	v10 =	vmin.f32 v10, $1.500000000e+01;
	v18 =	vadd.f32 $-5.000000000e-01, v15;
	v16 =	vperm.xlane v5, v14  }
0x88: {  	v14 =	vperm.xlane v4, v14;
	v19 =	vadd.f32 $-5.000000000e-01, v10;
	v12 =	vmul.f32 v12, v17  }
0x89: {  	[tilespmem:s28+$0xFFFFFF30] =	vst v9;
	v9 =	vmul.f32 $1.500000000e+01, v11;
	v11 =	vadd.f32 $1.258291200e+07, v18;
	v8 =	vmul.f32 v8, v16  }
0x8a: {  	[tilespmem:s28+$0xFFFFFFB0] =	vst v6;
	v6 =	vadd.f32 $1.258291200e+07, v19;
	v12 =	vadd.f32 v12, v13  }
0x8b: {  	s29 =	simm.s32 $0xC300;
	[tilespmem:s28+$0x30] =	vst v7;
	v16 =	vld [tilespmem:s13+$0xFFFFFF40];
	v7 =	vadd.f32 v8, v14;
	v8 =	vmax.f32 v9, $0.0e+00;
	v9 =	vand.u32 $0xF, v11  }
0x8c: {  	v13 =	vld [tilespmem:s13+$0xFFFFFFC0];
	v6 =	vand.u32 $0xF, v6;
	[tilespmem:s29+$0x80] =	vst v12;
	v8 =	vmin.f32 v8, $1.500000000e+01;
	v14 =	vperm.xlane v5, v9  }
0x8d: {  	v12 =	vperm.xlane v5, v6;
	v17 =	vld [tilespmem:s1+$0x90];
	[tilespmem:s28+$0xC0] =	vst v7;
	v7 =	vadd.f32 $-5.000000000e-01, v8  }
0x8e: {  	v11 =	vld [tilespmem:s13+$0x40];
	v9 =	vperm.xlane v4, v9;
	v14 =	vmul.f32 v15, v14  }
0x8f: {  	v6 =	vperm.xlane v4, v6;
	v18 =	vld [tilespmem:s13+$0xD0];
	v10 =	vmul.f32 v10, v12;
	v7 =	vadd.f32 $1.258291200e+07, v7  }
0x90: {  	v12 =	vmul.f32 $1.500000000e+01, v16;
	v9 =	vadd.f32 v14, v9  }
0x91: {  	v13 =	vmul.f32 $1.500000000e+01, v13;
	v6 =	vadd.f32 v10, v6;
	v7 =	vand.u32 $0xF, v7  }
0x92: {  	v10 =	vmax.f32 v12, $0.0e+00;
	v12 =	vperm.xlane v5, v7;
	[tilespmem:s29+$0xFFFFFF00] =	vst v9;
	v9 =	vmul.f32 $1.500000000e+01, v17  }
0x93: {  	v13 =	vmax.f32 v13, $0.0e+00;
	v11 =	vmul.f32 $1.500000000e+01, v11;
	[tilespmem:s29+$0xFFFFFF80] =	vst v6;
	v7 =	vperm.xlane v4, v7;
	v15 =	vld [tilespmem:s1+$0xFFFFFF10]  }
0x94: {  	v14 =	vmul.f32 $1.500000000e+01, v18;
	v6 =	vmul.f32 v8, v12;
	v8 =	vld [tilespmem:s1+$0xFFFFFF90];
	v9 =	vmax.f32 v9, $0.0e+00  }
0x95: {  	v10 =	vmin.f32 v10, $1.500000000e+01;
	v13 =	vmin.f32 v13, $1.500000000e+01;
	v9 =	vmin.f32 v9, $1.500000000e+01  }
0x96: {  	v12 =	vmax.f32 v14, $0.0e+00;
	v6 =	vadd.f32 v6, v7;
	v7 =	vadd.f32 $-5.000000000e-01, v9  }
0x97: {  	v11 =	vmax.f32 v11, $0.0e+00;
	v17 =	vadd.f32 $-5.000000000e-01, v13;
	v12 =	vmin.f32 v12, $1.500000000e+01  }
0x98: {  	v14 =	vadd.f32 $-5.000000000e-01, v12;
	[tilespmem:s29+$0x0] =	vst v6;
	v6 =	vmul.f32 $1.500000000e+01, v15;
	v7 =	vadd.f32 $1.258291200e+07, v7  }
0x99: {  	v11 =	vmin.f32 v11, $1.500000000e+01;
	v15 =	vadd.f32 $-5.000000000e-01, v10;
	v16 =	vld [tilespmem:s1+$0x10];
	v8 =	vmul.f32 $1.500000000e+01, v8  }
0x9a: {  	v14 =	vadd.f32 $1.258291200e+07, v14;
	v6 =	vmax.f32 v6, $0.0e+00;
	v7 =	vand.u32 $0xF, v7  }
0x9b: {  	v6 =	vmin.f32 v6, $1.500000000e+01;
	v8 =	vmax.f32 v8, $0.0e+00;
	v18 =	vperm.xlane v5, v7  }
0x9c: {  	v15 =	vadd.f32 $1.258291200e+07, v15;
	v8 =	vmin.f32 v8, $1.500000000e+01;
	v19 =	vadd.f32 $-5.000000000e-01, v6  }
0x9d: {  	v7 =	vperm.xlane v4, v7;
	v20 =	vadd.f32 $-5.000000000e-01, v8;
	v9 =	vmul.f32 v9, v18  }
0x9e: {  	v14 =	vand.u32 $0xF, v14;
	v16 =	vmul.f32 $1.500000000e+01, v16;
	v19 =	vadd.f32 $1.258291200e+07, v19  }
0x9f: {  	v21 =	vperm.xlane v5, v14;
	v20 =	vadd.f32 $1.258291200e+07, v20;
	v7 =	vadd.f32 v9, v7  }
0xa0: {  	v9 =	vperm.xlane v4, v14;
	v14 =	vmax.f32 v16, $0.0e+00;
	v16 =	vand.u32 $0xF, v19  }
0xa1: {  	v14 =	vmin.f32 v14, $1.500000000e+01;
	v19 =	vand.u32 $0xF, v20;
	v20 =	vperm.xlane v5, v16;
	[tilespmem:s29+$0x90] =	vst v7  }
0xa2: {  	v7 =	vmul.f32 v12, v21;
	v16 =	vperm.xlane v4, v16;
	v12 =	vadd.f32 $-5.000000000e-01, v14;
	v22 =	vld [tilespmem:s1+$0xA0]  }
0xa3: {  	v18 =	vadd.f32 $-5.000000000e-01, v11;
	v21 =	vperm.xlane v5, v19;
	v6 =	vmul.f32 v6, v20  }
0xa4: {  	v7 =	vadd.f32 v7, v9;
	v9 =	vadd.f32 $1.258291200e+07, v12  }
0xa5: {  	v8 =	vmul.f32 v8, v21;
	v12 =	vperm.xlane v4, v19;
	v6 =	vadd.f32 v6, v16  }
0xa6: {  	v16 =	vadd.f32 $1.258291200e+07, v17;
	v17 =	vadd.f32 $1.258291200e+07, v18  }
0xa7: {  	v9 =	vand.u32 $0xF, v9;
	v8 =	vadd.f32 v8, v12;
	[tilespmem:s29+$0xFFFFFF10] =	vst v6;
	v6 =	vmul.f32 $1.500000000e+01, v22  }
0xa8: {  	v12 =	vand.u32 $0xF, v15;
	v15 =	vperm.xlane v5, v9;
	v16 =	vand.u32 $0xF, v16  }
0xa9: {  	v17 =	vand.u32 $0xF, v17;
	v9 =	vperm.xlane v4, v9;
	v18 =	vld [tilespmem:s1+$0xFFFFFF20];
	[tilespmem:s29+$0xFFFFFF90] =	vst v8;
	v6 =	vmax.f32 v6, $0.0e+00  }
0xaa: {  	[tilespmem:s28+$0xD0] =	vst v7;
	v19 =	vperm.xlane v5, v16;
	v8 =	vmul.f32 v14, v15;
	v14 =	vld [tilespmem:s1+$0xFFFFFFA0];
	v6 =	vmin.f32 v6, $1.500000000e+01  }
0xab: {  	v7 =	vld [tilespmem:s13+$0xD4];
	v21 =	vperm.xlane v5, v17;
	v15 =	vperm.xlane v5, v12;
	v20 =	vadd.f32 $-5.000000000e-01, v6  }
0xac: {  	v16 =	vperm.xlane v4, v16;
	v17 =	vperm.xlane v4, v17;
	v8 =	vadd.f32 v8, v9  }
0xad: {  	v12 =	vperm.xlane v4, v12;
	v9 =	vmul.f32 v10, v15;
	v15 =	vadd.f32 $1.258291200e+07, v20  }
0xae: {  	v13 =	vmul.f32 v13, v19;
	v10 =	vmul.f32 $1.500000000e+01, v18;
	[tilespmem:s29+$0x10] =	vst v8  }
0xaf: {  	v11 =	vmul.f32 v11, v21;
	v8 =	vld [tilespmem:s1+$0x20];
	v14 =	vmul.f32 $1.500000000e+01, v14;
	v15 =	vand.u32 $0xF, v15  }
0xb0: {  	v7 =	vmul.f32 $1.500000000e+01, v7;
	v10 =	vmax.f32 v10, $0.0e+00;
	v18 =	vperm.xlane v5, v15  }
0xb1: {  	v10 =	vmin.f32 v10, $1.500000000e+01;
	v14 =	vmax.f32 v14, $0.0e+00;
	v15 =	vperm.xlane v4, v15  }
0xb2: {  	v19 =	vadd.f32 $-5.000000000e-01, v10;
	v14 =	vmin.f32 v14, $1.500000000e+01;
	v6 =	vmul.f32 v6, v18  }
0xb3: {  	v7 =	vmax.f32 v7, $0.0e+00;
	v9 =	vadd.f32 v9, v12;
	v12 =	vadd.f32 $-5.000000000e-01, v14  }
0xb4: {  	v8 =	vmul.f32 $1.500000000e+01, v8;
	v18 =	vadd.f32 $1.258291200e+07, v19;
	v6 =	vadd.f32 v6, v15  }
0xb5: {  	v13 =	vadd.f32 v13, v16;
	v11 =	vadd.f32 v11, v17;
	v7 =	vmin.f32 v7, $1.500000000e+01;
	[tilespmem:s28+$0xFFFFFF40] =	vst v9  }
0xb6: {  	v9 =	vadd.f32 $1.258291200e+07, v12;
	v12 =	vld [tilespmem:s13+$0xFFFFFF50];
	v8 =	vmax.f32 v8, $0.0e+00;
	v15 =	vand.u32 $0xF, v18;
	[tilespmem:s29+$0xA0] =	vst v6  }
0xb7: {  	[tilespmem:s28+$0xFFFFFFC0] =	vst v13;
	v16 =	vadd.f32 $-5.000000000e-01, v7;
	v6 =	vmin.f32 v8, $1.500000000e+01;
	v8 =	vperm.xlane v5, v15;
	v13 =	vld [tilespmem:s1+$0xB0]  }
0xb8: {  	[tilespmem:s28+$0x40] =	vst v11;
	v9 =	vand.u32 $0xF, v9;
	v11 =	vperm.xlane v4, v15;
	v18 =	vadd.f32 $-5.000000000e-01, v6  }
0xb9: {  	v17 =	vld [tilespmem:s13+$0xFFFFFFD0];
	v19 =	vperm.xlane v5, v9;
	v8 =	vmul.f32 v10, v8  }
0xba: {  	v9 =	vperm.xlane v4, v9;
	v10 =	vadd.f32 $1.258291200e+07, v16;
	v16 =	vadd.f32 $1.258291200e+07, v18  }
0xbb: {  	v14 =	vmul.f32 v14, v19;
	v8 =	vadd.f32 v8, v11;
	v11 =	vmul.f32 $1.500000000e+01, v12  }
0xbc: {  	v15 =	vld [tilespmem:s13+$0x50];
	v16 =	vand.u32 $0xF, v16;
	v12 =	vmul.f32 $1.500000000e+01, v13  }
0xbd: {  	[tilespmem:s29+$0xFFFFFF20] =	vst v8;
	v8 =	vadd.f32 v14, v9;
	v9 =	vmax.f32 v11, $0.0e+00;
	v11 =	vperm.xlane v5, v16  }
0xbe: {  	v13 =	vmul.f32 $1.500000000e+01, v17;
	v14 =	vld [tilespmem:s1+$0xFFFFFF30]  }
0xbf: {  	v9 =	vmin.f32 v9, $1.500000000e+01;
	v12 =	vmax.f32 v12, $0.0e+00;
	[tilespmem:s29+$0xFFFFFFA0] =	vst v8;
	v6 =	vmul.f32 v6, v11  }
0xc0: {  	v11 =	vperm.xlane v4, v16;
	v17 =	vadd.f32 $-5.000000000e-01, v9;
	v8 =	vmin.f32 v12, $1.500000000e+01;
	v12 =	vld [tilespmem:s1+$0xFFFFFFB0]  }
0xc1: {  	v10 =	vand.u32 $0xF, v10;
	v15 =	vmul.f32 $1.500000000e+01, v15;
	v16 =	vadd.f32 $-5.000000000e-01, v8  }
0xc2: {  	v13 =	vmax.f32 v13, $0.0e+00;
	v6 =	vadd.f32 v6, v11;
	v17 =	vadd.f32 $1.258291200e+07, v17  }
0xc3: {  	v13 =	vmin.f32 v13, $1.500000000e+01;
	v11 =	vadd.f32 $1.258291200e+07, v16;
	v14 =	vmul.f32 $1.500000000e+01, v14  }
0xc4: {  	v15 =	vmax.f32 v15, $0.0e+00;
	v16 =	vadd.f32 $-5.000000000e-01, v13;
	[tilespmem:s29+$0x20] =	vst v6;
	v17 =	vand.u32 $0xF, v17  }
0xc5: {  	v6 =	vand.u32 $0xF, v11;
	v11 =	vld [tilespmem:s1+$0x30];
	v14 =	vmax.f32 v14, $0.0e+00;
	v12 =	vmul.f32 $1.500000000e+01, v12  }
0xc6: {  	v16 =	vadd.f32 $1.258291200e+07, v16;
	v19 =	vperm.xlane v5, v6;
	v14 =	vmin.f32 v14, $1.500000000e+01  }
0xc7: {  	v6 =	vperm.xlane v4, v6;
	v12 =	vmax.f32 v12, $0.0e+00;
	v20 =	vadd.f32 $-5.000000000e-01, v14  }
0xc8: {  	v16 =	vand.u32 $0xF, v16;
	v8 =	vmul.f32 v8, v19;
	v12 =	vmin.f32 v12, $1.500000000e+01  }
0xc9: {  	v19 =	vperm.xlane v5, v17;
	v21 =	vadd.f32 $-5.000000000e-01, v12;
	v20 =	vadd.f32 $1.258291200e+07, v20  }
0xca: {  	v6 =	vadd.f32 v8, v6;
	v8 =	vperm.xlane v5, v16;
	v11 =	vmul.f32 $1.500000000e+01, v11  }
0xcb: {  	v17 =	vperm.xlane v4, v17;
	v9 =	vmul.f32 v9, v19;
	v19 =	vadd.f32 $1.258291200e+07, v21  }
0xcc: {  	[tilespmem:s29+$0xB0] =	vst v6;
	v6 =	vmul.f32 v13, v8;
	v8 =	vmax.f32 v11, $0.0e+00;
	v11 =	vand.u32 $0xF, v20  }
0xcd: {  	v15 =	vmin.f32 v15, $1.500000000e+01;
	v9 =	vadd.f32 v9, v17;
	v20 =	vperm.xlane v5, v11  }
0xce: {  	v13 =	vld [tilespmem:s1+$0xC0];
	v19 =	vand.u32 $0xF, v19;
	v21 =	vmin.f32 v8, $1.500000000e+01;
	v8 =	vperm.xlane v4, v16  }
0xcf: {  	v18 =	vadd.f32 $-5.000000000e-01, v15;
	v11 =	vperm.xlane v4, v11;
	v16 =	vperm.xlane v5, v19  }
0xd0: {  	v17 =	vperm.xlane v4, v19;
	[tilespmem:s28+$0xFFFFFF50] =	vst v9;
	v9 =	vperm.xlane v5, v10  }
0xd1: {  	v18 =	vadd.f32 $1.258291200e+07, v18;
	v10 =	vperm.xlane v4, v10;
	v14 =	vmul.f32 v14, v20  }
0xd2: {  	v6 =	vadd.f32 v6, v8;
	v8 =	vadd.f32 $-5.000000000e-01, v21;
	v12 =	vmul.f32 v12, v16  }
0xd3: {  	v11 =	vadd.f32 v14, v11;
	v14 =	vand.u32 $0xF, v18;
	v13 =	vmul.f32 $1.500000000e+01, v13  }
0xd4: {  	s31 =	simm.s32 $0x500;
	v7 =	vmul.f32 v7, v9;
	[tilespmem:s28+$0xFFFFFFD0] =	vst v6;
	v6 =	vperm.xlane v5, v14  }
0xd5: {  	v19 =	vld [tilespmem:s31+$0x80];
	v8 =	vadd.f32 $1.258291200e+07, v8;
	v12 =	vadd.f32 v12, v17;
	[tilespmem:s29+$0xFFFFFF30] =	vst v11;
	v11 =	vmax.f32 v13, $0.0e+00  }
0xd6: {  	v14 =	vperm.xlane v4, v14;
	v13 =	vld [tilespmem:s13+$0xFFFFFFD4];
	v6 =	vmul.f32 v15, v6;
	v11 =	vmin.f32 v11, $1.500000000e+01  }
0xd7: {  	[tilespmem:s29+$0xFFFFFFB0] =	vst v12;
	v12 =	vand.u32 $0xF, v8;
	v8 =	vadd.f32 v7, v10;
	v10 =	vld [tilespmem:s31+$0xFFFFFF80];
	v17 =	vadd.f32 $-5.000000000e-01, v11  }
0xd8: {  	v16 =	vld [tilespmem:s13+$0xFFFFFF54];
	v18 =	vperm.xlane v5, v12  }
0xd9: {  	v14 =	vadd.f32 v6, v14;
	v6 =	vld [tilespmem:s31+$0x0];
	v7 =	vadd.f32 $1.258291200e+07, v17  }
0xda: {  	v12 =	vperm.xlane v4, v12;
	v17 =	vmul.f32 v21, v18;
	v18 =	vld [tilespmem:s31+$0xFFFFFF00]  }
0xdb: {  	v19 =	vmul.f32 $1.500000000e+01, v19;
	v13 =	vmul.f32 $1.500000000e+01, v13;
	v20 =	vand.u32 $0xF, v7  }
0xdc: {  	v9 =	vld [tilespmem:s1+$0xFFFFFF40];
	v10 =	vmul.f32 $1.500000000e+01, v10;
	v12 =	vadd.f32 v17, v12;
	v17 =	vperm.xlane v5, v20  }
0xdd: {  	v15 =	vld [tilespmem:s1+$0xFFFFFFC0];
	v16 =	vmul.f32 $1.500000000e+01, v16;
	v7 =	vmax.f32 v13, $0.0e+00;
	v13 =	vperm.xlane v4, v20  }
0xde: {  	v6 =	vmul.f32 $1.500000000e+01, v6;
	v10 =	vmax.f32 v10, $0.0e+00;
	v11 =	vmul.f32 v11, v17  }
0xdf: {  	v10 =	vmin.f32 v10, $1.500000000e+01;
	v17 =	vmax.f32 v19, $0.0e+00;
	v18 =	vmul.f32 $1.500000000e+01, v18  }
0xe0: {  	v19 =	vmax.f32 v6, $0.0e+00;
	v17 =	vmin.f32 v17, $1.500000000e+01;
	v11 =	vadd.f32 v11, v13  }
0xe1: {  	v13 =	vadd.f32 $-5.000000000e-01, v17;
	v6 =	vmax.f32 v18, $0.0e+00;
	v18 =	vadd.f32 $-5.000000000e-01, v10  }
0xe2: {  	v16 =	vmax.f32 v16, $0.0e+00;
	v9 =	vmul.f32 $1.500000000e+01, v9;
	v15 =	vmul.f32 $1.500000000e+01, v15;
	[tilespmem:s29+$0xC0] =	vst v11  }
0xe3: {  	v11 =	vmin.f32 v6, $1.500000000e+01;
	v13 =	vadd.f32 $1.258291200e+07, v13;
	v18 =	vadd.f32 $1.258291200e+07, v18;
	v20 =	vld [tilespmem:s1+$0xD0]  }
0xe4: {  	v6 =	vmin.f32 v16, $1.500000000e+01;
	v16 =	vmin.f32 v19, $1.500000000e+01;
	v19 =	vadd.f32 $-5.000000000e-01, v11  }
0xe5: {  	v21 =	vadd.f32 $-5.000000000e-01, v16;
	v13 =	vand.u32 $0xF, v13;
	v18 =	vand.u32 $0xF, v18  }
0xe6: {  	v19 =	vadd.f32 $1.258291200e+07, v19;
	v22 =	vperm.xlane v5, v13;
	v13 =	vperm.xlane v4, v13  }
0xe7: {  	[tilespmem:s29+$0x30] =	vst v12;
	v12 =	vadd.f32 $1.258291200e+07, v21;
	v23 =	vperm.xlane v5, v18;
	v18 =	vperm.xlane v4, v18  }
0xe8: {  	v9 =	vmax.f32 v9, $0.0e+00;
	v21 =	vld [tilespmem:s1+$0x40];
	v17 =	vmul.f32 v17, v22;
	v20 =	vmul.f32 $1.500000000e+01, v20  }
0xe9: {  	v19 =	vand.u32 $0xF, v19;
	v12 =	vand.u32 $0xF, v12;
	v10 =	vmul.f32 v10, v23  }
0xea: {  	v22 =	vperm.xlane v5, v19;
	v13 =	vadd.f32 v17, v13;
	v17 =	vmax.f32 v20, $0.0e+00  }
0xeb: {  	s30 =	simm.s32 $0xC500;
	[tilespmem:s28+$0x50] =	vst v14;
	v24 =	vperm.xlane v5, v12;
	v12 =	vperm.xlane v4, v12;
	v14 =	vmin.f32 v17, $1.500000000e+01  }
0xec: {  	v11 =	vmul.f32 v11, v22;
	v17 =	vperm.xlane v4, v19;
	v19 =	vld [tilespmem:s13+$0x54];
	[tilespmem:s30+$0x80] =	vst v13;
	v13 =	vadd.f32 $-5.000000000e-01, v14  }
0xed: {  	v15 =	vmax.f32 v15, $0.0e+00;
	v20 =	vmul.f32 $1.500000000e+01, v21;
	v16 =	vmul.f32 v16, v24;
	v21 =	vld [tilespmem:s31+$0x90]  }
0xee: {  	v9 =	vmin.f32 v9, $1.500000000e+01;
	v11 =	vadd.f32 v11, v17;
	v13 =	vadd.f32 $1.258291200e+07, v13  }
0xef: {  	v15 =	vmin.f32 v15, $1.500000000e+01;
	v10 =	vadd.f32 v10, v18;
	v12 =	vadd.f32 v16, v12  }
0xf0: {  	v17 =	vmax.f32 v20, $0.0e+00;
	v20 =	vadd.f32 $-5.000000000e-01, v15;
	[tilespmem:s30+$0xFFFFFF00] =	vst v11;
	v13 =	vand.u32 $0xF, v13  }
0xf1: {  	[tilespmem:s30+$0xFFFFFF80] =	vst v10;
	v11 =	vmin.f32 v17, $1.500000000e+01;
	v17 =	vadd.f32 $-5.000000000e-01, v9;
	v16 =	vld [tilespmem:s31+$0xFFFFFF10];
	v18 =	vperm.xlane v5, v13  }
0xf2: {  	[tilespmem:s30+$0x0] =	vst v12;
	v10 =	vmul.f32 $1.500000000e+01, v19;
	v19 =	vld [tilespmem:s31+$0xFFFFFF90];
	v22 =	vadd.f32 $-5.000000000e-01, v11;
	v12 =	vmul.f32 $1.500000000e+01, v21  }
0xf3: {  	v13 =	vperm.xlane v4, v13;
	v17 =	vadd.f32 $1.258291200e+07, v17;
	v14 =	vmul.f32 v14, v18  }
0xf4: {  	v21 =	vmax.f32 v10, $0.0e+00;
	v10 =	vld [tilespmem:s31+$0x10];
	v18 =	vadd.f32 $1.258291200e+07, v20;
	v12 =	vmax.f32 v12, $0.0e+00  }
0xf5: {  	v17 =	vand.u32 $0xF, v17;
	v12 =	vmin.f32 v12, $1.500000000e+01;
	v13 =	vadd.f32 v14, v13  }
0xf6: {  	v14 =	vmul.f32 $1.500000000e+01, v16;
	v16 =	vadd.f32 $1.258291200e+07, v22;
	v20 =	vadd.f32 $-5.000000000e-01, v12  }
0xf7: {  	v19 =	vmul.f32 $1.500000000e+01, v19;
	v18 =	vand.u32 $0xF, v18;
	v22 =	vperm.xlane v5, v17  }
0xf8: {  	v17 =	vperm.xlane v4, v17;
	[tilespmem:s29+$0xD0] =	vst v13;
	v13 =	vmax.f32 v14, $0.0e+00;
	v14 =	vadd.f32 $1.258291200e+07, v20  }
0xf9: {  	v47 =	vperm.xlane v5, v18;
	v10 =	vmul.f32 $1.500000000e+01, v10;
	v19 =	vmax.f32 v19, $0.0e+00;
	v20 =	vld [tilespmem:s1+$0xD4]  }
0xfa: {  	v13 =	vmin.f32 v13, $1.500000000e+01;
	v19 =	vmin.f32 v19, $1.500000000e+01;
	v14 =	vand.u32 $0xF, v14  }
0xfb: {  	v10 =	vmax.f32 v10, $0.0e+00;
	v23 =	vadd.f32 $-5.000000000e-01, v13;
	v45 =	vperm.xlane v5, v14  }
0xfc: {  	v25 =	vadd.f32 $-5.000000000e-01, v19;
	v10 =	vmin.f32 v10, $1.500000000e+01;
	v14 =	vperm.xlane v4, v14  }
0xfd: {  	v26 =	vadd.f32 $-5.000000000e-01, v10;
	v23 =	vadd.f32 $1.258291200e+07, v23;
	v12 =	vmul.f32 v12, v45  }
0xfe: {  	v22 =	vmul.f32 v9, v22;
	v46 =	vadd.f32 $1.258291200e+07, v25;
	v20 =	vmul.f32 $1.500000000e+01, v20  }
0xff: {  	v26 =	vadd.f32 $1.258291200e+07, v26;
	v23 =	vand.u32 $0xF, v23;
	v12 =	vadd.f32 v12, v14  }
0x100: {  	v49 =	vperm.xlane v5, v23;
	v23 =	vperm.xlane v4, v23;
	v14 =	vmax.f32 v20, $0.0e+00  }
0x101: {  	v20 =	vand.u32 $0xF, v46;
	v48 =	vand.u32 $0xF, v26;
	v14 =	vmin.f32 v14, $1.500000000e+01;
	[tilespmem:s30+$0x90] =	vst v12  }
0x102: {  	v27 =	vperm.xlane v5, v20;
	v13 =	vmul.f32 v13, v49;
	v12 =	vadd.f32 $-5.000000000e-01, v14;
	v29 =	vld [tilespmem:s31+$0xA0]  }
0x103: {  	v16 =	vand.u32 $0xF, v16;
	v28 =	vperm.xlane v5, v48;
	v20 =	vperm.xlane v4, v20  }
0x104: {  	v19 =	vmul.f32 v19, v27;
	v13 =	vadd.f32 v13, v23;
	v12 =	vadd.f32 $1.258291200e+07, v12  }
0x105: {  	v9 =	vmin.f32 v7, $1.500000000e+01;
	v10 =	vmul.f32 v10, v28;
	v23 =	vperm.xlane v4, v48  }
0x106: {  	v50 =	vperm.xlane v5, v16;
	v19 =	vadd.f32 v19, v20;
	[tilespmem:s30+$0xFFFFFF10] =	vst v13;
	v12 =	vand.u32 $0xF, v12  }
0x107: {  	v10 =	vadd.f32 v10, v23;
	v20 =	vld [tilespmem:s31+$0xFFFFFF20];
	v7 =	vperm.xlane v5, v12;
	v13 =	vmul.f32 $1.500000000e+01, v29  }
0x108: {  	v18 =	vperm.xlane v4, v18;
	v23 =	vmul.f32 v11, v50;
	[tilespmem:s30+$0xFFFFFF90] =	vst v19  }
0x109: {  	v11 =	vperm.xlane v4, v12;
	[tilespmem:s30+$0x10] =	vst v10;
	v12 =	vld [tilespmem:s31+$0xFFFFFFA0];
	v7 =	vmul.f32 v14, v7;
	v10 =	vmax.f32 v13, $0.0e+00  }
0x10a: {  	v15 =	vmul.f32 v15, v47;
	v17 =	vadd.f32 v22, v17;
	v13 =	vld [tilespmem:s31+$0x20];
	v51 =	vmin.f32 v10, $1.500000000e+01  }
0x10b: {  	v16 =	vperm.xlane v4, v16;
	v10 =	vadd.f32 v7, v11;
	v7 =	vadd.f32 $-5.000000000e-01, v51  }
0x10c: {  	v15 =	vadd.f32 v15, v18;
	v19 =	vadd.f32 $-5.000000000e-01, v6;
	v18 =	vmul.f32 $1.500000000e+01, v20  }
0x10d: {  	v16 =	vadd.f32 v23, v16;
	v7 =	vadd.f32 $1.258291200e+07, v7  }
0x10e: {  	[tilespmem:s29+$0xFFFFFFC0] =	vst v15;
	v11 =	vmin.f32 v21, $1.500000000e+01;
	v12 =	vmul.f32 $1.500000000e+01, v12;
	v18 =	vmax.f32 v18, $0.0e+00  }
0x10f: {  	v22 =	vld [tilespmem:s1+$0xFFFFFFD0];
	v13 =	vmul.f32 $1.500000000e+01, v13;
	v18 =	vmin.f32 v18, $1.500000000e+01;
	v7 =	vand.u32 $0xF, v7  }
0x110: {  	[tilespmem:s29+$0xFFFFFF40] =	vst v17;
	v12 =	vmax.f32 v12, $0.0e+00;
	v15 =	vadd.f32 $-5.000000000e-01, v18;
	v21 =	vperm.xlane v5, v7  }
0x111: {  	v20 =	vld [tilespmem:s1+$0xFFFFFF50];
	v13 =	vmax.f32 v13, $0.0e+00;
	v12 =	vmin.f32 v12, $1.500000000e+01;
	v7 =	vperm.xlane v4, v7  }
0x112: {  	v13 =	vmin.f32 v13, $1.500000000e+01;
	v23 =	vadd.f32 $-5.000000000e-01, v12;
	v21 =	vmul.f32 v51, v21  }
0x113: {  	[tilespmem:s29+$0x40] =	vst v16;
	v15 =	vadd.f32 $1.258291200e+07, v15;
	v16 =	vadd.f32 $-5.000000000e-01, v13  }
0x114: {  	v22 =	vmul.f32 $1.500000000e+01, v22;
	v14 =	vadd.f32 $-5.000000000e-01, v9;
	v7 =	vadd.f32 v21, v7  }
0x115: {  	v52 =	vld [tilespmem:s1+$0x50];
	v15 =	vand.u32 $0xF, v15;
	v21 =	vadd.f32 $1.258291200e+07, v23;
	v16 =	vadd.f32 $1.258291200e+07, v16  }
0x116: {  	v19 =	vadd.f32 $1.258291200e+07, v19;
	v20 =	vmul.f32 $1.500000000e+01, v20;
	[tilespmem:s30+$0xA0] =	vst v7;
	v7 =	vperm.xlane v5, v15  }
0x117: {  	v21 =	vand.u32 $0xF, v21;
	v16 =	vand.u32 $0xF, v16;
	v15 =	vperm.xlane v4, v15;
	v23 =	vld [tilespmem:s31+$0xB0]  }
0x118: {  	v14 =	vadd.f32 $1.258291200e+07, v14;
	v53 =	vperm.xlane v5, v21;
	v54 =	vperm.xlane v5, v16  }
0x119: {  	v20 =	vmax.f32 v20, $0.0e+00;
	v16 =	vperm.xlane v4, v16;
	v7 =	vmul.f32 v18, v7  }
0x11a: {  	v20 =	vmin.f32 v20, $1.500000000e+01;
	v18 =	vmul.f32 $1.500000000e+01, v52;
	v13 =	vmul.f32 v13, v54  }
0x11b: {  	v12 =	vmul.f32 v12, v53;
	v7 =	vadd.f32 v7, v15;
	v15 =	vperm.xlane v4, v21  }
0x11c: {  	v21 =	vmax.f32 v22, $0.0e+00;
	v13 =	vadd.f32 v13, v16;
	v22 =	vmul.f32 $1.500000000e+01, v23  }
0x11d: {  	[tilespmem:s30+$0xFFFFFF20] =	vst v7;
	v7 =	vadd.f32 v12, v15;
	v12 =	vmax.f32 v18, $0.0e+00;
	v18 =	vadd.f32 $-5.000000000e-01, v20  }
0x11e: {  	v17 =	vadd.f32 $-5.000000000e-01, v11;
	v15 =	vmin.f32 v21, $1.500000000e+01;
	v21 =	vld [tilespmem:s31+$0xFFFFFF30];
	v12 =	vmin.f32 v12, $1.500000000e+01;
	[tilespmem:s30+$0x20] =	vst v13  }
0x11f: {  	v16 =	vmax.f32 v22, $0.0e+00;
	[tilespmem:s30+$0xFFFFFFA0] =	vst v7;
	v7 =	vadd.f32 $-5.000000000e-01, v15;
	v18 =	vadd.f32 $1.258291200e+07, v18;
	v55 =	vld [tilespmem:s31+$0x30]  }
0x120: {  	v14 =	vand.u32 $0xF, v14;
	v22 =	vadd.f32 $-5.000000000e-01, v12;
	v16 =	vmin.f32 v16, $1.500000000e+01  }
0x121: {  	v13 =	vadd.f32 $-5.000000000e-01, v16;
	v7 =	vadd.f32 $1.258291200e+07, v7;
	v18 =	vand.u32 $0xF, v18  }
0x122: {  	v17 =	vadd.f32 $1.258291200e+07, v17;
	v23 =	vld [tilespmem:s31+$0xFFFFFFB0];
	v22 =	vadd.f32 $1.258291200e+07, v22;
	v56 =	vperm.xlane v5, v18  }
0x123: {  	v13 =	vadd.f32 $1.258291200e+07, v13;
	v21 =	vmul.f32 $1.500000000e+01, v21;
	v7 =	vand.u32 $0xF, v7  }
0x124: {  	v22 =	vand.u32 $0xF, v22;
	v57 =	vperm.xlane v5, v7;
	v24 =	vmul.f32 $1.500000000e+01, v55  }
0x125: {  	v20 =	vmul.f32 v20, v56;
	v61 =	vperm.xlane v5, v22;
	v13 =	vand.u32 $0xF, v13  }
0x126: {  	v7 =	vperm.xlane v4, v7;
	v21 =	vmax.f32 v21, $0.0e+00;
	v58 =	vperm.xlane v5, v13  }
0x127: {  	v23 =	vmul.f32 $1.500000000e+01, v23;
	v21 =	vmin.f32 v21, $1.500000000e+01;
	v15 =	vmul.f32 v15, v57  }
0x128: {  	v13 =	vperm.xlane v4, v13;
	v24 =	vmax.f32 v24, $0.0e+00;
	v16 =	vmul.f32 v16, v58  }
0x129: {  	v23 =	vmax.f32 v23, $0.0e+00;
	v59 =	vadd.f32 $-5.000000000e-01, v21;
	v7 =	vadd.f32 v15, v7  }
0x12a: {  	v12 =	vmul.f32 v12, v61;
	v23 =	vmin.f32 v23, $1.500000000e+01;
	v13 =	vadd.f32 v16, v13  }
0x12b: {  	v24 =	vmin.f32 v24, $1.500000000e+01;
	v60 =	vadd.f32 $-5.000000000e-01, v23;
	v16 =	vadd.f32 $1.258291200e+07, v59;
	[tilespmem:s29+$0xFFFFFFD0] =	vst v7  }
0x12c: {  	v62 =	vadd.f32 $-5.000000000e-01, v24;
	v7 =	vand.u32 $0xF, v17;
	v17 =	vperm.xlane v4, v22;
	[tilespmem:s30+$0xB0] =	vst v13  }
0x12d: {  	v25 =	vadd.f32 $1.258291200e+07, v60;
	v13 =	vand.u32 $0xF, v16;
	v16 =	vperm.xlane v4, v18;
	v18 =	vld [tilespmem:s31+$0xC0]  }
0x12e: {  	v26 =	vadd.f32 $1.258291200e+07, v62;
	v17 =	vadd.f32 v12, v17;
	v63 =	vperm.xlane v5, v13  }
0x12f: {  	v12 =	vperm.xlane v5, v14;
	v25 =	vand.u32 $0xF, v25;
	v13 =	vperm.xlane v4, v13  }
0x130: {  	v15 =	vand.u32 $0xF, v26;
	v32 =	vperm.xlane v5, v25;
	v21 =	vmul.f32 v21, v63  }
0x131: {  	s0 =	simm.s32 $0x700;
	v16 =	vadd.f32 v20, v16;
	v20 =	vperm.xlane v4, v25;
	v9 =	vmul.f32 v9, v12  }
0x132: {  	v34 =	vld [tilespmem:s0+$0x80];
	v12 =	vperm.xlane v4, v14;
	v13 =	vadd.f32 v21, v13;
	v18 =	vmul.f32 $1.500000000e+01, v18  }
0x133: {  	v19 =	vand.u32 $0xF, v19;
	v14 =	vld [tilespmem:s0+$0x0];
	v23 =	vmul.f32 v23, v32;
	[tilespmem:s29+$0xFFFFFF50] =	vst v16;
	v16 =	vperm.xlane v5, v15  }
0x134: {  	v22 =	vperm.xlane v5, v19;
	v15 =	vperm.xlane v4, v15;
	[tilespmem:s30+$0xFFFFFF30] =	vst v13;
	v13 =	vld [tilespmem:s1+$0xFFFFFFD4];
	v18 =	vmax.f32 v18, $0.0e+00  }
0x135: {  	v21 =	vld [tilespmem:s1+$0xFFFFFF54];
	v20 =	vadd.f32 v23, v20;
	v16 =	vmul.f32 v24, v16;
	v18 =	vmin.f32 v18, $1.500000000e+01  }
0x136: {  	v22 =	vmul.f32 v6, v22;
	v6 =	vperm.xlane v5, v7;
	v23 =	vld [tilespmem:s31+$0xFFFFFF40];
	v33 =	vadd.f32 $-5.000000000e-01, v18  }
0x137: {  	[tilespmem:s30+$0xFFFFFFB0] =	vst v20;
	v15 =	vadd.f32 v16, v15;
	v16 =	vperm.xlane v4, v19;
	v19 =	vld [tilespmem:s0+$0xFFFFFF80]  }
0x138: {  	v6 =	vmul.f32 v11, v6;
	v20 =	vld [tilespmem:s31+$0xFFFFFFC0];
	v11 =	vadd.f32 $1.258291200e+07, v33  }
0x139: {  	v14 =	vmul.f32 $1.500000000e+01, v14;
	v35 =	vmul.f32 $1.500000000e+01, v13;
	v13 =	vadd.f32 v22, v16;
	v16 =	vld [tilespmem:s0+$0xFFFFFF00]  }
0x13a: {  	v25 =	vmul.f32 $1.500000000e+01, v34;
	v12 =	vadd.f32 v9, v12;
	v11 =	vand.u32 $0xF, v11  }
0x13b: {  	v14 =	vmax.f32 v14, $0.0e+00;
	v22 =	vmul.f32 $1.500000000e+01, v23;
	v23 =	vperm.xlane v5, v11  }
0x13c: {  	v21 =	vmul.f32 $1.500000000e+01, v21;
	v36 =	vmin.f32 v14, $1.500000000e+01;
	v19 =	vmul.f32 $1.500000000e+01, v19  }
0x13d: {  	v11 =	vperm.xlane v4, v11;
	v18 =	vmul.f32 v18, v23;
	v23 =	vmax.f32 v25, $0.0e+00  }
0x13e: {  	v20 =	vmul.f32 $1.500000000e+01, v20;
	v16 =	vmul.f32 $1.500000000e+01, v16;
	v23 =	vmin.f32 v23, $1.500000000e+01  }
0x13f: {  	v11 =	vadd.f32 v18, v11;
	v18 =	vmax.f32 v19, $0.0e+00;
	v19 =	vadd.f32 $-5.000000000e-01, v23  }
0x140: {  	[tilespmem:s30+$0x30] =	vst v15;
	v39 =	vadd.f32 $-5.000000000e-01, v36;
	v21 =	vmax.f32 v21, $0.0e+00;
	v16 =	vmax.f32 v16, $0.0e+00  }
0x141: {  	v15 =	vmax.f32 v20, $0.0e+00;
	[tilespmem:s30+$0xC0] =	vst v11;
	v11 =	vmin.f32 v16, $1.500000000e+01;
	v19 =	vadd.f32 $1.258291200e+07, v19  }
0x142: {  	v20 =	vadd.f32 $1.258291200e+07, v39;
	v18 =	vmin.f32 v18, $1.500000000e+01;
	v37 =	vld [tilespmem:s31+$0xD0];
	v38 =	vadd.f32 $-5.000000000e-01, v11  }
0x143: {  	v14 =	vmin.f32 v21, $1.500000000e+01;
	v16 =	vadd.f32 $-5.000000000e-01, v18;
	v19 =	vand.u32 $0xF, v19  }
0x144: {  	v20 =	vand.u32 $0xF, v20;
	v21 =	vadd.f32 $1.258291200e+07, v38;
	v40 =	vperm.xlane v5, v19  }
0x145: {  	v44 =	vperm.xlane v5, v20;
	v20 =	vperm.xlane v4, v20;
	v16 =	vadd.f32 $1.258291200e+07, v16  }
0x146: {  	v41 =	vld [tilespmem:s31+$0x40];
	v19 =	vperm.xlane v4, v19;
	v21 =	vand.u32 $0xF, v21;
	v23 =	vmul.f32 v23, v40  }
0x147: {  	v16 =	vand.u32 $0xF, v16;
	v25 =	vmul.f32 $1.500000000e+01, v37;
	v42 =	vperm.xlane v5, v21  }
0x148: {  	[tilespmem:s29+$0x50] =	vst v17;
	v22 =	vmax.f32 v22, $0.0e+00;
	v43 =	vperm.xlane v5, v16;
	v21 =	vperm.xlane v4, v21  }
0x149: {  	v19 =	vadd.f32 v23, v19;
	v23 =	vld [tilespmem:s1+$0x54];
	v17 =	vmax.f32 v25, $0.0e+00;
	v11 =	vmul.f32 v11, v42  }
0x14a: {  	s3 =	simm.s32 $0xC700;
	v16 =	vperm.xlane v4, v16;
	v18 =	vmul.f32 v18, v43;
	v17 =	vmin.f32 v17, $1.500000000e+01  }
0x14b: {  	[tilespmem:s3+$0x80] =	vst v19;
	v19 =	vmul.f32 $1.500000000e+01, v41;
	v45 =	vadd.f32 $-5.000000000e-01, v17;
	v11 =	vadd.f32 v11, v21  }
0x14c: {  	v16 =	vadd.f32 v18, v16;
	v18 =	vmin.f32 v22, $1.500000000e+01;
	v46 =	vld [tilespmem:s0+$0x90];
	v21 =	vmul.f32 v36, v44  }
0x14d: {  	v19 =	vmax.f32 v19, $0.0e+00;
	v22 =	vadd.f32 $1.258291200e+07, v45;
	[tilespmem:s3+$0xFFFFFF00] =	vst v11;
	v11 =	vmin.f32 v15, $1.500000000e+01  }
0x14e: {  	[tilespmem:s3+$0xFFFFFF80] =	vst v16;
	v15 =	vmin.f32 v19, $1.500000000e+01;
	v19 =	vadd.f32 v21, v20;
	v16 =	vmul.f32 $1.500000000e+01, v23  }
0x14f: {  	v9 =	vmax.f32 v35, $0.0e+00;
	v21 =	vadd.f32 $-5.000000000e-01, v18;
	v23 =	vld [tilespmem:s0+$0xFFFFFF90];
	v47 =	vadd.f32 $-5.000000000e-01, v11  }
0x150: {  	v20 =	vld [tilespmem:s0+$0xFFFFFF10];
	v49 =	vadd.f32 $-5.000000000e-01, v15;
	v22 =	vand.u32 $0xF, v22;
	v50 =	vmax.f32 v16, $0.0e+00  }
0x151: {  	[tilespmem:s3+$0x0] =	vst v19;
	v16 =	vadd.f32 $1.258291200e+07, v21;
	v48 =	vperm.xlane v5, v22;
	v19 =	vmul.f32 $1.500000000e+01, v46  }
0x152: {  	v21 =	vld [tilespmem:s0+$0x10];
	v22 =	vperm.xlane v4, v22;
	v24 =	vadd.f32 $1.258291200e+07, v47;
	v51 =	vadd.f32 $1.258291200e+07, v49  }
0x153: {  	v52 =	vand.u32 $0xF, v16;
	v17 =	vmul.f32 v17, v48;
	v19 =	vmax.f32 v19, $0.0e+00  }
0x154: {  	v23 =	vmul.f32 $1.500000000e+01, v23;
	v25 =	vand.u32 $0xF, v51;
	v19 =	vmin.f32 v19, $1.500000000e+01  }
0x155: {  	v20 =	vmul.f32 $1.500000000e+01, v20;
	v61 =	vperm.xlane v5, v25;
	v17 =	vadd.f32 v17, v22  }
0x156: {  	v30 =	vperm.xlane v5, v52;
	v25 =	vperm.xlane v4, v25;
	v22 =	vadd.f32 $-5.000000000e-01, v19  }
0x157: {  	v16 =	vmax.f32 v20, $0.0e+00;
	v15 =	vmul.f32 v15, v61;
	[tilespmem:s30+$0xD0] =	vst v17;
	v17 =	vmul.f32 $1.500000000e+01, v21  }
0x158: {  	v20 =	vadd.f32 $1.258291200e+07, v22;
	v21 =	vmax.f32 v23, $0.0e+00;
	v16 =	vmin.f32 v16, $1.500000000e+01  }
0x159: {  	v22 =	vand.u32 $0xF, v24;
	v23 =	vld [tilespmem:s31+$0xD4];
	v21 =	vmin.f32 v21, $1.500000000e+01;
	v53 =	vadd.f32 $-5.000000000e-01, v16  }
0x15a: {  	v17 =	vmax.f32 v17, $0.0e+00;
	v20 =	vand.u32 $0xF, v20;
	v55 =	vadd.f32 $-5.000000000e-01, v21  }
0x15b: {  	v17 =	vmin.f32 v17, $1.500000000e+01;
	v54 =	vperm.xlane v5, v20;
	v24 =	vadd.f32 $1.258291200e+07, v53  }
0x15c: {  	v15 =	vadd.f32 v15, v25;
	v20 =	vperm.xlane v4, v20;
	v31 =	vadd.f32 $-5.000000000e-01, v17  }
0x15d: {  	v56 =	vadd.f32 $1.258291200e+07, v55;
	v19 =	vmul.f32 v19, v54;
	v24 =	vand.u32 $0xF, v24  }
0x15e: {  	v23 =	vmul.f32 $1.500000000e+01, v23;
	v57 =	vadd.f32 $1.258291200e+07, v31;
	v58 =	vperm.xlane v5, v24  }
0x15f: {  	v24 =	vperm.xlane v4, v24;
	v19 =	vadd.f32 v19, v20;
	v20 =	vand.u32 $0xF, v56  }
0x160: {  	v23 =	vmax.f32 v23, $0.0e+00;
	v29 =	vand.u32 $0xF, v57;
	v59 =	vperm.xlane v5, v20  }
0x161: {  	v28 =	vmul.f32 v16, v58;
	v23 =	vmin.f32 v23, $1.500000000e+01;
	v16 =	vperm.xlane v5, v29;
	[tilespmem:s3+$0x90] =	vst v19  }
0x162: {  	[tilespmem:s30+$0x40] =	vst v15;
	v20 =	vperm.xlane v4, v20;
	v19 =	vperm.xlane v5, v22;
	v60 =	vadd.f32 $-5.000000000e-01, v23;
	v32 =	vld [tilespmem:s0+$0xA0]  }
0x163: {  	v37 =	vld [tilespmem:s31+$0x50];
	v29 =	vperm.xlane v4, v29;
	v24 =	vadd.f32 v28, v24;
	v17 =	vmul.f32 v17, v16  }
0x164: {  	v21 =	vmul.f32 v21, v59;
	v16 =	vmin.f32 v9, $1.500000000e+01;
	v9 =	vadd.f32 $1.258291200e+07, v60  }
0x165: {  	v7 =	vperm.xlane v4, v7;
	v18 =	vmul.f32 v18, v30;
	[tilespmem:s3+$0xFFFFFF10] =	vst v24;
	v17 =	vadd.f32 v17, v29  }
0x166: {  	v11 =	vmul.f32 v11, v19;
	v20 =	vadd.f32 v21, v20;
	v63 =	vld [tilespmem:s0+$0xFFFFFF20];
	v9 =	vand.u32 $0xF, v9  }
0x167: {  	v19 =	vperm.xlane v5, v9;
	v62 =	vmul.f32 $1.500000000e+01, v32;
	[tilespmem:s3+$0x10] =	vst v17  }
0x168: {  	v22 =	vperm.xlane v4, v22;
	v26 =	vmul.f32 $1.500000000e+01, v37;
	v21 =	vadd.f32 $-5.000000000e-01, v14;
	[tilespmem:s3+$0xFFFFFF90] =	vst v20;
	v33 =	vld [tilespmem:s0+$0x20]  }
0x169: {  	v9 =	vperm.xlane v4, v9;
	v19 =	vmul.f32 v23, v19;
	v23 =	vld [tilespmem:s0+$0xFFFFFFA0];
	v17 =	vmax.f32 v62, $0.0e+00  }
0x16a: {  	v11 =	vadd.f32 v11, v22;
	v20 =	vadd.f32 $-5.000000000e-01, v16;
	v34 =	vmin.f32 v17, $1.500000000e+01  }
0x16b: {  	v22 =	vmul.f32 $1.500000000e+01, v63;
	v17 =	vadd.f32 v19, v9;
	v19 =	vadd.f32 $-5.000000000e-01, v34  }
0x16c: {  	v26 =	vmax.f32 v26, $0.0e+00;
	v32 =	vperm.xlane v4, v52;
	[tilespmem:s30+$0xFFFFFFC0] =	vst v11;
	v11 =	vadd.f32 $1.258291200e+07, v21  }
0x16d: {  	v20 =	vadd.f32 $1.258291200e+07, v20;
	v21 =	vmax.f32 v22, $0.0e+00;
	v19 =	vadd.f32 $1.258291200e+07, v19  }
0x16e: {  	v22 =	vmul.f32 $1.500000000e+01, v33;
	v15 =	vmin.f32 v21, $1.500000000e+01;
	v23 =	vmul.f32 $1.500000000e+01, v23  }
0x16f: {  	v18 =	vadd.f32 v18, v32;
	v38 =	vadd.f32 $-5.000000000e-01, v15;
	v19 =	vand.u32 $0xF, v19  }
0x170: {  	v22 =	vmax.f32 v22, $0.0e+00;
	v21 =	vmax.f32 v23, $0.0e+00;
	v23 =	vperm.xlane v5, v19  }
0x171: {  	v22 =	vmin.f32 v22, $1.500000000e+01;
	v19 =	vperm.xlane v4, v19;
	v27 =	vadd.f32 $1.258291200e+07, v38  }
0x172: {  	v36 =	vld [tilespmem:s31+$0xFFFFFFD0];
	[tilespmem:s30+$0xFFFFFF40] =	vst v18;
	v21 =	vmin.f32 v21, $1.500000000e+01;
	v40 =	vadd.f32 $-5.000000000e-01, v22;
	v23 =	vmul.f32 v34, v23  }
0x173: {  	v9 =	vmin.f32 v50, $1.500000000e+01;
	v35 =	vld [tilespmem:s31+$0xFFFFFF50];
	v39 =	vadd.f32 $-5.000000000e-01, v21;
	v27 =	vand.u32 $0xF, v27  }
0x174: {  	v41 =	vadd.f32 $1.258291200e+07, v40;
	v42 =	vperm.xlane v5, v27;
	v19 =	vadd.f32 v23, v19  }
0x175: {  	v50 =	vand.u32 $0xF, v11;
	v18 =	vadd.f32 $-5.000000000e-01, v9;
	v23 =	vadd.f32 $1.258291200e+07, v39  }
0x176: {  	v27 =	vperm.xlane v4, v27;
	v28 =	vand.u32 $0xF, v41;
	v15 =	vmul.f32 v15, v42;
	[tilespmem:s3+$0xA0] =	vst v19  }
0x177: {  	v25 =	vmul.f32 $1.500000000e+01, v36;
	v23 =	vand.u32 $0xF, v23;
	v45 =	vperm.xlane v5, v28;
	v43 =	vld [tilespmem:s0+$0xB0]  }
0x178: {  	v24 =	vmul.f32 $1.500000000e+01, v35;
	v44 =	vperm.xlane v5, v23;
	v15 =	vadd.f32 v15, v27  }
0x179: {  	v25 =	vmax.f32 v25, $0.0e+00;
	v47 =	vperm.xlane v4, v28;
	v22 =	vmul.f32 v22, v45  }
0x17a: {  	v46 =	vmin.f32 v25, $1.500000000e+01;
	v23 =	vperm.xlane v4, v23;
	v21 =	vmul.f32 v21, v44;
	[tilespmem:s3+$0xFFFFFF20] =	vst v15  }
0x17b: {  	v51 =	vadd.f32 $-5.000000000e-01, v46;
	v19 =	vmax.f32 v24, $0.0e+00;
	v15 =	vadd.f32 v22, v47;
	v22 =	vld [tilespmem:s0+$0xFFFFFF30]  }
0x17c: {  	v19 =	vmin.f32 v19, $1.500000000e+01;
	v21 =	vadd.f32 v21, v23;
	v48 =	vmul.f32 $1.500000000e+01, v43  }
0x17d: {  	v18 =	vadd.f32 $1.258291200e+07, v18;
	v49 =	vadd.f32 $-5.000000000e-01, v19;
	v23 =	vmin.f32 v26, $1.500000000e+01;
	[tilespmem:s3+$0x20] =	vst v15  }
0x17e: {  	v26 =	vadd.f32 $1.258291200e+07, v51;
	v15 =	vand.u32 $0xF, v20;
	[tilespmem:s3+$0xFFFFFFA0] =	vst v21;
	v20 =	vld [tilespmem:s0+$0x30];
	v11 =	vmax.f32 v48, $0.0e+00  }
0x17f: {  	v52 =	vadd.f32 $-5.000000000e-01, v23;
	v53 =	vld [tilespmem:s0+$0xFFFFFFB0];
	v21 =	vmin.f32 v11, $1.500000000e+01;
	v11 =	vadd.f32 $1.258291200e+07, v49  }
0x180: {  	v26 =	vand.u32 $0xF, v26;
	v22 =	vmul.f32 $1.500000000e+01, v22;
	v54 =	vadd.f32 $-5.000000000e-01, v21  }
0x181: {  	v27 =	vadd.f32 $1.258291200e+07, v52;
	v57 =	vperm.xlane v5, v26;
	v55 =	vand.u32 $0xF, v11  }
0x182: {  	v11 =	vand.u32 $0xF, v18;
	v22 =	vmax.f32 v22, $0.0e+00;
	v18 =	vadd.f32 $1.258291200e+07, v54  }
0x183: {  	v26 =	vperm.xlane v4, v26;
	v27 =	vand.u32 $0xF, v27;
	v22 =	vmin.f32 v22, $1.500000000e+01  }
0x184: {  	v20 =	vmul.f32 $1.500000000e+01, v20;
	v28 =	vmul.f32 $1.500000000e+01, v53;
	v18 =	vand.u32 $0xF, v18  }
0x185: {  	v24 =	vmul.f32 v46, v57;
	v60 =	vadd.f32 $-5.000000000e-01, v22;
	v58 =	vperm.xlane v5, v18  }
0x186: {  	v20 =	vmax.f32 v20, $0.0e+00;
	v28 =	vmax.f32 v28, $0.0e+00;
	v18 =	vperm.xlane v4, v18  }
0x187: {  	v20 =	vmin.f32 v20, $1.500000000e+01;
	v29 =	vadd.f32 $1.258291200e+07, v60;
	v21 =	vmul.f32 v21, v58  }
0x188: {  	v56 =	vperm.xlane v5, v55;
	v28 =	vmin.f32 v28, $1.500000000e+01;
	v61 =	vadd.f32 $-5.000000000e-01, v20  }
0x189: {  	[tilespmem:s28+$0xD4] =	vst v8;
	v8 =	vand.u32 $0xF, v29;
	v18 =	vadd.f32 v21, v18;
	v21 =	vadd.f32 $-5.000000000e-01, v28  }
0x18a: {  	[tilespmem:s29+$0xD4] =	vst v10;
	v62 =	vadd.f32 $1.258291200e+07, v61;
	v10 =	vperm.xlane v4, v8;
	v8 =	vperm.xlane v5, v8  }
0x18b: {  	v59 =	vperm.xlane v5, v27;
	v27 =	vperm.xlane v4, v27;
	[tilespmem:s3+$0xB0] =	vst v18;
	v18 =	vadd.f32 $1.258291200e+07, v21  }
0x18c: {  	v19 =	vmul.f32 v19, v56;
	v29 =	vand.u32 $0xF, v62;
	v8 =	vmul.f32 v22, v8;
	v63 =	vld [tilespmem:s0+$0xC0]  }
0x18d: {  	[tilespmem:s28+$0xFFFFFFD4] =	vst v12;
	v21 =	vperm.xlane v4, v55;
	v12 =	vperm.xlane v5, v29;
	v18 =	vand.u32 $0xF, v18  }
0x18e: {  	[tilespmem:s28+$0xFFFFFF54] =	vst v13;
	v13 =	vperm.xlane v4, v18;
	v18 =	vperm.xlane v5, v18  }
0x18f: {  	v23 =	vmul.f32 v23, v59;
	v8 =	vadd.f32 v8, v10;
	v19 =	vadd.f32 v19, v21  }
0x190: {  	[tilespmem:s30+$0xD4] =	vst v17;
	v21 =	vadd.f32 v24, v26;
	v10 =	vmul.f32 v20, v12;
	v17 =	vmul.f32 v28, v18  }
0x191: {  	[tilespmem:s30+$0xFFFFFF50] =	vst v19;
	v18 =	vperm.xlane v4, v29;
	v12 =	vmul.f32 $1.500000000e+01, v63  }
0x192: {  	[tilespmem:s30+$0xFFFFFFD0] =	vst v21;
	v21 =	vperm.xlane v5, v50;
	v19 =	vadd.f32 v17, v13;
	v13 =	vld [tilespmem:s31+$0xFFFFFF54];
	v17 =	vadd.f32 v23, v27  }
0x193: {  	[tilespmem:s3+$0xFFFFFF30] =	vst v8;
	v10 =	vadd.f32 v10, v18;
	v23 =	vperm.xlane v5, v15;
	v8 =	vmax.f32 v12, $0.0e+00;
	v12 =	vld [tilespmem:s31+$0xFFFFFFD4]  }
0x194: {  	v20 =	vld [tilespmem:s0+$0xFFFFFF40];
	v14 =	vmul.f32 v14, v21;
	[tilespmem:s3+$0xFFFFFFB0] =	vst v19;
	v19 =	vmin.f32 v8, $1.500000000e+01;
	v8 =	vperm.xlane v5, v11  }
0x195: {  	s13 =	simm.s32 $0x900;
	s1 =	simm.s32 $0xC;
	v18 =	vperm.xlane v4, v50;
	[tilespmem:s3+$0x30] =	vst v10;
	v10 =	vmul.f32 v16, v23;
	v21 =	vld [tilespmem:s0+$0xFFFFFFC0];
	v22 =	vadd.f32 $-5.000000000e-01, v19  }
.LBB2_2:
0x196: {  	v16 =	vld [tilespmem:s13+$0x80];
	s1 =	sadd.s32 $0x4, s1;
	[tilespmem:s30+$0x50] =	vst v17;
	v15 =	vperm.xlane v4, v15;
	v17 =	vadd.f32 v6, v7;
	v6 =	vmul.f32 v9, v8  }
0x197: {  	v7 =	vperm.xlane v4, v11;
	v9 =	vld [tilespmem:s13+$0xFFFFFF80];
	p0 =	slt.u32 s1, $0x7C;
	v8 =	vadd.f32 $1.258291200e+07, v22;
	v13 =	vmul.f32 $1.500000000e+01, v13  }
0x198: {  	v14 =	vadd.f32 v14, v18;
	v11 =	vld [tilespmem:s13+$0x0];
	v12 =	vmul.f32 $1.500000000e+01, v12;
	v10 =	vadd.f32 v10, v15;
	[tilespmem:s28+$0x54] =	vst v17;
	s28 =	smov.u32 s29;
	s29 =	smov.u32 s30;
	s30 =	smov.u32 s3  }
0x199: {  	v15 =	vld [tilespmem:s13+$0xFFFFFF00];
	v17 =	vmul.f32 $1.500000000e+01, v20;
	v18 =	vand.u32 $0xF, v8;
	v8 =	vmax.f32 v13, $0.0e+00  }
0x19a: {  	v13 =	vmul.f32 $1.500000000e+01, v21;
	v20 =	vld [tilespmem:s0+$0x40];
	v21 =	vperm.xlane v5, v18;
	v12 =	vmax.f32 v12, $0.0e+00;
	[tilespmem:s28+$0xFFFFFF54] =	vst v14  }
0x19b: {  	v8 =	vmin.f32 v8, $1.500000000e+01;
	v14 =	vmul.f32 $1.500000000e+01, v16;
	v16 =	vmax.f32 v17, $0.0e+00;
	v17 =	vld [tilespmem:s31+$0x54];
	[tilespmem:s28+$0xFFFFFFD4] =	vst v10;
	s31 =	smov.u32 s0;
	s0 =	smov.u32 s13  }
0x19c: {  	v10 =	vmax.f32 v13, $0.0e+00;
	v13 =	vperm.xlane v4, v18;
	v18 =	vmul.f32 v19, v21  }
0x19d: {  	v9 =	vmul.f32 $1.500000000e+01, v9;
	v11 =	vmul.f32 $1.500000000e+01, v11;
	v14 =	vmax.f32 v14, $0.0e+00  }
0x19e: {  	v15 =	vmul.f32 $1.500000000e+01, v15;
	v14 =	vmin.f32 v14, $1.500000000e+01;
	v13 =	vadd.f32 v18, v13  }
0x19f: {  	v9 =	vmax.f32 v9, $0.0e+00;
	v11 =	vmax.f32 v11, $0.0e+00;
	v18 =	vadd.f32 $-5.000000000e-01, v14  }
0x1a0: {  	v9 =	vmin.f32 v9, $1.500000000e+01;
	v15 =	vmax.f32 v15, $0.0e+00;
	v11 =	vmin.f32 v11, $1.500000000e+01;
	[tilespmem:s3+$0xC0] =	vst v13  }
0x1a1: {  	v13 =	vmin.f32 v15, $1.500000000e+01;
	v15 =	vadd.f32 $-5.000000000e-01, v9;
	v18 =	vadd.f32 $1.258291200e+07, v18;
	v19 =	vld [tilespmem:s31+$0xD0]  }
0x1a2: {  	v20 =	vmul.f32 $1.500000000e+01, v20;
	v22 =	vadd.f32 $-5.000000000e-01, v11;
	v21 =	vadd.f32 $-5.000000000e-01, v13  }
0x1a3: {  	v16 =	vmin.f32 v16, $1.500000000e+01;
	v15 =	vadd.f32 $1.258291200e+07, v15;
	v18 =	vand.u32 $0xF, v18  }
0x1a4: {  	v22 =	vadd.f32 $1.258291200e+07, v22;
	v21 =	vadd.f32 $1.258291200e+07, v21;
	v23 =	vperm.xlane v5, v18  }
0x1a5: {  	v20 =	vmax.f32 v20, $0.0e+00;
	v18 =	vperm.xlane v4, v18;
	v15 =	vand.u32 $0xF, v15  }
0x1a6: {  	v21 =	vand.u32 $0xF, v21;
	v14 =	vmul.f32 v14, v23;
	v19 =	vmul.f32 $1.500000000e+01, v19  }
0x1a7: {  	v22 =	vand.u32 $0xF, v22;
	v24 =	vperm.xlane v5, v15;
	v23 =	vperm.xlane v5, v21  }
0x1a8: {  	v25 =	vperm.xlane v5, v22;
	v14 =	vadd.f32 v14, v18;
	v18 =	vmax.f32 v19, $0.0e+00  }
0x1a9: {  	s3 =	sadd.s32 $0x200, s3;
	v9 =	vmul.f32 v9, v24;
	v13 =	vmul.f32 v13, v23;
	v18 =	vmin.f32 v18, $1.500000000e+01  }
0x1aa: {  	v19 =	vperm.xlane v4, v21;
	v11 =	vmul.f32 v11, v25;
	[tilespmem:s3+$0x80] =	vst v14;
	v14 =	vadd.f32 $-5.000000000e-01, v18  }
0x1ab: {  	v15 =	vperm.xlane v4, v15;
	v21 =	vperm.xlane v4, v22;
	v23 =	vmin.f32 v10, $1.500000000e+01;
	v22 =	vld [tilespmem:s13+$0x90]  }
0x1ac: {  	v10 =	vadd.f32 v13, v19;
	v13 =	vmin.f32 v20, $1.500000000e+01;
	v14 =	vadd.f32 $1.258291200e+07, v14  }
0x1ad: {  	v9 =	vadd.f32 v9, v15;
	v11 =	vadd.f32 v11, v21;
	v15 =	vmul.f32 $1.500000000e+01, v17  }
0x1ae: {  	v17 =	vadd.f32 $-5.000000000e-01, v23;
	[tilespmem:s3+$0xFFFFFF00] =	vst v10;
	v10 =	vadd.f32 $-5.000000000e-01, v16;
	v14 =	vand.u32 $0xF, v14  }
0x1af: {  	v15 =	vmax.f32 v15, $0.0e+00;
	v19 =	vld [tilespmem:s13+$0xFFFFFF10];
	[tilespmem:s3+$0xFFFFFF80] =	vst v9;
	v9 =	vadd.f32 $-5.000000000e-01, v13;
	v20 =	vperm.xlane v5, v14  }
0x1b0: {  	v17 =	vadd.f32 $1.258291200e+07, v17;
	v21 =	vld [tilespmem:s13+$0xFFFFFF90];
	[tilespmem:s3+$0x0] =	vst v11;
	v11 =	vmul.f32 $1.500000000e+01, v22;
	v10 =	vadd.f32 $1.258291200e+07, v10  }
0x1b1: {  	v14 =	vperm.xlane v4, v14;
	v22 =	vld [tilespmem:s13+$0x10];
	v9 =	vadd.f32 $1.258291200e+07, v9;
	v18 =	vmul.f32 v18, v20  }
0x1b2: {  	v17 =	vand.u32 $0xF, v17;
	v11 =	vmax.f32 v11, $0.0e+00;
	v20 =	vand.u32 $0xF, v10  }
0x1b3: {  	v11 =	vmin.f32 v11, $1.500000000e+01;
	v24 =	vand.u32 $0xF, v9;
	v9 =	vadd.f32 v18, v14  }
0x1b4: {  	v14 =	vmul.f32 $1.500000000e+01, v19;
	v18 =	vadd.f32 $-5.000000000e-01, v11;
	v19 =	vperm.xlane v5, v20  }
0x1b5: {  	v25 =	vperm.xlane v5, v17;
	v10 =	vmin.f32 v12, $1.500000000e+01;
	v21 =	vmul.f32 $1.500000000e+01, v21;
	[tilespmem:s30+$0xD0] =	vst v9  }
0x1b6: {  	v9 =	vmax.f32 v14, $0.0e+00;
	v12 =	vmul.f32 $1.500000000e+01, v22;
	v14 =	vadd.f32 $1.258291200e+07, v18;
	v18 =	vld [tilespmem:s31+$0xD4]  }
0x1b7: {  	v22 =	vmin.f32 v9, $1.500000000e+01;
	v9 =	vmax.f32 v21, $0.0e+00;
	v21 =	vperm.xlane v5, v24  }
0x1b8: {  	v26 =	vmin.f32 v9, $1.500000000e+01;
	v9 =	vmax.f32 v12, $0.0e+00;
	v12 =	vand.u32 $0xF, v14  }
0x1b9: {  	v14 =	vadd.f32 $-5.000000000e-01, v22;
	v27 =	vmin.f32 v9, $1.500000000e+01;
	v9 =	vperm.xlane v5, v12  }
0x1ba: {  	v28 =	vadd.f32 $-5.000000000e-01, v26;
	v12 =	vperm.xlane v4, v12;
	v29 =	vadd.f32 $-5.000000000e-01, v27  }
0x1bb: {  	v14 =	vadd.f32 $1.258291200e+07, v14;
	v9 =	vmul.f32 v11, v9;
	v11 =	vmul.f32 $1.500000000e+01, v18  }
0x1bc: {  	v16 =	vmul.f32 v16, v19;
	v18 =	vadd.f32 $1.258291200e+07, v28;
	v28 =	vadd.f32 $1.258291200e+07, v29  }
0x1bd: {  	v14 =	vand.u32 $0xF, v14;
	v9 =	vadd.f32 v9, v12;
	v11 =	vmax.f32 v11, $0.0e+00  }
0x1be: {  	v12 =	vand.u32 $0xF, v18;
	v18 =	vand.u32 $0xF, v28;
	v11 =	vmin.f32 v11, $1.500000000e+01  }
0x1bf: {  	v19 =	vperm.xlane v5, v14;
	v28 =	vperm.xlane v5, v12;
	[tilespmem:s3+$0x90] =	vst v9;
	v29 =	vadd.f32 $-5.000000000e-01, v11  }
0x1c0: {  	v14 =	vperm.xlane v4, v14;
	v30 =	vperm.xlane v5, v18;
	v9 =	vmin.f32 v15, $1.500000000e+01;
	v31 =	vld [tilespmem:s13+$0xA0]  }
0x1c1: {  	v15 =	vmul.f32 v22, v19;
	v19 =	vmul.f32 v26, v28;
	v22 =	vadd.f32 $1.258291200e+07, v29  }
0x1c2: {  	v12 =	vperm.xlane v4, v12;
	v26 =	vmul.f32 v27, v30;
	v27 =	vadd.f32 $-5.000000000e-01, v8  }
0x1c3: {  	v14 =	vadd.f32 v15, v14;
	v15 =	vperm.xlane v4, v18;
	v18 =	vand.u32 $0xF, v22  }
0x1c4: {  	v12 =	vadd.f32 v19, v12;
	v19 =	vmul.f32 v23, v25;
	v22 =	vperm.xlane v5, v18  }
0x1c5: {  	v13 =	vmul.f32 v13, v21;
	[tilespmem:s3+$0xFFFFFF10] =	vst v14;
	v14 =	vadd.f32 v26, v15;
	v15 =	vmul.f32 $1.500000000e+01, v31  }
0x1c6: {  	v21 =	vld [tilespmem:s13+$0xFFFFFF20];
	[tilespmem:s3+$0xFFFFFF90] =	vst v12;
	v12 =	vperm.xlane v4, v18;
	v11 =	vmul.f32 v11, v22;
	v18 =	vadd.f32 $-5.000000000e-01, v10  }
0x1c7: {  	v17 =	vperm.xlane v4, v17;
	v22 =	vld [tilespmem:s13+$0xFFFFFFA0];
	[tilespmem:s3+$0x10] =	vst v14;
	v14 =	vmax.f32 v15, $0.0e+00;
	v15 =	vperm.xlane v4, v20  }
0x1c8: {  	v23 =	vperm.xlane v4, v24;
	v20 =	vld [tilespmem:s13+$0x20];
	v14 =	vmin.f32 v14, $1.500000000e+01;
	v11 =	vadd.f32 v11, v12  }
0x1c9: {  	v12 =	vadd.f32 $-5.000000000e-01, v14;
	v15 =	vadd.f32 v16, v15  }
0x1ca: {  	v13 =	vadd.f32 v13, v23;
	v16 =	vadd.f32 v19, v17;
	[tilespmem:s30+$0xD4] =	vst v11  }
0x1cb: {  	v11 =	vmul.f32 $1.500000000e+01, v21;
	v12 =	vadd.f32 $1.258291200e+07, v12;
	[tilespmem:s30+$0xFFFFFF40] =	vst v15;
	v15 =	vadd.f32 $-5.000000000e-01, v9  }
0x1cc: {  	v18 =	vadd.f32 $1.258291200e+07, v18;
	v17 =	vmul.f32 $1.500000000e+01, v22;
	v19 =	vld [tilespmem:s31+$0xFFFFFF50];
	[tilespmem:s30+$0xFFFFFFC0] =	vst v16;
	v16 =	vadd.f32 $1.258291200e+07, v27  }
0x1cd: {  	v11 =	vmax.f32 v11, $0.0e+00;
	v20 =	vmul.f32 $1.500000000e+01, v20;
	v12 =	vand.u32 $0xF, v12;
	v21 =	vld [tilespmem:s31+$0xFFFFFFD0];
	[tilespmem:s30+$0x40] =	vst v13  }
0x1ce: {  	v11 =	vmin.f32 v11, $1.500000000e+01;
	v13 =	vmax.f32 v17, $0.0e+00;
	v17 =	vperm.xlane v5, v12;
	v22 =	vld [tilespmem:s31+$0x50]  }
0x1cf: {  	v23 =	vadd.f32 $-5.000000000e-01, v11;
	v13 =	vmin.f32 v13, $1.500000000e+01;
	v20 =	vmax.f32 v20, $0.0e+00  }
0x1d0: {  	v12 =	vperm.xlane v4, v12;
	v20 =	vmin.f32 v20, $1.500000000e+01;
	v14 =	vmul.f32 v14, v17  }
0x1d1: {  	v17 =	vadd.f32 $-5.000000000e-01, v13;
	v24 =	vadd.f32 $-5.000000000e-01, v20;
	v19 =	vmul.f32 $1.500000000e+01, v19  }
0x1d2: {  	v23 =	vadd.f32 $1.258291200e+07, v23;
	v12 =	vadd.f32 v14, v12;
	v14 =	vmul.f32 $1.500000000e+01, v21  }
0x1d3: {  	v17 =	vadd.f32 $1.258291200e+07, v17;
	v21 =	vadd.f32 $1.258291200e+07, v24;
	v22 =	vmul.f32 $1.500000000e+01, v22  }
0x1d4: {  	v23 =	vand.u32 $0xF, v23;
	[tilespmem:s3+$0xA0] =	vst v12;
	v12 =	vmax.f32 v19, $0.0e+00;
	v14 =	vmax.f32 v14, $0.0e+00  }
0x1d5: {  	v19 =	vperm.xlane v5, v23;
	v17 =	vand.u32 $0xF, v17;
	v21 =	vand.u32 $0xF, v21;
	v24 =	vld [tilespmem:s13+$0xB0]  }
0x1d6: {  	v25 =	vperm.xlane v5, v17;
	v22 =	vmax.f32 v22, $0.0e+00;
	v26 =	vperm.xlane v5, v21  }
0x1d7: {  	v23 =	vperm.xlane v4, v23;
	v12 =	vmin.f32 v12, $1.500000000e+01;
	v11 =	vmul.f32 v11, v19  }
0x1d8: {  	v14 =	vmin.f32 v14, $1.500000000e+01;
	v13 =	vmul.f32 v13, v25;
	v19 =	vmul.f32 v20, v26  }
0x1d9: {  	v17 =	vperm.xlane v4, v17;
	v11 =	vadd.f32 v11, v23;
	v20 =	vperm.xlane v4, v21  }
0x1da: {  	v22 =	vmin.f32 v22, $1.500000000e+01;
	v23 =	vadd.f32 $-5.000000000e-01, v12;
	v21 =	vmul.f32 $1.500000000e+01, v24  }
0x1db: {  	v16 =	vand.u32 $0xF, v16;
	[tilespmem:s3+$0xFFFFFF20] =	vst v11;
	v11 =	vadd.f32 v13, v17;
	v13 =	vadd.f32 v19, v20  }
0x1dc: {  	v20 =	vadd.f32 $-5.000000000e-01, v14;
	v17 =	vld [tilespmem:s13+$0xFFFFFF30];
	v19 =	vmax.f32 v21, $0.0e+00;
	v21 =	vadd.f32 $-5.000000000e-01, v22  }
0x1dd: {  	[tilespmem:s3+$0xFFFFFFA0] =	vst v11;
	v19 =	vmin.f32 v19, $1.500000000e+01;
	v11 =	vadd.f32 $1.258291200e+07, v23;
	v23 =	vadd.f32 $1.258291200e+07, v15  }
0x1de: {  	v20 =	vadd.f32 $1.258291200e+07, v20;
	v15 =	vand.u32 $0xF, v18;
	v24 =	vld [tilespmem:s13+$0xFFFFFFB0];
	[tilespmem:s3+$0x20] =	vst v13;
	v13 =	vadd.f32 $-5.000000000e-01, v19  }
0x1df: {  	v21 =	vadd.f32 $1.258291200e+07, v21;
	v18 =	vld [tilespmem:s13+$0x30];
	v25 =	vand.u32 $0xF, v11;
	v11 =	vand.u32 $0xF, v23  }
0x1e0: {  	v20 =	vand.u32 $0xF, v20;
	v13 =	vadd.f32 $1.258291200e+07, v13;
	v23 =	vperm.xlane v5, v25  }
0x1e1: {  	v26 =	vperm.xlane v5, v20;
	v21 =	vand.u32 $0xF, v21;
	v17 =	vmul.f32 $1.500000000e+01, v17  }
0x1e2: {  	v13 =	vand.u32 $0xF, v13;
	v12 =	vmul.f32 v12, v23;
	v23 =	vperm.xlane v5, v21  }
0x1e3: {  	v17 =	vmax.f32 v17, $0.0e+00;
	v24 =	vmul.f32 $1.500000000e+01, v24;
	v27 =	vperm.xlane v5, v13  }
0x1e4: {  	v14 =	vmul.f32 v14, v26;
	v17 =	vmin.f32 v17, $1.500000000e+01;
	v18 =	vmul.f32 $1.500000000e+01, v18  }
0x1e5: {  	v13 =	vperm.xlane v4, v13;
	v24 =	vmax.f32 v24, $0.0e+00;
	v19 =	vmul.f32 v19, v27  }
0x1e6: {  	v26 =	vadd.f32 $-5.000000000e-01, v17;
	v24 =	vmin.f32 v24, $1.500000000e+01;
	v18 =	vmax.f32 v18, $0.0e+00  }
0x1e7: {  	v27 =	vadd.f32 $-5.000000000e-01, v24;
	v18 =	vmin.f32 v18, $1.500000000e+01;
	v13 =	vadd.f32 v19, v13  }
0x1e8: {  	v22 =	vmul.f32 v22, v23;
	v19 =	vadd.f32 $1.258291200e+07, v26;
	v26 =	vadd.f32 $-5.000000000e-01, v18  }
0x1e9: {  	v20 =	vperm.xlane v4, v20;
	v23 =	vadd.f32 $1.258291200e+07, v27;
	[tilespmem:s3+$0xB0] =	vst v13;
	v13 =	vperm.xlane v4, v25  }
0x1ea: {  	v21 =	vperm.xlane v4, v21;
	v19 =	vand.u32 $0xF, v19;
	v25 =	vadd.f32 $1.258291200e+07, v26;
	v26 =	vld [tilespmem:s13+$0xC0]  }
0x1eb: {  	v27 =	vperm.xlane v4, v19;
	v19 =	vperm.xlane v5, v19;
	v23 =	vand.u32 $0xF, v23  }
0x1ec: {  	v28 =	vperm.xlane v4, v23;
	v23 =	vperm.xlane v5, v23;
	v25 =	vand.u32 $0xF, v25  }
0x1ed: {  	v12 =	vadd.f32 v12, v13;
	v17 =	vmul.f32 v17, v19;
	v19 =	vperm.xlane v5, v25  }
0x1ee: {  	v14 =	vadd.f32 v14, v20;
	v13 =	vmul.f32 v24, v23;
	v23 =	vperm.xlane v4, v25  }
.Ltmp0:
0x1ef: {  	v20 =	vadd.f32 v17, v27;
	v18 =	vmul.f32 v18, v19;
	v19 =	vmul.f32 $1.500000000e+01, v26;
	[tilespmem:s30+$0xFFFFFF50] =	vst v12;
	(pc) =	sbr.rel @p0 .LBB2_2-.Ltmp0, $4  }
0x1f0: {  	v17 =	vadd.f32 v22, v21;
	v24 =	vadd.f32 v13, v28;
	v13 =	vld [tilespmem:s31+$0xFFFFFF54];
	[tilespmem:s30+$0xFFFFFFD0] =	vst v14;
	v14 =	vperm.xlane v5, v16  }
0x1f1: {  	[tilespmem:s3+$0xFFFFFF30] =	vst v20;
	v18 =	vadd.f32 v18, v23;
	v19 =	vmax.f32 v19, $0.0e+00;
	v12 =	vld [tilespmem:s31+$0xFFFFFFD4];
	v23 =	vperm.xlane v5, v15  }
0x1f2: {  	v20 =	vld [tilespmem:s13+$0xFFFFFF40];
	[tilespmem:s3+$0xFFFFFFB0] =	vst v24;
	v19 =	vmin.f32 v19, $1.500000000e+01;
	v14 =	vmul.f32 v8, v14;
	v8 =	vperm.xlane v5, v11  }
0x1f3: {  	s13 =	sadd.s32 $0x200, s13;
	v21 =	vld [tilespmem:s0+$0xFFFFFFC0];
	[tilespmem:s3+$0x30] =	vst v18;
	v22 =	vadd.f32 $-5.000000000e-01, v19;
	v18 =	vperm.xlane v4, v16;
	v10 =	vmul.f32 v10, v23  }
0x1f4: {  	_ = 	snop  }
0x1f5: {  	v16 =	vadd.f32 $1.258291200e+07, v22;
	_ =	sdelay $0x1  }
0x1f6: {  	v16 =	vand.u32 $0xF, v16  }
0x1f7: {  	v22 =	vperm.xlane v5, v16;
	_ =	sdelay $0x1  }
0x1f8: {  	v16 =	vperm.xlane v4, v16;
	v19 =	vmul.f32 v19, v22;
	_ =	sdelay $0x1  }
0x1f9: {  	v16 =	vadd.f32 v19, v16;
	v19 =	vld [tilespmem:s0+$0x40]  }
0x1fa: {  	v20 =	vmul.f32 $1.500000000e+01, v20  }
0x1fb: {  	v21 =	vmul.f32 $1.500000000e+01, v21;
	[tilespmem:s3+$0xC0] =	vst v16  }
0x1fc: {  	v20 =	vmax.f32 v20, $0.0e+00;
	v16 =	vld [tilespmem:s0+$0xD0]  }
0x1fd: {  	v21 =	vmax.f32 v21, $0.0e+00;
	v20 =	vmin.f32 v20, $1.500000000e+01  }
0x1fe: {  	v21 =	vmin.f32 v21, $1.500000000e+01;
	v22 =	vadd.f32 $-5.000000000e-01, v20;
	v19 =	vmul.f32 $1.500000000e+01, v19  }
0x1ff: {  	v23 =	vadd.f32 $-5.000000000e-01, v21  }
0x200: {  	v22 =	vadd.f32 $1.258291200e+07, v22;
	v19 =	vmax.f32 v19, $0.0e+00  }
0x201: {  	v23 =	vadd.f32 $1.258291200e+07, v23;
	v16 =	vmul.f32 $1.500000000e+01, v16;
	v19 =	vmin.f32 v19, $1.500000000e+01  }
0x202: {  	v22 =	vand.u32 $0xF, v22;
	v24 =	vadd.f32 $-5.000000000e-01, v19  }
0x203: {  	v23 =	vand.u32 $0xF, v23;
	v26 =	vperm.xlane v5, v22;
	v16 =	vmax.f32 v16, $0.0e+00  }
0x204: {  	v27 =	vperm.xlane v5, v23;
	v16 =	vmin.f32 v16, $1.500000000e+01;
	v24 =	vadd.f32 $1.258291200e+07, v24  }
0x205: {  	v22 =	vperm.xlane v4, v22;
	v23 =	vperm.xlane v4, v23;
	v25 =	vadd.f32 $-5.000000000e-01, v16  }
0x206: {  	v20 =	vmul.f32 v20, v26;
	v21 =	vmul.f32 v21, v27;
	v24 =	vand.u32 $0xF, v24  }
0x207: {  	v28 =	vperm.xlane v5, v24;
	v25 =	vadd.f32 $1.258291200e+07, v25  }
0x208: {  	v20 =	vadd.f32 v20, v22;
	v21 =	vadd.f32 v21, v23  }
0x209: {  	v22 =	vperm.xlane v4, v24;
	v25 =	vand.u32 $0xF, v25;
	v19 =	vmul.f32 v19, v28  }
0x20a: {  	[tilespmem:s3+$0xFFFFFF40] =	vst v20;
	v23 =	vperm.xlane v5, v25  }
0x20b: {  	v20 =	vld [tilespmem:s0+$0xFFFFFF50];
	[tilespmem:s3+$0xFFFFFFC0] =	vst v21;
	v19 =	vadd.f32 v19, v22  }
0x20c: {  	v21 =	vperm.xlane v4, v25;
	v22 =	vld [tilespmem:s0+$0xFFFFFFD0];
	v16 =	vmul.f32 v16, v23  }
0x20d: {  	[tilespmem:s3+$0x40] =	vst v19  }
0x20e: {  	v16 =	vadd.f32 v16, v21;
	v19 =	vld [tilespmem:s0+$0x50];
	_ =	sdelay $0x1  }
0x20f: {  	v15 =	vperm.xlane v4, v15;
	[tilespmem:s3+$0xD0] =	vst v16;
	v16 =	vmul.f32 $1.500000000e+01, v20  }
0x210: {  	v6 =	vadd.f32 v6, v7;
	v8 =	vmul.f32 v9, v8;
	v21 =	vmul.f32 $1.500000000e+01, v22;
	v20 =	vld [tilespmem:s0+$0xD4]  }
0x211: {  	v7 =	vmul.f32 $1.500000000e+01, v13;
	v14 =	vadd.f32 v14, v18;
	v13 =	vmax.f32 v16, $0.0e+00  }
0x212: {  	v16 =	vmul.f32 $1.500000000e+01, v19;
	v19 =	vmax.f32 v21, $0.0e+00;
	v13 =	vmin.f32 v13, $1.500000000e+01  }
0x213: {  	v10 =	vadd.f32 v10, v15;
	v18 =	vmin.f32 v19, $1.500000000e+01;
	v19 =	vadd.f32 $-5.000000000e-01, v13  }
0x214: {  	v12 =	vmul.f32 $1.500000000e+01, v12;
	v15 =	vmax.f32 v16, $0.0e+00;
	v16 =	vadd.f32 $-5.000000000e-01, v18  }
0x215: {  	[tilespmem:s30+$0x50] =	vst v17;
	v17 =	vmul.f32 $1.500000000e+01, v20;
	v15 =	vmin.f32 v15, $1.500000000e+01;
	v19 =	vadd.f32 $1.258291200e+07, v19  }
0x216: {  	v7 =	vmax.f32 v7, $0.0e+00;
	v20 =	vld [tilespmem:s31+$0x54];
	v21 =	vadd.f32 $-5.000000000e-01, v15;
	v16 =	vadd.f32 $1.258291200e+07, v16  }
0x217: {  	v12 =	vmax.f32 v12, $0.0e+00;
	v17 =	vmax.f32 v17, $0.0e+00;
	v19 =	vand.u32 $0xF, v19  }
0x218: {  	v21 =	vadd.f32 $1.258291200e+07, v21;
	v22 =	vperm.xlane v5, v19;
	v16 =	vand.u32 $0xF, v16  }
0x219: {  	v17 =	vmin.f32 v17, $1.500000000e+01;
	v19 =	vperm.xlane v4, v19;
	v23 =	vperm.xlane v5, v16  }
0x21a: {  	v16 =	vperm.xlane v4, v16;
	v21 =	vand.u32 $0xF, v21;
	v13 =	vmul.f32 v13, v22  }
0x21b: {  	v20 =	vmul.f32 $1.500000000e+01, v20;
	v22 =	vadd.f32 $-5.000000000e-01, v17;
	v38 =	vperm.xlane v5, v21  }
0x21c: {  	v12 =	vmin.f32 v12, $1.500000000e+01;
	v18 =	vmul.f32 v18, v23;
	v21 =	vperm.xlane v4, v21  }
0x21d: {  	v13 =	vadd.f32 v13, v19;
	v19 =	vadd.f32 $1.258291200e+07, v22;
	v15 =	vmul.f32 v15, v38  }
0x21e: {  	v7 =	vmin.f32 v7, $1.500000000e+01;
	v9 =	vadd.f32 $-5.000000000e-01, v12;
	v16 =	vadd.f32 v18, v16  }
0x21f: {  	v20 =	vmax.f32 v20, $0.0e+00;
	[tilespmem:s3+$0xFFFFFF50] =	vst v13;
	v13 =	vand.u32 $0xF, v19;
	v15 =	vadd.f32 v15, v21  }
0x220: {  	v19 =	vmin.f32 v20, $1.500000000e+01;
	v20 =	vadd.f32 $-5.000000000e-01, v7;
	v18 =	vld [tilespmem:s0+$0xFFFFFF54];
	v21 =	vperm.xlane v5, v13;
	[tilespmem:s3+$0xFFFFFFD0] =	vst v16  }
0x221: {  	v9 =	vadd.f32 $1.258291200e+07, v9;
	v16 =	vadd.f32 $-5.000000000e-01, v19;
	v22 =	vld [tilespmem:s0+$0xFFFFFFD4];
	[tilespmem:s3+$0x50] =	vst v15  }
0x222: {  	v13 =	vperm.xlane v4, v13;
	v15 =	vmul.f32 v17, v21;
	v17 =	vadd.f32 $1.258291200e+07, v20;
	v20 =	vld [tilespmem:s0+$0x54]  }
0x223: {  	v11 =	vperm.xlane v4, v11;
	v9 =	vand.u32 $0xF, v9;
	v16 =	vadd.f32 $1.258291200e+07, v16  }
0x224: {  	v21 =	vperm.xlane v5, v9;
	v13 =	vadd.f32 v15, v13;
	v15 =	vand.u32 $0xF, v17  }
0x225: {  	v8 =	vadd.f32 v8, v11;
	v17 =	vmul.f32 $1.500000000e+01, v18;
	v18 =	vperm.xlane v5, v15  }
0x226: {  	v9 =	vperm.xlane v4, v9;
	v16 =	vand.u32 $0xF, v16;
	v22 =	vmul.f32 $1.500000000e+01, v22  }
0x227: {  	v17 =	vmax.f32 v17, $0.0e+00;
	v7 =	vmul.f32 v7, v18;
	v18 =	vmul.f32 $1.500000000e+01, v20  }
0x228: {  	v12 =	vmul.f32 v12, v21;
	v17 =	vmin.f32 v17, $1.500000000e+01;
	v22 =	vmax.f32 v22, $0.0e+00  }
0x229: {  	v23 =	vadd.f32 $-5.000000000e-01, v17;
	v22 =	vmin.f32 v22, $1.500000000e+01;
	v18 =	vmax.f32 v18, $0.0e+00  }
0x22a: {  	v20 =	vperm.xlane v5, v16;
	v39 =	vadd.f32 $-5.000000000e-01, v22;
	v18 =	vmin.f32 v18, $1.500000000e+01  }
0x22b: {  	[tilespmem:s28+$0x54] =	vst v6;
	v15 =	vperm.xlane v4, v15;
	v23 =	vadd.f32 $1.258291200e+07, v23;
	v21 =	vadd.f32 $-5.000000000e-01, v18  }
0x22c: {  	[tilespmem:s29+$0xFFFFFFD4] =	vst v10;
	v10 =	vperm.xlane v4, v16;
	v6 =	vmul.f32 v19, v20;
	v19 =	vadd.f32 $1.258291200e+07, v39  }
0x22d: {  	v9 =	vadd.f32 v12, v9;
	v20 =	vand.u32 $0xF, v23;
	v11 =	vadd.f32 $1.258291200e+07, v21  }
0x22e: {  	[tilespmem:s29+$0xFFFFFF54] =	vst v14;
	v7 =	vadd.f32 v7, v15;
	v14 =	vperm.xlane v5, v20;
	v15 =	vand.u32 $0xF, v19  }
0x22f: {  	[tilespmem:s3+$0xD4] =	vst v13;
	v12 =	vperm.xlane v4, v20;
	v13 =	vperm.xlane v5, v15;
	v11 =	vand.u32 $0xF, v11  }
0x230: {  	[tilespmem:s29+$0x54] =	vst v8;
	v14 =	vmul.f32 v17, v14;
	v8 =	vperm.xlane v5, v11  }
0x231: {  	[tilespmem:s30+$0xFFFFFF54] =	vst v7;
	v6 =	vadd.f32 v6, v10;
	v7 =	vmul.f32 v22, v13;
	v13 =	vperm.xlane v4, v15  }
0x232: {  	[tilespmem:s30+$0xFFFFFFD4] =	vst v9;
	v9 =	vperm.xlane v4, v11;
	v10 =	vadd.f32 v14, v12;
	v8 =	vmul.f32 v18, v8  }
0x233: {  	[tilespmem:s30+$0x54] =	vst v6;
	v7 =	vadd.f32 v7, v13  }
0x234: {  	[tilespmem:s3+$0xFFFFFF54] =	vst v10;
	v6 =	vadd.f32 v8, v9  }
0x235: {  	[tilespmem:s3+$0xFFFFFFD4] =	vst v7  }
0x236: {  	[tilespmem:s3+$0x54] =	vst v6  }
0x237: {  	[hbm4b:s7+s2] =	stream.linear.scatter [tilespmem:s18], [sflag:$0x4], $0x4000, $0x38;
	[tilespmem:$0x18080] =	vst v63  }
0x238: {  	_ = 	snop  }
0x239: {  	[tilespmem:s2], [sflag:$0x1] =	stream.linear.gather [hbm4b:s8+s2], $0x4000, $0x38;
	[tilespmem:$0x18080] =	vst v63  }
0x23a: {  	_ =	swait.ge [sflag:s19], $0x4000  }
0x23b: {  	[sflag:s19] =	ssyncset.done $0x0  }
0x23c: {  	s13 =	simm.s32 $0x4100;
	[sflag:s19] =	ssyncadd.s32 $0xFFFFC000  }
0x23d: {  	v6 =	vld [tilespmem:s13+$0x80];
	_ =	sdelay $0x4  }
0x23e: {  	v6 =	vmul.f32 $1.500000000e+01, v6;
	_ =	sdelay $0x1  }
0x23f: {  	v6 =	vmax.f32 v6, $0.0e+00  }
0x240: {  	v6 =	vmin.f32 v6, $1.500000000e+01  }
0x241: {  	v7 =	vld [tilespmem:s13+$0xFFFFFF00];
	v8 =	vadd.f32 $-5.000000000e-01, v6;
	_ =	sdelay $0x1  }
0x242: {  	v8 =	vadd.f32 $1.258291200e+07, v8  }
0x243: {  	v9 =	vld [tilespmem:s13+$0xFFFFFF80]  }
0x244: {  	v10 =	vld [tilespmem:s13+$0x0];
	v8 =	vand.u32 $0xF, v8  }
0x245: {  	v7 =	vmul.f32 $1.500000000e+01, v7;
	v11 =	vperm.xlane v5, v8;
	_ =	sdelay $0x1  }
0x246: {  	v7 =	vmax.f32 v7, $0.0e+00;
	v8 =	vperm.xlane v4, v8;
	v6 =	vmul.f32 v6, v11  }
0x247: {  	v9 =	vmul.f32 $1.500000000e+01, v9;
	v7 =	vmin.f32 v7, $1.500000000e+01  }
0x248: {  	v11 =	vadd.f32 $-5.000000000e-01, v7;
	v6 =	vadd.f32 v6, v8;
	v8 =	vmul.f32 $1.500000000e+01, v10  }
0x249: {  	s28 =	simm.s32 $0x10100;
	v9 =	vmax.f32 v9, $0.0e+00  }
0x24a: {  	v10 =	vadd.f32 $1.258291200e+07, v11;
	[tilespmem:s28+$0x80] =	vst v6;
	v6 =	vmax.f32 v8, $0.0e+00;
	v8 =	vmin.f32 v9, $1.500000000e+01  }
0x24b: {  	v9 =	vld [tilespmem:s13+$0x90];
	v6 =	vmin.f32 v6, $1.500000000e+01;
	v11 =	vadd.f32 $-5.000000000e-01, v8  }
0x24c: {  	v10 =	vand.u32 $0xF, v10;
	v12 =	vadd.f32 $-5.000000000e-01, v6  }
0x24d: {  	v13 =	vperm.xlane v5, v10;
	v11 =	vadd.f32 $1.258291200e+07, v11  }
0x24e: {  	v12 =	vadd.f32 $1.258291200e+07, v12  }
0x24f: {  	v10 =	vperm.xlane v4, v10;
	v7 =	vmul.f32 v7, v13;
	v11 =	vand.u32 $0xF, v11  }
0x250: {  	v9 =	vmul.f32 $1.500000000e+01, v9;
	v13 =	vperm.xlane v5, v11;
	v12 =	vand.u32 $0xF, v12  }
0x251: {  	v7 =	vadd.f32 v7, v10;
	v14 =	vperm.xlane v5, v12  }
0x252: {  	v10 =	vperm.xlane v4, v11;
	v9 =	vmax.f32 v9, $0.0e+00;
	v8 =	vmul.f32 v8, v13  }
0x253: {  	v11 =	vperm.xlane v4, v12;
	[tilespmem:s28+$0xFFFFFF00] =	vst v7;
	v9 =	vmin.f32 v9, $1.500000000e+01;
	v6 =	vmul.f32 v6, v14  }
0x254: {  	v7 =	vadd.f32 $-5.000000000e-01, v9;
	v8 =	vadd.f32 v8, v10;
	v10 =	vld [tilespmem:s13+$0xFFFFFF10]  }
0x255: {  	v6 =	vadd.f32 v6, v11  }
0x256: {  	v7 =	vadd.f32 $1.258291200e+07, v7;
	[tilespmem:s28+$0xFFFFFF80] =	vst v8  }
0x257: {  	v8 =	vld [tilespmem:s13+$0xFFFFFF90];
	[tilespmem:s28+$0x0] =	vst v6  }
0x258: {  	v6 =	vand.u32 $0xF, v7;
	v7 =	vld [tilespmem:s13+$0x10]  }
0x259: {  	v11 =	vperm.xlane v5, v6;
	v10 =	vmul.f32 $1.500000000e+01, v10;
	_ =	sdelay $0x1  }
0x25a: {  	v6 =	vperm.xlane v4, v6;
	v9 =	vmul.f32 v9, v11;
	v10 =	vmax.f32 v10, $0.0e+00  }
0x25b: {  	v8 =	vmul.f32 $1.500000000e+01, v8;
	v10 =	vmin.f32 v10, $1.500000000e+01  }
0x25c: {  	v6 =	vadd.f32 v9, v6;
	v7 =	vmul.f32 $1.500000000e+01, v7;
	v9 =	vadd.f32 $-5.000000000e-01, v10  }
0x25d: {  	v8 =	vmax.f32 v8, $0.0e+00  }
0x25e: {  	[tilespmem:s28+$0x90] =	vst v6;
	v6 =	vmin.f32 v8, $1.500000000e+01;
	v7 =	vmax.f32 v7, $0.0e+00;
	v8 =	vadd.f32 $1.258291200e+07, v9  }
0x25f: {  	v9 =	vld [tilespmem:s13+$0xA0];
	v7 =	vmin.f32 v7, $1.500000000e+01;
	v11 =	vadd.f32 $-5.000000000e-01, v6  }
0x260: {  	v12 =	vadd.f32 $-5.000000000e-01, v7;
	v8 =	vand.u32 $0xF, v8  }
0x261: {  	v11 =	vadd.f32 $1.258291200e+07, v11;
	v13 =	vperm.xlane v5, v8  }
0x262: {  	v12 =	vadd.f32 $1.258291200e+07, v12  }
0x263: {  	v8 =	vperm.xlane v4, v8;
	v11 =	vand.u32 $0xF, v11;
	v10 =	vmul.f32 v10, v13  }
0x264: {  	v9 =	vmul.f32 $1.500000000e+01, v9;
	v12 =	vand.u32 $0xF, v12;
	v13 =	vperm.xlane v5, v11  }
0x265: {  	v14 =	vperm.xlane v5, v12;
	v8 =	vadd.f32 v10, v8  }
0x266: {  	v10 =	vperm.xlane v4, v11;
	v9 =	vmax.f32 v9, $0.0e+00;
	v6 =	vmul.f32 v6, v13  }
0x267: {  	v11 =	vperm.xlane v4, v12;
	v9 =	vmin.f32 v9, $1.500000000e+01;
	v7 =	vmul.f32 v7, v14;
	[tilespmem:s28+$0xFFFFFF10] =	vst v8  }
0x268: {  	v8 =	vadd.f32 $-5.000000000e-01, v9;
	v6 =	vadd.f32 v6, v10;
	v10 =	vld [tilespmem:s13+$0xFFFFFF20]  }
0x269: {  	v7 =	vadd.f32 v7, v11  }
0x26a: {  	v8 =	vadd.f32 $1.258291200e+07, v8;
	[tilespmem:s28+$0xFFFFFF90] =	vst v6  }
0x26b: {  	v6 =	vld [tilespmem:s13+$0xFFFFFFA0];
	[tilespmem:s28+$0x10] =	vst v7  }
0x26c: {  	v7 =	vand.u32 $0xF, v8;
	v8 =	vld [tilespmem:s13+$0x20]  }
0x26d: {  	v11 =	vperm.xlane v5, v7;
	v10 =	vmul.f32 $1.500000000e+01, v10;
	_ =	sdelay $0x1  }
0x26e: {  	v7 =	vperm.xlane v4, v7;
	v9 =	vmul.f32 v9, v11;
	v10 =	vmax.f32 v10, $0.0e+00  }
0x26f: {  	v6 =	vmul.f32 $1.500000000e+01, v6;
	v10 =	vmin.f32 v10, $1.500000000e+01  }
0x270: {  	v7 =	vadd.f32 v9, v7;
	v8 =	vmul.f32 $1.500000000e+01, v8;
	v9 =	vadd.f32 $-5.000000000e-01, v10  }
0x271: {  	v6 =	vmax.f32 v6, $0.0e+00  }
0x272: {  	[tilespmem:s28+$0xA0] =	vst v7;
	v6 =	vmin.f32 v6, $1.500000000e+01;
	v7 =	vmax.f32 v8, $0.0e+00;
	v8 =	vadd.f32 $1.258291200e+07, v9  }
0x273: {  	v9 =	vld [tilespmem:s13+$0xB0];
	v7 =	vmin.f32 v7, $1.500000000e+01;
	v11 =	vadd.f32 $-5.000000000e-01, v6  }
0x274: {  	v12 =	vadd.f32 $-5.000000000e-01, v7;
	v8 =	vand.u32 $0xF, v8  }
0x275: {  	v11 =	vadd.f32 $1.258291200e+07, v11;
	v13 =	vperm.xlane v5, v8  }
0x276: {  	v12 =	vadd.f32 $1.258291200e+07, v12  }
0x277: {  	v8 =	vperm.xlane v4, v8;
	v11 =	vand.u32 $0xF, v11;
	v10 =	vmul.f32 v10, v13  }
0x278: {  	v9 =	vmul.f32 $1.500000000e+01, v9;
	v12 =	vand.u32 $0xF, v12;
	v13 =	vperm.xlane v5, v11  }
0x279: {  	v14 =	vperm.xlane v5, v12;
	v8 =	vadd.f32 v10, v8  }
0x27a: {  	v10 =	vperm.xlane v4, v11;
	v9 =	vmax.f32 v9, $0.0e+00;
	v6 =	vmul.f32 v6, v13  }
0x27b: {  	v11 =	vperm.xlane v4, v12;
	v9 =	vmin.f32 v9, $1.500000000e+01;
	v7 =	vmul.f32 v7, v14  }
0x27c: {  	[tilespmem:s28+$0xFFFFFF20] =	vst v8;
	v8 =	vadd.f32 $-5.000000000e-01, v9;
	v6 =	vadd.f32 v6, v10  }
0x27d: {  	v10 =	vld [tilespmem:s13+$0xFFFFFF30];
	v7 =	vadd.f32 v7, v11  }
0x27e: {  	v8 =	vadd.f32 $1.258291200e+07, v8;
	[tilespmem:s28+$0xFFFFFFA0] =	vst v6  }
0x27f: {  	v6 =	vld [tilespmem:s13+$0xFFFFFFB0];
	[tilespmem:s28+$0x20] =	vst v7  }
0x280: {  	v7 =	vand.u32 $0xF, v8;
	v8 =	vld [tilespmem:s13+$0x30]  }
0x281: {  	v11 =	vperm.xlane v5, v7  }
0x282: {  	v10 =	vmul.f32 $1.500000000e+01, v10  }
0x283: {  	v7 =	vperm.xlane v4, v7;
	v9 =	vmul.f32 v9, v11  }
0x284: {  	v6 =	vmul.f32 $1.500000000e+01, v6  }
0x285: {  	s1 =	simm.s32 $0x4300;
	v10 =	vmax.f32 v10, $0.0e+00;
	v7 =	vadd.f32 v9, v7;
	v8 =	vmul.f32 $1.500000000e+01, v8  }
0x286: {  	v12 =	vld [tilespmem:s1+$0x80];
	v9 =	vmin.f32 v10, $1.500000000e+01;
	v6 =	vmax.f32 v6, $0.0e+00  }
0x287: {  	v10 =	vadd.f32 $-5.000000000e-01, v9;
	[tilespmem:s28+$0xB0] =	vst v7;
	v6 =	vmin.f32 v6, $1.500000000e+01;
	v7 =	vmax.f32 v8, $0.0e+00  }
0x288: {  	v8 =	vld [tilespmem:s13+$0xC0];
	v11 =	vadd.f32 $-5.000000000e-01, v6;
	v7 =	vmin.f32 v7, $1.500000000e+01  }
0x289: {  	v10 =	vadd.f32 $1.258291200e+07, v10;
	v13 =	vadd.f32 $-5.000000000e-01, v7  }
0x28a: {  	v11 =	vadd.f32 $1.258291200e+07, v11  }
0x28b: {  	v12 =	vmul.f32 $1.500000000e+01, v12;
	v10 =	vand.u32 $0xF, v10;
	v13 =	vadd.f32 $1.258291200e+07, v13  }
0x28c: {  	v14 =	vperm.xlane v4, v10;
	v10 =	vperm.xlane v5, v10;
	v11 =	vand.u32 $0xF, v11  }
0x28d: {  	v16 =	vld [tilespmem:s1+$0xFFFFFF00];
	v12 =	vmax.f32 v12, $0.0e+00;
	v8 =	vmul.f32 $1.500000000e+01, v8;
	v15 =	vperm.xlane v4, v11  }
0x28e: {  	v11 =	vperm.xlane v5, v11;
	v13 =	vand.u32 $0xF, v13;
	v9 =	vmul.f32 v9, v10;
	v10 =	vld [tilespmem:s1+$0xFFFFFF80]  }
0x28f: {  	v12 =	vmin.f32 v12, $1.500000000e+01;
	v17 =	vperm.xlane v5, v13  }
0x290: {  	v8 =	vmax.f32 v8, $0.0e+00;
	v6 =	vmul.f32 v6, v11;
	v11 =	vperm.xlane v4, v13  }
0x291: {  	v13 =	vadd.f32 $-5.000000000e-01, v12;
	v8 =	vmin.f32 v8, $1.500000000e+01;
	v7 =	vmul.f32 v7, v17  }
0x292: {  	v18 =	vadd.f32 $-5.000000000e-01, v8;
	v6 =	vadd.f32 v6, v15;
	v15 =	vmul.f32 $1.500000000e+01, v16  }
0x293: {  	v9 =	vadd.f32 v9, v14;
	v13 =	vadd.f32 $1.258291200e+07, v13;
	v10 =	vmul.f32 $1.500000000e+01, v10  }
0x294: {  	v7 =	vadd.f32 v7, v11;
	v11 =	vld [tilespmem:s1+$0x0];
	v14 =	vadd.f32 $1.258291200e+07, v18;
	v15 =	vmax.f32 v15, $0.0e+00  }
0x295: {  	v13 =	vand.u32 $0xF, v13;
	v10 =	vmax.f32 v10, $0.0e+00;
	v15 =	vmin.f32 v15, $1.500000000e+01  }
0x296: {  	v17 =	vperm.xlane v5, v13;
	v13 =	vperm.xlane v4, v13;
	v14 =	vand.u32 $0xF, v14  }
0x297: {  	v10 =	vmin.f32 v10, $1.500000000e+01;
	v18 =	vadd.f32 $-5.000000000e-01, v15;
	v16 =	vperm.xlane v5, v14  }
0x298: {  	v14 =	vperm.xlane v4, v14;
	v19 =	vadd.f32 $-5.000000000e-01, v10;
	v12 =	vmul.f32 v12, v17  }
0x299: {  	[tilespmem:s28+$0xFFFFFF30] =	vst v9;
	v9 =	vmul.f32 $1.500000000e+01, v11;
	v11 =	vadd.f32 $1.258291200e+07, v18;
	v8 =	vmul.f32 v8, v16  }
0x29a: {  	[tilespmem:s28+$0xFFFFFFB0] =	vst v6;
	v6 =	vadd.f32 $1.258291200e+07, v19;
	v12 =	vadd.f32 v12, v13  }
0x29b: {  	s29 =	simm.s32 $0x10300;
	[tilespmem:s28+$0x30] =	vst v7;
	v16 =	vld [tilespmem:s13+$0xFFFFFF40];
	v7 =	vadd.f32 v8, v14;
	v8 =	vmax.f32 v9, $0.0e+00;
	v9 =	vand.u32 $0xF, v11  }
0x29c: {  	v13 =	vld [tilespmem:s13+$0xFFFFFFC0];
	v6 =	vand.u32 $0xF, v6;
	[tilespmem:s29+$0x80] =	vst v12;
	v8 =	vmin.f32 v8, $1.500000000e+01;
	v14 =	vperm.xlane v5, v9  }
0x29d: {  	v12 =	vperm.xlane v5, v6;
	v17 =	vld [tilespmem:s1+$0x90];
	[tilespmem:s28+$0xC0] =	vst v7;
	v7 =	vadd.f32 $-5.000000000e-01, v8  }
0x29e: {  	v11 =	vld [tilespmem:s13+$0x40];
	v9 =	vperm.xlane v4, v9;
	v14 =	vmul.f32 v15, v14  }
0x29f: {  	v6 =	vperm.xlane v4, v6;
	v18 =	vld [tilespmem:s13+$0xD0];
	v10 =	vmul.f32 v10, v12;
	v7 =	vadd.f32 $1.258291200e+07, v7  }
0x2a0: {  	v12 =	vmul.f32 $1.500000000e+01, v16;
	v9 =	vadd.f32 v14, v9  }
0x2a1: {  	v13 =	vmul.f32 $1.500000000e+01, v13;
	v6 =	vadd.f32 v10, v6;
	v7 =	vand.u32 $0xF, v7  }
0x2a2: {  	v10 =	vmax.f32 v12, $0.0e+00;
	v12 =	vperm.xlane v5, v7;
	[tilespmem:s29+$0xFFFFFF00] =	vst v9;
	v9 =	vmul.f32 $1.500000000e+01, v17  }
0x2a3: {  	v13 =	vmax.f32 v13, $0.0e+00;
	v11 =	vmul.f32 $1.500000000e+01, v11;
	[tilespmem:s29+$0xFFFFFF80] =	vst v6;
	v7 =	vperm.xlane v4, v7;
	v15 =	vld [tilespmem:s1+$0xFFFFFF10]  }
0x2a4: {  	v14 =	vmul.f32 $1.500000000e+01, v18;
	v6 =	vmul.f32 v8, v12;
	v8 =	vld [tilespmem:s1+$0xFFFFFF90];
	v9 =	vmax.f32 v9, $0.0e+00  }
0x2a5: {  	v10 =	vmin.f32 v10, $1.500000000e+01;
	v13 =	vmin.f32 v13, $1.500000000e+01;
	v9 =	vmin.f32 v9, $1.500000000e+01  }
0x2a6: {  	v12 =	vmax.f32 v14, $0.0e+00;
	v6 =	vadd.f32 v6, v7;
	v7 =	vadd.f32 $-5.000000000e-01, v9  }
0x2a7: {  	v11 =	vmax.f32 v11, $0.0e+00;
	v17 =	vadd.f32 $-5.000000000e-01, v13;
	v12 =	vmin.f32 v12, $1.500000000e+01  }
0x2a8: {  	v14 =	vadd.f32 $-5.000000000e-01, v12;
	[tilespmem:s29+$0x0] =	vst v6;
	v6 =	vmul.f32 $1.500000000e+01, v15;
	v7 =	vadd.f32 $1.258291200e+07, v7  }
0x2a9: {  	v11 =	vmin.f32 v11, $1.500000000e+01;
	v15 =	vadd.f32 $-5.000000000e-01, v10;
	v16 =	vld [tilespmem:s1+$0x10];
	v8 =	vmul.f32 $1.500000000e+01, v8  }
0x2aa: {  	v14 =	vadd.f32 $1.258291200e+07, v14;
	v6 =	vmax.f32 v6, $0.0e+00;
	v7 =	vand.u32 $0xF, v7  }
0x2ab: {  	v6 =	vmin.f32 v6, $1.500000000e+01;
	v8 =	vmax.f32 v8, $0.0e+00;
	v18 =	vperm.xlane v5, v7  }
0x2ac: {  	v15 =	vadd.f32 $1.258291200e+07, v15;
	v8 =	vmin.f32 v8, $1.500000000e+01;
	v19 =	vadd.f32 $-5.000000000e-01, v6  }
0x2ad: {  	v7 =	vperm.xlane v4, v7;
	v20 =	vadd.f32 $-5.000000000e-01, v8;
	v9 =	vmul.f32 v9, v18  }
0x2ae: {  	v14 =	vand.u32 $0xF, v14;
	v16 =	vmul.f32 $1.500000000e+01, v16;
	v19 =	vadd.f32 $1.258291200e+07, v19  }
0x2af: {  	v21 =	vperm.xlane v5, v14;
	v20 =	vadd.f32 $1.258291200e+07, v20;
	v7 =	vadd.f32 v9, v7  }
0x2b0: {  	v9 =	vperm.xlane v4, v14;
	v14 =	vmax.f32 v16, $0.0e+00;
	v16 =	vand.u32 $0xF, v19  }
0x2b1: {  	v14 =	vmin.f32 v14, $1.500000000e+01;
	v19 =	vand.u32 $0xF, v20;
	v20 =	vperm.xlane v5, v16;
	[tilespmem:s29+$0x90] =	vst v7  }
0x2b2: {  	v7 =	vmul.f32 v12, v21;
	v16 =	vperm.xlane v4, v16;
	v12 =	vadd.f32 $-5.000000000e-01, v14;
	v22 =	vld [tilespmem:s1+$0xA0]  }
0x2b3: {  	v18 =	vadd.f32 $-5.000000000e-01, v11;
	v21 =	vperm.xlane v5, v19;
	v6 =	vmul.f32 v6, v20  }
0x2b4: {  	v7 =	vadd.f32 v7, v9;
	v9 =	vadd.f32 $1.258291200e+07, v12  }
0x2b5: {  	v8 =	vmul.f32 v8, v21;
	v12 =	vperm.xlane v4, v19;
	v6 =	vadd.f32 v6, v16  }
0x2b6: {  	v16 =	vadd.f32 $1.258291200e+07, v17;
	v17 =	vadd.f32 $1.258291200e+07, v18  }
0x2b7: {  	v9 =	vand.u32 $0xF, v9;
	v8 =	vadd.f32 v8, v12;
	[tilespmem:s29+$0xFFFFFF10] =	vst v6;
	v6 =	vmul.f32 $1.500000000e+01, v22  }
0x2b8: {  	v12 =	vand.u32 $0xF, v15;
	v15 =	vperm.xlane v5, v9;
	v16 =	vand.u32 $0xF, v16  }
0x2b9: {  	v17 =	vand.u32 $0xF, v17;
	v9 =	vperm.xlane v4, v9;
	v18 =	vld [tilespmem:s1+$0xFFFFFF20];
	[tilespmem:s29+$0xFFFFFF90] =	vst v8;
	v6 =	vmax.f32 v6, $0.0e+00  }
0x2ba: {  	[tilespmem:s28+$0xD0] =	vst v7;
	v19 =	vperm.xlane v5, v16;
	v8 =	vmul.f32 v14, v15;
	v14 =	vld [tilespmem:s1+$0xFFFFFFA0];
	v6 =	vmin.f32 v6, $1.500000000e+01  }
0x2bb: {  	v7 =	vld [tilespmem:s13+$0xD4];
	v21 =	vperm.xlane v5, v17;
	v15 =	vperm.xlane v5, v12;
	v20 =	vadd.f32 $-5.000000000e-01, v6  }
0x2bc: {  	v16 =	vperm.xlane v4, v16;
	v17 =	vperm.xlane v4, v17;
	v8 =	vadd.f32 v8, v9  }
0x2bd: {  	v12 =	vperm.xlane v4, v12;
	v9 =	vmul.f32 v10, v15;
	v15 =	vadd.f32 $1.258291200e+07, v20  }
0x2be: {  	v13 =	vmul.f32 v13, v19;
	v10 =	vmul.f32 $1.500000000e+01, v18;
	[tilespmem:s29+$0x10] =	vst v8  }
0x2bf: {  	v11 =	vmul.f32 v11, v21;
	v8 =	vld [tilespmem:s1+$0x20];
	v14 =	vmul.f32 $1.500000000e+01, v14;
	v15 =	vand.u32 $0xF, v15  }
0x2c0: {  	v7 =	vmul.f32 $1.500000000e+01, v7;
	v10 =	vmax.f32 v10, $0.0e+00;
	v18 =	vperm.xlane v5, v15  }
0x2c1: {  	v10 =	vmin.f32 v10, $1.500000000e+01;
	v14 =	vmax.f32 v14, $0.0e+00;
	v15 =	vperm.xlane v4, v15  }
0x2c2: {  	v19 =	vadd.f32 $-5.000000000e-01, v10;
	v14 =	vmin.f32 v14, $1.500000000e+01;
	v6 =	vmul.f32 v6, v18  }
0x2c3: {  	v7 =	vmax.f32 v7, $0.0e+00;
	v9 =	vadd.f32 v9, v12;
	v12 =	vadd.f32 $-5.000000000e-01, v14  }
0x2c4: {  	v8 =	vmul.f32 $1.500000000e+01, v8;
	v18 =	vadd.f32 $1.258291200e+07, v19;
	v6 =	vadd.f32 v6, v15  }
0x2c5: {  	v13 =	vadd.f32 v13, v16;
	v11 =	vadd.f32 v11, v17;
	v7 =	vmin.f32 v7, $1.500000000e+01;
	[tilespmem:s28+$0xFFFFFF40] =	vst v9  }
0x2c6: {  	v9 =	vadd.f32 $1.258291200e+07, v12;
	v12 =	vld [tilespmem:s13+$0xFFFFFF50];
	v8 =	vmax.f32 v8, $0.0e+00;
	v15 =	vand.u32 $0xF, v18;
	[tilespmem:s29+$0xA0] =	vst v6  }
0x2c7: {  	[tilespmem:s28+$0xFFFFFFC0] =	vst v13;
	v16 =	vadd.f32 $-5.000000000e-01, v7;
	v6 =	vmin.f32 v8, $1.500000000e+01;
	v8 =	vperm.xlane v5, v15;
	v13 =	vld [tilespmem:s1+$0xB0]  }
0x2c8: {  	[tilespmem:s28+$0x40] =	vst v11;
	v9 =	vand.u32 $0xF, v9;
	v11 =	vperm.xlane v4, v15;
	v18 =	vadd.f32 $-5.000000000e-01, v6  }
0x2c9: {  	v17 =	vld [tilespmem:s13+$0xFFFFFFD0];
	v19 =	vperm.xlane v5, v9;
	v8 =	vmul.f32 v10, v8  }
0x2ca: {  	v9 =	vperm.xlane v4, v9;
	v10 =	vadd.f32 $1.258291200e+07, v16;
	v16 =	vadd.f32 $1.258291200e+07, v18  }
0x2cb: {  	v14 =	vmul.f32 v14, v19;
	v8 =	vadd.f32 v8, v11;
	v11 =	vmul.f32 $1.500000000e+01, v12  }
0x2cc: {  	v15 =	vld [tilespmem:s13+$0x50];
	v16 =	vand.u32 $0xF, v16;
	v12 =	vmul.f32 $1.500000000e+01, v13  }
0x2cd: {  	[tilespmem:s29+$0xFFFFFF20] =	vst v8;
	v8 =	vadd.f32 v14, v9;
	v9 =	vmax.f32 v11, $0.0e+00;
	v11 =	vperm.xlane v5, v16  }
0x2ce: {  	v13 =	vmul.f32 $1.500000000e+01, v17;
	v14 =	vld [tilespmem:s1+$0xFFFFFF30]  }
0x2cf: {  	v9 =	vmin.f32 v9, $1.500000000e+01;
	v12 =	vmax.f32 v12, $0.0e+00;
	[tilespmem:s29+$0xFFFFFFA0] =	vst v8;
	v6 =	vmul.f32 v6, v11  }
0x2d0: {  	v11 =	vperm.xlane v4, v16;
	v17 =	vadd.f32 $-5.000000000e-01, v9;
	v8 =	vmin.f32 v12, $1.500000000e+01;
	v12 =	vld [tilespmem:s1+$0xFFFFFFB0]  }
0x2d1: {  	v10 =	vand.u32 $0xF, v10;
	v15 =	vmul.f32 $1.500000000e+01, v15;
	v16 =	vadd.f32 $-5.000000000e-01, v8  }
0x2d2: {  	v13 =	vmax.f32 v13, $0.0e+00;
	v6 =	vadd.f32 v6, v11;
	v17 =	vadd.f32 $1.258291200e+07, v17  }
0x2d3: {  	v13 =	vmin.f32 v13, $1.500000000e+01;
	v11 =	vadd.f32 $1.258291200e+07, v16;
	v14 =	vmul.f32 $1.500000000e+01, v14  }
0x2d4: {  	v15 =	vmax.f32 v15, $0.0e+00;
	v16 =	vadd.f32 $-5.000000000e-01, v13;
	[tilespmem:s29+$0x20] =	vst v6;
	v17 =	vand.u32 $0xF, v17  }
0x2d5: {  	v6 =	vand.u32 $0xF, v11;
	v11 =	vld [tilespmem:s1+$0x30];
	v14 =	vmax.f32 v14, $0.0e+00;
	v12 =	vmul.f32 $1.500000000e+01, v12  }
0x2d6: {  	v16 =	vadd.f32 $1.258291200e+07, v16;
	v19 =	vperm.xlane v5, v6;
	v14 =	vmin.f32 v14, $1.500000000e+01  }
0x2d7: {  	v6 =	vperm.xlane v4, v6;
	v12 =	vmax.f32 v12, $0.0e+00;
	v20 =	vadd.f32 $-5.000000000e-01, v14  }
0x2d8: {  	v16 =	vand.u32 $0xF, v16;
	v8 =	vmul.f32 v8, v19;
	v12 =	vmin.f32 v12, $1.500000000e+01  }
0x2d9: {  	v19 =	vperm.xlane v5, v17;
	v21 =	vadd.f32 $-5.000000000e-01, v12;
	v20 =	vadd.f32 $1.258291200e+07, v20  }
0x2da: {  	v6 =	vadd.f32 v8, v6;
	v8 =	vperm.xlane v5, v16;
	v11 =	vmul.f32 $1.500000000e+01, v11  }
0x2db: {  	v17 =	vperm.xlane v4, v17;
	v9 =	vmul.f32 v9, v19;
	v19 =	vadd.f32 $1.258291200e+07, v21  }
0x2dc: {  	[tilespmem:s29+$0xB0] =	vst v6;
	v6 =	vmul.f32 v13, v8;
	v8 =	vmax.f32 v11, $0.0e+00;
	v11 =	vand.u32 $0xF, v20  }
0x2dd: {  	v15 =	vmin.f32 v15, $1.500000000e+01;
	v9 =	vadd.f32 v9, v17;
	v20 =	vperm.xlane v5, v11  }
0x2de: {  	v13 =	vld [tilespmem:s1+$0xC0];
	v19 =	vand.u32 $0xF, v19;
	v21 =	vmin.f32 v8, $1.500000000e+01;
	v8 =	vperm.xlane v4, v16  }
0x2df: {  	v18 =	vadd.f32 $-5.000000000e-01, v15;
	v11 =	vperm.xlane v4, v11;
	v16 =	vperm.xlane v5, v19  }
0x2e0: {  	v17 =	vperm.xlane v4, v19;
	[tilespmem:s28+$0xFFFFFF50] =	vst v9;
	v9 =	vperm.xlane v5, v10  }
0x2e1: {  	v18 =	vadd.f32 $1.258291200e+07, v18;
	v10 =	vperm.xlane v4, v10;
	v14 =	vmul.f32 v14, v20  }
0x2e2: {  	v6 =	vadd.f32 v6, v8;
	v8 =	vadd.f32 $-5.000000000e-01, v21;
	v12 =	vmul.f32 v12, v16  }
0x2e3: {  	v11 =	vadd.f32 v14, v11;
	v14 =	vand.u32 $0xF, v18;
	v13 =	vmul.f32 $1.500000000e+01, v13  }
0x2e4: {  	s31 =	simm.s32 $0x4500;
	v7 =	vmul.f32 v7, v9;
	[tilespmem:s28+$0xFFFFFFD0] =	vst v6;
	v6 =	vperm.xlane v5, v14  }
0x2e5: {  	v19 =	vld [tilespmem:s31+$0x80];
	v8 =	vadd.f32 $1.258291200e+07, v8;
	v12 =	vadd.f32 v12, v17;
	[tilespmem:s29+$0xFFFFFF30] =	vst v11;
	v11 =	vmax.f32 v13, $0.0e+00  }
0x2e6: {  	v14 =	vperm.xlane v4, v14;
	v13 =	vld [tilespmem:s13+$0xFFFFFFD4];
	v6 =	vmul.f32 v15, v6;
	v11 =	vmin.f32 v11, $1.500000000e+01  }
0x2e7: {  	[tilespmem:s29+$0xFFFFFFB0] =	vst v12;
	v12 =	vand.u32 $0xF, v8;
	v8 =	vadd.f32 v7, v10;
	v10 =	vld [tilespmem:s31+$0xFFFFFF80];
	v17 =	vadd.f32 $-5.000000000e-01, v11  }
0x2e8: {  	v16 =	vld [tilespmem:s13+$0xFFFFFF54];
	v18 =	vperm.xlane v5, v12  }
0x2e9: {  	v14 =	vadd.f32 v6, v14;
	v6 =	vld [tilespmem:s31+$0x0];
	v7 =	vadd.f32 $1.258291200e+07, v17  }
0x2ea: {  	v12 =	vperm.xlane v4, v12;
	v17 =	vmul.f32 v21, v18;
	v18 =	vld [tilespmem:s31+$0xFFFFFF00]  }
0x2eb: {  	v19 =	vmul.f32 $1.500000000e+01, v19;
	v13 =	vmul.f32 $1.500000000e+01, v13;
	v20 =	vand.u32 $0xF, v7  }
0x2ec: {  	v9 =	vld [tilespmem:s1+$0xFFFFFF40];
	v10 =	vmul.f32 $1.500000000e+01, v10;
	v12 =	vadd.f32 v17, v12;
	v17 =	vperm.xlane v5, v20  }
0x2ed: {  	v15 =	vld [tilespmem:s1+$0xFFFFFFC0];
	v16 =	vmul.f32 $1.500000000e+01, v16;
	v7 =	vmax.f32 v13, $0.0e+00;
	v13 =	vperm.xlane v4, v20  }
0x2ee: {  	v6 =	vmul.f32 $1.500000000e+01, v6;
	v10 =	vmax.f32 v10, $0.0e+00;
	v11 =	vmul.f32 v11, v17  }
0x2ef: {  	v10 =	vmin.f32 v10, $1.500000000e+01;
	v17 =	vmax.f32 v19, $0.0e+00;
	v18 =	vmul.f32 $1.500000000e+01, v18  }
0x2f0: {  	v19 =	vmax.f32 v6, $0.0e+00;
	v17 =	vmin.f32 v17, $1.500000000e+01;
	v11 =	vadd.f32 v11, v13  }
0x2f1: {  	v13 =	vadd.f32 $-5.000000000e-01, v17;
	v6 =	vmax.f32 v18, $0.0e+00;
	v18 =	vadd.f32 $-5.000000000e-01, v10  }
0x2f2: {  	v16 =	vmax.f32 v16, $0.0e+00;
	v9 =	vmul.f32 $1.500000000e+01, v9;
	v15 =	vmul.f32 $1.500000000e+01, v15;
	[tilespmem:s29+$0xC0] =	vst v11  }
0x2f3: {  	v11 =	vmin.f32 v6, $1.500000000e+01;
	v13 =	vadd.f32 $1.258291200e+07, v13;
	v18 =	vadd.f32 $1.258291200e+07, v18;
	v20 =	vld [tilespmem:s1+$0xD0]  }
0x2f4: {  	v6 =	vmin.f32 v16, $1.500000000e+01;
	v16 =	vmin.f32 v19, $1.500000000e+01;
	v19 =	vadd.f32 $-5.000000000e-01, v11  }
0x2f5: {  	v21 =	vadd.f32 $-5.000000000e-01, v16;
	v13 =	vand.u32 $0xF, v13;
	v18 =	vand.u32 $0xF, v18  }
0x2f6: {  	v19 =	vadd.f32 $1.258291200e+07, v19;
	v22 =	vperm.xlane v5, v13;
	v13 =	vperm.xlane v4, v13  }
0x2f7: {  	[tilespmem:s29+$0x30] =	vst v12;
	v12 =	vadd.f32 $1.258291200e+07, v21;
	v23 =	vperm.xlane v5, v18;
	v18 =	vperm.xlane v4, v18  }
0x2f8: {  	v9 =	vmax.f32 v9, $0.0e+00;
	v21 =	vld [tilespmem:s1+$0x40];
	v17 =	vmul.f32 v17, v22;
	v20 =	vmul.f32 $1.500000000e+01, v20  }
0x2f9: {  	v19 =	vand.u32 $0xF, v19;
	v12 =	vand.u32 $0xF, v12;
	v10 =	vmul.f32 v10, v23  }
0x2fa: {  	v22 =	vperm.xlane v5, v19;
	v13 =	vadd.f32 v17, v13;
	v17 =	vmax.f32 v20, $0.0e+00  }
0x2fb: {  	s30 =	simm.s32 $0x10500;
	[tilespmem:s28+$0x50] =	vst v14;
	v40 =	vperm.xlane v5, v12;
	v12 =	vperm.xlane v4, v12;
	v14 =	vmin.f32 v17, $1.500000000e+01  }
0x2fc: {  	v11 =	vmul.f32 v11, v22;
	v17 =	vperm.xlane v4, v19;
	v19 =	vld [tilespmem:s13+$0x54];
	[tilespmem:s30+$0x80] =	vst v13;
	v13 =	vadd.f32 $-5.000000000e-01, v14  }
0x2fd: {  	v15 =	vmax.f32 v15, $0.0e+00;
	v20 =	vmul.f32 $1.500000000e+01, v21;
	v16 =	vmul.f32 v16, v40;
	v21 =	vld [tilespmem:s31+$0x90]  }
0x2fe: {  	v9 =	vmin.f32 v9, $1.500000000e+01;
	v11 =	vadd.f32 v11, v17;
	v13 =	vadd.f32 $1.258291200e+07, v13  }
0x2ff: {  	v15 =	vmin.f32 v15, $1.500000000e+01;
	v10 =	vadd.f32 v10, v18;
	v12 =	vadd.f32 v16, v12  }
0x300: {  	v17 =	vmax.f32 v20, $0.0e+00;
	v20 =	vadd.f32 $-5.000000000e-01, v15;
	[tilespmem:s30+$0xFFFFFF00] =	vst v11;
	v13 =	vand.u32 $0xF, v13  }
0x301: {  	[tilespmem:s30+$0xFFFFFF80] =	vst v10;
	v11 =	vmin.f32 v17, $1.500000000e+01;
	v17 =	vadd.f32 $-5.000000000e-01, v9;
	v16 =	vld [tilespmem:s31+$0xFFFFFF10];
	v18 =	vperm.xlane v5, v13  }
0x302: {  	[tilespmem:s30+$0x0] =	vst v12;
	v10 =	vmul.f32 $1.500000000e+01, v19;
	v19 =	vld [tilespmem:s31+$0xFFFFFF90];
	v22 =	vadd.f32 $-5.000000000e-01, v11;
	v12 =	vmul.f32 $1.500000000e+01, v21  }
0x303: {  	v13 =	vperm.xlane v4, v13;
	v17 =	vadd.f32 $1.258291200e+07, v17;
	v14 =	vmul.f32 v14, v18  }
0x304: {  	v21 =	vmax.f32 v10, $0.0e+00;
	v10 =	vld [tilespmem:s31+$0x10];
	v18 =	vadd.f32 $1.258291200e+07, v20;
	v12 =	vmax.f32 v12, $0.0e+00  }
0x305: {  	v17 =	vand.u32 $0xF, v17;
	v12 =	vmin.f32 v12, $1.500000000e+01;
	v13 =	vadd.f32 v14, v13  }
0x306: {  	v14 =	vmul.f32 $1.500000000e+01, v16;
	v16 =	vadd.f32 $1.258291200e+07, v22;
	v20 =	vadd.f32 $-5.000000000e-01, v12  }
0x307: {  	v19 =	vmul.f32 $1.500000000e+01, v19;
	v18 =	vand.u32 $0xF, v18;
	v22 =	vperm.xlane v5, v17  }
0x308: {  	v17 =	vperm.xlane v4, v17;
	[tilespmem:s29+$0xD0] =	vst v13;
	v13 =	vmax.f32 v14, $0.0e+00;
	v14 =	vadd.f32 $1.258291200e+07, v20  }
0x309: {  	v45 =	vperm.xlane v5, v18;
	v10 =	vmul.f32 $1.500000000e+01, v10;
	v19 =	vmax.f32 v19, $0.0e+00;
	v20 =	vld [tilespmem:s1+$0xD4]  }
0x30a: {  	v13 =	vmin.f32 v13, $1.500000000e+01;
	v19 =	vmin.f32 v19, $1.500000000e+01;
	v14 =	vand.u32 $0xF, v14  }
0x30b: {  	v10 =	vmax.f32 v10, $0.0e+00;
	v23 =	vadd.f32 $-5.000000000e-01, v13;
	v41 =	vperm.xlane v5, v14  }
0x30c: {  	v42 =	vadd.f32 $-5.000000000e-01, v19;
	v10 =	vmin.f32 v10, $1.500000000e+01;
	v14 =	vperm.xlane v4, v14  }
0x30d: {  	v43 =	vadd.f32 $-5.000000000e-01, v10;
	v23 =	vadd.f32 $1.258291200e+07, v23;
	v12 =	vmul.f32 v12, v41  }
0x30e: {  	v22 =	vmul.f32 v9, v22;
	v44 =	vadd.f32 $1.258291200e+07, v42;
	v20 =	vmul.f32 $1.500000000e+01, v20  }
0x30f: {  	v26 =	vadd.f32 $1.258291200e+07, v43;
	v23 =	vand.u32 $0xF, v23;
	v12 =	vadd.f32 v12, v14  }
0x310: {  	v47 =	vperm.xlane v5, v23;
	v23 =	vperm.xlane v4, v23;
	v14 =	vmax.f32 v20, $0.0e+00  }
0x311: {  	v20 =	vand.u32 $0xF, v44;
	v46 =	vand.u32 $0xF, v26;
	v14 =	vmin.f32 v14, $1.500000000e+01;
	[tilespmem:s30+$0x90] =	vst v12  }
0x312: {  	v48 =	vperm.xlane v5, v20;
	v13 =	vmul.f32 v13, v47;
	v12 =	vadd.f32 $-5.000000000e-01, v14;
	v29 =	vld [tilespmem:s31+$0xA0]  }
0x313: {  	v16 =	vand.u32 $0xF, v16;
	v49 =	vperm.xlane v5, v46;
	v20 =	vperm.xlane v4, v20  }
0x314: {  	v19 =	vmul.f32 v19, v48;
	v13 =	vadd.f32 v13, v23;
	v12 =	vadd.f32 $1.258291200e+07, v12  }
0x315: {  	v9 =	vmin.f32 v7, $1.500000000e+01;
	v10 =	vmul.f32 v10, v49;
	v23 =	vperm.xlane v4, v46  }
0x316: {  	v50 =	vperm.xlane v5, v16;
	v19 =	vadd.f32 v19, v20;
	[tilespmem:s30+$0xFFFFFF10] =	vst v13;
	v12 =	vand.u32 $0xF, v12  }
0x317: {  	v10 =	vadd.f32 v10, v23;
	v20 =	vld [tilespmem:s31+$0xFFFFFF20];
	v7 =	vperm.xlane v5, v12;
	v13 =	vmul.f32 $1.500000000e+01, v29  }
0x318: {  	v18 =	vperm.xlane v4, v18;
	v23 =	vmul.f32 v11, v50;
	[tilespmem:s30+$0xFFFFFF90] =	vst v19  }
0x319: {  	v11 =	vperm.xlane v4, v12;
	[tilespmem:s30+$0x10] =	vst v10;
	v12 =	vld [tilespmem:s31+$0xFFFFFFA0];
	v7 =	vmul.f32 v14, v7;
	v10 =	vmax.f32 v13, $0.0e+00  }
0x31a: {  	v15 =	vmul.f32 v15, v45;
	v17 =	vadd.f32 v22, v17;
	v13 =	vld [tilespmem:s31+$0x20];
	v51 =	vmin.f32 v10, $1.500000000e+01  }
0x31b: {  	v16 =	vperm.xlane v4, v16;
	v10 =	vadd.f32 v7, v11;
	v7 =	vadd.f32 $-5.000000000e-01, v51  }
0x31c: {  	v15 =	vadd.f32 v15, v18;
	v19 =	vadd.f32 $-5.000000000e-01, v6;
	v18 =	vmul.f32 $1.500000000e+01, v20  }
0x31d: {  	v16 =	vadd.f32 v23, v16;
	v7 =	vadd.f32 $1.258291200e+07, v7  }
0x31e: {  	[tilespmem:s29+$0xFFFFFFC0] =	vst v15;
	v11 =	vmin.f32 v21, $1.500000000e+01;
	v12 =	vmul.f32 $1.500000000e+01, v12;
	v18 =	vmax.f32 v18, $0.0e+00  }
0x31f: {  	v22 =	vld [tilespmem:s1+$0xFFFFFFD0];
	v13 =	vmul.f32 $1.500000000e+01, v13;
	v18 =	vmin.f32 v18, $1.500000000e+01;
	v7 =	vand.u32 $0xF, v7  }
0x320: {  	[tilespmem:s29+$0xFFFFFF40] =	vst v17;
	v12 =	vmax.f32 v12, $0.0e+00;
	v15 =	vadd.f32 $-5.000000000e-01, v18;
	v21 =	vperm.xlane v5, v7  }
0x321: {  	v20 =	vld [tilespmem:s1+$0xFFFFFF50];
	v13 =	vmax.f32 v13, $0.0e+00;
	v12 =	vmin.f32 v12, $1.500000000e+01;
	v7 =	vperm.xlane v4, v7  }
0x322: {  	v13 =	vmin.f32 v13, $1.500000000e+01;
	v23 =	vadd.f32 $-5.000000000e-01, v12;
	v21 =	vmul.f32 v51, v21  }
0x323: {  	[tilespmem:s29+$0x40] =	vst v16;
	v15 =	vadd.f32 $1.258291200e+07, v15;
	v16 =	vadd.f32 $-5.000000000e-01, v13  }
0x324: {  	v22 =	vmul.f32 $1.500000000e+01, v22;
	v14 =	vadd.f32 $-5.000000000e-01, v9;
	v7 =	vadd.f32 v21, v7  }
0x325: {  	v52 =	vld [tilespmem:s1+$0x50];
	v15 =	vand.u32 $0xF, v15;
	v21 =	vadd.f32 $1.258291200e+07, v23;
	v16 =	vadd.f32 $1.258291200e+07, v16  }
0x326: {  	v19 =	vadd.f32 $1.258291200e+07, v19;
	v20 =	vmul.f32 $1.500000000e+01, v20;
	[tilespmem:s30+$0xA0] =	vst v7;
	v7 =	vperm.xlane v5, v15  }
0x327: {  	v21 =	vand.u32 $0xF, v21;
	v16 =	vand.u32 $0xF, v16;
	v15 =	vperm.xlane v4, v15;
	v23 =	vld [tilespmem:s31+$0xB0]  }
0x328: {  	v14 =	vadd.f32 $1.258291200e+07, v14;
	v53 =	vperm.xlane v5, v21;
	v54 =	vperm.xlane v5, v16  }
0x329: {  	v20 =	vmax.f32 v20, $0.0e+00;
	v16 =	vperm.xlane v4, v16;
	v7 =	vmul.f32 v18, v7  }
0x32a: {  	v20 =	vmin.f32 v20, $1.500000000e+01;
	v18 =	vmul.f32 $1.500000000e+01, v52;
	v13 =	vmul.f32 v13, v54  }
0x32b: {  	v12 =	vmul.f32 v12, v53;
	v7 =	vadd.f32 v7, v15;
	v15 =	vperm.xlane v4, v21  }
0x32c: {  	v21 =	vmax.f32 v22, $0.0e+00;
	v13 =	vadd.f32 v13, v16;
	v22 =	vmul.f32 $1.500000000e+01, v23  }
0x32d: {  	[tilespmem:s30+$0xFFFFFF20] =	vst v7;
	v7 =	vadd.f32 v12, v15;
	v12 =	vmax.f32 v18, $0.0e+00;
	v18 =	vadd.f32 $-5.000000000e-01, v20  }
0x32e: {  	v17 =	vadd.f32 $-5.000000000e-01, v11;
	v15 =	vmin.f32 v21, $1.500000000e+01;
	v21 =	vld [tilespmem:s31+$0xFFFFFF30];
	v12 =	vmin.f32 v12, $1.500000000e+01;
	[tilespmem:s30+$0x20] =	vst v13  }
0x32f: {  	v16 =	vmax.f32 v22, $0.0e+00;
	[tilespmem:s30+$0xFFFFFFA0] =	vst v7;
	v7 =	vadd.f32 $-5.000000000e-01, v15;
	v18 =	vadd.f32 $1.258291200e+07, v18;
	v55 =	vld [tilespmem:s31+$0x30]  }
0x330: {  	v14 =	vand.u32 $0xF, v14;
	v22 =	vadd.f32 $-5.000000000e-01, v12;
	v16 =	vmin.f32 v16, $1.500000000e+01  }
0x331: {  	v13 =	vadd.f32 $-5.000000000e-01, v16;
	v7 =	vadd.f32 $1.258291200e+07, v7;
	v18 =	vand.u32 $0xF, v18  }
0x332: {  	v17 =	vadd.f32 $1.258291200e+07, v17;
	v23 =	vld [tilespmem:s31+$0xFFFFFFB0];
	v22 =	vadd.f32 $1.258291200e+07, v22;
	v56 =	vperm.xlane v5, v18  }
0x333: {  	v13 =	vadd.f32 $1.258291200e+07, v13;
	v21 =	vmul.f32 $1.500000000e+01, v21;
	v7 =	vand.u32 $0xF, v7  }
0x334: {  	v22 =	vand.u32 $0xF, v22;
	v57 =	vperm.xlane v5, v7;
	v24 =	vmul.f32 $1.500000000e+01, v55  }
0x335: {  	v20 =	vmul.f32 v20, v56;
	v61 =	vperm.xlane v5, v22;
	v13 =	vand.u32 $0xF, v13  }
0x336: {  	v7 =	vperm.xlane v4, v7;
	v21 =	vmax.f32 v21, $0.0e+00;
	v58 =	vperm.xlane v5, v13  }
0x337: {  	v23 =	vmul.f32 $1.500000000e+01, v23;
	v21 =	vmin.f32 v21, $1.500000000e+01;
	v15 =	vmul.f32 v15, v57  }
0x338: {  	v13 =	vperm.xlane v4, v13;
	v24 =	vmax.f32 v24, $0.0e+00;
	v16 =	vmul.f32 v16, v58  }
0x339: {  	v23 =	vmax.f32 v23, $0.0e+00;
	v59 =	vadd.f32 $-5.000000000e-01, v21;
	v7 =	vadd.f32 v15, v7  }
0x33a: {  	v12 =	vmul.f32 v12, v61;
	v23 =	vmin.f32 v23, $1.500000000e+01;
	v13 =	vadd.f32 v16, v13  }
0x33b: {  	v24 =	vmin.f32 v24, $1.500000000e+01;
	v60 =	vadd.f32 $-5.000000000e-01, v23;
	v16 =	vadd.f32 $1.258291200e+07, v59;
	[tilespmem:s29+$0xFFFFFFD0] =	vst v7  }
0x33c: {  	v62 =	vadd.f32 $-5.000000000e-01, v24;
	v7 =	vand.u32 $0xF, v17;
	v17 =	vperm.xlane v4, v22;
	[tilespmem:s30+$0xB0] =	vst v13  }
0x33d: {  	v25 =	vadd.f32 $1.258291200e+07, v60;
	v13 =	vand.u32 $0xF, v16;
	v16 =	vperm.xlane v4, v18;
	v18 =	vld [tilespmem:s31+$0xC0]  }
0x33e: {  	v26 =	vadd.f32 $1.258291200e+07, v62;
	v17 =	vadd.f32 v12, v17;
	v63 =	vperm.xlane v5, v13  }
0x33f: {  	v12 =	vperm.xlane v5, v14;
	v25 =	vand.u32 $0xF, v25;
	v13 =	vperm.xlane v4, v13  }
0x340: {  	v15 =	vand.u32 $0xF, v26;
	v32 =	vperm.xlane v5, v25;
	v21 =	vmul.f32 v21, v63  }
0x341: {  	s0 =	simm.s32 $0x4700;
	v16 =	vadd.f32 v20, v16;
	v20 =	vperm.xlane v4, v25;
	v9 =	vmul.f32 v9, v12  }
0x342: {  	v34 =	vld [tilespmem:s0+$0x80];
	v12 =	vperm.xlane v4, v14;
	v13 =	vadd.f32 v21, v13;
	v18 =	vmul.f32 $1.500000000e+01, v18  }
0x343: {  	v19 =	vand.u32 $0xF, v19;
	v14 =	vld [tilespmem:s0+$0x0];
	v23 =	vmul.f32 v23, v32;
	[tilespmem:s29+$0xFFFFFF50] =	vst v16;
	v16 =	vperm.xlane v5, v15  }
0x344: {  	v22 =	vperm.xlane v5, v19;
	v15 =	vperm.xlane v4, v15;
	[tilespmem:s30+$0xFFFFFF30] =	vst v13;
	v13 =	vld [tilespmem:s1+$0xFFFFFFD4];
	v18 =	vmax.f32 v18, $0.0e+00  }
0x345: {  	v21 =	vld [tilespmem:s1+$0xFFFFFF54];
	v20 =	vadd.f32 v23, v20;
	v16 =	vmul.f32 v24, v16;
	v18 =	vmin.f32 v18, $1.500000000e+01  }
0x346: {  	v22 =	vmul.f32 v6, v22;
	v6 =	vperm.xlane v5, v7;
	v23 =	vld [tilespmem:s31+$0xFFFFFF40];
	v33 =	vadd.f32 $-5.000000000e-01, v18  }
0x347: {  	[tilespmem:s30+$0xFFFFFFB0] =	vst v20;
	v15 =	vadd.f32 v16, v15;
	v16 =	vperm.xlane v4, v19;
	v19 =	vld [tilespmem:s0+$0xFFFFFF80]  }
0x348: {  	v6 =	vmul.f32 v11, v6;
	v20 =	vld [tilespmem:s31+$0xFFFFFFC0];
	v11 =	vadd.f32 $1.258291200e+07, v33  }
0x349: {  	v14 =	vmul.f32 $1.500000000e+01, v14;
	v35 =	vmul.f32 $1.500000000e+01, v13;
	v13 =	vadd.f32 v22, v16;
	v16 =	vld [tilespmem:s0+$0xFFFFFF00]  }
0x34a: {  	v25 =	vmul.f32 $1.500000000e+01, v34;
	v12 =	vadd.f32 v9, v12;
	v11 =	vand.u32 $0xF, v11  }
0x34b: {  	v14 =	vmax.f32 v14, $0.0e+00;
	v22 =	vmul.f32 $1.500000000e+01, v23;
	v23 =	vperm.xlane v5, v11  }
0x34c: {  	v21 =	vmul.f32 $1.500000000e+01, v21;
	v36 =	vmin.f32 v14, $1.500000000e+01;
	v19 =	vmul.f32 $1.500000000e+01, v19  }
0x34d: {  	v11 =	vperm.xlane v4, v11;
	v18 =	vmul.f32 v18, v23;
	v23 =	vmax.f32 v25, $0.0e+00  }
0x34e: {  	v20 =	vmul.f32 $1.500000000e+01, v20;
	v16 =	vmul.f32 $1.500000000e+01, v16;
	v23 =	vmin.f32 v23, $1.500000000e+01  }
0x34f: {  	v11 =	vadd.f32 v18, v11;
	v18 =	vmax.f32 v19, $0.0e+00;
	v19 =	vadd.f32 $-5.000000000e-01, v23  }
0x350: {  	[tilespmem:s30+$0x30] =	vst v15;
	v39 =	vadd.f32 $-5.000000000e-01, v36;
	v21 =	vmax.f32 v21, $0.0e+00;
	v16 =	vmax.f32 v16, $0.0e+00  }
0x351: {  	v15 =	vmax.f32 v20, $0.0e+00;
	[tilespmem:s30+$0xC0] =	vst v11;
	v11 =	vmin.f32 v16, $1.500000000e+01;
	v19 =	vadd.f32 $1.258291200e+07, v19  }
0x352: {  	v20 =	vadd.f32 $1.258291200e+07, v39;
	v18 =	vmin.f32 v18, $1.500000000e+01;
	v37 =	vld [tilespmem:s31+$0xD0];
	v38 =	vadd.f32 $-5.000000000e-01, v11  }
0x353: {  	v14 =	vmin.f32 v21, $1.500000000e+01;
	v16 =	vadd.f32 $-5.000000000e-01, v18;
	v19 =	vand.u32 $0xF, v19  }
0x354: {  	v20 =	vand.u32 $0xF, v20;
	v21 =	vadd.f32 $1.258291200e+07, v38;
	v40 =	vperm.xlane v5, v19  }
0x355: {  	v44 =	vperm.xlane v5, v20;
	v20 =	vperm.xlane v4, v20;
	v16 =	vadd.f32 $1.258291200e+07, v16  }
0x356: {  	v41 =	vld [tilespmem:s31+$0x40];
	v19 =	vperm.xlane v4, v19;
	v21 =	vand.u32 $0xF, v21;
	v23 =	vmul.f32 v23, v40  }
0x357: {  	v16 =	vand.u32 $0xF, v16;
	v25 =	vmul.f32 $1.500000000e+01, v37;
	v42 =	vperm.xlane v5, v21  }
0x358: {  	[tilespmem:s29+$0x50] =	vst v17;
	v22 =	vmax.f32 v22, $0.0e+00;
	v43 =	vperm.xlane v5, v16;
	v21 =	vperm.xlane v4, v21  }
0x359: {  	v19 =	vadd.f32 v23, v19;
	v23 =	vld [tilespmem:s1+$0x54];
	v17 =	vmax.f32 v25, $0.0e+00;
	v11 =	vmul.f32 v11, v42  }
0x35a: {  	s3 =	simm.s32 $0x10700;
	v16 =	vperm.xlane v4, v16;
	v18 =	vmul.f32 v18, v43;
	v17 =	vmin.f32 v17, $1.500000000e+01  }
0x35b: {  	[tilespmem:s3+$0x80] =	vst v19;
	v19 =	vmul.f32 $1.500000000e+01, v41;
	v45 =	vadd.f32 $-5.000000000e-01, v17;
	v11 =	vadd.f32 v11, v21  }
0x35c: {  	v16 =	vadd.f32 v18, v16;
	v18 =	vmin.f32 v22, $1.500000000e+01;
	v46 =	vld [tilespmem:s0+$0x90];
	v21 =	vmul.f32 v36, v44  }
0x35d: {  	v19 =	vmax.f32 v19, $0.0e+00;
	v22 =	vadd.f32 $1.258291200e+07, v45;
	[tilespmem:s3+$0xFFFFFF00] =	vst v11;
	v11 =	vmin.f32 v15, $1.500000000e+01  }
0x35e: {  	[tilespmem:s3+$0xFFFFFF80] =	vst v16;
	v15 =	vmin.f32 v19, $1.500000000e+01;
	v19 =	vadd.f32 v21, v20;
	v16 =	vmul.f32 $1.500000000e+01, v23  }
0x35f: {  	v9 =	vmax.f32 v35, $0.0e+00;
	v21 =	vadd.f32 $-5.000000000e-01, v18;
	v23 =	vld [tilespmem:s0+$0xFFFFFF90];
	v47 =	vadd.f32 $-5.000000000e-01, v11  }
0x360: {  	v20 =	vld [tilespmem:s0+$0xFFFFFF10];
	v49 =	vadd.f32 $-5.000000000e-01, v15;
	v22 =	vand.u32 $0xF, v22;
	v50 =	vmax.f32 v16, $0.0e+00  }
0x361: {  	[tilespmem:s3+$0x0] =	vst v19;
	v16 =	vadd.f32 $1.258291200e+07, v21;
	v48 =	vperm.xlane v5, v22;
	v19 =	vmul.f32 $1.500000000e+01, v46  }
0x362: {  	v21 =	vld [tilespmem:s0+$0x10];
	v22 =	vperm.xlane v4, v22;
	v24 =	vadd.f32 $1.258291200e+07, v47;
	v51 =	vadd.f32 $1.258291200e+07, v49  }
0x363: {  	v52 =	vand.u32 $0xF, v16;
	v17 =	vmul.f32 v17, v48;
	v19 =	vmax.f32 v19, $0.0e+00  }
0x364: {  	v23 =	vmul.f32 $1.500000000e+01, v23;
	v25 =	vand.u32 $0xF, v51;
	v19 =	vmin.f32 v19, $1.500000000e+01  }
0x365: {  	v20 =	vmul.f32 $1.500000000e+01, v20;
	v61 =	vperm.xlane v5, v25;
	v17 =	vadd.f32 v17, v22  }
0x366: {  	v30 =	vperm.xlane v5, v52;
	v25 =	vperm.xlane v4, v25;
	v22 =	vadd.f32 $-5.000000000e-01, v19  }
0x367: {  	v16 =	vmax.f32 v20, $0.0e+00;
	v15 =	vmul.f32 v15, v61;
	[tilespmem:s30+$0xD0] =	vst v17;
	v17 =	vmul.f32 $1.500000000e+01, v21  }
0x368: {  	v20 =	vadd.f32 $1.258291200e+07, v22;
	v21 =	vmax.f32 v23, $0.0e+00;
	v16 =	vmin.f32 v16, $1.500000000e+01  }
0x369: {  	v22 =	vand.u32 $0xF, v24;
	v23 =	vld [tilespmem:s31+$0xD4];
	v21 =	vmin.f32 v21, $1.500000000e+01;
	v53 =	vadd.f32 $-5.000000000e-01, v16  }
0x36a: {  	v17 =	vmax.f32 v17, $0.0e+00;
	v20 =	vand.u32 $0xF, v20;
	v55 =	vadd.f32 $-5.000000000e-01, v21  }
0x36b: {  	v17 =	vmin.f32 v17, $1.500000000e+01;
	v54 =	vperm.xlane v5, v20;
	v24 =	vadd.f32 $1.258291200e+07, v53  }
0x36c: {  	v15 =	vadd.f32 v15, v25;
	v20 =	vperm.xlane v4, v20;
	v31 =	vadd.f32 $-5.000000000e-01, v17  }
0x36d: {  	v56 =	vadd.f32 $1.258291200e+07, v55;
	v19 =	vmul.f32 v19, v54;
	v24 =	vand.u32 $0xF, v24  }
0x36e: {  	v23 =	vmul.f32 $1.500000000e+01, v23;
	v57 =	vadd.f32 $1.258291200e+07, v31;
	v58 =	vperm.xlane v5, v24  }
0x36f: {  	v24 =	vperm.xlane v4, v24;
	v19 =	vadd.f32 v19, v20;
	v20 =	vand.u32 $0xF, v56  }
0x370: {  	v23 =	vmax.f32 v23, $0.0e+00;
	v29 =	vand.u32 $0xF, v57;
	v59 =	vperm.xlane v5, v20  }
0x371: {  	v28 =	vmul.f32 v16, v58;
	v23 =	vmin.f32 v23, $1.500000000e+01;
	v16 =	vperm.xlane v5, v29;
	[tilespmem:s3+$0x90] =	vst v19  }
0x372: {  	[tilespmem:s30+$0x40] =	vst v15;
	v20 =	vperm.xlane v4, v20;
	v19 =	vperm.xlane v5, v22;
	v60 =	vadd.f32 $-5.000000000e-01, v23;
	v32 =	vld [tilespmem:s0+$0xA0]  }
0x373: {  	v37 =	vld [tilespmem:s31+$0x50];
	v29 =	vperm.xlane v4, v29;
	v24 =	vadd.f32 v28, v24;
	v17 =	vmul.f32 v17, v16  }
0x374: {  	v21 =	vmul.f32 v21, v59;
	v16 =	vmin.f32 v9, $1.500000000e+01;
	v9 =	vadd.f32 $1.258291200e+07, v60  }
0x375: {  	v7 =	vperm.xlane v4, v7;
	v18 =	vmul.f32 v18, v30;
	[tilespmem:s3+$0xFFFFFF10] =	vst v24;
	v17 =	vadd.f32 v17, v29  }
0x376: {  	v11 =	vmul.f32 v11, v19;
	v20 =	vadd.f32 v21, v20;
	v63 =	vld [tilespmem:s0+$0xFFFFFF20];
	v9 =	vand.u32 $0xF, v9  }
0x377: {  	v19 =	vperm.xlane v5, v9;
	v62 =	vmul.f32 $1.500000000e+01, v32;
	[tilespmem:s3+$0x10] =	vst v17  }
0x378: {  	v22 =	vperm.xlane v4, v22;
	v26 =	vmul.f32 $1.500000000e+01, v37;
	v21 =	vadd.f32 $-5.000000000e-01, v14;
	[tilespmem:s3+$0xFFFFFF90] =	vst v20;
	v33 =	vld [tilespmem:s0+$0x20]  }
0x379: {  	v9 =	vperm.xlane v4, v9;
	v19 =	vmul.f32 v23, v19;
	v23 =	vld [tilespmem:s0+$0xFFFFFFA0];
	v17 =	vmax.f32 v62, $0.0e+00  }
0x37a: {  	v11 =	vadd.f32 v11, v22;
	v20 =	vadd.f32 $-5.000000000e-01, v16;
	v34 =	vmin.f32 v17, $1.500000000e+01  }
0x37b: {  	v22 =	vmul.f32 $1.500000000e+01, v63;
	v17 =	vadd.f32 v19, v9;
	v19 =	vadd.f32 $-5.000000000e-01, v34  }
0x37c: {  	v26 =	vmax.f32 v26, $0.0e+00;
	v32 =	vperm.xlane v4, v52;
	[tilespmem:s30+$0xFFFFFFC0] =	vst v11;
	v11 =	vadd.f32 $1.258291200e+07, v21  }
0x37d: {  	v20 =	vadd.f32 $1.258291200e+07, v20;
	v21 =	vmax.f32 v22, $0.0e+00;
	v19 =	vadd.f32 $1.258291200e+07, v19  }
0x37e: {  	v22 =	vmul.f32 $1.500000000e+01, v33;
	v15 =	vmin.f32 v21, $1.500000000e+01;
	v23 =	vmul.f32 $1.500000000e+01, v23  }
0x37f: {  	v18 =	vadd.f32 v18, v32;
	v38 =	vadd.f32 $-5.000000000e-01, v15;
	v19 =	vand.u32 $0xF, v19  }
0x380: {  	v22 =	vmax.f32 v22, $0.0e+00;
	v21 =	vmax.f32 v23, $0.0e+00;
	v23 =	vperm.xlane v5, v19  }
0x381: {  	v22 =	vmin.f32 v22, $1.500000000e+01;
	v19 =	vperm.xlane v4, v19;
	v27 =	vadd.f32 $1.258291200e+07, v38  }
0x382: {  	v36 =	vld [tilespmem:s31+$0xFFFFFFD0];
	[tilespmem:s30+$0xFFFFFF40] =	vst v18;
	v21 =	vmin.f32 v21, $1.500000000e+01;
	v40 =	vadd.f32 $-5.000000000e-01, v22;
	v23 =	vmul.f32 v34, v23  }
0x383: {  	v9 =	vmin.f32 v50, $1.500000000e+01;
	v35 =	vld [tilespmem:s31+$0xFFFFFF50];
	v39 =	vadd.f32 $-5.000000000e-01, v21;
	v27 =	vand.u32 $0xF, v27  }
0x384: {  	v41 =	vadd.f32 $1.258291200e+07, v40;
	v42 =	vperm.xlane v5, v27;
	v19 =	vadd.f32 v23, v19  }
0x385: {  	v50 =	vand.u32 $0xF, v11;
	v18 =	vadd.f32 $-5.000000000e-01, v9;
	v23 =	vadd.f32 $1.258291200e+07, v39  }
0x386: {  	v27 =	vperm.xlane v4, v27;
	v28 =	vand.u32 $0xF, v41;
	v15 =	vmul.f32 v15, v42;
	[tilespmem:s3+$0xA0] =	vst v19  }
0x387: {  	v25 =	vmul.f32 $1.500000000e+01, v36;
	v23 =	vand.u32 $0xF, v23;
	v45 =	vperm.xlane v5, v28;
	v43 =	vld [tilespmem:s0+$0xB0]  }
0x388: {  	v24 =	vmul.f32 $1.500000000e+01, v35;
	v44 =	vperm.xlane v5, v23;
	v15 =	vadd.f32 v15, v27  }
0x389: {  	v25 =	vmax.f32 v25, $0.0e+00;
	v47 =	vperm.xlane v4, v28;
	v22 =	vmul.f32 v22, v45  }
0x38a: {  	v46 =	vmin.f32 v25, $1.500000000e+01;
	v23 =	vperm.xlane v4, v23;
	v21 =	vmul.f32 v21, v44;
	[tilespmem:s3+$0xFFFFFF20] =	vst v15  }
0x38b: {  	v51 =	vadd.f32 $-5.000000000e-01, v46;
	v19 =	vmax.f32 v24, $0.0e+00;
	v15 =	vadd.f32 v22, v47;
	v22 =	vld [tilespmem:s0+$0xFFFFFF30]  }
0x38c: {  	v19 =	vmin.f32 v19, $1.500000000e+01;
	v21 =	vadd.f32 v21, v23;
	v48 =	vmul.f32 $1.500000000e+01, v43  }
0x38d: {  	v18 =	vadd.f32 $1.258291200e+07, v18;
	v49 =	vadd.f32 $-5.000000000e-01, v19;
	v23 =	vmin.f32 v26, $1.500000000e+01;
	[tilespmem:s3+$0x20] =	vst v15  }
0x38e: {  	v26 =	vadd.f32 $1.258291200e+07, v51;
	v15 =	vand.u32 $0xF, v20;
	[tilespmem:s3+$0xFFFFFFA0] =	vst v21;
	v20 =	vld [tilespmem:s0+$0x30];
	v11 =	vmax.f32 v48, $0.0e+00  }
0x38f: {  	v52 =	vadd.f32 $-5.000000000e-01, v23;
	v53 =	vld [tilespmem:s0+$0xFFFFFFB0];
	v21 =	vmin.f32 v11, $1.500000000e+01;
	v11 =	vadd.f32 $1.258291200e+07, v49  }
0x390: {  	v26 =	vand.u32 $0xF, v26;
	v22 =	vmul.f32 $1.500000000e+01, v22;
	v54 =	vadd.f32 $-5.000000000e-01, v21  }
0x391: {  	v27 =	vadd.f32 $1.258291200e+07, v52;
	v57 =	vperm.xlane v5, v26;
	v55 =	vand.u32 $0xF, v11  }
0x392: {  	v11 =	vand.u32 $0xF, v18;
	v22 =	vmax.f32 v22, $0.0e+00;
	v18 =	vadd.f32 $1.258291200e+07, v54  }
0x393: {  	v26 =	vperm.xlane v4, v26;
	v27 =	vand.u32 $0xF, v27;
	v22 =	vmin.f32 v22, $1.500000000e+01  }
0x394: {  	v20 =	vmul.f32 $1.500000000e+01, v20;
	v28 =	vmul.f32 $1.500000000e+01, v53;
	v18 =	vand.u32 $0xF, v18  }
0x395: {  	v24 =	vmul.f32 v46, v57;
	v60 =	vadd.f32 $-5.000000000e-01, v22;
	v58 =	vperm.xlane v5, v18  }
0x396: {  	v20 =	vmax.f32 v20, $0.0e+00;
	v28 =	vmax.f32 v28, $0.0e+00;
	v18 =	vperm.xlane v4, v18  }
0x397: {  	v20 =	vmin.f32 v20, $1.500000000e+01;
	v29 =	vadd.f32 $1.258291200e+07, v60;
	v21 =	vmul.f32 v21, v58  }
0x398: {  	v56 =	vperm.xlane v5, v55;
	v28 =	vmin.f32 v28, $1.500000000e+01;
	v61 =	vadd.f32 $-5.000000000e-01, v20  }
0x399: {  	[tilespmem:s28+$0xD4] =	vst v8;
	v8 =	vand.u32 $0xF, v29;
	v18 =	vadd.f32 v21, v18;
	v21 =	vadd.f32 $-5.000000000e-01, v28  }
0x39a: {  	[tilespmem:s29+$0xD4] =	vst v10;
	v62 =	vadd.f32 $1.258291200e+07, v61;
	v10 =	vperm.xlane v4, v8;
	v8 =	vperm.xlane v5, v8  }
0x39b: {  	v59 =	vperm.xlane v5, v27;
	v27 =	vperm.xlane v4, v27;
	[tilespmem:s3+$0xB0] =	vst v18;
	v18 =	vadd.f32 $1.258291200e+07, v21  }
0x39c: {  	v19 =	vmul.f32 v19, v56;
	v29 =	vand.u32 $0xF, v62;
	v8 =	vmul.f32 v22, v8;
	v63 =	vld [tilespmem:s0+$0xC0]  }
0x39d: {  	[tilespmem:s28+$0xFFFFFFD4] =	vst v12;
	v21 =	vperm.xlane v4, v55;
	v12 =	vperm.xlane v5, v29;
	v18 =	vand.u32 $0xF, v18  }
0x39e: {  	[tilespmem:s28+$0xFFFFFF54] =	vst v13;
	v13 =	vperm.xlane v4, v18;
	v18 =	vperm.xlane v5, v18  }
0x39f: {  	v23 =	vmul.f32 v23, v59;
	v8 =	vadd.f32 v8, v10;
	v19 =	vadd.f32 v19, v21  }
0x3a0: {  	[tilespmem:s30+$0xD4] =	vst v17;
	v21 =	vadd.f32 v24, v26;
	v10 =	vmul.f32 v20, v12;
	v17 =	vmul.f32 v28, v18  }
0x3a1: {  	[tilespmem:s30+$0xFFFFFF50] =	vst v19;
	v18 =	vperm.xlane v4, v29;
	v12 =	vmul.f32 $1.500000000e+01, v63  }
0x3a2: {  	[tilespmem:s30+$0xFFFFFFD0] =	vst v21;
	v21 =	vperm.xlane v5, v50;
	v19 =	vadd.f32 v17, v13;
	v13 =	vld [tilespmem:s31+$0xFFFFFF54];
	v17 =	vadd.f32 v23, v27  }
0x3a3: {  	[tilespmem:s3+$0xFFFFFF30] =	vst v8;
	v10 =	vadd.f32 v10, v18;
	v23 =	vperm.xlane v5, v15;
	v8 =	vmax.f32 v12, $0.0e+00;
	v12 =	vld [tilespmem:s31+$0xFFFFFFD4]  }
0x3a4: {  	v20 =	vld [tilespmem:s0+$0xFFFFFF40];
	v14 =	vmul.f32 v14, v21;
	[tilespmem:s3+$0xFFFFFFB0] =	vst v19;
	v19 =	vmin.f32 v8, $1.500000000e+01;
	v8 =	vperm.xlane v5, v11  }
0x3a5: {  	s13 =	simm.s32 $0x4900;
	s1 =	simm.s32 $0xC;
	v18 =	vperm.xlane v4, v50;
	[tilespmem:s3+$0x30] =	vst v10;
	v10 =	vmul.f32 v16, v23;
	v21 =	vld [tilespmem:s0+$0xFFFFFFC0];
	v22 =	vadd.f32 $-5.000000000e-01, v19  }
.LBB2_4:
0x3a6: {  	v16 =	vld [tilespmem:s13+$0x80];
	s1 =	sadd.s32 $0x4, s1;
	[tilespmem:s30+$0x50] =	vst v17;
	v15 =	vperm.xlane v4, v15;
	v17 =	vadd.f32 v6, v7;
	v6 =	vmul.f32 v9, v8  }
0x3a7: {  	v7 =	vperm.xlane v4, v11;
	v9 =	vld [tilespmem:s13+$0xFFFFFF80];
	p0 =	slt.u32 s1, $0x7C;
	v8 =	vadd.f32 $1.258291200e+07, v22;
	v13 =	vmul.f32 $1.500000000e+01, v13  }
0x3a8: {  	v14 =	vadd.f32 v14, v18;
	v11 =	vld [tilespmem:s13+$0x0];
	v12 =	vmul.f32 $1.500000000e+01, v12;
	v10 =	vadd.f32 v10, v15;
	[tilespmem:s28+$0x54] =	vst v17;
	s28 =	smov.u32 s29;
	s29 =	smov.u32 s30;
	s30 =	smov.u32 s3  }
0x3a9: {  	v15 =	vld [tilespmem:s13+$0xFFFFFF00];
	v17 =	vmul.f32 $1.500000000e+01, v20;
	v18 =	vand.u32 $0xF, v8;
	v8 =	vmax.f32 v13, $0.0e+00  }
0x3aa: {  	v13 =	vmul.f32 $1.500000000e+01, v21;
	v20 =	vld [tilespmem:s0+$0x40];
	v21 =	vperm.xlane v5, v18;
	v12 =	vmax.f32 v12, $0.0e+00;
	[tilespmem:s28+$0xFFFFFF54] =	vst v14  }
0x3ab: {  	v8 =	vmin.f32 v8, $1.500000000e+01;
	v14 =	vmul.f32 $1.500000000e+01, v16;
	v16 =	vmax.f32 v17, $0.0e+00;
	v17 =	vld [tilespmem:s31+$0x54];
	[tilespmem:s28+$0xFFFFFFD4] =	vst v10;
	s31 =	smov.u32 s0;
	s0 =	smov.u32 s13  }
0x3ac: {  	v10 =	vmax.f32 v13, $0.0e+00;
	v13 =	vperm.xlane v4, v18;
	v18 =	vmul.f32 v19, v21  }
0x3ad: {  	v9 =	vmul.f32 $1.500000000e+01, v9;
	v11 =	vmul.f32 $1.500000000e+01, v11;
	v14 =	vmax.f32 v14, $0.0e+00  }
0x3ae: {  	v15 =	vmul.f32 $1.500000000e+01, v15;
	v14 =	vmin.f32 v14, $1.500000000e+01;
	v13 =	vadd.f32 v18, v13  }
0x3af: {  	v9 =	vmax.f32 v9, $0.0e+00;
	v11 =	vmax.f32 v11, $0.0e+00;
	v18 =	vadd.f32 $-5.000000000e-01, v14  }
0x3b0: {  	v9 =	vmin.f32 v9, $1.500000000e+01;
	v15 =	vmax.f32 v15, $0.0e+00;
	v11 =	vmin.f32 v11, $1.500000000e+01;
	[tilespmem:s3+$0xC0] =	vst v13  }
0x3b1: {  	v13 =	vmin.f32 v15, $1.500000000e+01;
	v15 =	vadd.f32 $-5.000000000e-01, v9;
	v18 =	vadd.f32 $1.258291200e+07, v18;
	v19 =	vld [tilespmem:s31+$0xD0]  }
0x3b2: {  	v20 =	vmul.f32 $1.500000000e+01, v20;
	v22 =	vadd.f32 $-5.000000000e-01, v11;
	v21 =	vadd.f32 $-5.000000000e-01, v13  }
0x3b3: {  	v16 =	vmin.f32 v16, $1.500000000e+01;
	v15 =	vadd.f32 $1.258291200e+07, v15;
	v18 =	vand.u32 $0xF, v18  }
0x3b4: {  	v22 =	vadd.f32 $1.258291200e+07, v22;
	v21 =	vadd.f32 $1.258291200e+07, v21;
	v23 =	vperm.xlane v5, v18  }
0x3b5: {  	v20 =	vmax.f32 v20, $0.0e+00;
	v18 =	vperm.xlane v4, v18;
	v15 =	vand.u32 $0xF, v15  }
0x3b6: {  	v21 =	vand.u32 $0xF, v21;
	v14 =	vmul.f32 v14, v23;
	v19 =	vmul.f32 $1.500000000e+01, v19  }
0x3b7: {  	v22 =	vand.u32 $0xF, v22;
	v24 =	vperm.xlane v5, v15;
	v23 =	vperm.xlane v5, v21  }
0x3b8: {  	v25 =	vperm.xlane v5, v22;
	v14 =	vadd.f32 v14, v18;
	v18 =	vmax.f32 v19, $0.0e+00  }
0x3b9: {  	s3 =	sadd.s32 $0x200, s3;
	v9 =	vmul.f32 v9, v24;
	v13 =	vmul.f32 v13, v23;
	v18 =	vmin.f32 v18, $1.500000000e+01  }
0x3ba: {  	v19 =	vperm.xlane v4, v21;
	v11 =	vmul.f32 v11, v25;
	[tilespmem:s3+$0x80] =	vst v14;
	v14 =	vadd.f32 $-5.000000000e-01, v18  }
0x3bb: {  	v15 =	vperm.xlane v4, v15;
	v21 =	vperm.xlane v4, v22;
	v23 =	vmin.f32 v10, $1.500000000e+01;
	v22 =	vld [tilespmem:s13+$0x90]  }
0x3bc: {  	v10 =	vadd.f32 v13, v19;
	v13 =	vmin.f32 v20, $1.500000000e+01;
	v14 =	vadd.f32 $1.258291200e+07, v14  }
0x3bd: {  	v9 =	vadd.f32 v9, v15;
	v11 =	vadd.f32 v11, v21;
	v15 =	vmul.f32 $1.500000000e+01, v17  }
0x3be: {  	v17 =	vadd.f32 $-5.000000000e-01, v23;
	[tilespmem:s3+$0xFFFFFF00] =	vst v10;
	v10 =	vadd.f32 $-5.000000000e-01, v16;
	v14 =	vand.u32 $0xF, v14  }
0x3bf: {  	v15 =	vmax.f32 v15, $0.0e+00;
	v19 =	vld [tilespmem:s13+$0xFFFFFF10];
	[tilespmem:s3+$0xFFFFFF80] =	vst v9;
	v9 =	vadd.f32 $-5.000000000e-01, v13;
	v20 =	vperm.xlane v5, v14  }
0x3c0: {  	v17 =	vadd.f32 $1.258291200e+07, v17;
	v21 =	vld [tilespmem:s13+$0xFFFFFF90];
	[tilespmem:s3+$0x0] =	vst v11;
	v11 =	vmul.f32 $1.500000000e+01, v22;
	v10 =	vadd.f32 $1.258291200e+07, v10  }
0x3c1: {  	v14 =	vperm.xlane v4, v14;
	v22 =	vld [tilespmem:s13+$0x10];
	v9 =	vadd.f32 $1.258291200e+07, v9;
	v18 =	vmul.f32 v18, v20  }
0x3c2: {  	v17 =	vand.u32 $0xF, v17;
	v11 =	vmax.f32 v11, $0.0e+00;
	v20 =	vand.u32 $0xF, v10  }
0x3c3: {  	v11 =	vmin.f32 v11, $1.500000000e+01;
	v24 =	vand.u32 $0xF, v9;
	v9 =	vadd.f32 v18, v14  }
0x3c4: {  	v14 =	vmul.f32 $1.500000000e+01, v19;
	v18 =	vadd.f32 $-5.000000000e-01, v11;
	v19 =	vperm.xlane v5, v20  }
0x3c5: {  	v25 =	vperm.xlane v5, v17;
	v10 =	vmin.f32 v12, $1.500000000e+01;
	v21 =	vmul.f32 $1.500000000e+01, v21;
	[tilespmem:s30+$0xD0] =	vst v9  }
0x3c6: {  	v9 =	vmax.f32 v14, $0.0e+00;
	v12 =	vmul.f32 $1.500000000e+01, v22;
	v14 =	vadd.f32 $1.258291200e+07, v18;
	v18 =	vld [tilespmem:s31+$0xD4]  }
0x3c7: {  	v22 =	vmin.f32 v9, $1.500000000e+01;
	v9 =	vmax.f32 v21, $0.0e+00;
	v21 =	vperm.xlane v5, v24  }
0x3c8: {  	v26 =	vmin.f32 v9, $1.500000000e+01;
	v9 =	vmax.f32 v12, $0.0e+00;
	v12 =	vand.u32 $0xF, v14  }
0x3c9: {  	v14 =	vadd.f32 $-5.000000000e-01, v22;
	v27 =	vmin.f32 v9, $1.500000000e+01;
	v9 =	vperm.xlane v5, v12  }
0x3ca: {  	v28 =	vadd.f32 $-5.000000000e-01, v26;
	v12 =	vperm.xlane v4, v12;
	v29 =	vadd.f32 $-5.000000000e-01, v27  }
0x3cb: {  	v14 =	vadd.f32 $1.258291200e+07, v14;
	v9 =	vmul.f32 v11, v9;
	v11 =	vmul.f32 $1.500000000e+01, v18  }
0x3cc: {  	v16 =	vmul.f32 v16, v19;
	v18 =	vadd.f32 $1.258291200e+07, v28;
	v28 =	vadd.f32 $1.258291200e+07, v29  }
0x3cd: {  	v14 =	vand.u32 $0xF, v14;
	v9 =	vadd.f32 v9, v12;
	v11 =	vmax.f32 v11, $0.0e+00  }
0x3ce: {  	v12 =	vand.u32 $0xF, v18;
	v18 =	vand.u32 $0xF, v28;
	v11 =	vmin.f32 v11, $1.500000000e+01  }
0x3cf: {  	v19 =	vperm.xlane v5, v14;
	v28 =	vperm.xlane v5, v12;
	[tilespmem:s3+$0x90] =	vst v9;
	v29 =	vadd.f32 $-5.000000000e-01, v11  }
0x3d0: {  	v14 =	vperm.xlane v4, v14;
	v30 =	vperm.xlane v5, v18;
	v9 =	vmin.f32 v15, $1.500000000e+01;
	v31 =	vld [tilespmem:s13+$0xA0]  }
0x3d1: {  	v15 =	vmul.f32 v22, v19;
	v19 =	vmul.f32 v26, v28;
	v22 =	vadd.f32 $1.258291200e+07, v29  }
0x3d2: {  	v12 =	vperm.xlane v4, v12;
	v26 =	vmul.f32 v27, v30;
	v27 =	vadd.f32 $-5.000000000e-01, v8  }
0x3d3: {  	v14 =	vadd.f32 v15, v14;
	v15 =	vperm.xlane v4, v18;
	v18 =	vand.u32 $0xF, v22  }
0x3d4: {  	v12 =	vadd.f32 v19, v12;
	v19 =	vmul.f32 v23, v25;
	v22 =	vperm.xlane v5, v18  }
0x3d5: {  	v13 =	vmul.f32 v13, v21;
	[tilespmem:s3+$0xFFFFFF10] =	vst v14;
	v14 =	vadd.f32 v26, v15;
	v15 =	vmul.f32 $1.500000000e+01, v31  }
0x3d6: {  	v21 =	vld [tilespmem:s13+$0xFFFFFF20];
	[tilespmem:s3+$0xFFFFFF90] =	vst v12;
	v12 =	vperm.xlane v4, v18;
	v11 =	vmul.f32 v11, v22;
	v18 =	vadd.f32 $-5.000000000e-01, v10  }
0x3d7: {  	v17 =	vperm.xlane v4, v17;
	v22 =	vld [tilespmem:s13+$0xFFFFFFA0];
	[tilespmem:s3+$0x10] =	vst v14;
	v14 =	vmax.f32 v15, $0.0e+00;
	v15 =	vperm.xlane v4, v20  }
0x3d8: {  	v23 =	vperm.xlane v4, v24;
	v20 =	vld [tilespmem:s13+$0x20];
	v14 =	vmin.f32 v14, $1.500000000e+01;
	v11 =	vadd.f32 v11, v12  }
0x3d9: {  	v12 =	vadd.f32 $-5.000000000e-01, v14;
	v15 =	vadd.f32 v16, v15  }
0x3da: {  	v13 =	vadd.f32 v13, v23;
	v16 =	vadd.f32 v19, v17;
	[tilespmem:s30+$0xD4] =	vst v11  }
0x3db: {  	v11 =	vmul.f32 $1.500000000e+01, v21;
	v12 =	vadd.f32 $1.258291200e+07, v12;
	[tilespmem:s30+$0xFFFFFF40] =	vst v15;
	v15 =	vadd.f32 $-5.000000000e-01, v9  }
0x3dc: {  	v18 =	vadd.f32 $1.258291200e+07, v18;
	v17 =	vmul.f32 $1.500000000e+01, v22;
	v19 =	vld [tilespmem:s31+$0xFFFFFF50];
	[tilespmem:s30+$0xFFFFFFC0] =	vst v16;
	v16 =	vadd.f32 $1.258291200e+07, v27  }
0x3dd: {  	v11 =	vmax.f32 v11, $0.0e+00;
	v20 =	vmul.f32 $1.500000000e+01, v20;
	v12 =	vand.u32 $0xF, v12;
	v21 =	vld [tilespmem:s31+$0xFFFFFFD0];
	[tilespmem:s30+$0x40] =	vst v13  }
0x3de: {  	v11 =	vmin.f32 v11, $1.500000000e+01;
	v13 =	vmax.f32 v17, $0.0e+00;
	v17 =	vperm.xlane v5, v12;
	v22 =	vld [tilespmem:s31+$0x50]  }
0x3df: {  	v23 =	vadd.f32 $-5.000000000e-01, v11;
	v13 =	vmin.f32 v13, $1.500000000e+01;
	v20 =	vmax.f32 v20, $0.0e+00  }
0x3e0: {  	v12 =	vperm.xlane v4, v12;
	v20 =	vmin.f32 v20, $1.500000000e+01;
	v14 =	vmul.f32 v14, v17  }
0x3e1: {  	v17 =	vadd.f32 $-5.000000000e-01, v13;
	v24 =	vadd.f32 $-5.000000000e-01, v20;
	v19 =	vmul.f32 $1.500000000e+01, v19  }
0x3e2: {  	v23 =	vadd.f32 $1.258291200e+07, v23;
	v12 =	vadd.f32 v14, v12;
	v14 =	vmul.f32 $1.500000000e+01, v21  }
0x3e3: {  	v17 =	vadd.f32 $1.258291200e+07, v17;
	v21 =	vadd.f32 $1.258291200e+07, v24;
	v22 =	vmul.f32 $1.500000000e+01, v22  }
0x3e4: {  	v23 =	vand.u32 $0xF, v23;
	[tilespmem:s3+$0xA0] =	vst v12;
	v12 =	vmax.f32 v19, $0.0e+00;
	v14 =	vmax.f32 v14, $0.0e+00  }
0x3e5: {  	v19 =	vperm.xlane v5, v23;
	v17 =	vand.u32 $0xF, v17;
	v21 =	vand.u32 $0xF, v21;
	v24 =	vld [tilespmem:s13+$0xB0]  }
0x3e6: {  	v25 =	vperm.xlane v5, v17;
	v22 =	vmax.f32 v22, $0.0e+00;
	v26 =	vperm.xlane v5, v21  }
0x3e7: {  	v23 =	vperm.xlane v4, v23;
	v12 =	vmin.f32 v12, $1.500000000e+01;
	v11 =	vmul.f32 v11, v19  }
0x3e8: {  	v14 =	vmin.f32 v14, $1.500000000e+01;
	v13 =	vmul.f32 v13, v25;
	v19 =	vmul.f32 v20, v26  }
0x3e9: {  	v17 =	vperm.xlane v4, v17;
	v11 =	vadd.f32 v11, v23;
	v20 =	vperm.xlane v4, v21  }
0x3ea: {  	v22 =	vmin.f32 v22, $1.500000000e+01;
	v23 =	vadd.f32 $-5.000000000e-01, v12;
	v21 =	vmul.f32 $1.500000000e+01, v24  }
0x3eb: {  	v16 =	vand.u32 $0xF, v16;
	[tilespmem:s3+$0xFFFFFF20] =	vst v11;
	v11 =	vadd.f32 v13, v17;
	v13 =	vadd.f32 v19, v20  }
0x3ec: {  	v20 =	vadd.f32 $-5.000000000e-01, v14;
	v17 =	vld [tilespmem:s13+$0xFFFFFF30];
	v19 =	vmax.f32 v21, $0.0e+00;
	v21 =	vadd.f32 $-5.000000000e-01, v22  }
0x3ed: {  	[tilespmem:s3+$0xFFFFFFA0] =	vst v11;
	v19 =	vmin.f32 v19, $1.500000000e+01;
	v11 =	vadd.f32 $1.258291200e+07, v23;
	v23 =	vadd.f32 $1.258291200e+07, v15  }
0x3ee: {  	v20 =	vadd.f32 $1.258291200e+07, v20;
	v15 =	vand.u32 $0xF, v18;
	v24 =	vld [tilespmem:s13+$0xFFFFFFB0];
	[tilespmem:s3+$0x20] =	vst v13;
	v13 =	vadd.f32 $-5.000000000e-01, v19  }
0x3ef: {  	v21 =	vadd.f32 $1.258291200e+07, v21;
	v18 =	vld [tilespmem:s13+$0x30];
	v25 =	vand.u32 $0xF, v11;
	v11 =	vand.u32 $0xF, v23  }
0x3f0: {  	v20 =	vand.u32 $0xF, v20;
	v13 =	vadd.f32 $1.258291200e+07, v13;
	v23 =	vperm.xlane v5, v25  }
0x3f1: {  	v26 =	vperm.xlane v5, v20;
	v21 =	vand.u32 $0xF, v21;
	v17 =	vmul.f32 $1.500000000e+01, v17  }
0x3f2: {  	v13 =	vand.u32 $0xF, v13;
	v12 =	vmul.f32 v12, v23;
	v23 =	vperm.xlane v5, v21  }
0x3f3: {  	v17 =	vmax.f32 v17, $0.0e+00;
	v24 =	vmul.f32 $1.500000000e+01, v24;
	v27 =	vperm.xlane v5, v13  }
0x3f4: {  	v14 =	vmul.f32 v14, v26;
	v17 =	vmin.f32 v17, $1.500000000e+01;
	v18 =	vmul.f32 $1.500000000e+01, v18  }
0x3f5: {  	v13 =	vperm.xlane v4, v13;
	v24 =	vmax.f32 v24, $0.0e+00;
	v19 =	vmul.f32 v19, v27  }
0x3f6: {  	v26 =	vadd.f32 $-5.000000000e-01, v17;
	v24 =	vmin.f32 v24, $1.500000000e+01;
	v18 =	vmax.f32 v18, $0.0e+00  }
0x3f7: {  	v27 =	vadd.f32 $-5.000000000e-01, v24;
	v18 =	vmin.f32 v18, $1.500000000e+01;
	v13 =	vadd.f32 v19, v13  }
0x3f8: {  	v22 =	vmul.f32 v22, v23;
	v19 =	vadd.f32 $1.258291200e+07, v26;
	v26 =	vadd.f32 $-5.000000000e-01, v18  }
0x3f9: {  	v20 =	vperm.xlane v4, v20;
	v23 =	vadd.f32 $1.258291200e+07, v27;
	[tilespmem:s3+$0xB0] =	vst v13;
	v13 =	vperm.xlane v4, v25  }
0x3fa: {  	v21 =	vperm.xlane v4, v21;
	v19 =	vand.u32 $0xF, v19;
	v25 =	vadd.f32 $1.258291200e+07, v26;
	v26 =	vld [tilespmem:s13+$0xC0]  }
0x3fb: {  	v27 =	vperm.xlane v4, v19;
	v19 =	vperm.xlane v5, v19;
	v23 =	vand.u32 $0xF, v23  }
0x3fc: {  	v28 =	vperm.xlane v4, v23;
	v23 =	vperm.xlane v5, v23;
	v25 =	vand.u32 $0xF, v25  }
0x3fd: {  	v12 =	vadd.f32 v12, v13;
	v17 =	vmul.f32 v17, v19;
	v19 =	vperm.xlane v5, v25  }
0x3fe: {  	v14 =	vadd.f32 v14, v20;
	v13 =	vmul.f32 v24, v23;
	v23 =	vperm.xlane v4, v25  }
.Ltmp1:
0x3ff: {  	v20 =	vadd.f32 v17, v27;
	v18 =	vmul.f32 v18, v19;
	v19 =	vmul.f32 $1.500000000e+01, v26;
	[tilespmem:s30+$0xFFFFFF50] =	vst v12;
	(pc) =	sbr.rel @p0 .LBB2_4-.Ltmp1, $4  }
0x400: {  	v17 =	vadd.f32 v22, v21;
	v24 =	vadd.f32 v13, v28;
	v13 =	vld [tilespmem:s31+$0xFFFFFF54];
	[tilespmem:s30+$0xFFFFFFD0] =	vst v14;
	v14 =	vperm.xlane v5, v16  }
0x401: {  	[tilespmem:s3+$0xFFFFFF30] =	vst v20;
	v18 =	vadd.f32 v18, v23;
	v19 =	vmax.f32 v19, $0.0e+00;
	v12 =	vld [tilespmem:s31+$0xFFFFFFD4];
	v23 =	vperm.xlane v5, v15  }
0x402: {  	v20 =	vld [tilespmem:s13+$0xFFFFFF40];
	[tilespmem:s3+$0xFFFFFFB0] =	vst v24;
	v19 =	vmin.f32 v19, $1.500000000e+01;
	v14 =	vmul.f32 v8, v14;
	v8 =	vperm.xlane v5, v11  }
0x403: {  	s13 =	sadd.s32 $0x200, s13;
	v21 =	vld [tilespmem:s0+$0xFFFFFFC0];
	[tilespmem:s3+$0x30] =	vst v18;
	v22 =	vadd.f32 $-5.000000000e-01, v19;
	v18 =	vperm.xlane v4, v16;
	v10 =	vmul.f32 v10, v23  }
0x404: {  	_ = 	snop  }
0x405: {  	v16 =	vadd.f32 $1.258291200e+07, v22;
	_ =	sdelay $0x1  }
0x406: {  	v16 =	vand.u32 $0xF, v16  }
0x407: {  	v22 =	vperm.xlane v5, v16;
	_ =	sdelay $0x1  }
0x408: {  	v16 =	vperm.xlane v4, v16;
	v19 =	vmul.f32 v19, v22;
	_ =	sdelay $0x1  }
0x409: {  	v16 =	vadd.f32 v19, v16;
	v19 =	vld [tilespmem:s0+$0x40]  }
0x40a: {  	v20 =	vmul.f32 $1.500000000e+01, v20  }
0x40b: {  	v21 =	vmul.f32 $1.500000000e+01, v21;
	[tilespmem:s3+$0xC0] =	vst v16  }
0x40c: {  	v20 =	vmax.f32 v20, $0.0e+00;
	v16 =	vld [tilespmem:s0+$0xD0]  }
0x40d: {  	v21 =	vmax.f32 v21, $0.0e+00;
	v20 =	vmin.f32 v20, $1.500000000e+01  }
0x40e: {  	v21 =	vmin.f32 v21, $1.500000000e+01;
	v22 =	vadd.f32 $-5.000000000e-01, v20;
	v19 =	vmul.f32 $1.500000000e+01, v19  }
0x40f: {  	v23 =	vadd.f32 $-5.000000000e-01, v21  }
0x410: {  	v22 =	vadd.f32 $1.258291200e+07, v22;
	v19 =	vmax.f32 v19, $0.0e+00  }
0x411: {  	v23 =	vadd.f32 $1.258291200e+07, v23;
	v16 =	vmul.f32 $1.500000000e+01, v16;
	v19 =	vmin.f32 v19, $1.500000000e+01  }
0x412: {  	v22 =	vand.u32 $0xF, v22;
	v24 =	vadd.f32 $-5.000000000e-01, v19  }
0x413: {  	v23 =	vand.u32 $0xF, v23;
	v26 =	vperm.xlane v5, v22;
	v16 =	vmax.f32 v16, $0.0e+00  }
0x414: {  	v27 =	vperm.xlane v5, v23;
	v16 =	vmin.f32 v16, $1.500000000e+01;
	v24 =	vadd.f32 $1.258291200e+07, v24  }
0x415: {  	v22 =	vperm.xlane v4, v22;
	v23 =	vperm.xlane v4, v23;
	v25 =	vadd.f32 $-5.000000000e-01, v16  }
0x416: {  	v20 =	vmul.f32 v20, v26;
	v21 =	vmul.f32 v21, v27;
	v24 =	vand.u32 $0xF, v24  }
0x417: {  	v28 =	vperm.xlane v5, v24;
	v25 =	vadd.f32 $1.258291200e+07, v25  }
0x418: {  	v20 =	vadd.f32 v20, v22;
	v21 =	vadd.f32 v21, v23  }
0x419: {  	v22 =	vperm.xlane v4, v24;
	v25 =	vand.u32 $0xF, v25;
	v19 =	vmul.f32 v19, v28  }
0x41a: {  	[tilespmem:s3+$0xFFFFFF40] =	vst v20;
	v23 =	vperm.xlane v5, v25  }
0x41b: {  	v20 =	vld [tilespmem:s0+$0xFFFFFF50];
	[tilespmem:s3+$0xFFFFFFC0] =	vst v21;
	v19 =	vadd.f32 v19, v22  }
0x41c: {  	v21 =	vperm.xlane v4, v25;
	v22 =	vld [tilespmem:s0+$0xFFFFFFD0];
	v16 =	vmul.f32 v16, v23  }
0x41d: {  	[tilespmem:s3+$0x40] =	vst v19  }
0x41e: {  	v16 =	vadd.f32 v16, v21;
	v19 =	vld [tilespmem:s0+$0x50];
	_ =	sdelay $0x1  }
0x41f: {  	v15 =	vperm.xlane v4, v15;
	[tilespmem:s3+$0xD0] =	vst v16;
	v16 =	vmul.f32 $1.500000000e+01, v20  }
0x420: {  	v6 =	vadd.f32 v6, v7;
	v8 =	vmul.f32 v9, v8;
	v21 =	vmul.f32 $1.500000000e+01, v22;
	v20 =	vld [tilespmem:s0+$0xD4]  }
0x421: {  	v7 =	vmul.f32 $1.500000000e+01, v13;
	v14 =	vadd.f32 v14, v18;
	v13 =	vmax.f32 v16, $0.0e+00  }
0x422: {  	v16 =	vmul.f32 $1.500000000e+01, v19;
	v19 =	vmax.f32 v21, $0.0e+00;
	v13 =	vmin.f32 v13, $1.500000000e+01  }
0x423: {  	v10 =	vadd.f32 v10, v15;
	v18 =	vmin.f32 v19, $1.500000000e+01;
	v19 =	vadd.f32 $-5.000000000e-01, v13  }
0x424: {  	v12 =	vmul.f32 $1.500000000e+01, v12;
	v15 =	vmax.f32 v16, $0.0e+00;
	v16 =	vadd.f32 $-5.000000000e-01, v18  }
0x425: {  	[tilespmem:s30+$0x50] =	vst v17;
	v17 =	vmul.f32 $1.500000000e+01, v20;
	v15 =	vmin.f32 v15, $1.500000000e+01;
	v19 =	vadd.f32 $1.258291200e+07, v19  }
0x426: {  	v7 =	vmax.f32 v7, $0.0e+00;
	v20 =	vld [tilespmem:s31+$0x54];
	v21 =	vadd.f32 $-5.000000000e-01, v15;
	v16 =	vadd.f32 $1.258291200e+07, v16  }
0x427: {  	v12 =	vmax.f32 v12, $0.0e+00;
	v17 =	vmax.f32 v17, $0.0e+00;
	v19 =	vand.u32 $0xF, v19  }
0x428: {  	v21 =	vadd.f32 $1.258291200e+07, v21;
	v22 =	vperm.xlane v5, v19;
	v16 =	vand.u32 $0xF, v16  }
0x429: {  	v17 =	vmin.f32 v17, $1.500000000e+01;
	v19 =	vperm.xlane v4, v19;
	v23 =	vperm.xlane v5, v16  }
0x42a: {  	v16 =	vperm.xlane v4, v16;
	v21 =	vand.u32 $0xF, v21;
	v13 =	vmul.f32 v13, v22  }
0x42b: {  	v20 =	vmul.f32 $1.500000000e+01, v20;
	v22 =	vadd.f32 $-5.000000000e-01, v17;
	v38 =	vperm.xlane v5, v21  }
0x42c: {  	v12 =	vmin.f32 v12, $1.500000000e+01;
	v18 =	vmul.f32 v18, v23;
	v21 =	vperm.xlane v4, v21  }
0x42d: {  	v13 =	vadd.f32 v13, v19;
	v19 =	vadd.f32 $1.258291200e+07, v22;
	v15 =	vmul.f32 v15, v38  }
0x42e: {  	v7 =	vmin.f32 v7, $1.500000000e+01;
	v9 =	vadd.f32 $-5.000000000e-01, v12;
	v16 =	vadd.f32 v18, v16  }
0x42f: {  	v20 =	vmax.f32 v20, $0.0e+00;
	[tilespmem:s3+$0xFFFFFF50] =	vst v13;
	v13 =	vand.u32 $0xF, v19;
	v15 =	vadd.f32 v15, v21  }
0x430: {  	v19 =	vmin.f32 v20, $1.500000000e+01;
	v20 =	vadd.f32 $-5.000000000e-01, v7;
	v18 =	vld [tilespmem:s0+$0xFFFFFF54];
	v21 =	vperm.xlane v5, v13;
	[tilespmem:s3+$0xFFFFFFD0] =	vst v16  }
0x431: {  	v9 =	vadd.f32 $1.258291200e+07, v9;
	v16 =	vadd.f32 $-5.000000000e-01, v19;
	v22 =	vld [tilespmem:s0+$0xFFFFFFD4];
	[tilespmem:s3+$0x50] =	vst v15  }
0x432: {  	v13 =	vperm.xlane v4, v13;
	v15 =	vmul.f32 v17, v21;
	v17 =	vadd.f32 $1.258291200e+07, v20;
	v20 =	vld [tilespmem:s0+$0x54]  }
0x433: {  	v11 =	vperm.xlane v4, v11;
	v9 =	vand.u32 $0xF, v9;
	v16 =	vadd.f32 $1.258291200e+07, v16  }
0x434: {  	v21 =	vperm.xlane v5, v9;
	v13 =	vadd.f32 v15, v13;
	v15 =	vand.u32 $0xF, v17  }
0x435: {  	v8 =	vadd.f32 v8, v11;
	v17 =	vmul.f32 $1.500000000e+01, v18;
	v18 =	vperm.xlane v5, v15  }
0x436: {  	v9 =	vperm.xlane v4, v9;
	v16 =	vand.u32 $0xF, v16;
	v22 =	vmul.f32 $1.500000000e+01, v22  }
0x437: {  	v17 =	vmax.f32 v17, $0.0e+00;
	v7 =	vmul.f32 v7, v18;
	v18 =	vmul.f32 $1.500000000e+01, v20  }
0x438: {  	v12 =	vmul.f32 v12, v21;
	v17 =	vmin.f32 v17, $1.500000000e+01;
	v22 =	vmax.f32 v22, $0.0e+00  }
0x439: {  	v23 =	vadd.f32 $-5.000000000e-01, v17;
	v22 =	vmin.f32 v22, $1.500000000e+01;
	v18 =	vmax.f32 v18, $0.0e+00  }
0x43a: {  	v20 =	vperm.xlane v5, v16;
	v39 =	vadd.f32 $-5.000000000e-01, v22;
	v18 =	vmin.f32 v18, $1.500000000e+01  }
0x43b: {  	[tilespmem:s28+$0x54] =	vst v6;
	v15 =	vperm.xlane v4, v15;
	v23 =	vadd.f32 $1.258291200e+07, v23;
	v21 =	vadd.f32 $-5.000000000e-01, v18  }
0x43c: {  	[tilespmem:s29+$0xFFFFFFD4] =	vst v10;
	v10 =	vperm.xlane v4, v16;
	v6 =	vmul.f32 v19, v20;
	v19 =	vadd.f32 $1.258291200e+07, v39  }
0x43d: {  	v9 =	vadd.f32 v12, v9;
	v20 =	vand.u32 $0xF, v23;
	v11 =	vadd.f32 $1.258291200e+07, v21  }
0x43e: {  	[tilespmem:s29+$0xFFFFFF54] =	vst v14;
	v7 =	vadd.f32 v7, v15;
	v14 =	vperm.xlane v5, v20;
	v15 =	vand.u32 $0xF, v19  }
0x43f: {  	[tilespmem:s3+$0xD4] =	vst v13;
	v12 =	vperm.xlane v4, v20;
	v13 =	vperm.xlane v5, v15;
	v11 =	vand.u32 $0xF, v11  }
0x440: {  	[tilespmem:s29+$0x54] =	vst v8;
	v14 =	vmul.f32 v17, v14;
	v8 =	vperm.xlane v5, v11  }
0x441: {  	[tilespmem:s30+$0xFFFFFF54] =	vst v7;
	v6 =	vadd.f32 v6, v10;
	v7 =	vmul.f32 v22, v13;
	v13 =	vperm.xlane v4, v15  }
0x442: {  	[tilespmem:s30+$0xFFFFFFD4] =	vst v9;
	v9 =	vperm.xlane v4, v11;
	v10 =	vadd.f32 v14, v12;
	v8 =	vmul.f32 v18, v8  }
0x443: {  	[tilespmem:s30+$0x54] =	vst v6;
	v7 =	vadd.f32 v7, v13  }
0x444: {  	[tilespmem:s3+$0xFFFFFF54] =	vst v10;
	v6 =	vadd.f32 v8, v9  }
0x445: {  	[tilespmem:s3+$0xFFFFFFD4] =	vst v7  }
0x446: {  	[tilespmem:s3+$0x54] =	vst v6  }
0x447: {  	[hbm4b:s9+s2] =	stream.linear.scatter [tilespmem:s20], [sflag:$0x5], $0x4000, $0x38;
	[tilespmem:$0x18080] =	vst v63  }
0x448: {  	_ =	swait.ge [sflag:s21], $0x4000  }
0x449: {  	[sflag:s21] =	ssyncset.done $0x0  }
0x44a: {  	s13 =	simm.s32 $0x8100;
	[sflag:s21] =	ssyncadd.s32 $0xFFFFC000  }
0x44b: {  	v6 =	vld [tilespmem:s13+$0x80];
	_ =	sdelay $0x4  }
0x44c: {  	v6 =	vmul.f32 $1.500000000e+01, v6;
	_ =	sdelay $0x1  }
0x44d: {  	v6 =	vmax.f32 v6, $0.0e+00  }
0x44e: {  	v6 =	vmin.f32 v6, $1.500000000e+01  }
0x44f: {  	v7 =	vld [tilespmem:s13+$0xFFFFFF00];
	v8 =	vadd.f32 $-5.000000000e-01, v6;
	_ =	sdelay $0x1  }
0x450: {  	v8 =	vadd.f32 $1.258291200e+07, v8  }
0x451: {  	v9 =	vld [tilespmem:s13+$0xFFFFFF80]  }
0x452: {  	v10 =	vld [tilespmem:s13+$0x0];
	v8 =	vand.u32 $0xF, v8  }
0x453: {  	v7 =	vmul.f32 $1.500000000e+01, v7;
	v11 =	vperm.xlane v5, v8;
	_ =	sdelay $0x1  }
0x454: {  	v7 =	vmax.f32 v7, $0.0e+00;
	v8 =	vperm.xlane v4, v8;
	v6 =	vmul.f32 v6, v11  }
0x455: {  	v9 =	vmul.f32 $1.500000000e+01, v9;
	v7 =	vmin.f32 v7, $1.500000000e+01  }
0x456: {  	v11 =	vadd.f32 $-5.000000000e-01, v7;
	v6 =	vadd.f32 v6, v8;
	v8 =	vmul.f32 $1.500000000e+01, v10  }
0x457: {  	s28 =	simm.s32 $0x14100;
	v9 =	vmax.f32 v9, $0.0e+00  }
0x458: {  	v10 =	vadd.f32 $1.258291200e+07, v11;
	[tilespmem:s28+$0x80] =	vst v6;
	v6 =	vmax.f32 v8, $0.0e+00;
	v8 =	vmin.f32 v9, $1.500000000e+01  }
0x459: {  	v9 =	vld [tilespmem:s13+$0x90];
	v6 =	vmin.f32 v6, $1.500000000e+01;
	v11 =	vadd.f32 $-5.000000000e-01, v8  }
0x45a: {  	v10 =	vand.u32 $0xF, v10;
	v12 =	vadd.f32 $-5.000000000e-01, v6  }
0x45b: {  	v13 =	vperm.xlane v5, v10;
	v11 =	vadd.f32 $1.258291200e+07, v11  }
0x45c: {  	v12 =	vadd.f32 $1.258291200e+07, v12  }
0x45d: {  	v10 =	vperm.xlane v4, v10;
	v7 =	vmul.f32 v7, v13;
	v11 =	vand.u32 $0xF, v11  }
0x45e: {  	v9 =	vmul.f32 $1.500000000e+01, v9;
	v13 =	vperm.xlane v5, v11;
	v12 =	vand.u32 $0xF, v12  }
0x45f: {  	v7 =	vadd.f32 v7, v10;
	v14 =	vperm.xlane v5, v12  }
0x460: {  	v10 =	vperm.xlane v4, v11;
	v9 =	vmax.f32 v9, $0.0e+00;
	v8 =	vmul.f32 v8, v13  }
0x461: {  	v11 =	vperm.xlane v4, v12;
	[tilespmem:s28+$0xFFFFFF00] =	vst v7;
	v9 =	vmin.f32 v9, $1.500000000e+01;
	v6 =	vmul.f32 v6, v14  }
0x462: {  	v7 =	vadd.f32 $-5.000000000e-01, v9;
	v8 =	vadd.f32 v8, v10;
	v10 =	vld [tilespmem:s13+$0xFFFFFF10]  }
0x463: {  	v6 =	vadd.f32 v6, v11  }
0x464: {  	v7 =	vadd.f32 $1.258291200e+07, v7;
	[tilespmem:s28+$0xFFFFFF80] =	vst v8  }
0x465: {  	v8 =	vld [tilespmem:s13+$0xFFFFFF90];
	[tilespmem:s28+$0x0] =	vst v6  }
0x466: {  	v6 =	vand.u32 $0xF, v7;
	v7 =	vld [tilespmem:s13+$0x10]  }
0x467: {  	v11 =	vperm.xlane v5, v6;
	v10 =	vmul.f32 $1.500000000e+01, v10;
	_ =	sdelay $0x1  }
0x468: {  	v6 =	vperm.xlane v4, v6;
	v9 =	vmul.f32 v9, v11;
	v10 =	vmax.f32 v10, $0.0e+00  }
0x469: {  	v8 =	vmul.f32 $1.500000000e+01, v8;
	v10 =	vmin.f32 v10, $1.500000000e+01  }
0x46a: {  	v6 =	vadd.f32 v9, v6;
	v7 =	vmul.f32 $1.500000000e+01, v7;
	v9 =	vadd.f32 $-5.000000000e-01, v10  }
0x46b: {  	v8 =	vmax.f32 v8, $0.0e+00  }
0x46c: {  	[tilespmem:s28+$0x90] =	vst v6;
	v6 =	vmin.f32 v8, $1.500000000e+01;
	v7 =	vmax.f32 v7, $0.0e+00;
	v8 =	vadd.f32 $1.258291200e+07, v9  }
0x46d: {  	v9 =	vld [tilespmem:s13+$0xA0];
	v7 =	vmin.f32 v7, $1.500000000e+01;
	v11 =	vadd.f32 $-5.000000000e-01, v6  }
0x46e: {  	v12 =	vadd.f32 $-5.000000000e-01, v7;
	v8 =	vand.u32 $0xF, v8  }
0x46f: {  	v11 =	vadd.f32 $1.258291200e+07, v11;
	v13 =	vperm.xlane v5, v8  }
0x470: {  	v12 =	vadd.f32 $1.258291200e+07, v12  }
0x471: {  	v8 =	vperm.xlane v4, v8;
	v11 =	vand.u32 $0xF, v11;
	v10 =	vmul.f32 v10, v13  }
0x472: {  	v9 =	vmul.f32 $1.500000000e+01, v9;
	v12 =	vand.u32 $0xF, v12;
	v13 =	vperm.xlane v5, v11  }
0x473: {  	v14 =	vperm.xlane v5, v12;
	v8 =	vadd.f32 v10, v8  }
0x474: {  	v10 =	vperm.xlane v4, v11;
	v9 =	vmax.f32 v9, $0.0e+00;
	v6 =	vmul.f32 v6, v13  }
0x475: {  	v11 =	vperm.xlane v4, v12;
	v9 =	vmin.f32 v9, $1.500000000e+01;
	v7 =	vmul.f32 v7, v14;
	[tilespmem:s28+$0xFFFFFF10] =	vst v8  }
0x476: {  	v8 =	vadd.f32 $-5.000000000e-01, v9;
	v6 =	vadd.f32 v6, v10;
	v10 =	vld [tilespmem:s13+$0xFFFFFF20]  }
0x477: {  	v7 =	vadd.f32 v7, v11  }
0x478: {  	v8 =	vadd.f32 $1.258291200e+07, v8;
	[tilespmem:s28+$0xFFFFFF90] =	vst v6  }
0x479: {  	v6 =	vld [tilespmem:s13+$0xFFFFFFA0];
	[tilespmem:s28+$0x10] =	vst v7  }
0x47a: {  	v7 =	vand.u32 $0xF, v8;
	v8 =	vld [tilespmem:s13+$0x20]  }
0x47b: {  	v11 =	vperm.xlane v5, v7;
	v10 =	vmul.f32 $1.500000000e+01, v10;
	_ =	sdelay $0x1  }
0x47c: {  	v7 =	vperm.xlane v4, v7;
	v9 =	vmul.f32 v9, v11;
	v10 =	vmax.f32 v10, $0.0e+00  }
0x47d: {  	v6 =	vmul.f32 $1.500000000e+01, v6;
	v10 =	vmin.f32 v10, $1.500000000e+01  }
0x47e: {  	v7 =	vadd.f32 v9, v7;
	v8 =	vmul.f32 $1.500000000e+01, v8;
	v9 =	vadd.f32 $-5.000000000e-01, v10  }
0x47f: {  	v6 =	vmax.f32 v6, $0.0e+00  }
0x480: {  	[tilespmem:s28+$0xA0] =	vst v7;
	v6 =	vmin.f32 v6, $1.500000000e+01;
	v7 =	vmax.f32 v8, $0.0e+00;
	v8 =	vadd.f32 $1.258291200e+07, v9  }
0x481: {  	v9 =	vld [tilespmem:s13+$0xB0];
	v7 =	vmin.f32 v7, $1.500000000e+01;
	v11 =	vadd.f32 $-5.000000000e-01, v6  }
0x482: {  	v12 =	vadd.f32 $-5.000000000e-01, v7;
	v8 =	vand.u32 $0xF, v8  }
0x483: {  	v11 =	vadd.f32 $1.258291200e+07, v11;
	v13 =	vperm.xlane v5, v8  }
0x484: {  	v12 =	vadd.f32 $1.258291200e+07, v12  }
0x485: {  	v8 =	vperm.xlane v4, v8;
	v11 =	vand.u32 $0xF, v11;
	v10 =	vmul.f32 v10, v13  }
0x486: {  	v9 =	vmul.f32 $1.500000000e+01, v9;
	v12 =	vand.u32 $0xF, v12;
	v13 =	vperm.xlane v5, v11  }
0x487: {  	v14 =	vperm.xlane v5, v12;
	v8 =	vadd.f32 v10, v8  }
0x488: {  	v10 =	vperm.xlane v4, v11;
	v9 =	vmax.f32 v9, $0.0e+00;
	v6 =	vmul.f32 v6, v13  }
0x489: {  	v11 =	vperm.xlane v4, v12;
	v9 =	vmin.f32 v9, $1.500000000e+01;
	v7 =	vmul.f32 v7, v14  }
0x48a: {  	[tilespmem:s28+$0xFFFFFF20] =	vst v8;
	v8 =	vadd.f32 $-5.000000000e-01, v9;
	v6 =	vadd.f32 v6, v10  }
0x48b: {  	v10 =	vld [tilespmem:s13+$0xFFFFFF30];
	v7 =	vadd.f32 v7, v11  }
0x48c: {  	v8 =	vadd.f32 $1.258291200e+07, v8;
	[tilespmem:s28+$0xFFFFFFA0] =	vst v6  }
0x48d: {  	v6 =	vld [tilespmem:s13+$0xFFFFFFB0];
	[tilespmem:s28+$0x20] =	vst v7  }
0x48e: {  	v7 =	vand.u32 $0xF, v8;
	v8 =	vld [tilespmem:s13+$0x30]  }
0x48f: {  	v11 =	vperm.xlane v5, v7  }
0x490: {  	v10 =	vmul.f32 $1.500000000e+01, v10  }
0x491: {  	v7 =	vperm.xlane v4, v7;
	v9 =	vmul.f32 v9, v11  }
0x492: {  	v6 =	vmul.f32 $1.500000000e+01, v6  }
0x493: {  	s1 =	simm.s32 $0x8300;
	v10 =	vmax.f32 v10, $0.0e+00;
	v7 =	vadd.f32 v9, v7;
	v8 =	vmul.f32 $1.500000000e+01, v8  }
0x494: {  	v12 =	vld [tilespmem:s1+$0x80];
	v9 =	vmin.f32 v10, $1.500000000e+01;
	v6 =	vmax.f32 v6, $0.0e+00  }
0x495: {  	v10 =	vadd.f32 $-5.000000000e-01, v9;
	[tilespmem:s28+$0xB0] =	vst v7;
	v6 =	vmin.f32 v6, $1.500000000e+01;
	v7 =	vmax.f32 v8, $0.0e+00  }
0x496: {  	v8 =	vld [tilespmem:s13+$0xC0];
	v11 =	vadd.f32 $-5.000000000e-01, v6;
	v7 =	vmin.f32 v7, $1.500000000e+01  }
0x497: {  	v10 =	vadd.f32 $1.258291200e+07, v10;
	v13 =	vadd.f32 $-5.000000000e-01, v7  }
0x498: {  	v11 =	vadd.f32 $1.258291200e+07, v11  }
0x499: {  	v12 =	vmul.f32 $1.500000000e+01, v12;
	v10 =	vand.u32 $0xF, v10;
	v13 =	vadd.f32 $1.258291200e+07, v13  }
0x49a: {  	v14 =	vperm.xlane v4, v10;
	v10 =	vperm.xlane v5, v10;
	v11 =	vand.u32 $0xF, v11  }
0x49b: {  	v16 =	vld [tilespmem:s1+$0xFFFFFF00];
	v12 =	vmax.f32 v12, $0.0e+00;
	v8 =	vmul.f32 $1.500000000e+01, v8;
	v15 =	vperm.xlane v4, v11  }
0x49c: {  	v11 =	vperm.xlane v5, v11;
	v13 =	vand.u32 $0xF, v13;
	v9 =	vmul.f32 v9, v10;
	v10 =	vld [tilespmem:s1+$0xFFFFFF80]  }
0x49d: {  	v12 =	vmin.f32 v12, $1.500000000e+01;
	v17 =	vperm.xlane v5, v13  }
0x49e: {  	v8 =	vmax.f32 v8, $0.0e+00;
	v6 =	vmul.f32 v6, v11;
	v11 =	vperm.xlane v4, v13  }
0x49f: {  	v13 =	vadd.f32 $-5.000000000e-01, v12;
	v8 =	vmin.f32 v8, $1.500000000e+01;
	v7 =	vmul.f32 v7, v17  }
0x4a0: {  	v18 =	vadd.f32 $-5.000000000e-01, v8;
	v6 =	vadd.f32 v6, v15;
	v15 =	vmul.f32 $1.500000000e+01, v16  }
0x4a1: {  	v9 =	vadd.f32 v9, v14;
	v13 =	vadd.f32 $1.258291200e+07, v13;
	v10 =	vmul.f32 $1.500000000e+01, v10  }
0x4a2: {  	v7 =	vadd.f32 v7, v11;
	v11 =	vld [tilespmem:s1+$0x0];
	v14 =	vadd.f32 $1.258291200e+07, v18;
	v15 =	vmax.f32 v15, $0.0e+00  }
0x4a3: {  	v13 =	vand.u32 $0xF, v13;
	v10 =	vmax.f32 v10, $0.0e+00;
	v15 =	vmin.f32 v15, $1.500000000e+01  }
0x4a4: {  	v17 =	vperm.xlane v5, v13;
	v13 =	vperm.xlane v4, v13;
	v14 =	vand.u32 $0xF, v14  }
0x4a5: {  	v10 =	vmin.f32 v10, $1.500000000e+01;
	v18 =	vadd.f32 $-5.000000000e-01, v15;
	v16 =	vperm.xlane v5, v14  }
0x4a6: {  	v14 =	vperm.xlane v4, v14;
	v19 =	vadd.f32 $-5.000000000e-01, v10;
	v12 =	vmul.f32 v12, v17  }
0x4a7: {  	[tilespmem:s28+$0xFFFFFF30] =	vst v9;
	v9 =	vmul.f32 $1.500000000e+01, v11;
	v11 =	vadd.f32 $1.258291200e+07, v18;
	v8 =	vmul.f32 v8, v16  }
0x4a8: {  	[tilespmem:s28+$0xFFFFFFB0] =	vst v6;
	v6 =	vadd.f32 $1.258291200e+07, v19;
	v12 =	vadd.f32 v12, v13  }
0x4a9: {  	s29 =	simm.s32 $0x14300;
	[tilespmem:s28+$0x30] =	vst v7;
	v16 =	vld [tilespmem:s13+$0xFFFFFF40];
	v7 =	vadd.f32 v8, v14;
	v8 =	vmax.f32 v9, $0.0e+00;
	v9 =	vand.u32 $0xF, v11  }
0x4aa: {  	v13 =	vld [tilespmem:s13+$0xFFFFFFC0];
	v6 =	vand.u32 $0xF, v6;
	[tilespmem:s29+$0x80] =	vst v12;
	v8 =	vmin.f32 v8, $1.500000000e+01;
	v14 =	vperm.xlane v5, v9  }
0x4ab: {  	v12 =	vperm.xlane v5, v6;
	v17 =	vld [tilespmem:s1+$0x90];
	[tilespmem:s28+$0xC0] =	vst v7;
	v7 =	vadd.f32 $-5.000000000e-01, v8  }
0x4ac: {  	v11 =	vld [tilespmem:s13+$0x40];
	v9 =	vperm.xlane v4, v9;
	v14 =	vmul.f32 v15, v14  }
0x4ad: {  	v6 =	vperm.xlane v4, v6;
	v18 =	vld [tilespmem:s13+$0xD0];
	v10 =	vmul.f32 v10, v12;
	v7 =	vadd.f32 $1.258291200e+07, v7  }
0x4ae: {  	v12 =	vmul.f32 $1.500000000e+01, v16;
	v9 =	vadd.f32 v14, v9  }
0x4af: {  	v13 =	vmul.f32 $1.500000000e+01, v13;
	v6 =	vadd.f32 v10, v6;
	v7 =	vand.u32 $0xF, v7  }
0x4b0: {  	v10 =	vmax.f32 v12, $0.0e+00;
	v12 =	vperm.xlane v5, v7;
	[tilespmem:s29+$0xFFFFFF00] =	vst v9;
	v9 =	vmul.f32 $1.500000000e+01, v17  }
0x4b1: {  	v13 =	vmax.f32 v13, $0.0e+00;
	v11 =	vmul.f32 $1.500000000e+01, v11;
	[tilespmem:s29+$0xFFFFFF80] =	vst v6;
	v7 =	vperm.xlane v4, v7;
	v15 =	vld [tilespmem:s1+$0xFFFFFF10]  }
0x4b2: {  	v14 =	vmul.f32 $1.500000000e+01, v18;
	v6 =	vmul.f32 v8, v12;
	v8 =	vld [tilespmem:s1+$0xFFFFFF90];
	v9 =	vmax.f32 v9, $0.0e+00  }
0x4b3: {  	v10 =	vmin.f32 v10, $1.500000000e+01;
	v13 =	vmin.f32 v13, $1.500000000e+01;
	v9 =	vmin.f32 v9, $1.500000000e+01  }
0x4b4: {  	v12 =	vmax.f32 v14, $0.0e+00;
	v6 =	vadd.f32 v6, v7;
	v7 =	vadd.f32 $-5.000000000e-01, v9  }
0x4b5: {  	v11 =	vmax.f32 v11, $0.0e+00;
	v17 =	vadd.f32 $-5.000000000e-01, v13;
	v12 =	vmin.f32 v12, $1.500000000e+01  }
0x4b6: {  	v14 =	vadd.f32 $-5.000000000e-01, v12;
	[tilespmem:s29+$0x0] =	vst v6;
	v6 =	vmul.f32 $1.500000000e+01, v15;
	v7 =	vadd.f32 $1.258291200e+07, v7  }
0x4b7: {  	v11 =	vmin.f32 v11, $1.500000000e+01;
	v15 =	vadd.f32 $-5.000000000e-01, v10;
	v16 =	vld [tilespmem:s1+$0x10];
	v8 =	vmul.f32 $1.500000000e+01, v8  }
0x4b8: {  	v14 =	vadd.f32 $1.258291200e+07, v14;
	v6 =	vmax.f32 v6, $0.0e+00;
	v7 =	vand.u32 $0xF, v7  }
0x4b9: {  	v6 =	vmin.f32 v6, $1.500000000e+01;
	v8 =	vmax.f32 v8, $0.0e+00;
	v18 =	vperm.xlane v5, v7  }
0x4ba: {  	v15 =	vadd.f32 $1.258291200e+07, v15;
	v8 =	vmin.f32 v8, $1.500000000e+01;
	v19 =	vadd.f32 $-5.000000000e-01, v6  }
0x4bb: {  	v7 =	vperm.xlane v4, v7;
	v20 =	vadd.f32 $-5.000000000e-01, v8;
	v9 =	vmul.f32 v9, v18  }
0x4bc: {  	v14 =	vand.u32 $0xF, v14;
	v16 =	vmul.f32 $1.500000000e+01, v16;
	v19 =	vadd.f32 $1.258291200e+07, v19  }
0x4bd: {  	v21 =	vperm.xlane v5, v14;
	v20 =	vadd.f32 $1.258291200e+07, v20;
	v7 =	vadd.f32 v9, v7  }
0x4be: {  	v9 =	vperm.xlane v4, v14;
	v14 =	vmax.f32 v16, $0.0e+00;
	v16 =	vand.u32 $0xF, v19  }
0x4bf: {  	v14 =	vmin.f32 v14, $1.500000000e+01;
	v19 =	vand.u32 $0xF, v20;
	v20 =	vperm.xlane v5, v16;
	[tilespmem:s29+$0x90] =	vst v7  }
0x4c0: {  	v7 =	vmul.f32 v12, v21;
	v16 =	vperm.xlane v4, v16;
	v12 =	vadd.f32 $-5.000000000e-01, v14;
	v22 =	vld [tilespmem:s1+$0xA0]  }
0x4c1: {  	v18 =	vadd.f32 $-5.000000000e-01, v11;
	v21 =	vperm.xlane v5, v19;
	v6 =	vmul.f32 v6, v20  }
0x4c2: {  	v7 =	vadd.f32 v7, v9;
	v9 =	vadd.f32 $1.258291200e+07, v12  }
0x4c3: {  	v8 =	vmul.f32 v8, v21;
	v12 =	vperm.xlane v4, v19;
	v6 =	vadd.f32 v6, v16  }
0x4c4: {  	v16 =	vadd.f32 $1.258291200e+07, v17;
	v17 =	vadd.f32 $1.258291200e+07, v18  }
0x4c5: {  	v9 =	vand.u32 $0xF, v9;
	v8 =	vadd.f32 v8, v12;
	[tilespmem:s29+$0xFFFFFF10] =	vst v6;
	v6 =	vmul.f32 $1.500000000e+01, v22  }
0x4c6: {  	v12 =	vand.u32 $0xF, v15;
	v15 =	vperm.xlane v5, v9;
	v16 =	vand.u32 $0xF, v16  }
0x4c7: {  	v17 =	vand.u32 $0xF, v17;
	v9 =	vperm.xlane v4, v9;
	v18 =	vld [tilespmem:s1+$0xFFFFFF20];
	[tilespmem:s29+$0xFFFFFF90] =	vst v8;
	v6 =	vmax.f32 v6, $0.0e+00  }
0x4c8: {  	[tilespmem:s28+$0xD0] =	vst v7;
	v19 =	vperm.xlane v5, v16;
	v8 =	vmul.f32 v14, v15;
	v14 =	vld [tilespmem:s1+$0xFFFFFFA0];
	v6 =	vmin.f32 v6, $1.500000000e+01  }
0x4c9: {  	v7 =	vld [tilespmem:s13+$0xD4];
	v21 =	vperm.xlane v5, v17;
	v15 =	vperm.xlane v5, v12;
	v20 =	vadd.f32 $-5.000000000e-01, v6  }
0x4ca: {  	v16 =	vperm.xlane v4, v16;
	v17 =	vperm.xlane v4, v17;
	v8 =	vadd.f32 v8, v9  }
0x4cb: {  	v12 =	vperm.xlane v4, v12;
	v9 =	vmul.f32 v10, v15;
	v15 =	vadd.f32 $1.258291200e+07, v20  }
0x4cc: {  	v13 =	vmul.f32 v13, v19;
	v10 =	vmul.f32 $1.500000000e+01, v18;
	[tilespmem:s29+$0x10] =	vst v8  }
0x4cd: {  	v11 =	vmul.f32 v11, v21;
	v8 =	vld [tilespmem:s1+$0x20];
	v14 =	vmul.f32 $1.500000000e+01, v14;
	v15 =	vand.u32 $0xF, v15  }
0x4ce: {  	v7 =	vmul.f32 $1.500000000e+01, v7;
	v10 =	vmax.f32 v10, $0.0e+00;
	v18 =	vperm.xlane v5, v15  }
0x4cf: {  	v10 =	vmin.f32 v10, $1.500000000e+01;
	v14 =	vmax.f32 v14, $0.0e+00;
	v15 =	vperm.xlane v4, v15  }
0x4d0: {  	v19 =	vadd.f32 $-5.000000000e-01, v10;
	v14 =	vmin.f32 v14, $1.500000000e+01;
	v6 =	vmul.f32 v6, v18  }
0x4d1: {  	v7 =	vmax.f32 v7, $0.0e+00;
	v9 =	vadd.f32 v9, v12;
	v12 =	vadd.f32 $-5.000000000e-01, v14  }
0x4d2: {  	v8 =	vmul.f32 $1.500000000e+01, v8;
	v18 =	vadd.f32 $1.258291200e+07, v19;
	v6 =	vadd.f32 v6, v15  }
0x4d3: {  	v13 =	vadd.f32 v13, v16;
	v11 =	vadd.f32 v11, v17;
	v7 =	vmin.f32 v7, $1.500000000e+01;
	[tilespmem:s28+$0xFFFFFF40] =	vst v9  }
0x4d4: {  	v9 =	vadd.f32 $1.258291200e+07, v12;
	v12 =	vld [tilespmem:s13+$0xFFFFFF50];
	v8 =	vmax.f32 v8, $0.0e+00;
	v15 =	vand.u32 $0xF, v18;
	[tilespmem:s29+$0xA0] =	vst v6  }
0x4d5: {  	[tilespmem:s28+$0xFFFFFFC0] =	vst v13;
	v16 =	vadd.f32 $-5.000000000e-01, v7;
	v6 =	vmin.f32 v8, $1.500000000e+01;
	v8 =	vperm.xlane v5, v15;
	v13 =	vld [tilespmem:s1+$0xB0]  }
0x4d6: {  	[tilespmem:s28+$0x40] =	vst v11;
	v9 =	vand.u32 $0xF, v9;
	v11 =	vperm.xlane v4, v15;
	v18 =	vadd.f32 $-5.000000000e-01, v6  }
0x4d7: {  	v17 =	vld [tilespmem:s13+$0xFFFFFFD0];
	v19 =	vperm.xlane v5, v9;
	v8 =	vmul.f32 v10, v8  }
0x4d8: {  	v9 =	vperm.xlane v4, v9;
	v10 =	vadd.f32 $1.258291200e+07, v16;
	v16 =	vadd.f32 $1.258291200e+07, v18  }
0x4d9: {  	v14 =	vmul.f32 v14, v19;
	v8 =	vadd.f32 v8, v11;
	v11 =	vmul.f32 $1.500000000e+01, v12  }
0x4da: {  	v15 =	vld [tilespmem:s13+$0x50];
	v16 =	vand.u32 $0xF, v16;
	v12 =	vmul.f32 $1.500000000e+01, v13  }
0x4db: {  	[tilespmem:s29+$0xFFFFFF20] =	vst v8;
	v8 =	vadd.f32 v14, v9;
	v9 =	vmax.f32 v11, $0.0e+00;
	v11 =	vperm.xlane v5, v16  }
0x4dc: {  	v13 =	vmul.f32 $1.500000000e+01, v17;
	v14 =	vld [tilespmem:s1+$0xFFFFFF30]  }
0x4dd: {  	v9 =	vmin.f32 v9, $1.500000000e+01;
	v12 =	vmax.f32 v12, $0.0e+00;
	[tilespmem:s29+$0xFFFFFFA0] =	vst v8;
	v6 =	vmul.f32 v6, v11  }
0x4de: {  	v11 =	vperm.xlane v4, v16;
	v17 =	vadd.f32 $-5.000000000e-01, v9;
	v8 =	vmin.f32 v12, $1.500000000e+01;
	v12 =	vld [tilespmem:s1+$0xFFFFFFB0]  }
0x4df: {  	v10 =	vand.u32 $0xF, v10;
	v15 =	vmul.f32 $1.500000000e+01, v15;
	v16 =	vadd.f32 $-5.000000000e-01, v8  }
0x4e0: {  	v13 =	vmax.f32 v13, $0.0e+00;
	v6 =	vadd.f32 v6, v11;
	v17 =	vadd.f32 $1.258291200e+07, v17  }
0x4e1: {  	v13 =	vmin.f32 v13, $1.500000000e+01;
	v11 =	vadd.f32 $1.258291200e+07, v16;
	v14 =	vmul.f32 $1.500000000e+01, v14  }
0x4e2: {  	v15 =	vmax.f32 v15, $0.0e+00;
	v16 =	vadd.f32 $-5.000000000e-01, v13;
	[tilespmem:s29+$0x20] =	vst v6;
	v17 =	vand.u32 $0xF, v17  }
0x4e3: {  	v6 =	vand.u32 $0xF, v11;
	v11 =	vld [tilespmem:s1+$0x30];
	v14 =	vmax.f32 v14, $0.0e+00;
	v12 =	vmul.f32 $1.500000000e+01, v12  }
0x4e4: {  	v16 =	vadd.f32 $1.258291200e+07, v16;
	v19 =	vperm.xlane v5, v6;
	v14 =	vmin.f32 v14, $1.500000000e+01  }
0x4e5: {  	v6 =	vperm.xlane v4, v6;
	v12 =	vmax.f32 v12, $0.0e+00;
	v20 =	vadd.f32 $-5.000000000e-01, v14  }
0x4e6: {  	v16 =	vand.u32 $0xF, v16;
	v8 =	vmul.f32 v8, v19;
	v12 =	vmin.f32 v12, $1.500000000e+01  }
0x4e7: {  	v19 =	vperm.xlane v5, v17;
	v21 =	vadd.f32 $-5.000000000e-01, v12;
	v20 =	vadd.f32 $1.258291200e+07, v20  }
0x4e8: {  	v6 =	vadd.f32 v8, v6;
	v8 =	vperm.xlane v5, v16;
	v11 =	vmul.f32 $1.500000000e+01, v11  }
0x4e9: {  	v17 =	vperm.xlane v4, v17;
	v9 =	vmul.f32 v9, v19;
	v19 =	vadd.f32 $1.258291200e+07, v21  }
0x4ea: {  	[tilespmem:s29+$0xB0] =	vst v6;
	v6 =	vmul.f32 v13, v8;
	v8 =	vmax.f32 v11, $0.0e+00;
	v11 =	vand.u32 $0xF, v20  }
0x4eb: {  	v15 =	vmin.f32 v15, $1.500000000e+01;
	v9 =	vadd.f32 v9, v17;
	v20 =	vperm.xlane v5, v11  }
0x4ec: {  	v13 =	vld [tilespmem:s1+$0xC0];
	v19 =	vand.u32 $0xF, v19;
	v21 =	vmin.f32 v8, $1.500000000e+01;
	v8 =	vperm.xlane v4, v16  }
0x4ed: {  	v18 =	vadd.f32 $-5.000000000e-01, v15;
	v11 =	vperm.xlane v4, v11;
	v16 =	vperm.xlane v5, v19  }
0x4ee: {  	v17 =	vperm.xlane v4, v19;
	[tilespmem:s28+$0xFFFFFF50] =	vst v9;
	v9 =	vperm.xlane v5, v10  }
0x4ef: {  	v18 =	vadd.f32 $1.258291200e+07, v18;
	v10 =	vperm.xlane v4, v10;
	v14 =	vmul.f32 v14, v20  }
0x4f0: {  	v6 =	vadd.f32 v6, v8;
	v8 =	vadd.f32 $-5.000000000e-01, v21;
	v12 =	vmul.f32 v12, v16  }
0x4f1: {  	v11 =	vadd.f32 v14, v11;
	v14 =	vand.u32 $0xF, v18;
	v13 =	vmul.f32 $1.500000000e+01, v13  }
0x4f2: {  	s31 =	simm.s32 $0x8500;
	v7 =	vmul.f32 v7, v9;
	[tilespmem:s28+$0xFFFFFFD0] =	vst v6;
	v6 =	vperm.xlane v5, v14  }
0x4f3: {  	v19 =	vld [tilespmem:s31+$0x80];
	v8 =	vadd.f32 $1.258291200e+07, v8;
	v12 =	vadd.f32 v12, v17;
	[tilespmem:s29+$0xFFFFFF30] =	vst v11;
	v11 =	vmax.f32 v13, $0.0e+00  }
0x4f4: {  	v14 =	vperm.xlane v4, v14;
	v13 =	vld [tilespmem:s13+$0xFFFFFFD4];
	v6 =	vmul.f32 v15, v6;
	v11 =	vmin.f32 v11, $1.500000000e+01  }
0x4f5: {  	[tilespmem:s29+$0xFFFFFFB0] =	vst v12;
	v12 =	vand.u32 $0xF, v8;
	v8 =	vadd.f32 v7, v10;
	v10 =	vld [tilespmem:s31+$0xFFFFFF80];
	v17 =	vadd.f32 $-5.000000000e-01, v11  }
0x4f6: {  	v16 =	vld [tilespmem:s13+$0xFFFFFF54];
	v18 =	vperm.xlane v5, v12  }
0x4f7: {  	v14 =	vadd.f32 v6, v14;
	v6 =	vld [tilespmem:s31+$0x0];
	v7 =	vadd.f32 $1.258291200e+07, v17  }
0x4f8: {  	v12 =	vperm.xlane v4, v12;
	v17 =	vmul.f32 v21, v18;
	v18 =	vld [tilespmem:s31+$0xFFFFFF00]  }
0x4f9: {  	v19 =	vmul.f32 $1.500000000e+01, v19;
	v13 =	vmul.f32 $1.500000000e+01, v13;
	v20 =	vand.u32 $0xF, v7  }
0x4fa: {  	v9 =	vld [tilespmem:s1+$0xFFFFFF40];
	v10 =	vmul.f32 $1.500000000e+01, v10;
	v12 =	vadd.f32 v17, v12;
	v17 =	vperm.xlane v5, v20  }
0x4fb: {  	v15 =	vld [tilespmem:s1+$0xFFFFFFC0];
	v16 =	vmul.f32 $1.500000000e+01, v16;
	v7 =	vmax.f32 v13, $0.0e+00;
	v13 =	vperm.xlane v4, v20  }
0x4fc: {  	v6 =	vmul.f32 $1.500000000e+01, v6;
	v10 =	vmax.f32 v10, $0.0e+00;
	v11 =	vmul.f32 v11, v17  }
0x4fd: {  	v10 =	vmin.f32 v10, $1.500000000e+01;
	v17 =	vmax.f32 v19, $0.0e+00;
	v18 =	vmul.f32 $1.500000000e+01, v18  }
0x4fe: {  	v19 =	vmax.f32 v6, $0.0e+00;
	v17 =	vmin.f32 v17, $1.500000000e+01;
	v11 =	vadd.f32 v11, v13  }
0x4ff: {  	v13 =	vadd.f32 $-5.000000000e-01, v17;
	v6 =	vmax.f32 v18, $0.0e+00;
	v18 =	vadd.f32 $-5.000000000e-01, v10  }
0x500: {  	v16 =	vmax.f32 v16, $0.0e+00;
	v9 =	vmul.f32 $1.500000000e+01, v9;
	v15 =	vmul.f32 $1.500000000e+01, v15;
	[tilespmem:s29+$0xC0] =	vst v11  }
0x501: {  	v11 =	vmin.f32 v6, $1.500000000e+01;
	v13 =	vadd.f32 $1.258291200e+07, v13;
	v18 =	vadd.f32 $1.258291200e+07, v18;
	v20 =	vld [tilespmem:s1+$0xD0]  }
0x502: {  	v6 =	vmin.f32 v16, $1.500000000e+01;
	v16 =	vmin.f32 v19, $1.500000000e+01;
	v19 =	vadd.f32 $-5.000000000e-01, v11  }
0x503: {  	v21 =	vadd.f32 $-5.000000000e-01, v16;
	v13 =	vand.u32 $0xF, v13;
	v18 =	vand.u32 $0xF, v18  }
0x504: {  	v19 =	vadd.f32 $1.258291200e+07, v19;
	v22 =	vperm.xlane v5, v13;
	v13 =	vperm.xlane v4, v13  }
0x505: {  	[tilespmem:s29+$0x30] =	vst v12;
	v12 =	vadd.f32 $1.258291200e+07, v21;
	v23 =	vperm.xlane v5, v18;
	v18 =	vperm.xlane v4, v18  }
0x506: {  	v9 =	vmax.f32 v9, $0.0e+00;
	v21 =	vld [tilespmem:s1+$0x40];
	v17 =	vmul.f32 v17, v22;
	v20 =	vmul.f32 $1.500000000e+01, v20  }
0x507: {  	v19 =	vand.u32 $0xF, v19;
	v12 =	vand.u32 $0xF, v12;
	v10 =	vmul.f32 v10, v23  }
0x508: {  	v22 =	vperm.xlane v5, v19;
	v13 =	vadd.f32 v17, v13;
	v17 =	vmax.f32 v20, $0.0e+00  }
0x509: {  	s30 =	simm.s32 $0x14500;
	[tilespmem:s28+$0x50] =	vst v14;
	v40 =	vperm.xlane v5, v12;
	v12 =	vperm.xlane v4, v12;
	v14 =	vmin.f32 v17, $1.500000000e+01  }
0x50a: {  	v11 =	vmul.f32 v11, v22;
	v17 =	vperm.xlane v4, v19;
	v19 =	vld [tilespmem:s13+$0x54];
	[tilespmem:s30+$0x80] =	vst v13;
	v13 =	vadd.f32 $-5.000000000e-01, v14  }
0x50b: {  	v15 =	vmax.f32 v15, $0.0e+00;
	v20 =	vmul.f32 $1.500000000e+01, v21;
	v16 =	vmul.f32 v16, v40;
	v21 =	vld [tilespmem:s31+$0x90]  }
0x50c: {  	v9 =	vmin.f32 v9, $1.500000000e+01;
	v11 =	vadd.f32 v11, v17;
	v13 =	vadd.f32 $1.258291200e+07, v13  }
0x50d: {  	v15 =	vmin.f32 v15, $1.500000000e+01;
	v10 =	vadd.f32 v10, v18;
	v12 =	vadd.f32 v16, v12  }
0x50e: {  	v17 =	vmax.f32 v20, $0.0e+00;
	v20 =	vadd.f32 $-5.000000000e-01, v15;
	[tilespmem:s30+$0xFFFFFF00] =	vst v11;
	v13 =	vand.u32 $0xF, v13  }
0x50f: {  	[tilespmem:s30+$0xFFFFFF80] =	vst v10;
	v11 =	vmin.f32 v17, $1.500000000e+01;
	v17 =	vadd.f32 $-5.000000000e-01, v9;
	v16 =	vld [tilespmem:s31+$0xFFFFFF10];
	v18 =	vperm.xlane v5, v13  }
0x510: {  	[tilespmem:s30+$0x0] =	vst v12;
	v10 =	vmul.f32 $1.500000000e+01, v19;
	v19 =	vld [tilespmem:s31+$0xFFFFFF90];
	v22 =	vadd.f32 $-5.000000000e-01, v11;
	v12 =	vmul.f32 $1.500000000e+01, v21  }
0x511: {  	v13 =	vperm.xlane v4, v13;
	v17 =	vadd.f32 $1.258291200e+07, v17;
	v14 =	vmul.f32 v14, v18  }
0x512: {  	v21 =	vmax.f32 v10, $0.0e+00;
	v10 =	vld [tilespmem:s31+$0x10];
	v18 =	vadd.f32 $1.258291200e+07, v20;
	v12 =	vmax.f32 v12, $0.0e+00  }
0x513: {  	v17 =	vand.u32 $0xF, v17;
	v12 =	vmin.f32 v12, $1.500000000e+01;
	v13 =	vadd.f32 v14, v13  }
0x514: {  	v14 =	vmul.f32 $1.500000000e+01, v16;
	v16 =	vadd.f32 $1.258291200e+07, v22;
	v20 =	vadd.f32 $-5.000000000e-01, v12  }
0x515: {  	v19 =	vmul.f32 $1.500000000e+01, v19;
	v18 =	vand.u32 $0xF, v18;
	v22 =	vperm.xlane v5, v17  }
0x516: {  	v17 =	vperm.xlane v4, v17;
	[tilespmem:s29+$0xD0] =	vst v13;
	v13 =	vmax.f32 v14, $0.0e+00;
	v14 =	vadd.f32 $1.258291200e+07, v20  }
0x517: {  	v45 =	vperm.xlane v5, v18;
	v10 =	vmul.f32 $1.500000000e+01, v10;
	v19 =	vmax.f32 v19, $0.0e+00;
	v20 =	vld [tilespmem:s1+$0xD4]  }
0x518: {  	v13 =	vmin.f32 v13, $1.500000000e+01;
	v19 =	vmin.f32 v19, $1.500000000e+01;
	v14 =	vand.u32 $0xF, v14  }
0x519: {  	v10 =	vmax.f32 v10, $0.0e+00;
	v23 =	vadd.f32 $-5.000000000e-01, v13;
	v41 =	vperm.xlane v5, v14  }
0x51a: {  	v42 =	vadd.f32 $-5.000000000e-01, v19;
	v10 =	vmin.f32 v10, $1.500000000e+01;
	v14 =	vperm.xlane v4, v14  }
0x51b: {  	v43 =	vadd.f32 $-5.000000000e-01, v10;
	v23 =	vadd.f32 $1.258291200e+07, v23;
	v12 =	vmul.f32 v12, v41  }
0x51c: {  	v22 =	vmul.f32 v9, v22;
	v44 =	vadd.f32 $1.258291200e+07, v42;
	v20 =	vmul.f32 $1.500000000e+01, v20  }
0x51d: {  	v26 =	vadd.f32 $1.258291200e+07, v43;
	v23 =	vand.u32 $0xF, v23;
	v12 =	vadd.f32 v12, v14  }
0x51e: {  	v47 =	vperm.xlane v5, v23;
	v23 =	vperm.xlane v4, v23;
	v14 =	vmax.f32 v20, $0.0e+00  }
0x51f: {  	v20 =	vand.u32 $0xF, v44;
	v46 =	vand.u32 $0xF, v26;
	v14 =	vmin.f32 v14, $1.500000000e+01;
	[tilespmem:s30+$0x90] =	vst v12  }
0x520: {  	v48 =	vperm.xlane v5, v20;
	v13 =	vmul.f32 v13, v47;
	v12 =	vadd.f32 $-5.000000000e-01, v14;
	v29 =	vld [tilespmem:s31+$0xA0]  }
0x521: {  	v16 =	vand.u32 $0xF, v16;
	v49 =	vperm.xlane v5, v46;
	v20 =	vperm.xlane v4, v20  }
0x522: {  	v19 =	vmul.f32 v19, v48;
	v13 =	vadd.f32 v13, v23;
	v12 =	vadd.f32 $1.258291200e+07, v12  }
0x523: {  	v9 =	vmin.f32 v7, $1.500000000e+01;
	v10 =	vmul.f32 v10, v49;
	v23 =	vperm.xlane v4, v46  }
0x524: {  	v50 =	vperm.xlane v5, v16;
	v19 =	vadd.f32 v19, v20;
	[tilespmem:s30+$0xFFFFFF10] =	vst v13;
	v12 =	vand.u32 $0xF, v12  }
0x525: {  	v10 =	vadd.f32 v10, v23;
	v20 =	vld [tilespmem:s31+$0xFFFFFF20];
	v7 =	vperm.xlane v5, v12;
	v13 =	vmul.f32 $1.500000000e+01, v29  }
0x526: {  	v18 =	vperm.xlane v4, v18;
	v23 =	vmul.f32 v11, v50;
	[tilespmem:s30+$0xFFFFFF90] =	vst v19  }
0x527: {  	v11 =	vperm.xlane v4, v12;
	[tilespmem:s30+$0x10] =	vst v10;
	v12 =	vld [tilespmem:s31+$0xFFFFFFA0];
	v7 =	vmul.f32 v14, v7;
	v10 =	vmax.f32 v13, $0.0e+00  }
0x528: {  	v15 =	vmul.f32 v15, v45;
	v17 =	vadd.f32 v22, v17;
	v13 =	vld [tilespmem:s31+$0x20];
	v51 =	vmin.f32 v10, $1.500000000e+01  }
0x529: {  	v16 =	vperm.xlane v4, v16;
	v10 =	vadd.f32 v7, v11;
	v7 =	vadd.f32 $-5.000000000e-01, v51  }
0x52a: {  	v15 =	vadd.f32 v15, v18;
	v19 =	vadd.f32 $-5.000000000e-01, v6;
	v18 =	vmul.f32 $1.500000000e+01, v20  }
0x52b: {  	v16 =	vadd.f32 v23, v16;
	v7 =	vadd.f32 $1.258291200e+07, v7  }
0x52c: {  	[tilespmem:s29+$0xFFFFFFC0] =	vst v15;
	v11 =	vmin.f32 v21, $1.500000000e+01;
	v12 =	vmul.f32 $1.500000000e+01, v12;
	v18 =	vmax.f32 v18, $0.0e+00  }
0x52d: {  	v22 =	vld [tilespmem:s1+$0xFFFFFFD0];
	v13 =	vmul.f32 $1.500000000e+01, v13;
	v18 =	vmin.f32 v18, $1.500000000e+01;
	v7 =	vand.u32 $0xF, v7  }
0x52e: {  	[tilespmem:s29+$0xFFFFFF40] =	vst v17;
	v12 =	vmax.f32 v12, $0.0e+00;
	v15 =	vadd.f32 $-5.000000000e-01, v18;
	v21 =	vperm.xlane v5, v7  }
0x52f: {  	v20 =	vld [tilespmem:s1+$0xFFFFFF50];
	v13 =	vmax.f32 v13, $0.0e+00;
	v12 =	vmin.f32 v12, $1.500000000e+01;
	v7 =	vperm.xlane v4, v7  }
0x530: {  	v13 =	vmin.f32 v13, $1.500000000e+01;
	v23 =	vadd.f32 $-5.000000000e-01, v12;
	v21 =	vmul.f32 v51, v21  }
0x531: {  	[tilespmem:s29+$0x40] =	vst v16;
	v15 =	vadd.f32 $1.258291200e+07, v15;
	v16 =	vadd.f32 $-5.000000000e-01, v13  }
0x532: {  	v22 =	vmul.f32 $1.500000000e+01, v22;
	v14 =	vadd.f32 $-5.000000000e-01, v9;
	v7 =	vadd.f32 v21, v7  }
0x533: {  	v52 =	vld [tilespmem:s1+$0x50];
	v15 =	vand.u32 $0xF, v15;
	v21 =	vadd.f32 $1.258291200e+07, v23;
	v16 =	vadd.f32 $1.258291200e+07, v16  }
0x534: {  	v19 =	vadd.f32 $1.258291200e+07, v19;
	v20 =	vmul.f32 $1.500000000e+01, v20;
	[tilespmem:s30+$0xA0] =	vst v7;
	v7 =	vperm.xlane v5, v15  }
0x535: {  	v21 =	vand.u32 $0xF, v21;
	v16 =	vand.u32 $0xF, v16;
	v15 =	vperm.xlane v4, v15;
	v23 =	vld [tilespmem:s31+$0xB0]  }
0x536: {  	v14 =	vadd.f32 $1.258291200e+07, v14;
	v53 =	vperm.xlane v5, v21;
	v54 =	vperm.xlane v5, v16  }
0x537: {  	v20 =	vmax.f32 v20, $0.0e+00;
	v16 =	vperm.xlane v4, v16;
	v7 =	vmul.f32 v18, v7  }
0x538: {  	v20 =	vmin.f32 v20, $1.500000000e+01;
	v18 =	vmul.f32 $1.500000000e+01, v52;
	v13 =	vmul.f32 v13, v54  }
0x539: {  	v12 =	vmul.f32 v12, v53;
	v7 =	vadd.f32 v7, v15;
	v15 =	vperm.xlane v4, v21  }
0x53a: {  	v21 =	vmax.f32 v22, $0.0e+00;
	v13 =	vadd.f32 v13, v16;
	v22 =	vmul.f32 $1.500000000e+01, v23  }
0x53b: {  	[tilespmem:s30+$0xFFFFFF20] =	vst v7;
	v7 =	vadd.f32 v12, v15;
	v12 =	vmax.f32 v18, $0.0e+00;
	v18 =	vadd.f32 $-5.000000000e-01, v20  }
0x53c: {  	v17 =	vadd.f32 $-5.000000000e-01, v11;
	v15 =	vmin.f32 v21, $1.500000000e+01;
	v21 =	vld [tilespmem:s31+$0xFFFFFF30];
	v12 =	vmin.f32 v12, $1.500000000e+01;
	[tilespmem:s30+$0x20] =	vst v13  }
0x53d: {  	v16 =	vmax.f32 v22, $0.0e+00;
	[tilespmem:s30+$0xFFFFFFA0] =	vst v7;
	v7 =	vadd.f32 $-5.000000000e-01, v15;
	v18 =	vadd.f32 $1.258291200e+07, v18;
	v55 =	vld [tilespmem:s31+$0x30]  }
0x53e: {  	v14 =	vand.u32 $0xF, v14;
	v22 =	vadd.f32 $-5.000000000e-01, v12;
	v16 =	vmin.f32 v16, $1.500000000e+01  }
0x53f: {  	v13 =	vadd.f32 $-5.000000000e-01, v16;
	v7 =	vadd.f32 $1.258291200e+07, v7;
	v18 =	vand.u32 $0xF, v18  }
0x540: {  	v17 =	vadd.f32 $1.258291200e+07, v17;
	v23 =	vld [tilespmem:s31+$0xFFFFFFB0];
	v22 =	vadd.f32 $1.258291200e+07, v22;
	v56 =	vperm.xlane v5, v18  }
0x541: {  	v13 =	vadd.f32 $1.258291200e+07, v13;
	v21 =	vmul.f32 $1.500000000e+01, v21;
	v7 =	vand.u32 $0xF, v7  }
0x542: {  	v22 =	vand.u32 $0xF, v22;
	v57 =	vperm.xlane v5, v7;
	v24 =	vmul.f32 $1.500000000e+01, v55  }
0x543: {  	v20 =	vmul.f32 v20, v56;
	v61 =	vperm.xlane v5, v22;
	v13 =	vand.u32 $0xF, v13  }
0x544: {  	v7 =	vperm.xlane v4, v7;
	v21 =	vmax.f32 v21, $0.0e+00;
	v58 =	vperm.xlane v5, v13  }
0x545: {  	v23 =	vmul.f32 $1.500000000e+01, v23;
	v21 =	vmin.f32 v21, $1.500000000e+01;
	v15 =	vmul.f32 v15, v57  }
0x546: {  	v13 =	vperm.xlane v4, v13;
	v24 =	vmax.f32 v24, $0.0e+00;
	v16 =	vmul.f32 v16, v58  }
0x547: {  	v23 =	vmax.f32 v23, $0.0e+00;
	v59 =	vadd.f32 $-5.000000000e-01, v21;
	v7 =	vadd.f32 v15, v7  }
0x548: {  	v12 =	vmul.f32 v12, v61;
	v23 =	vmin.f32 v23, $1.500000000e+01;
	v13 =	vadd.f32 v16, v13  }
0x549: {  	v24 =	vmin.f32 v24, $1.500000000e+01;
	v60 =	vadd.f32 $-5.000000000e-01, v23;
	v16 =	vadd.f32 $1.258291200e+07, v59;
	[tilespmem:s29+$0xFFFFFFD0] =	vst v7  }
0x54a: {  	v62 =	vadd.f32 $-5.000000000e-01, v24;
	v7 =	vand.u32 $0xF, v17;
	v17 =	vperm.xlane v4, v22;
	[tilespmem:s30+$0xB0] =	vst v13  }
0x54b: {  	v25 =	vadd.f32 $1.258291200e+07, v60;
	v13 =	vand.u32 $0xF, v16;
	v16 =	vperm.xlane v4, v18;
	v18 =	vld [tilespmem:s31+$0xC0]  }
0x54c: {  	v26 =	vadd.f32 $1.258291200e+07, v62;
	v17 =	vadd.f32 v12, v17;
	v63 =	vperm.xlane v5, v13  }
0x54d: {  	v12 =	vperm.xlane v5, v14;
	v25 =	vand.u32 $0xF, v25;
	v13 =	vperm.xlane v4, v13  }
0x54e: {  	v15 =	vand.u32 $0xF, v26;
	v32 =	vperm.xlane v5, v25;
	v21 =	vmul.f32 v21, v63  }
0x54f: {  	s0 =	simm.s32 $0x8700;
	v16 =	vadd.f32 v20, v16;
	v20 =	vperm.xlane v4, v25;
	v9 =	vmul.f32 v9, v12  }
0x550: {  	v34 =	vld [tilespmem:s0+$0x80];
	v12 =	vperm.xlane v4, v14;
	v13 =	vadd.f32 v21, v13;
	v18 =	vmul.f32 $1.500000000e+01, v18  }
0x551: {  	v19 =	vand.u32 $0xF, v19;
	v14 =	vld [tilespmem:s0+$0x0];
	v23 =	vmul.f32 v23, v32;
	[tilespmem:s29+$0xFFFFFF50] =	vst v16;
	v16 =	vperm.xlane v5, v15  }
0x552: {  	v22 =	vperm.xlane v5, v19;
	v15 =	vperm.xlane v4, v15;
	[tilespmem:s30+$0xFFFFFF30] =	vst v13;
	v13 =	vld [tilespmem:s1+$0xFFFFFFD4];
	v18 =	vmax.f32 v18, $0.0e+00  }
0x553: {  	v21 =	vld [tilespmem:s1+$0xFFFFFF54];
	v20 =	vadd.f32 v23, v20;
	v16 =	vmul.f32 v24, v16;
	v18 =	vmin.f32 v18, $1.500000000e+01  }
0x554: {  	v22 =	vmul.f32 v6, v22;
	v6 =	vperm.xlane v5, v7;
	v23 =	vld [tilespmem:s31+$0xFFFFFF40];
	v33 =	vadd.f32 $-5.000000000e-01, v18  }
0x555: {  	[tilespmem:s30+$0xFFFFFFB0] =	vst v20;
	v15 =	vadd.f32 v16, v15;
	v16 =	vperm.xlane v4, v19;
	v19 =	vld [tilespmem:s0+$0xFFFFFF80]  }
0x556: {  	v6 =	vmul.f32 v11, v6;
	v20 =	vld [tilespmem:s31+$0xFFFFFFC0];
	v11 =	vadd.f32 $1.258291200e+07, v33  }
0x557: {  	v14 =	vmul.f32 $1.500000000e+01, v14;
	v35 =	vmul.f32 $1.500000000e+01, v13;
	v13 =	vadd.f32 v22, v16;
	v16 =	vld [tilespmem:s0+$0xFFFFFF00]  }
0x558: {  	v25 =	vmul.f32 $1.500000000e+01, v34;
	v12 =	vadd.f32 v9, v12;
	v11 =	vand.u32 $0xF, v11  }
0x559: {  	v14 =	vmax.f32 v14, $0.0e+00;
	v22 =	vmul.f32 $1.500000000e+01, v23;
	v23 =	vperm.xlane v5, v11  }
0x55a: {  	v21 =	vmul.f32 $1.500000000e+01, v21;
	v36 =	vmin.f32 v14, $1.500000000e+01;
	v19 =	vmul.f32 $1.500000000e+01, v19  }
0x55b: {  	v11 =	vperm.xlane v4, v11;
	v18 =	vmul.f32 v18, v23;
	v23 =	vmax.f32 v25, $0.0e+00  }
0x55c: {  	v20 =	vmul.f32 $1.500000000e+01, v20;
	v16 =	vmul.f32 $1.500000000e+01, v16;
	v23 =	vmin.f32 v23, $1.500000000e+01  }
0x55d: {  	v11 =	vadd.f32 v18, v11;
	v18 =	vmax.f32 v19, $0.0e+00;
	v19 =	vadd.f32 $-5.000000000e-01, v23  }
0x55e: {  	[tilespmem:s30+$0x30] =	vst v15;
	v39 =	vadd.f32 $-5.000000000e-01, v36;
	v21 =	vmax.f32 v21, $0.0e+00;
	v16 =	vmax.f32 v16, $0.0e+00  }
0x55f: {  	v15 =	vmax.f32 v20, $0.0e+00;
	[tilespmem:s30+$0xC0] =	vst v11;
	v11 =	vmin.f32 v16, $1.500000000e+01;
	v19 =	vadd.f32 $1.258291200e+07, v19  }
0x560: {  	v20 =	vadd.f32 $1.258291200e+07, v39;
	v18 =	vmin.f32 v18, $1.500000000e+01;
	v37 =	vld [tilespmem:s31+$0xD0];
	v38 =	vadd.f32 $-5.000000000e-01, v11  }
0x561: {  	v14 =	vmin.f32 v21, $1.500000000e+01;
	v16 =	vadd.f32 $-5.000000000e-01, v18;
	v19 =	vand.u32 $0xF, v19  }
0x562: {  	v20 =	vand.u32 $0xF, v20;
	v21 =	vadd.f32 $1.258291200e+07, v38;
	v40 =	vperm.xlane v5, v19  }
0x563: {  	v44 =	vperm.xlane v5, v20;
	v20 =	vperm.xlane v4, v20;
	v16 =	vadd.f32 $1.258291200e+07, v16  }
0x564: {  	v41 =	vld [tilespmem:s31+$0x40];
	v19 =	vperm.xlane v4, v19;
	v21 =	vand.u32 $0xF, v21;
	v23 =	vmul.f32 v23, v40  }
0x565: {  	v16 =	vand.u32 $0xF, v16;
	v25 =	vmul.f32 $1.500000000e+01, v37;
	v42 =	vperm.xlane v5, v21  }
0x566: {  	[tilespmem:s29+$0x50] =	vst v17;
	v22 =	vmax.f32 v22, $0.0e+00;
	v43 =	vperm.xlane v5, v16;
	v21 =	vperm.xlane v4, v21  }
0x567: {  	v19 =	vadd.f32 v23, v19;
	v23 =	vld [tilespmem:s1+$0x54];
	v17 =	vmax.f32 v25, $0.0e+00;
	v11 =	vmul.f32 v11, v42  }
0x568: {  	s3 =	simm.s32 $0x14700;
	v16 =	vperm.xlane v4, v16;
	v18 =	vmul.f32 v18, v43;
	v17 =	vmin.f32 v17, $1.500000000e+01  }
0x569: {  	[tilespmem:s3+$0x80] =	vst v19;
	v19 =	vmul.f32 $1.500000000e+01, v41;
	v45 =	vadd.f32 $-5.000000000e-01, v17;
	v11 =	vadd.f32 v11, v21  }
0x56a: {  	v16 =	vadd.f32 v18, v16;
	v18 =	vmin.f32 v22, $1.500000000e+01;
	v46 =	vld [tilespmem:s0+$0x90];
	v21 =	vmul.f32 v36, v44  }
0x56b: {  	v19 =	vmax.f32 v19, $0.0e+00;
	v22 =	vadd.f32 $1.258291200e+07, v45;
	[tilespmem:s3+$0xFFFFFF00] =	vst v11;
	v11 =	vmin.f32 v15, $1.500000000e+01  }
0x56c: {  	[tilespmem:s3+$0xFFFFFF80] =	vst v16;
	v15 =	vmin.f32 v19, $1.500000000e+01;
	v19 =	vadd.f32 v21, v20;
	v16 =	vmul.f32 $1.500000000e+01, v23  }
0x56d: {  	v9 =	vmax.f32 v35, $0.0e+00;
	v21 =	vadd.f32 $-5.000000000e-01, v18;
	v23 =	vld [tilespmem:s0+$0xFFFFFF90];
	v47 =	vadd.f32 $-5.000000000e-01, v11  }
0x56e: {  	v20 =	vld [tilespmem:s0+$0xFFFFFF10];
	v49 =	vadd.f32 $-5.000000000e-01, v15;
	v22 =	vand.u32 $0xF, v22;
	v50 =	vmax.f32 v16, $0.0e+00  }
0x56f: {  	[tilespmem:s3+$0x0] =	vst v19;
	v16 =	vadd.f32 $1.258291200e+07, v21;
	v48 =	vperm.xlane v5, v22;
	v19 =	vmul.f32 $1.500000000e+01, v46  }
0x570: {  	v21 =	vld [tilespmem:s0+$0x10];
	v22 =	vperm.xlane v4, v22;
	v24 =	vadd.f32 $1.258291200e+07, v47;
	v51 =	vadd.f32 $1.258291200e+07, v49  }
0x571: {  	v52 =	vand.u32 $0xF, v16;
	v17 =	vmul.f32 v17, v48;
	v19 =	vmax.f32 v19, $0.0e+00  }
0x572: {  	v23 =	vmul.f32 $1.500000000e+01, v23;
	v25 =	vand.u32 $0xF, v51;
	v19 =	vmin.f32 v19, $1.500000000e+01  }
0x573: {  	v20 =	vmul.f32 $1.500000000e+01, v20;
	v61 =	vperm.xlane v5, v25;
	v17 =	vadd.f32 v17, v22  }
0x574: {  	v30 =	vperm.xlane v5, v52;
	v25 =	vperm.xlane v4, v25;
	v22 =	vadd.f32 $-5.000000000e-01, v19  }
0x575: {  	v16 =	vmax.f32 v20, $0.0e+00;
	v15 =	vmul.f32 v15, v61;
	[tilespmem:s30+$0xD0] =	vst v17;
	v17 =	vmul.f32 $1.500000000e+01, v21  }
0x576: {  	v20 =	vadd.f32 $1.258291200e+07, v22;
	v21 =	vmax.f32 v23, $0.0e+00;
	v16 =	vmin.f32 v16, $1.500000000e+01  }
0x577: {  	v22 =	vand.u32 $0xF, v24;
	v23 =	vld [tilespmem:s31+$0xD4];
	v21 =	vmin.f32 v21, $1.500000000e+01;
	v53 =	vadd.f32 $-5.000000000e-01, v16  }
0x578: {  	v17 =	vmax.f32 v17, $0.0e+00;
	v20 =	vand.u32 $0xF, v20;
	v55 =	vadd.f32 $-5.000000000e-01, v21  }
0x579: {  	v17 =	vmin.f32 v17, $1.500000000e+01;
	v54 =	vperm.xlane v5, v20;
	v24 =	vadd.f32 $1.258291200e+07, v53  }
0x57a: {  	v15 =	vadd.f32 v15, v25;
	v20 =	vperm.xlane v4, v20;
	v31 =	vadd.f32 $-5.000000000e-01, v17  }
0x57b: {  	v56 =	vadd.f32 $1.258291200e+07, v55;
	v19 =	vmul.f32 v19, v54;
	v24 =	vand.u32 $0xF, v24  }
0x57c: {  	v23 =	vmul.f32 $1.500000000e+01, v23;
	v57 =	vadd.f32 $1.258291200e+07, v31;
	v58 =	vperm.xlane v5, v24  }
0x57d: {  	v24 =	vperm.xlane v4, v24;
	v19 =	vadd.f32 v19, v20;
	v20 =	vand.u32 $0xF, v56  }
0x57e: {  	v23 =	vmax.f32 v23, $0.0e+00;
	v29 =	vand.u32 $0xF, v57;
	v59 =	vperm.xlane v5, v20  }
0x57f: {  	v28 =	vmul.f32 v16, v58;
	v23 =	vmin.f32 v23, $1.500000000e+01;
	v16 =	vperm.xlane v5, v29;
	[tilespmem:s3+$0x90] =	vst v19  }
0x580: {  	[tilespmem:s30+$0x40] =	vst v15;
	v20 =	vperm.xlane v4, v20;
	v19 =	vperm.xlane v5, v22;
	v60 =	vadd.f32 $-5.000000000e-01, v23;
	v32 =	vld [tilespmem:s0+$0xA0]  }
0x581: {  	v37 =	vld [tilespmem:s31+$0x50];
	v29 =	vperm.xlane v4, v29;
	v24 =	vadd.f32 v28, v24;
	v17 =	vmul.f32 v17, v16  }
0x582: {  	v21 =	vmul.f32 v21, v59;
	v16 =	vmin.f32 v9, $1.500000000e+01;
	v9 =	vadd.f32 $1.258291200e+07, v60  }
0x583: {  	v7 =	vperm.xlane v4, v7;
	v18 =	vmul.f32 v18, v30;
	[tilespmem:s3+$0xFFFFFF10] =	vst v24;
	v17 =	vadd.f32 v17, v29  }
0x584: {  	v11 =	vmul.f32 v11, v19;
	v20 =	vadd.f32 v21, v20;
	v63 =	vld [tilespmem:s0+$0xFFFFFF20];
	v9 =	vand.u32 $0xF, v9  }
0x585: {  	v19 =	vperm.xlane v5, v9;
	v62 =	vmul.f32 $1.500000000e+01, v32;
	[tilespmem:s3+$0x10] =	vst v17  }
0x586: {  	v22 =	vperm.xlane v4, v22;
	v26 =	vmul.f32 $1.500000000e+01, v37;
	v21 =	vadd.f32 $-5.000000000e-01, v14;
	[tilespmem:s3+$0xFFFFFF90] =	vst v20;
	v33 =	vld [tilespmem:s0+$0x20]  }
0x587: {  	v9 =	vperm.xlane v4, v9;
	v19 =	vmul.f32 v23, v19;
	v23 =	vld [tilespmem:s0+$0xFFFFFFA0];
	v17 =	vmax.f32 v62, $0.0e+00  }
0x588: {  	v11 =	vadd.f32 v11, v22;
	v20 =	vadd.f32 $-5.000000000e-01, v16;
	v34 =	vmin.f32 v17, $1.500000000e+01  }
0x589: {  	v22 =	vmul.f32 $1.500000000e+01, v63;
	v17 =	vadd.f32 v19, v9;
	v19 =	vadd.f32 $-5.000000000e-01, v34  }
0x58a: {  	v26 =	vmax.f32 v26, $0.0e+00;
	v32 =	vperm.xlane v4, v52;
	[tilespmem:s30+$0xFFFFFFC0] =	vst v11;
	v11 =	vadd.f32 $1.258291200e+07, v21  }
0x58b: {  	v20 =	vadd.f32 $1.258291200e+07, v20;
	v21 =	vmax.f32 v22, $0.0e+00;
	v19 =	vadd.f32 $1.258291200e+07, v19  }
0x58c: {  	v22 =	vmul.f32 $1.500000000e+01, v33;
	v15 =	vmin.f32 v21, $1.500000000e+01;
	v23 =	vmul.f32 $1.500000000e+01, v23  }
0x58d: {  	v18 =	vadd.f32 v18, v32;
	v38 =	vadd.f32 $-5.000000000e-01, v15;
	v19 =	vand.u32 $0xF, v19  }
0x58e: {  	v22 =	vmax.f32 v22, $0.0e+00;
	v21 =	vmax.f32 v23, $0.0e+00;
	v23 =	vperm.xlane v5, v19  }
0x58f: {  	v22 =	vmin.f32 v22, $1.500000000e+01;
	v19 =	vperm.xlane v4, v19;
	v27 =	vadd.f32 $1.258291200e+07, v38  }
0x590: {  	v36 =	vld [tilespmem:s31+$0xFFFFFFD0];
	[tilespmem:s30+$0xFFFFFF40] =	vst v18;
	v21 =	vmin.f32 v21, $1.500000000e+01;
	v40 =	vadd.f32 $-5.000000000e-01, v22;
	v23 =	vmul.f32 v34, v23  }
0x591: {  	v9 =	vmin.f32 v50, $1.500000000e+01;
	v35 =	vld [tilespmem:s31+$0xFFFFFF50];
	v39 =	vadd.f32 $-5.000000000e-01, v21;
	v27 =	vand.u32 $0xF, v27  }
0x592: {  	v41 =	vadd.f32 $1.258291200e+07, v40;
	v42 =	vperm.xlane v5, v27;
	v19 =	vadd.f32 v23, v19  }
0x593: {  	v50 =	vand.u32 $0xF, v11;
	v18 =	vadd.f32 $-5.000000000e-01, v9;
	v23 =	vadd.f32 $1.258291200e+07, v39  }
0x594: {  	v27 =	vperm.xlane v4, v27;
	v28 =	vand.u32 $0xF, v41;
	v15 =	vmul.f32 v15, v42;
	[tilespmem:s3+$0xA0] =	vst v19  }
0x595: {  	v25 =	vmul.f32 $1.500000000e+01, v36;
	v23 =	vand.u32 $0xF, v23;
	v45 =	vperm.xlane v5, v28;
	v43 =	vld [tilespmem:s0+$0xB0]  }
0x596: {  	v24 =	vmul.f32 $1.500000000e+01, v35;
	v44 =	vperm.xlane v5, v23;
	v15 =	vadd.f32 v15, v27  }
0x597: {  	v25 =	vmax.f32 v25, $0.0e+00;
	v47 =	vperm.xlane v4, v28;
	v22 =	vmul.f32 v22, v45  }
0x598: {  	v46 =	vmin.f32 v25, $1.500000000e+01;
	v23 =	vperm.xlane v4, v23;
	v21 =	vmul.f32 v21, v44;
	[tilespmem:s3+$0xFFFFFF20] =	vst v15  }
0x599: {  	v51 =	vadd.f32 $-5.000000000e-01, v46;
	v19 =	vmax.f32 v24, $0.0e+00;
	v15 =	vadd.f32 v22, v47;
	v22 =	vld [tilespmem:s0+$0xFFFFFF30]  }
0x59a: {  	v19 =	vmin.f32 v19, $1.500000000e+01;
	v21 =	vadd.f32 v21, v23;
	v48 =	vmul.f32 $1.500000000e+01, v43  }
0x59b: {  	v18 =	vadd.f32 $1.258291200e+07, v18;
	v49 =	vadd.f32 $-5.000000000e-01, v19;
	v23 =	vmin.f32 v26, $1.500000000e+01;
	[tilespmem:s3+$0x20] =	vst v15  }
0x59c: {  	v26 =	vadd.f32 $1.258291200e+07, v51;
	v15 =	vand.u32 $0xF, v20;
	[tilespmem:s3+$0xFFFFFFA0] =	vst v21;
	v20 =	vld [tilespmem:s0+$0x30];
	v11 =	vmax.f32 v48, $0.0e+00  }
0x59d: {  	v52 =	vadd.f32 $-5.000000000e-01, v23;
	v53 =	vld [tilespmem:s0+$0xFFFFFFB0];
	v21 =	vmin.f32 v11, $1.500000000e+01;
	v11 =	vadd.f32 $1.258291200e+07, v49  }
0x59e: {  	v26 =	vand.u32 $0xF, v26;
	v22 =	vmul.f32 $1.500000000e+01, v22;
	v54 =	vadd.f32 $-5.000000000e-01, v21  }
0x59f: {  	v27 =	vadd.f32 $1.258291200e+07, v52;
	v57 =	vperm.xlane v5, v26;
	v55 =	vand.u32 $0xF, v11  }
0x5a0: {  	v11 =	vand.u32 $0xF, v18;
	v22 =	vmax.f32 v22, $0.0e+00;
	v18 =	vadd.f32 $1.258291200e+07, v54  }
0x5a1: {  	v26 =	vperm.xlane v4, v26;
	v27 =	vand.u32 $0xF, v27;
	v22 =	vmin.f32 v22, $1.500000000e+01  }
0x5a2: {  	v20 =	vmul.f32 $1.500000000e+01, v20;
	v28 =	vmul.f32 $1.500000000e+01, v53;
	v18 =	vand.u32 $0xF, v18  }
0x5a3: {  	v24 =	vmul.f32 v46, v57;
	v60 =	vadd.f32 $-5.000000000e-01, v22;
	v58 =	vperm.xlane v5, v18  }
0x5a4: {  	v20 =	vmax.f32 v20, $0.0e+00;
	v28 =	vmax.f32 v28, $0.0e+00;
	v18 =	vperm.xlane v4, v18  }
0x5a5: {  	v20 =	vmin.f32 v20, $1.500000000e+01;
	v29 =	vadd.f32 $1.258291200e+07, v60;
	v21 =	vmul.f32 v21, v58  }
0x5a6: {  	v56 =	vperm.xlane v5, v55;
	v28 =	vmin.f32 v28, $1.500000000e+01;
	v61 =	vadd.f32 $-5.000000000e-01, v20  }
0x5a7: {  	[tilespmem:s28+$0xD4] =	vst v8;
	v8 =	vand.u32 $0xF, v29;
	v18 =	vadd.f32 v21, v18;
	v21 =	vadd.f32 $-5.000000000e-01, v28  }
0x5a8: {  	[tilespmem:s29+$0xD4] =	vst v10;
	v62 =	vadd.f32 $1.258291200e+07, v61;
	v10 =	vperm.xlane v4, v8;
	v8 =	vperm.xlane v5, v8  }
0x5a9: {  	v59 =	vperm.xlane v5, v27;
	v27 =	vperm.xlane v4, v27;
	[tilespmem:s3+$0xB0] =	vst v18;
	v18 =	vadd.f32 $1.258291200e+07, v21  }
0x5aa: {  	v19 =	vmul.f32 v19, v56;
	v29 =	vand.u32 $0xF, v62;
	v8 =	vmul.f32 v22, v8;
	v63 =	vld [tilespmem:s0+$0xC0]  }
0x5ab: {  	[tilespmem:s28+$0xFFFFFFD4] =	vst v12;
	v21 =	vperm.xlane v4, v55;
	v12 =	vperm.xlane v5, v29;
	v18 =	vand.u32 $0xF, v18  }
0x5ac: {  	[tilespmem:s28+$0xFFFFFF54] =	vst v13;
	v13 =	vperm.xlane v4, v18;
	v18 =	vperm.xlane v5, v18  }
0x5ad: {  	v23 =	vmul.f32 v23, v59;
	v8 =	vadd.f32 v8, v10;
	v19 =	vadd.f32 v19, v21  }
0x5ae: {  	[tilespmem:s30+$0xD4] =	vst v17;
	v21 =	vadd.f32 v24, v26;
	v10 =	vmul.f32 v20, v12;
	v17 =	vmul.f32 v28, v18  }
0x5af: {  	[tilespmem:s30+$0xFFFFFF50] =	vst v19;
	v18 =	vperm.xlane v4, v29;
	v12 =	vmul.f32 $1.500000000e+01, v63  }
0x5b0: {  	[tilespmem:s30+$0xFFFFFFD0] =	vst v21;
	v21 =	vperm.xlane v5, v50;
	v19 =	vadd.f32 v17, v13;
	v13 =	vld [tilespmem:s31+$0xFFFFFF54];
	v17 =	vadd.f32 v23, v27  }
0x5b1: {  	[tilespmem:s3+$0xFFFFFF30] =	vst v8;
	v10 =	vadd.f32 v10, v18;
	v23 =	vperm.xlane v5, v15;
	v8 =	vmax.f32 v12, $0.0e+00;
	v12 =	vld [tilespmem:s31+$0xFFFFFFD4]  }
0x5b2: {  	v20 =	vld [tilespmem:s0+$0xFFFFFF40];
	v14 =	vmul.f32 v14, v21;
	[tilespmem:s3+$0xFFFFFFB0] =	vst v19;
	v19 =	vmin.f32 v8, $1.500000000e+01;
	v8 =	vperm.xlane v5, v11  }
0x5b3: {  	s13 =	simm.s32 $0x8900;
	s1 =	simm.s32 $0xC;
	v18 =	vperm.xlane v4, v50;
	[tilespmem:s3+$0x30] =	vst v10;
	v10 =	vmul.f32 v16, v23;
	v21 =	vld [tilespmem:s0+$0xFFFFFFC0];
	v22 =	vadd.f32 $-5.000000000e-01, v19  }
.LBB2_6:
0x5b4: {  	v16 =	vld [tilespmem:s13+$0x80];
	s1 =	sadd.s32 $0x4, s1;
	[tilespmem:s30+$0x50] =	vst v17;
	v15 =	vperm.xlane v4, v15;
	v17 =	vadd.f32 v6, v7;
	v6 =	vmul.f32 v9, v8  }
0x5b5: {  	v7 =	vperm.xlane v4, v11;
	v9 =	vld [tilespmem:s13+$0xFFFFFF80];
	p0 =	slt.u32 s1, $0x7C;
	v8 =	vadd.f32 $1.258291200e+07, v22;
	v13 =	vmul.f32 $1.500000000e+01, v13  }
0x5b6: {  	v14 =	vadd.f32 v14, v18;
	v11 =	vld [tilespmem:s13+$0x0];
	v12 =	vmul.f32 $1.500000000e+01, v12;
	v10 =	vadd.f32 v10, v15;
	[tilespmem:s28+$0x54] =	vst v17;
	s28 =	smov.u32 s29;
	s29 =	smov.u32 s30;
	s30 =	smov.u32 s3  }
0x5b7: {  	v15 =	vld [tilespmem:s13+$0xFFFFFF00];
	v17 =	vmul.f32 $1.500000000e+01, v20;
	v18 =	vand.u32 $0xF, v8;
	v8 =	vmax.f32 v13, $0.0e+00  }
0x5b8: {  	v13 =	vmul.f32 $1.500000000e+01, v21;
	v20 =	vld [tilespmem:s0+$0x40];
	v21 =	vperm.xlane v5, v18;
	v12 =	vmax.f32 v12, $0.0e+00;
	[tilespmem:s28+$0xFFFFFF54] =	vst v14  }
0x5b9: {  	v8 =	vmin.f32 v8, $1.500000000e+01;
	v14 =	vmul.f32 $1.500000000e+01, v16;
	v16 =	vmax.f32 v17, $0.0e+00;
	v17 =	vld [tilespmem:s31+$0x54];
	[tilespmem:s28+$0xFFFFFFD4] =	vst v10;
	s31 =	smov.u32 s0;
	s0 =	smov.u32 s13  }
0x5ba: {  	v10 =	vmax.f32 v13, $0.0e+00;
	v13 =	vperm.xlane v4, v18;
	v18 =	vmul.f32 v19, v21  }
0x5bb: {  	v9 =	vmul.f32 $1.500000000e+01, v9;
	v11 =	vmul.f32 $1.500000000e+01, v11;
	v14 =	vmax.f32 v14, $0.0e+00  }
0x5bc: {  	v15 =	vmul.f32 $1.500000000e+01, v15;
	v14 =	vmin.f32 v14, $1.500000000e+01;
	v13 =	vadd.f32 v18, v13  }
0x5bd: {  	v9 =	vmax.f32 v9, $0.0e+00;
	v11 =	vmax.f32 v11, $0.0e+00;
	v18 =	vadd.f32 $-5.000000000e-01, v14  }
0x5be: {  	v9 =	vmin.f32 v9, $1.500000000e+01;
	v15 =	vmax.f32 v15, $0.0e+00;
	v11 =	vmin.f32 v11, $1.500000000e+01;
	[tilespmem:s3+$0xC0] =	vst v13  }
0x5bf: {  	v13 =	vmin.f32 v15, $1.500000000e+01;
	v15 =	vadd.f32 $-5.000000000e-01, v9;
	v18 =	vadd.f32 $1.258291200e+07, v18;
	v19 =	vld [tilespmem:s31+$0xD0]  }
0x5c0: {  	v20 =	vmul.f32 $1.500000000e+01, v20;
	v22 =	vadd.f32 $-5.000000000e-01, v11;
	v21 =	vadd.f32 $-5.000000000e-01, v13  }
0x5c1: {  	v16 =	vmin.f32 v16, $1.500000000e+01;
	v15 =	vadd.f32 $1.258291200e+07, v15;
	v18 =	vand.u32 $0xF, v18  }
0x5c2: {  	v22 =	vadd.f32 $1.258291200e+07, v22;
	v21 =	vadd.f32 $1.258291200e+07, v21;
	v23 =	vperm.xlane v5, v18  }
0x5c3: {  	v20 =	vmax.f32 v20, $0.0e+00;
	v18 =	vperm.xlane v4, v18;
	v15 =	vand.u32 $0xF, v15  }
0x5c4: {  	v21 =	vand.u32 $0xF, v21;
	v14 =	vmul.f32 v14, v23;
	v19 =	vmul.f32 $1.500000000e+01, v19  }
0x5c5: {  	v22 =	vand.u32 $0xF, v22;
	v24 =	vperm.xlane v5, v15;
	v23 =	vperm.xlane v5, v21  }
0x5c6: {  	v25 =	vperm.xlane v5, v22;
	v14 =	vadd.f32 v14, v18;
	v18 =	vmax.f32 v19, $0.0e+00  }
0x5c7: {  	s3 =	sadd.s32 $0x200, s3;
	v9 =	vmul.f32 v9, v24;
	v13 =	vmul.f32 v13, v23;
	v18 =	vmin.f32 v18, $1.500000000e+01  }
0x5c8: {  	v19 =	vperm.xlane v4, v21;
	v11 =	vmul.f32 v11, v25;
	[tilespmem:s3+$0x80] =	vst v14;
	v14 =	vadd.f32 $-5.000000000e-01, v18  }
0x5c9: {  	v15 =	vperm.xlane v4, v15;
	v21 =	vperm.xlane v4, v22;
	v23 =	vmin.f32 v10, $1.500000000e+01;
	v22 =	vld [tilespmem:s13+$0x90]  }
0x5ca: {  	v10 =	vadd.f32 v13, v19;
	v13 =	vmin.f32 v20, $1.500000000e+01;
	v14 =	vadd.f32 $1.258291200e+07, v14  }
0x5cb: {  	v9 =	vadd.f32 v9, v15;
	v11 =	vadd.f32 v11, v21;
	v15 =	vmul.f32 $1.500000000e+01, v17  }
0x5cc: {  	v17 =	vadd.f32 $-5.000000000e-01, v23;
	[tilespmem:s3+$0xFFFFFF00] =	vst v10;
	v10 =	vadd.f32 $-5.000000000e-01, v16;
	v14 =	vand.u32 $0xF, v14  }
0x5cd: {  	v15 =	vmax.f32 v15, $0.0e+00;
	v19 =	vld [tilespmem:s13+$0xFFFFFF10];
	[tilespmem:s3+$0xFFFFFF80] =	vst v9;
	v9 =	vadd.f32 $-5.000000000e-01, v13;
	v20 =	vperm.xlane v5, v14  }
0x5ce: {  	v17 =	vadd.f32 $1.258291200e+07, v17;
	v21 =	vld [tilespmem:s13+$0xFFFFFF90];
	[tilespmem:s3+$0x0] =	vst v11;
	v11 =	vmul.f32 $1.500000000e+01, v22;
	v10 =	vadd.f32 $1.258291200e+07, v10  }
0x5cf: {  	v14 =	vperm.xlane v4, v14;
	v22 =	vld [tilespmem:s13+$0x10];
	v9 =	vadd.f32 $1.258291200e+07, v9;
	v18 =	vmul.f32 v18, v20  }
0x5d0: {  	v17 =	vand.u32 $0xF, v17;
	v11 =	vmax.f32 v11, $0.0e+00;
	v20 =	vand.u32 $0xF, v10  }
0x5d1: {  	v11 =	vmin.f32 v11, $1.500000000e+01;
	v24 =	vand.u32 $0xF, v9;
	v9 =	vadd.f32 v18, v14  }
0x5d2: {  	v14 =	vmul.f32 $1.500000000e+01, v19;
	v18 =	vadd.f32 $-5.000000000e-01, v11;
	v19 =	vperm.xlane v5, v20  }
0x5d3: {  	v25 =	vperm.xlane v5, v17;
	v10 =	vmin.f32 v12, $1.500000000e+01;
	v21 =	vmul.f32 $1.500000000e+01, v21;
	[tilespmem:s30+$0xD0] =	vst v9  }
0x5d4: {  	v9 =	vmax.f32 v14, $0.0e+00;
	v12 =	vmul.f32 $1.500000000e+01, v22;
	v14 =	vadd.f32 $1.258291200e+07, v18;
	v18 =	vld [tilespmem:s31+$0xD4]  }
0x5d5: {  	v22 =	vmin.f32 v9, $1.500000000e+01;
	v9 =	vmax.f32 v21, $0.0e+00;
	v21 =	vperm.xlane v5, v24  }
0x5d6: {  	v26 =	vmin.f32 v9, $1.500000000e+01;
	v9 =	vmax.f32 v12, $0.0e+00;
	v12 =	vand.u32 $0xF, v14  }
0x5d7: {  	v14 =	vadd.f32 $-5.000000000e-01, v22;
	v27 =	vmin.f32 v9, $1.500000000e+01;
	v9 =	vperm.xlane v5, v12  }
0x5d8: {  	v28 =	vadd.f32 $-5.000000000e-01, v26;
	v12 =	vperm.xlane v4, v12;
	v29 =	vadd.f32 $-5.000000000e-01, v27  }
0x5d9: {  	v14 =	vadd.f32 $1.258291200e+07, v14;
	v9 =	vmul.f32 v11, v9;
	v11 =	vmul.f32 $1.500000000e+01, v18  }
0x5da: {  	v16 =	vmul.f32 v16, v19;
	v18 =	vadd.f32 $1.258291200e+07, v28;
	v28 =	vadd.f32 $1.258291200e+07, v29  }
0x5db: {  	v14 =	vand.u32 $0xF, v14;
	v9 =	vadd.f32 v9, v12;
	v11 =	vmax.f32 v11, $0.0e+00  }
0x5dc: {  	v12 =	vand.u32 $0xF, v18;
	v18 =	vand.u32 $0xF, v28;
	v11 =	vmin.f32 v11, $1.500000000e+01  }
0x5dd: {  	v19 =	vperm.xlane v5, v14;
	v28 =	vperm.xlane v5, v12;
	[tilespmem:s3+$0x90] =	vst v9;
	v29 =	vadd.f32 $-5.000000000e-01, v11  }
0x5de: {  	v14 =	vperm.xlane v4, v14;
	v30 =	vperm.xlane v5, v18;
	v9 =	vmin.f32 v15, $1.500000000e+01;
	v31 =	vld [tilespmem:s13+$0xA0]  }
0x5df: {  	v15 =	vmul.f32 v22, v19;
	v19 =	vmul.f32 v26, v28;
	v22 =	vadd.f32 $1.258291200e+07, v29  }
0x5e0: {  	v12 =	vperm.xlane v4, v12;
	v26 =	vmul.f32 v27, v30;
	v27 =	vadd.f32 $-5.000000000e-01, v8  }
0x5e1: {  	v14 =	vadd.f32 v15, v14;
	v15 =	vperm.xlane v4, v18;
	v18 =	vand.u32 $0xF, v22  }
0x5e2: {  	v12 =	vadd.f32 v19, v12;
	v19 =	vmul.f32 v23, v25;
	v22 =	vperm.xlane v5, v18  }
0x5e3: {  	v13 =	vmul.f32 v13, v21;
	[tilespmem:s3+$0xFFFFFF10] =	vst v14;
	v14 =	vadd.f32 v26, v15;
	v15 =	vmul.f32 $1.500000000e+01, v31  }
0x5e4: {  	v21 =	vld [tilespmem:s13+$0xFFFFFF20];
	[tilespmem:s3+$0xFFFFFF90] =	vst v12;
	v12 =	vperm.xlane v4, v18;
	v11 =	vmul.f32 v11, v22;
	v18 =	vadd.f32 $-5.000000000e-01, v10  }
0x5e5: {  	v17 =	vperm.xlane v4, v17;
	v22 =	vld [tilespmem:s13+$0xFFFFFFA0];
	[tilespmem:s3+$0x10] =	vst v14;
	v14 =	vmax.f32 v15, $0.0e+00;
	v15 =	vperm.xlane v4, v20  }
0x5e6: {  	v23 =	vperm.xlane v4, v24;
	v20 =	vld [tilespmem:s13+$0x20];
	v14 =	vmin.f32 v14, $1.500000000e+01;
	v11 =	vadd.f32 v11, v12  }
0x5e7: {  	v12 =	vadd.f32 $-5.000000000e-01, v14;
	v15 =	vadd.f32 v16, v15  }
0x5e8: {  	v13 =	vadd.f32 v13, v23;
	v16 =	vadd.f32 v19, v17;
	[tilespmem:s30+$0xD4] =	vst v11  }
0x5e9: {  	v11 =	vmul.f32 $1.500000000e+01, v21;
	v12 =	vadd.f32 $1.258291200e+07, v12;
	[tilespmem:s30+$0xFFFFFF40] =	vst v15;
	v15 =	vadd.f32 $-5.000000000e-01, v9  }
0x5ea: {  	v18 =	vadd.f32 $1.258291200e+07, v18;
	v17 =	vmul.f32 $1.500000000e+01, v22;
	v19 =	vld [tilespmem:s31+$0xFFFFFF50];
	[tilespmem:s30+$0xFFFFFFC0] =	vst v16;
	v16 =	vadd.f32 $1.258291200e+07, v27  }
0x5eb: {  	v11 =	vmax.f32 v11, $0.0e+00;
	v20 =	vmul.f32 $1.500000000e+01, v20;
	v12 =	vand.u32 $0xF, v12;
	v21 =	vld [tilespmem:s31+$0xFFFFFFD0];
	[tilespmem:s30+$0x40] =	vst v13  }
0x5ec: {  	v11 =	vmin.f32 v11, $1.500000000e+01;
	v13 =	vmax.f32 v17, $0.0e+00;
	v17 =	vperm.xlane v5, v12;
	v22 =	vld [tilespmem:s31+$0x50]  }
0x5ed: {  	v23 =	vadd.f32 $-5.000000000e-01, v11;
	v13 =	vmin.f32 v13, $1.500000000e+01;
	v20 =	vmax.f32 v20, $0.0e+00  }
0x5ee: {  	v12 =	vperm.xlane v4, v12;
	v20 =	vmin.f32 v20, $1.500000000e+01;
	v14 =	vmul.f32 v14, v17  }
0x5ef: {  	v17 =	vadd.f32 $-5.000000000e-01, v13;
	v24 =	vadd.f32 $-5.000000000e-01, v20;
	v19 =	vmul.f32 $1.500000000e+01, v19  }
0x5f0: {  	v23 =	vadd.f32 $1.258291200e+07, v23;
	v12 =	vadd.f32 v14, v12;
	v14 =	vmul.f32 $1.500000000e+01, v21  }
0x5f1: {  	v17 =	vadd.f32 $1.258291200e+07, v17;
	v21 =	vadd.f32 $1.258291200e+07, v24;
	v22 =	vmul.f32 $1.500000000e+01, v22  }
0x5f2: {  	v23 =	vand.u32 $0xF, v23;
	[tilespmem:s3+$0xA0] =	vst v12;
	v12 =	vmax.f32 v19, $0.0e+00;
	v14 =	vmax.f32 v14, $0.0e+00  }
0x5f3: {  	v19 =	vperm.xlane v5, v23;
	v17 =	vand.u32 $0xF, v17;
	v21 =	vand.u32 $0xF, v21;
	v24 =	vld [tilespmem:s13+$0xB0]  }
0x5f4: {  	v25 =	vperm.xlane v5, v17;
	v22 =	vmax.f32 v22, $0.0e+00;
	v26 =	vperm.xlane v5, v21  }
0x5f5: {  	v23 =	vperm.xlane v4, v23;
	v12 =	vmin.f32 v12, $1.500000000e+01;
	v11 =	vmul.f32 v11, v19  }
0x5f6: {  	v14 =	vmin.f32 v14, $1.500000000e+01;
	v13 =	vmul.f32 v13, v25;
	v19 =	vmul.f32 v20, v26  }
0x5f7: {  	v17 =	vperm.xlane v4, v17;
	v11 =	vadd.f32 v11, v23;
	v20 =	vperm.xlane v4, v21  }
0x5f8: {  	v22 =	vmin.f32 v22, $1.500000000e+01;
	v23 =	vadd.f32 $-5.000000000e-01, v12;
	v21 =	vmul.f32 $1.500000000e+01, v24  }
0x5f9: {  	v16 =	vand.u32 $0xF, v16;
	[tilespmem:s3+$0xFFFFFF20] =	vst v11;
	v11 =	vadd.f32 v13, v17;
	v13 =	vadd.f32 v19, v20  }
0x5fa: {  	v20 =	vadd.f32 $-5.000000000e-01, v14;
	v17 =	vld [tilespmem:s13+$0xFFFFFF30];
	v19 =	vmax.f32 v21, $0.0e+00;
	v21 =	vadd.f32 $-5.000000000e-01, v22  }
0x5fb: {  	[tilespmem:s3+$0xFFFFFFA0] =	vst v11;
	v19 =	vmin.f32 v19, $1.500000000e+01;
	v11 =	vadd.f32 $1.258291200e+07, v23;
	v23 =	vadd.f32 $1.258291200e+07, v15  }
0x5fc: {  	v20 =	vadd.f32 $1.258291200e+07, v20;
	v15 =	vand.u32 $0xF, v18;
	v24 =	vld [tilespmem:s13+$0xFFFFFFB0];
	[tilespmem:s3+$0x20] =	vst v13;
	v13 =	vadd.f32 $-5.000000000e-01, v19  }
0x5fd: {  	v21 =	vadd.f32 $1.258291200e+07, v21;
	v18 =	vld [tilespmem:s13+$0x30];
	v25 =	vand.u32 $0xF, v11;
	v11 =	vand.u32 $0xF, v23  }
0x5fe: {  	v20 =	vand.u32 $0xF, v20;
	v13 =	vadd.f32 $1.258291200e+07, v13;
	v23 =	vperm.xlane v5, v25  }
0x5ff: {  	v26 =	vperm.xlane v5, v20;
	v21 =	vand.u32 $0xF, v21;
	v17 =	vmul.f32 $1.500000000e+01, v17  }
0x600: {  	v13 =	vand.u32 $0xF, v13;
	v12 =	vmul.f32 v12, v23;
	v23 =	vperm.xlane v5, v21  }
0x601: {  	v17 =	vmax.f32 v17, $0.0e+00;
	v24 =	vmul.f32 $1.500000000e+01, v24;
	v27 =	vperm.xlane v5, v13  }
0x602: {  	v14 =	vmul.f32 v14, v26;
	v17 =	vmin.f32 v17, $1.500000000e+01;
	v18 =	vmul.f32 $1.500000000e+01, v18  }
0x603: {  	v13 =	vperm.xlane v4, v13;
	v24 =	vmax.f32 v24, $0.0e+00;
	v19 =	vmul.f32 v19, v27  }
0x604: {  	v26 =	vadd.f32 $-5.000000000e-01, v17;
	v24 =	vmin.f32 v24, $1.500000000e+01;
	v18 =	vmax.f32 v18, $0.0e+00  }
0x605: {  	v27 =	vadd.f32 $-5.000000000e-01, v24;
	v18 =	vmin.f32 v18, $1.500000000e+01;
	v13 =	vadd.f32 v19, v13  }
0x606: {  	v22 =	vmul.f32 v22, v23;
	v19 =	vadd.f32 $1.258291200e+07, v26;
	v26 =	vadd.f32 $-5.000000000e-01, v18  }
0x607: {  	v20 =	vperm.xlane v4, v20;
	v23 =	vadd.f32 $1.258291200e+07, v27;
	[tilespmem:s3+$0xB0] =	vst v13;
	v13 =	vperm.xlane v4, v25  }
0x608: {  	v21 =	vperm.xlane v4, v21;
	v19 =	vand.u32 $0xF, v19;
	v25 =	vadd.f32 $1.258291200e+07, v26;
	v26 =	vld [tilespmem:s13+$0xC0]  }
0x609: {  	v27 =	vperm.xlane v4, v19;
	v19 =	vperm.xlane v5, v19;
	v23 =	vand.u32 $0xF, v23  }
0x60a: {  	v28 =	vperm.xlane v4, v23;
	v23 =	vperm.xlane v5, v23;
	v25 =	vand.u32 $0xF, v25  }
0x60b: {  	v12 =	vadd.f32 v12, v13;
	v17 =	vmul.f32 v17, v19;
	v19 =	vperm.xlane v5, v25  }
0x60c: {  	v14 =	vadd.f32 v14, v20;
	v13 =	vmul.f32 v24, v23;
	v23 =	vperm.xlane v4, v25  }
.Ltmp2:
0x60d: {  	v20 =	vadd.f32 v17, v27;
	v18 =	vmul.f32 v18, v19;
	v19 =	vmul.f32 $1.500000000e+01, v26;
	[tilespmem:s30+$0xFFFFFF50] =	vst v12;
	(pc) =	sbr.rel @p0 .LBB2_6-.Ltmp2, $4  }
0x60e: {  	v17 =	vadd.f32 v22, v21;
	v24 =	vadd.f32 v13, v28;
	v13 =	vld [tilespmem:s31+$0xFFFFFF54];
	[tilespmem:s30+$0xFFFFFFD0] =	vst v14;
	v14 =	vperm.xlane v5, v16  }
0x60f: {  	[tilespmem:s3+$0xFFFFFF30] =	vst v20;
	v18 =	vadd.f32 v18, v23;
	v19 =	vmax.f32 v19, $0.0e+00;
	v12 =	vld [tilespmem:s31+$0xFFFFFFD4];
	v23 =	vperm.xlane v5, v15  }
0x610: {  	v20 =	vld [tilespmem:s13+$0xFFFFFF40];
	[tilespmem:s3+$0xFFFFFFB0] =	vst v24;
	v19 =	vmin.f32 v19, $1.500000000e+01;
	v14 =	vmul.f32 v8, v14;
	v8 =	vperm.xlane v5, v11  }
0x611: {  	s13 =	sadd.s32 $0x200, s13;
	v21 =	vld [tilespmem:s0+$0xFFFFFFC0];
	[tilespmem:s3+$0x30] =	vst v18;
	v22 =	vadd.f32 $-5.000000000e-01, v19;
	v18 =	vperm.xlane v4, v16;
	v10 =	vmul.f32 v10, v23  }
0x612: {  	_ = 	snop  }
0x613: {  	v16 =	vadd.f32 $1.258291200e+07, v22;
	_ =	sdelay $0x1  }
0x614: {  	v16 =	vand.u32 $0xF, v16  }
0x615: {  	v22 =	vperm.xlane v5, v16;
	_ =	sdelay $0x1  }
0x616: {  	v16 =	vperm.xlane v4, v16;
	v19 =	vmul.f32 v19, v22;
	_ =	sdelay $0x1  }
0x617: {  	v16 =	vadd.f32 v19, v16;
	v19 =	vld [tilespmem:s0+$0x40]  }
0x618: {  	v20 =	vmul.f32 $1.500000000e+01, v20  }
0x619: {  	v21 =	vmul.f32 $1.500000000e+01, v21;
	[tilespmem:s3+$0xC0] =	vst v16  }
0x61a: {  	v20 =	vmax.f32 v20, $0.0e+00;
	v16 =	vld [tilespmem:s0+$0xD0]  }
0x61b: {  	v21 =	vmax.f32 v21, $0.0e+00;
	v20 =	vmin.f32 v20, $1.500000000e+01  }
0x61c: {  	v21 =	vmin.f32 v21, $1.500000000e+01;
	v22 =	vadd.f32 $-5.000000000e-01, v20;
	v19 =	vmul.f32 $1.500000000e+01, v19  }
0x61d: {  	v23 =	vadd.f32 $-5.000000000e-01, v21  }
0x61e: {  	v22 =	vadd.f32 $1.258291200e+07, v22;
	v19 =	vmax.f32 v19, $0.0e+00  }
0x61f: {  	v23 =	vadd.f32 $1.258291200e+07, v23;
	v16 =	vmul.f32 $1.500000000e+01, v16;
	v19 =	vmin.f32 v19, $1.500000000e+01  }
0x620: {  	v22 =	vand.u32 $0xF, v22;
	v24 =	vadd.f32 $-5.000000000e-01, v19  }
0x621: {  	v23 =	vand.u32 $0xF, v23;
	v26 =	vperm.xlane v5, v22;
	v16 =	vmax.f32 v16, $0.0e+00  }
0x622: {  	v27 =	vperm.xlane v5, v23;
	v16 =	vmin.f32 v16, $1.500000000e+01;
	v24 =	vadd.f32 $1.258291200e+07, v24  }
0x623: {  	v22 =	vperm.xlane v4, v22;
	v23 =	vperm.xlane v4, v23;
	v25 =	vadd.f32 $-5.000000000e-01, v16  }
0x624: {  	v20 =	vmul.f32 v20, v26;
	v21 =	vmul.f32 v21, v27;
	v24 =	vand.u32 $0xF, v24  }
0x625: {  	v28 =	vperm.xlane v5, v24;
	v25 =	vadd.f32 $1.258291200e+07, v25  }
0x626: {  	v20 =	vadd.f32 v20, v22;
	v21 =	vadd.f32 v21, v23  }
0x627: {  	v22 =	vperm.xlane v4, v24;
	v25 =	vand.u32 $0xF, v25;
	v19 =	vmul.f32 v19, v28  }
0x628: {  	[tilespmem:s3+$0xFFFFFF40] =	vst v20;
	v23 =	vperm.xlane v5, v25  }
0x629: {  	v20 =	vld [tilespmem:s0+$0xFFFFFF50];
	[tilespmem:s3+$0xFFFFFFC0] =	vst v21;
	v19 =	vadd.f32 v19, v22  }
0x62a: {  	v21 =	vperm.xlane v4, v25;
	v22 =	vld [tilespmem:s0+$0xFFFFFFD0];
	v16 =	vmul.f32 v16, v23  }
0x62b: {  	[tilespmem:s3+$0x40] =	vst v19  }
0x62c: {  	v16 =	vadd.f32 v16, v21;
	v19 =	vld [tilespmem:s0+$0x50];
	_ =	sdelay $0x1  }
0x62d: {  	v15 =	vperm.xlane v4, v15;
	[tilespmem:s3+$0xD0] =	vst v16;
	v16 =	vmul.f32 $1.500000000e+01, v20  }
0x62e: {  	v6 =	vadd.f32 v6, v7;
	v8 =	vmul.f32 v9, v8;
	v21 =	vmul.f32 $1.500000000e+01, v22;
	v20 =	vld [tilespmem:s0+$0xD4]  }
0x62f: {  	v7 =	vmul.f32 $1.500000000e+01, v13;
	v14 =	vadd.f32 v14, v18;
	v13 =	vmax.f32 v16, $0.0e+00  }
0x630: {  	v16 =	vmul.f32 $1.500000000e+01, v19;
	v19 =	vmax.f32 v21, $0.0e+00;
	v13 =	vmin.f32 v13, $1.500000000e+01  }
0x631: {  	v10 =	vadd.f32 v10, v15;
	v18 =	vmin.f32 v19, $1.500000000e+01;
	v19 =	vadd.f32 $-5.000000000e-01, v13  }
0x632: {  	v12 =	vmul.f32 $1.500000000e+01, v12;
	v15 =	vmax.f32 v16, $0.0e+00;
	v16 =	vadd.f32 $-5.000000000e-01, v18  }
0x633: {  	[tilespmem:s30+$0x50] =	vst v17;
	v17 =	vmul.f32 $1.500000000e+01, v20;
	v15 =	vmin.f32 v15, $1.500000000e+01;
	v19 =	vadd.f32 $1.258291200e+07, v19  }
0x634: {  	v7 =	vmax.f32 v7, $0.0e+00;
	v20 =	vld [tilespmem:s31+$0x54];
	v21 =	vadd.f32 $-5.000000000e-01, v15;
	v16 =	vadd.f32 $1.258291200e+07, v16  }
0x635: {  	v12 =	vmax.f32 v12, $0.0e+00;
	v17 =	vmax.f32 v17, $0.0e+00;
	v19 =	vand.u32 $0xF, v19  }
0x636: {  	v21 =	vadd.f32 $1.258291200e+07, v21;
	v22 =	vperm.xlane v5, v19;
	v16 =	vand.u32 $0xF, v16  }
0x637: {  	v17 =	vmin.f32 v17, $1.500000000e+01;
	v19 =	vperm.xlane v4, v19;
	v23 =	vperm.xlane v5, v16  }
0x638: {  	v16 =	vperm.xlane v4, v16;
	v21 =	vand.u32 $0xF, v21;
	v13 =	vmul.f32 v13, v22  }
0x639: {  	v20 =	vmul.f32 $1.500000000e+01, v20;
	v22 =	vadd.f32 $-5.000000000e-01, v17;
	v38 =	vperm.xlane v5, v21  }
0x63a: {  	v12 =	vmin.f32 v12, $1.500000000e+01;
	v18 =	vmul.f32 v18, v23;
	v21 =	vperm.xlane v4, v21  }
0x63b: {  	v13 =	vadd.f32 v13, v19;
	v19 =	vadd.f32 $1.258291200e+07, v22;
	v15 =	vmul.f32 v15, v38  }
0x63c: {  	v7 =	vmin.f32 v7, $1.500000000e+01;
	v9 =	vadd.f32 $-5.000000000e-01, v12;
	v16 =	vadd.f32 v18, v16  }
0x63d: {  	v20 =	vmax.f32 v20, $0.0e+00;
	[tilespmem:s3+$0xFFFFFF50] =	vst v13;
	v13 =	vand.u32 $0xF, v19;
	v15 =	vadd.f32 v15, v21  }
0x63e: {  	v19 =	vmin.f32 v20, $1.500000000e+01;
	v20 =	vadd.f32 $-5.000000000e-01, v7;
	v18 =	vld [tilespmem:s0+$0xFFFFFF54];
	v21 =	vperm.xlane v5, v13;
	[tilespmem:s3+$0xFFFFFFD0] =	vst v16  }
0x63f: {  	v9 =	vadd.f32 $1.258291200e+07, v9;
	v16 =	vadd.f32 $-5.000000000e-01, v19;
	v22 =	vld [tilespmem:s0+$0xFFFFFFD4];
	[tilespmem:s3+$0x50] =	vst v15  }
0x640: {  	v13 =	vperm.xlane v4, v13;
	v15 =	vmul.f32 v17, v21;
	v17 =	vadd.f32 $1.258291200e+07, v20;
	v20 =	vld [tilespmem:s0+$0x54]  }
0x641: {  	v11 =	vperm.xlane v4, v11;
	v9 =	vand.u32 $0xF, v9;
	v16 =	vadd.f32 $1.258291200e+07, v16  }
0x642: {  	v21 =	vperm.xlane v5, v9;
	v13 =	vadd.f32 v15, v13;
	v15 =	vand.u32 $0xF, v17  }
0x643: {  	v8 =	vadd.f32 v8, v11;
	v17 =	vmul.f32 $1.500000000e+01, v18;
	v18 =	vperm.xlane v5, v15  }
0x644: {  	v9 =	vperm.xlane v4, v9;
	v16 =	vand.u32 $0xF, v16;
	v22 =	vmul.f32 $1.500000000e+01, v22  }
0x645: {  	v17 =	vmax.f32 v17, $0.0e+00;
	v7 =	vmul.f32 v7, v18;
	v18 =	vmul.f32 $1.500000000e+01, v20  }
0x646: {  	v12 =	vmul.f32 v12, v21;
	v17 =	vmin.f32 v17, $1.500000000e+01;
	v22 =	vmax.f32 v22, $0.0e+00  }
0x647: {  	v23 =	vadd.f32 $-5.000000000e-01, v17;
	v22 =	vmin.f32 v22, $1.500000000e+01;
	v18 =	vmax.f32 v18, $0.0e+00  }
0x648: {  	v20 =	vperm.xlane v5, v16;
	v39 =	vadd.f32 $-5.000000000e-01, v22;
	v18 =	vmin.f32 v18, $1.500000000e+01  }
0x649: {  	[tilespmem:s28+$0x54] =	vst v6;
	v15 =	vperm.xlane v4, v15;
	v23 =	vadd.f32 $1.258291200e+07, v23;
	v21 =	vadd.f32 $-5.000000000e-01, v18  }
0x64a: {  	[tilespmem:s29+$0xFFFFFFD4] =	vst v10;
	v10 =	vperm.xlane v4, v16;
	v6 =	vmul.f32 v19, v20;
	v19 =	vadd.f32 $1.258291200e+07, v39  }
0x64b: {  	v9 =	vadd.f32 v12, v9;
	v20 =	vand.u32 $0xF, v23;
	v11 =	vadd.f32 $1.258291200e+07, v21  }
0x64c: {  	[tilespmem:s29+$0xFFFFFF54] =	vst v14;
	v7 =	vadd.f32 v7, v15;
	v14 =	vperm.xlane v5, v20;
	v15 =	vand.u32 $0xF, v19  }
0x64d: {  	[tilespmem:s3+$0xD4] =	vst v13;
	v12 =	vperm.xlane v4, v20;
	v13 =	vperm.xlane v5, v15;
	v11 =	vand.u32 $0xF, v11  }
0x64e: {  	[tilespmem:s29+$0x54] =	vst v8;
	v14 =	vmul.f32 v17, v14;
	v8 =	vperm.xlane v5, v11  }
0x64f: {  	[tilespmem:s30+$0xFFFFFF54] =	vst v7;
	v6 =	vadd.f32 v6, v10;
	v7 =	vmul.f32 v22, v13;
	v13 =	vperm.xlane v4, v15  }
0x650: {  	[tilespmem:s30+$0xFFFFFFD4] =	vst v9;
	v9 =	vperm.xlane v4, v11;
	v10 =	vadd.f32 v14, v12;
	v8 =	vmul.f32 v18, v8  }
0x651: {  	[tilespmem:s30+$0x54] =	vst v6;
	v7 =	vadd.f32 v7, v13  }
0x652: {  	[tilespmem:s3+$0xFFFFFF54] =	vst v10;
	v6 =	vadd.f32 v8, v9  }
0x653: {  	[tilespmem:s3+$0xFFFFFFD4] =	vst v7  }
0x654: {  	[tilespmem:s3+$0x54] =	vst v6  }
0x655: {  	[hbm4b:s10+s2] =	stream.linear.scatter [tilespmem:s22], [sflag:$0x6], $0x4000, $0x38;
	[tilespmem:$0x18080] =	vst v63  }
0x656: {  	_ =	swait.ge [sflag:s17], $0x4000  }
0x657: {  	[sflag:s17] =	ssyncset.done $0x0  }
0x658: {  	[sflag:s17] =	ssyncadd.s32 $0xFFFFC000  }
0x659: {  	_ =	swait.ge [sflag:s23], $0x4000  }
0x65a: {  	[sflag:s23] =	ssyncset.done $0x0  }
0x65b: {  	s13 =	simm.s32 $0x100;
	[sflag:s23] =	ssyncadd.s32 $0xFFFFC000  }
0x65c: {  	v6 =	vld [tilespmem:s13+$0x80];
	_ =	sdelay $0x4  }
0x65d: {  	v6 =	vmul.f32 $1.500000000e+01, v6;
	_ =	sdelay $0x1  }
0x65e: {  	v6 =	vmax.f32 v6, $0.0e+00  }
0x65f: {  	v6 =	vmin.f32 v6, $1.500000000e+01  }
0x660: {  	v7 =	vld [tilespmem:s13+$0xFFFFFF00];
	v8 =	vadd.f32 $-5.000000000e-01, v6;
	_ =	sdelay $0x1  }
0x661: {  	v8 =	vadd.f32 $1.258291200e+07, v8  }
0x662: {  	v9 =	vld [tilespmem:s13+$0xFFFFFF80]  }
0x663: {  	v10 =	vld [tilespmem:s13+$0x0];
	v8 =	vand.u32 $0xF, v8  }
0x664: {  	v7 =	vmul.f32 $1.500000000e+01, v7;
	v11 =	vperm.xlane v5, v8;
	_ =	sdelay $0x1  }
0x665: {  	v7 =	vmax.f32 v7, $0.0e+00;
	v8 =	vperm.xlane v4, v8;
	v6 =	vmul.f32 v6, v11  }
0x666: {  	v9 =	vmul.f32 $1.500000000e+01, v9;
	v7 =	vmin.f32 v7, $1.500000000e+01  }
0x667: {  	v11 =	vadd.f32 $-5.000000000e-01, v7;
	v6 =	vadd.f32 v6, v8;
	v8 =	vmul.f32 $1.500000000e+01, v10  }
0x668: {  	s28 =	simm.s32 $0xC100;
	v9 =	vmax.f32 v9, $0.0e+00  }
0x669: {  	v10 =	vadd.f32 $1.258291200e+07, v11;
	[tilespmem:s28+$0x80] =	vst v6;
	v6 =	vmax.f32 v8, $0.0e+00;
	v8 =	vmin.f32 v9, $1.500000000e+01  }
0x66a: {  	v9 =	vld [tilespmem:s13+$0x90];
	v6 =	vmin.f32 v6, $1.500000000e+01;
	v11 =	vadd.f32 $-5.000000000e-01, v8  }
0x66b: {  	v10 =	vand.u32 $0xF, v10;
	v12 =	vadd.f32 $-5.000000000e-01, v6  }
0x66c: {  	v13 =	vperm.xlane v5, v10;
	v11 =	vadd.f32 $1.258291200e+07, v11  }
0x66d: {  	v12 =	vadd.f32 $1.258291200e+07, v12  }
0x66e: {  	v10 =	vperm.xlane v4, v10;
	v7 =	vmul.f32 v7, v13;
	v11 =	vand.u32 $0xF, v11  }
0x66f: {  	v9 =	vmul.f32 $1.500000000e+01, v9;
	v13 =	vperm.xlane v5, v11;
	v12 =	vand.u32 $0xF, v12  }
0x670: {  	v7 =	vadd.f32 v7, v10;
	v14 =	vperm.xlane v5, v12  }
0x671: {  	v10 =	vperm.xlane v4, v11;
	v9 =	vmax.f32 v9, $0.0e+00;
	v8 =	vmul.f32 v8, v13  }
0x672: {  	v11 =	vperm.xlane v4, v12;
	[tilespmem:s28+$0xFFFFFF00] =	vst v7;
	v9 =	vmin.f32 v9, $1.500000000e+01;
	v6 =	vmul.f32 v6, v14  }
0x673: {  	v7 =	vadd.f32 $-5.000000000e-01, v9;
	v8 =	vadd.f32 v8, v10;
	v10 =	vld [tilespmem:s13+$0xFFFFFF10]  }
0x674: {  	v6 =	vadd.f32 v6, v11  }
0x675: {  	v7 =	vadd.f32 $1.258291200e+07, v7;
	[tilespmem:s28+$0xFFFFFF80] =	vst v8  }
0x676: {  	v8 =	vld [tilespmem:s13+$0xFFFFFF90];
	[tilespmem:s28+$0x0] =	vst v6  }
0x677: {  	v6 =	vand.u32 $0xF, v7;
	v7 =	vld [tilespmem:s13+$0x10]  }
0x678: {  	v11 =	vperm.xlane v5, v6;
	v10 =	vmul.f32 $1.500000000e+01, v10;
	_ =	sdelay $0x1  }
0x679: {  	v6 =	vperm.xlane v4, v6;
	v9 =	vmul.f32 v9, v11;
	v10 =	vmax.f32 v10, $0.0e+00  }
0x67a: {  	v8 =	vmul.f32 $1.500000000e+01, v8;
	v10 =	vmin.f32 v10, $1.500000000e+01  }
0x67b: {  	v6 =	vadd.f32 v9, v6;
	v7 =	vmul.f32 $1.500000000e+01, v7;
	v9 =	vadd.f32 $-5.000000000e-01, v10  }
0x67c: {  	v8 =	vmax.f32 v8, $0.0e+00  }
0x67d: {  	[tilespmem:s28+$0x90] =	vst v6;
	v6 =	vmin.f32 v8, $1.500000000e+01;
	v7 =	vmax.f32 v7, $0.0e+00;
	v8 =	vadd.f32 $1.258291200e+07, v9  }
0x67e: {  	v9 =	vld [tilespmem:s13+$0xA0];
	v7 =	vmin.f32 v7, $1.500000000e+01;
	v11 =	vadd.f32 $-5.000000000e-01, v6  }
0x67f: {  	v12 =	vadd.f32 $-5.000000000e-01, v7;
	v8 =	vand.u32 $0xF, v8  }
0x680: {  	v11 =	vadd.f32 $1.258291200e+07, v11;
	v13 =	vperm.xlane v5, v8  }
0x681: {  	v12 =	vadd.f32 $1.258291200e+07, v12  }
0x682: {  	v8 =	vperm.xlane v4, v8;
	v11 =	vand.u32 $0xF, v11;
	v10 =	vmul.f32 v10, v13  }
0x683: {  	v9 =	vmul.f32 $1.500000000e+01, v9;
	v12 =	vand.u32 $0xF, v12;
	v13 =	vperm.xlane v5, v11  }
0x684: {  	v14 =	vperm.xlane v5, v12;
	v8 =	vadd.f32 v10, v8  }
0x685: {  	v10 =	vperm.xlane v4, v11;
	v9 =	vmax.f32 v9, $0.0e+00;
	v6 =	vmul.f32 v6, v13  }
0x686: {  	v11 =	vperm.xlane v4, v12;
	v9 =	vmin.f32 v9, $1.500000000e+01;
	v7 =	vmul.f32 v7, v14;
	[tilespmem:s28+$0xFFFFFF10] =	vst v8  }
0x687: {  	v8 =	vadd.f32 $-5.000000000e-01, v9;
	v6 =	vadd.f32 v6, v10;
	v10 =	vld [tilespmem:s13+$0xFFFFFF20]  }
0x688: {  	v7 =	vadd.f32 v7, v11  }
0x689: {  	v8 =	vadd.f32 $1.258291200e+07, v8;
	[tilespmem:s28+$0xFFFFFF90] =	vst v6  }
0x68a: {  	v6 =	vld [tilespmem:s13+$0xFFFFFFA0];
	[tilespmem:s28+$0x10] =	vst v7  }
0x68b: {  	v7 =	vand.u32 $0xF, v8;
	v8 =	vld [tilespmem:s13+$0x20]  }
0x68c: {  	v11 =	vperm.xlane v5, v7;
	v10 =	vmul.f32 $1.500000000e+01, v10;
	_ =	sdelay $0x1  }
0x68d: {  	v7 =	vperm.xlane v4, v7;
	v9 =	vmul.f32 v9, v11;
	v10 =	vmax.f32 v10, $0.0e+00  }
0x68e: {  	v6 =	vmul.f32 $1.500000000e+01, v6;
	v10 =	vmin.f32 v10, $1.500000000e+01  }
0x68f: {  	v7 =	vadd.f32 v9, v7;
	v8 =	vmul.f32 $1.500000000e+01, v8;
	v9 =	vadd.f32 $-5.000000000e-01, v10  }
0x690: {  	v6 =	vmax.f32 v6, $0.0e+00  }
0x691: {  	[tilespmem:s28+$0xA0] =	vst v7;
	v6 =	vmin.f32 v6, $1.500000000e+01;
	v7 =	vmax.f32 v8, $0.0e+00;
	v8 =	vadd.f32 $1.258291200e+07, v9  }
0x692: {  	v9 =	vld [tilespmem:s13+$0xB0];
	v7 =	vmin.f32 v7, $1.500000000e+01;
	v11 =	vadd.f32 $-5.000000000e-01, v6  }
0x693: {  	v12 =	vadd.f32 $-5.000000000e-01, v7;
	v8 =	vand.u32 $0xF, v8  }
0x694: {  	v11 =	vadd.f32 $1.258291200e+07, v11;
	v13 =	vperm.xlane v5, v8  }
0x695: {  	v12 =	vadd.f32 $1.258291200e+07, v12  }
0x696: {  	v8 =	vperm.xlane v4, v8;
	v11 =	vand.u32 $0xF, v11;
	v10 =	vmul.f32 v10, v13  }
0x697: {  	v9 =	vmul.f32 $1.500000000e+01, v9;
	v12 =	vand.u32 $0xF, v12;
	v13 =	vperm.xlane v5, v11  }
0x698: {  	v14 =	vperm.xlane v5, v12;
	v8 =	vadd.f32 v10, v8  }
0x699: {  	v10 =	vperm.xlane v4, v11;
	v9 =	vmax.f32 v9, $0.0e+00;
	v6 =	vmul.f32 v6, v13  }
0x69a: {  	v11 =	vperm.xlane v4, v12;
	v9 =	vmin.f32 v9, $1.500000000e+01;
	v7 =	vmul.f32 v7, v14  }
0x69b: {  	[tilespmem:s28+$0xFFFFFF20] =	vst v8;
	v8 =	vadd.f32 $-5.000000000e-01, v9;
	v6 =	vadd.f32 v6, v10  }
0x69c: {  	v10 =	vld [tilespmem:s13+$0xFFFFFF30];
	v7 =	vadd.f32 v7, v11  }
0x69d: {  	v8 =	vadd.f32 $1.258291200e+07, v8;
	[tilespmem:s28+$0xFFFFFFA0] =	vst v6  }
0x69e: {  	v6 =	vld [tilespmem:s13+$0xFFFFFFB0];
	[tilespmem:s28+$0x20] =	vst v7  }
0x69f: {  	v7 =	vand.u32 $0xF, v8;
	v8 =	vld [tilespmem:s13+$0x30]  }
0x6a0: {  	v11 =	vperm.xlane v5, v7  }
0x6a1: {  	v10 =	vmul.f32 $1.500000000e+01, v10  }
0x6a2: {  	v7 =	vperm.xlane v4, v7;
	v9 =	vmul.f32 v9, v11  }
0x6a3: {  	v6 =	vmul.f32 $1.500000000e+01, v6  }
0x6a4: {  	s1 =	simm.s32 $0x300;
	v10 =	vmax.f32 v10, $0.0e+00;
	v7 =	vadd.f32 v9, v7;
	v8 =	vmul.f32 $1.500000000e+01, v8  }
0x6a5: {  	v12 =	vld [tilespmem:s1+$0x80];
	v9 =	vmin.f32 v10, $1.500000000e+01;
	v6 =	vmax.f32 v6, $0.0e+00  }
0x6a6: {  	v10 =	vadd.f32 $-5.000000000e-01, v9;
	[tilespmem:s28+$0xB0] =	vst v7;
	v6 =	vmin.f32 v6, $1.500000000e+01;
	v7 =	vmax.f32 v8, $0.0e+00  }
0x6a7: {  	v8 =	vld [tilespmem:s13+$0xC0];
	v11 =	vadd.f32 $-5.000000000e-01, v6;
	v7 =	vmin.f32 v7, $1.500000000e+01  }
0x6a8: {  	v10 =	vadd.f32 $1.258291200e+07, v10;
	v13 =	vadd.f32 $-5.000000000e-01, v7  }
0x6a9: {  	v11 =	vadd.f32 $1.258291200e+07, v11  }
0x6aa: {  	v12 =	vmul.f32 $1.500000000e+01, v12;
	v10 =	vand.u32 $0xF, v10;
	v13 =	vadd.f32 $1.258291200e+07, v13  }
0x6ab: {  	v14 =	vperm.xlane v4, v10;
	v10 =	vperm.xlane v5, v10;
	v11 =	vand.u32 $0xF, v11  }
0x6ac: {  	v16 =	vld [tilespmem:s1+$0xFFFFFF00];
	v12 =	vmax.f32 v12, $0.0e+00;
	v8 =	vmul.f32 $1.500000000e+01, v8;
	v15 =	vperm.xlane v4, v11  }
0x6ad: {  	v11 =	vperm.xlane v5, v11;
	v13 =	vand.u32 $0xF, v13;
	v9 =	vmul.f32 v9, v10;
	v10 =	vld [tilespmem:s1+$0xFFFFFF80]  }
0x6ae: {  	v12 =	vmin.f32 v12, $1.500000000e+01;
	v17 =	vperm.xlane v5, v13  }
0x6af: {  	v8 =	vmax.f32 v8, $0.0e+00;
	v6 =	vmul.f32 v6, v11;
	v11 =	vperm.xlane v4, v13  }
0x6b0: {  	v13 =	vadd.f32 $-5.000000000e-01, v12;
	v8 =	vmin.f32 v8, $1.500000000e+01;
	v7 =	vmul.f32 v7, v17  }
0x6b1: {  	v18 =	vadd.f32 $-5.000000000e-01, v8;
	v6 =	vadd.f32 v6, v15;
	v15 =	vmul.f32 $1.500000000e+01, v16  }
0x6b2: {  	v9 =	vadd.f32 v9, v14;
	v13 =	vadd.f32 $1.258291200e+07, v13;
	v10 =	vmul.f32 $1.500000000e+01, v10  }
0x6b3: {  	v7 =	vadd.f32 v7, v11;
	v11 =	vld [tilespmem:s1+$0x0];
	v14 =	vadd.f32 $1.258291200e+07, v18;
	v15 =	vmax.f32 v15, $0.0e+00  }
0x6b4: {  	v13 =	vand.u32 $0xF, v13;
	v10 =	vmax.f32 v10, $0.0e+00;
	v15 =	vmin.f32 v15, $1.500000000e+01  }
0x6b5: {  	v17 =	vperm.xlane v5, v13;
	v13 =	vperm.xlane v4, v13;
	v14 =	vand.u32 $0xF, v14  }
0x6b6: {  	v10 =	vmin.f32 v10, $1.500000000e+01;
	v18 =	vadd.f32 $-5.000000000e-01, v15;
	v16 =	vperm.xlane v5, v14  }
0x6b7: {  	v14 =	vperm.xlane v4, v14;
	v19 =	vadd.f32 $-5.000000000e-01, v10;
	v12 =	vmul.f32 v12, v17  }
0x6b8: {  	[tilespmem:s28+$0xFFFFFF30] =	vst v9;
	v9 =	vmul.f32 $1.500000000e+01, v11;
	v11 =	vadd.f32 $1.258291200e+07, v18;
	v8 =	vmul.f32 v8, v16  }
0x6b9: {  	[tilespmem:s28+$0xFFFFFFB0] =	vst v6;
	v6 =	vadd.f32 $1.258291200e+07, v19;
	v12 =	vadd.f32 v12, v13  }
0x6ba: {  	s29 =	simm.s32 $0xC300;
	[tilespmem:s28+$0x30] =	vst v7;
	v16 =	vld [tilespmem:s13+$0xFFFFFF40];
	v7 =	vadd.f32 v8, v14;
	v8 =	vmax.f32 v9, $0.0e+00;
	v9 =	vand.u32 $0xF, v11  }
0x6bb: {  	v13 =	vld [tilespmem:s13+$0xFFFFFFC0];
	v6 =	vand.u32 $0xF, v6;
	[tilespmem:s29+$0x80] =	vst v12;
	v8 =	vmin.f32 v8, $1.500000000e+01;
	v14 =	vperm.xlane v5, v9  }
0x6bc: {  	v12 =	vperm.xlane v5, v6;
	v17 =	vld [tilespmem:s1+$0x90];
	[tilespmem:s28+$0xC0] =	vst v7;
	v7 =	vadd.f32 $-5.000000000e-01, v8  }
0x6bd: {  	v11 =	vld [tilespmem:s13+$0x40];
	v9 =	vperm.xlane v4, v9;
	v14 =	vmul.f32 v15, v14  }
0x6be: {  	v6 =	vperm.xlane v4, v6;
	v18 =	vld [tilespmem:s13+$0xD0];
	v10 =	vmul.f32 v10, v12;
	v7 =	vadd.f32 $1.258291200e+07, v7  }
0x6bf: {  	v12 =	vmul.f32 $1.500000000e+01, v16;
	v9 =	vadd.f32 v14, v9  }
0x6c0: {  	v13 =	vmul.f32 $1.500000000e+01, v13;
	v6 =	vadd.f32 v10, v6;
	v7 =	vand.u32 $0xF, v7  }
0x6c1: {  	v10 =	vmax.f32 v12, $0.0e+00;
	v12 =	vperm.xlane v5, v7;
	[tilespmem:s29+$0xFFFFFF00] =	vst v9;
	v9 =	vmul.f32 $1.500000000e+01, v17  }
0x6c2: {  	v13 =	vmax.f32 v13, $0.0e+00;
	v11 =	vmul.f32 $1.500000000e+01, v11;
	[tilespmem:s29+$0xFFFFFF80] =	vst v6;
	v7 =	vperm.xlane v4, v7;
	v15 =	vld [tilespmem:s1+$0xFFFFFF10]  }
0x6c3: {  	v14 =	vmul.f32 $1.500000000e+01, v18;
	v6 =	vmul.f32 v8, v12;
	v8 =	vld [tilespmem:s1+$0xFFFFFF90];
	v9 =	vmax.f32 v9, $0.0e+00  }
0x6c4: {  	v10 =	vmin.f32 v10, $1.500000000e+01;
	v13 =	vmin.f32 v13, $1.500000000e+01;
	v9 =	vmin.f32 v9, $1.500000000e+01  }
0x6c5: {  	v12 =	vmax.f32 v14, $0.0e+00;
	v6 =	vadd.f32 v6, v7;
	v7 =	vadd.f32 $-5.000000000e-01, v9  }
0x6c6: {  	v11 =	vmax.f32 v11, $0.0e+00;
	v17 =	vadd.f32 $-5.000000000e-01, v13;
	v12 =	vmin.f32 v12, $1.500000000e+01  }
0x6c7: {  	v14 =	vadd.f32 $-5.000000000e-01, v12;
	[tilespmem:s29+$0x0] =	vst v6;
	v6 =	vmul.f32 $1.500000000e+01, v15;
	v7 =	vadd.f32 $1.258291200e+07, v7  }
0x6c8: {  	v11 =	vmin.f32 v11, $1.500000000e+01;
	v15 =	vadd.f32 $-5.000000000e-01, v10;
	v16 =	vld [tilespmem:s1+$0x10];
	v8 =	vmul.f32 $1.500000000e+01, v8  }
0x6c9: {  	v14 =	vadd.f32 $1.258291200e+07, v14;
	v6 =	vmax.f32 v6, $0.0e+00;
	v7 =	vand.u32 $0xF, v7  }
0x6ca: {  	v6 =	vmin.f32 v6, $1.500000000e+01;
	v8 =	vmax.f32 v8, $0.0e+00;
	v18 =	vperm.xlane v5, v7  }
0x6cb: {  	v15 =	vadd.f32 $1.258291200e+07, v15;
	v8 =	vmin.f32 v8, $1.500000000e+01;
	v19 =	vadd.f32 $-5.000000000e-01, v6  }
0x6cc: {  	v7 =	vperm.xlane v4, v7;
	v20 =	vadd.f32 $-5.000000000e-01, v8;
	v9 =	vmul.f32 v9, v18  }
0x6cd: {  	v14 =	vand.u32 $0xF, v14;
	v16 =	vmul.f32 $1.500000000e+01, v16;
	v19 =	vadd.f32 $1.258291200e+07, v19  }
0x6ce: {  	v21 =	vperm.xlane v5, v14;
	v20 =	vadd.f32 $1.258291200e+07, v20;
	v7 =	vadd.f32 v9, v7  }
0x6cf: {  	v9 =	vperm.xlane v4, v14;
	v14 =	vmax.f32 v16, $0.0e+00;
	v16 =	vand.u32 $0xF, v19  }
0x6d0: {  	v14 =	vmin.f32 v14, $1.500000000e+01;
	v19 =	vand.u32 $0xF, v20;
	v20 =	vperm.xlane v5, v16;
	[tilespmem:s29+$0x90] =	vst v7  }
0x6d1: {  	v7 =	vmul.f32 v12, v21;
	v16 =	vperm.xlane v4, v16;
	v12 =	vadd.f32 $-5.000000000e-01, v14;
	v22 =	vld [tilespmem:s1+$0xA0]  }
0x6d2: {  	v18 =	vadd.f32 $-5.000000000e-01, v11;
	v21 =	vperm.xlane v5, v19;
	v6 =	vmul.f32 v6, v20  }
0x6d3: {  	v7 =	vadd.f32 v7, v9;
	v9 =	vadd.f32 $1.258291200e+07, v12  }
0x6d4: {  	v8 =	vmul.f32 v8, v21;
	v12 =	vperm.xlane v4, v19;
	v6 =	vadd.f32 v6, v16  }
0x6d5: {  	v16 =	vadd.f32 $1.258291200e+07, v17;
	v17 =	vadd.f32 $1.258291200e+07, v18  }
0x6d6: {  	v9 =	vand.u32 $0xF, v9;
	v8 =	vadd.f32 v8, v12;
	[tilespmem:s29+$0xFFFFFF10] =	vst v6;
	v6 =	vmul.f32 $1.500000000e+01, v22  }
0x6d7: {  	v12 =	vand.u32 $0xF, v15;
	v15 =	vperm.xlane v5, v9;
	v16 =	vand.u32 $0xF, v16  }
0x6d8: {  	v17 =	vand.u32 $0xF, v17;
	v9 =	vperm.xlane v4, v9;
	v18 =	vld [tilespmem:s1+$0xFFFFFF20];
	[tilespmem:s29+$0xFFFFFF90] =	vst v8;
	v6 =	vmax.f32 v6, $0.0e+00  }
0x6d9: {  	[tilespmem:s28+$0xD0] =	vst v7;
	v19 =	vperm.xlane v5, v16;
	v8 =	vmul.f32 v14, v15;
	v14 =	vld [tilespmem:s1+$0xFFFFFFA0];
	v6 =	vmin.f32 v6, $1.500000000e+01  }
0x6da: {  	v7 =	vld [tilespmem:s13+$0xD4];
	v21 =	vperm.xlane v5, v17;
	v15 =	vperm.xlane v5, v12;
	v20 =	vadd.f32 $-5.000000000e-01, v6  }
0x6db: {  	v16 =	vperm.xlane v4, v16;
	v17 =	vperm.xlane v4, v17;
	v8 =	vadd.f32 v8, v9  }
0x6dc: {  	v12 =	vperm.xlane v4, v12;
	v9 =	vmul.f32 v10, v15;
	v15 =	vadd.f32 $1.258291200e+07, v20  }
0x6dd: {  	v13 =	vmul.f32 v13, v19;
	v10 =	vmul.f32 $1.500000000e+01, v18;
	[tilespmem:s29+$0x10] =	vst v8  }
0x6de: {  	v11 =	vmul.f32 v11, v21;
	v8 =	vld [tilespmem:s1+$0x20];
	v14 =	vmul.f32 $1.500000000e+01, v14;
	v15 =	vand.u32 $0xF, v15  }
0x6df: {  	v7 =	vmul.f32 $1.500000000e+01, v7;
	v10 =	vmax.f32 v10, $0.0e+00;
	v18 =	vperm.xlane v5, v15  }
0x6e0: {  	v10 =	vmin.f32 v10, $1.500000000e+01;
	v14 =	vmax.f32 v14, $0.0e+00;
	v15 =	vperm.xlane v4, v15  }
0x6e1: {  	v19 =	vadd.f32 $-5.000000000e-01, v10;
	v14 =	vmin.f32 v14, $1.500000000e+01;
	v6 =	vmul.f32 v6, v18  }
0x6e2: {  	v7 =	vmax.f32 v7, $0.0e+00;
	v9 =	vadd.f32 v9, v12;
	v12 =	vadd.f32 $-5.000000000e-01, v14  }
0x6e3: {  	v8 =	vmul.f32 $1.500000000e+01, v8;
	v18 =	vadd.f32 $1.258291200e+07, v19;
	v6 =	vadd.f32 v6, v15  }
0x6e4: {  	v13 =	vadd.f32 v13, v16;
	v11 =	vadd.f32 v11, v17;
	v7 =	vmin.f32 v7, $1.500000000e+01;
	[tilespmem:s28+$0xFFFFFF40] =	vst v9  }
0x6e5: {  	v9 =	vadd.f32 $1.258291200e+07, v12;
	v12 =	vld [tilespmem:s13+$0xFFFFFF50];
	v8 =	vmax.f32 v8, $0.0e+00;
	v15 =	vand.u32 $0xF, v18;
	[tilespmem:s29+$0xA0] =	vst v6  }
0x6e6: {  	[tilespmem:s28+$0xFFFFFFC0] =	vst v13;
	v16 =	vadd.f32 $-5.000000000e-01, v7;
	v6 =	vmin.f32 v8, $1.500000000e+01;
	v8 =	vperm.xlane v5, v15;
	v13 =	vld [tilespmem:s1+$0xB0]  }
0x6e7: {  	[tilespmem:s28+$0x40] =	vst v11;
	v9 =	vand.u32 $0xF, v9;
	v11 =	vperm.xlane v4, v15;
	v18 =	vadd.f32 $-5.000000000e-01, v6  }
0x6e8: {  	v17 =	vld [tilespmem:s13+$0xFFFFFFD0];
	v19 =	vperm.xlane v5, v9;
	v8 =	vmul.f32 v10, v8  }
0x6e9: {  	v9 =	vperm.xlane v4, v9;
	v10 =	vadd.f32 $1.258291200e+07, v16;
	v16 =	vadd.f32 $1.258291200e+07, v18  }
0x6ea: {  	v14 =	vmul.f32 v14, v19;
	v8 =	vadd.f32 v8, v11;
	v11 =	vmul.f32 $1.500000000e+01, v12  }
0x6eb: {  	v15 =	vld [tilespmem:s13+$0x50];
	v16 =	vand.u32 $0xF, v16;
	v12 =	vmul.f32 $1.500000000e+01, v13  }
0x6ec: {  	[tilespmem:s29+$0xFFFFFF20] =	vst v8;
	v8 =	vadd.f32 v14, v9;
	v9 =	vmax.f32 v11, $0.0e+00;
	v11 =	vperm.xlane v5, v16  }
0x6ed: {  	v13 =	vmul.f32 $1.500000000e+01, v17;
	v14 =	vld [tilespmem:s1+$0xFFFFFF30]  }
0x6ee: {  	v9 =	vmin.f32 v9, $1.500000000e+01;
	v12 =	vmax.f32 v12, $0.0e+00;
	[tilespmem:s29+$0xFFFFFFA0] =	vst v8;
	v6 =	vmul.f32 v6, v11  }
0x6ef: {  	v11 =	vperm.xlane v4, v16;
	v17 =	vadd.f32 $-5.000000000e-01, v9;
	v8 =	vmin.f32 v12, $1.500000000e+01;
	v12 =	vld [tilespmem:s1+$0xFFFFFFB0]  }
0x6f0: {  	v10 =	vand.u32 $0xF, v10;
	v15 =	vmul.f32 $1.500000000e+01, v15;
	v16 =	vadd.f32 $-5.000000000e-01, v8  }
0x6f1: {  	v13 =	vmax.f32 v13, $0.0e+00;
	v6 =	vadd.f32 v6, v11;
	v17 =	vadd.f32 $1.258291200e+07, v17  }
0x6f2: {  	v13 =	vmin.f32 v13, $1.500000000e+01;
	v11 =	vadd.f32 $1.258291200e+07, v16;
	v14 =	vmul.f32 $1.500000000e+01, v14  }
0x6f3: {  	v15 =	vmax.f32 v15, $0.0e+00;
	v16 =	vadd.f32 $-5.000000000e-01, v13;
	[tilespmem:s29+$0x20] =	vst v6;
	v17 =	vand.u32 $0xF, v17  }
0x6f4: {  	v6 =	vand.u32 $0xF, v11;
	v11 =	vld [tilespmem:s1+$0x30];
	v14 =	vmax.f32 v14, $0.0e+00;
	v12 =	vmul.f32 $1.500000000e+01, v12  }
0x6f5: {  	v16 =	vadd.f32 $1.258291200e+07, v16;
	v19 =	vperm.xlane v5, v6;
	v14 =	vmin.f32 v14, $1.500000000e+01  }
0x6f6: {  	v6 =	vperm.xlane v4, v6;
	v12 =	vmax.f32 v12, $0.0e+00;
	v20 =	vadd.f32 $-5.000000000e-01, v14  }
0x6f7: {  	v16 =	vand.u32 $0xF, v16;
	v8 =	vmul.f32 v8, v19;
	v12 =	vmin.f32 v12, $1.500000000e+01  }
0x6f8: {  	v19 =	vperm.xlane v5, v17;
	v21 =	vadd.f32 $-5.000000000e-01, v12;
	v20 =	vadd.f32 $1.258291200e+07, v20  }
0x6f9: {  	v6 =	vadd.f32 v8, v6;
	v8 =	vperm.xlane v5, v16;
	v11 =	vmul.f32 $1.500000000e+01, v11  }
0x6fa: {  	v17 =	vperm.xlane v4, v17;
	v9 =	vmul.f32 v9, v19;
	v19 =	vadd.f32 $1.258291200e+07, v21  }
0x6fb: {  	[tilespmem:s29+$0xB0] =	vst v6;
	v6 =	vmul.f32 v13, v8;
	v8 =	vmax.f32 v11, $0.0e+00;
	v11 =	vand.u32 $0xF, v20  }
0x6fc: {  	v15 =	vmin.f32 v15, $1.500000000e+01;
	v9 =	vadd.f32 v9, v17;
	v20 =	vperm.xlane v5, v11  }
0x6fd: {  	v13 =	vld [tilespmem:s1+$0xC0];
	v19 =	vand.u32 $0xF, v19;
	v21 =	vmin.f32 v8, $1.500000000e+01;
	v8 =	vperm.xlane v4, v16  }
0x6fe: {  	v18 =	vadd.f32 $-5.000000000e-01, v15;
	v11 =	vperm.xlane v4, v11;
	v16 =	vperm.xlane v5, v19  }
0x6ff: {  	v17 =	vperm.xlane v4, v19;
	[tilespmem:s28+$0xFFFFFF50] =	vst v9;
	v9 =	vperm.xlane v5, v10  }
0x700: {  	v18 =	vadd.f32 $1.258291200e+07, v18;
	v10 =	vperm.xlane v4, v10;
	v14 =	vmul.f32 v14, v20  }
0x701: {  	v6 =	vadd.f32 v6, v8;
	v8 =	vadd.f32 $-5.000000000e-01, v21;
	v12 =	vmul.f32 v12, v16  }
0x702: {  	v11 =	vadd.f32 v14, v11;
	v14 =	vand.u32 $0xF, v18;
	v13 =	vmul.f32 $1.500000000e+01, v13  }
0x703: {  	s31 =	simm.s32 $0x500;
	v7 =	vmul.f32 v7, v9;
	[tilespmem:s28+$0xFFFFFFD0] =	vst v6;
	v6 =	vperm.xlane v5, v14  }
0x704: {  	v19 =	vld [tilespmem:s31+$0x80];
	v8 =	vadd.f32 $1.258291200e+07, v8;
	v12 =	vadd.f32 v12, v17;
	[tilespmem:s29+$0xFFFFFF30] =	vst v11;
	v11 =	vmax.f32 v13, $0.0e+00  }
0x705: {  	v14 =	vperm.xlane v4, v14;
	v13 =	vld [tilespmem:s13+$0xFFFFFFD4];
	v6 =	vmul.f32 v15, v6;
	v11 =	vmin.f32 v11, $1.500000000e+01  }
0x706: {  	[tilespmem:s29+$0xFFFFFFB0] =	vst v12;
	v12 =	vand.u32 $0xF, v8;
	v8 =	vadd.f32 v7, v10;
	v10 =	vld [tilespmem:s31+$0xFFFFFF80];
	v17 =	vadd.f32 $-5.000000000e-01, v11  }
0x707: {  	v16 =	vld [tilespmem:s13+$0xFFFFFF54];
	v18 =	vperm.xlane v5, v12  }
0x708: {  	v14 =	vadd.f32 v6, v14;
	v6 =	vld [tilespmem:s31+$0x0];
	v7 =	vadd.f32 $1.258291200e+07, v17  }
0x709: {  	v12 =	vperm.xlane v4, v12;
	v17 =	vmul.f32 v21, v18;
	v18 =	vld [tilespmem:s31+$0xFFFFFF00]  }
0x70a: {  	v19 =	vmul.f32 $1.500000000e+01, v19;
	v13 =	vmul.f32 $1.500000000e+01, v13;
	v20 =	vand.u32 $0xF, v7  }
0x70b: {  	v9 =	vld [tilespmem:s1+$0xFFFFFF40];
	v10 =	vmul.f32 $1.500000000e+01, v10;
	v12 =	vadd.f32 v17, v12;
	v17 =	vperm.xlane v5, v20  }
0x70c: {  	v15 =	vld [tilespmem:s1+$0xFFFFFFC0];
	v16 =	vmul.f32 $1.500000000e+01, v16;
	v7 =	vmax.f32 v13, $0.0e+00;
	v13 =	vperm.xlane v4, v20  }
0x70d: {  	v6 =	vmul.f32 $1.500000000e+01, v6;
	v10 =	vmax.f32 v10, $0.0e+00;
	v11 =	vmul.f32 v11, v17  }
0x70e: {  	v10 =	vmin.f32 v10, $1.500000000e+01;
	v17 =	vmax.f32 v19, $0.0e+00;
	v18 =	vmul.f32 $1.500000000e+01, v18  }
0x70f: {  	v19 =	vmax.f32 v6, $0.0e+00;
	v17 =	vmin.f32 v17, $1.500000000e+01;
	v11 =	vadd.f32 v11, v13  }
0x710: {  	v13 =	vadd.f32 $-5.000000000e-01, v17;
	v6 =	vmax.f32 v18, $0.0e+00;
	v18 =	vadd.f32 $-5.000000000e-01, v10  }
0x711: {  	v16 =	vmax.f32 v16, $0.0e+00;
	v9 =	vmul.f32 $1.500000000e+01, v9;
	v15 =	vmul.f32 $1.500000000e+01, v15;
	[tilespmem:s29+$0xC0] =	vst v11  }
0x712: {  	v11 =	vmin.f32 v6, $1.500000000e+01;
	v13 =	vadd.f32 $1.258291200e+07, v13;
	v18 =	vadd.f32 $1.258291200e+07, v18;
	v20 =	vld [tilespmem:s1+$0xD0]  }
0x713: {  	v6 =	vmin.f32 v16, $1.500000000e+01;
	v16 =	vmin.f32 v19, $1.500000000e+01;
	v19 =	vadd.f32 $-5.000000000e-01, v11  }
0x714: {  	v21 =	vadd.f32 $-5.000000000e-01, v16;
	v13 =	vand.u32 $0xF, v13;
	v18 =	vand.u32 $0xF, v18  }
0x715: {  	v19 =	vadd.f32 $1.258291200e+07, v19;
	v22 =	vperm.xlane v5, v13;
	v13 =	vperm.xlane v4, v13  }
0x716: {  	[tilespmem:s29+$0x30] =	vst v12;
	v12 =	vadd.f32 $1.258291200e+07, v21;
	v23 =	vperm.xlane v5, v18;
	v18 =	vperm.xlane v4, v18  }
0x717: {  	v9 =	vmax.f32 v9, $0.0e+00;
	v21 =	vld [tilespmem:s1+$0x40];
	v17 =	vmul.f32 v17, v22;
	v20 =	vmul.f32 $1.500000000e+01, v20  }
0x718: {  	v19 =	vand.u32 $0xF, v19;
	v12 =	vand.u32 $0xF, v12;
	v10 =	vmul.f32 v10, v23  }
0x719: {  	v22 =	vperm.xlane v5, v19;
	v13 =	vadd.f32 v17, v13;
	v17 =	vmax.f32 v20, $0.0e+00  }
0x71a: {  	s30 =	simm.s32 $0xC500;
	[tilespmem:s28+$0x50] =	vst v14;
	v40 =	vperm.xlane v5, v12;
	v12 =	vperm.xlane v4, v12;
	v14 =	vmin.f32 v17, $1.500000000e+01  }
0x71b: {  	v11 =	vmul.f32 v11, v22;
	v17 =	vperm.xlane v4, v19;
	v19 =	vld [tilespmem:s13+$0x54];
	[tilespmem:s30+$0x80] =	vst v13;
	v13 =	vadd.f32 $-5.000000000e-01, v14  }
0x71c: {  	v15 =	vmax.f32 v15, $0.0e+00;
	v20 =	vmul.f32 $1.500000000e+01, v21;
	v16 =	vmul.f32 v16, v40;
	v21 =	vld [tilespmem:s31+$0x90]  }
0x71d: {  	v9 =	vmin.f32 v9, $1.500000000e+01;
	v11 =	vadd.f32 v11, v17;
	v13 =	vadd.f32 $1.258291200e+07, v13  }
0x71e: {  	v15 =	vmin.f32 v15, $1.500000000e+01;
	v10 =	vadd.f32 v10, v18;
	v12 =	vadd.f32 v16, v12  }
0x71f: {  	v17 =	vmax.f32 v20, $0.0e+00;
	v20 =	vadd.f32 $-5.000000000e-01, v15;
	[tilespmem:s30+$0xFFFFFF00] =	vst v11;
	v13 =	vand.u32 $0xF, v13  }
0x720: {  	[tilespmem:s30+$0xFFFFFF80] =	vst v10;
	v11 =	vmin.f32 v17, $1.500000000e+01;
	v17 =	vadd.f32 $-5.000000000e-01, v9;
	v16 =	vld [tilespmem:s31+$0xFFFFFF10];
	v18 =	vperm.xlane v5, v13  }
0x721: {  	[tilespmem:s30+$0x0] =	vst v12;
	v10 =	vmul.f32 $1.500000000e+01, v19;
	v19 =	vld [tilespmem:s31+$0xFFFFFF90];
	v22 =	vadd.f32 $-5.000000000e-01, v11;
	v12 =	vmul.f32 $1.500000000e+01, v21  }
0x722: {  	v13 =	vperm.xlane v4, v13;
	v17 =	vadd.f32 $1.258291200e+07, v17;
	v14 =	vmul.f32 v14, v18  }
0x723: {  	v21 =	vmax.f32 v10, $0.0e+00;
	v10 =	vld [tilespmem:s31+$0x10];
	v18 =	vadd.f32 $1.258291200e+07, v20;
	v12 =	vmax.f32 v12, $0.0e+00  }
0x724: {  	v17 =	vand.u32 $0xF, v17;
	v12 =	vmin.f32 v12, $1.500000000e+01;
	v13 =	vadd.f32 v14, v13  }
0x725: {  	v14 =	vmul.f32 $1.500000000e+01, v16;
	v16 =	vadd.f32 $1.258291200e+07, v22;
	v20 =	vadd.f32 $-5.000000000e-01, v12  }
0x726: {  	v19 =	vmul.f32 $1.500000000e+01, v19;
	v18 =	vand.u32 $0xF, v18;
	v22 =	vperm.xlane v5, v17  }
0x727: {  	v17 =	vperm.xlane v4, v17;
	[tilespmem:s29+$0xD0] =	vst v13;
	v13 =	vmax.f32 v14, $0.0e+00;
	v14 =	vadd.f32 $1.258291200e+07, v20  }
0x728: {  	v45 =	vperm.xlane v5, v18;
	v10 =	vmul.f32 $1.500000000e+01, v10;
	v19 =	vmax.f32 v19, $0.0e+00;
	v20 =	vld [tilespmem:s1+$0xD4]  }
0x729: {  	v13 =	vmin.f32 v13, $1.500000000e+01;
	v19 =	vmin.f32 v19, $1.500000000e+01;
	v14 =	vand.u32 $0xF, v14  }
0x72a: {  	v10 =	vmax.f32 v10, $0.0e+00;
	v23 =	vadd.f32 $-5.000000000e-01, v13;
	v41 =	vperm.xlane v5, v14  }
0x72b: {  	v42 =	vadd.f32 $-5.000000000e-01, v19;
	v10 =	vmin.f32 v10, $1.500000000e+01;
	v14 =	vperm.xlane v4, v14  }
0x72c: {  	v43 =	vadd.f32 $-5.000000000e-01, v10;
	v23 =	vadd.f32 $1.258291200e+07, v23;
	v12 =	vmul.f32 v12, v41  }
0x72d: {  	v22 =	vmul.f32 v9, v22;
	v44 =	vadd.f32 $1.258291200e+07, v42;
	v20 =	vmul.f32 $1.500000000e+01, v20  }
0x72e: {  	v26 =	vadd.f32 $1.258291200e+07, v43;
	v23 =	vand.u32 $0xF, v23;
	v12 =	vadd.f32 v12, v14  }
0x72f: {  	v47 =	vperm.xlane v5, v23;
	v23 =	vperm.xlane v4, v23;
	v14 =	vmax.f32 v20, $0.0e+00  }
0x730: {  	v20 =	vand.u32 $0xF, v44;
	v46 =	vand.u32 $0xF, v26;
	v14 =	vmin.f32 v14, $1.500000000e+01;
	[tilespmem:s30+$0x90] =	vst v12  }
0x731: {  	v48 =	vperm.xlane v5, v20;
	v13 =	vmul.f32 v13, v47;
	v12 =	vadd.f32 $-5.000000000e-01, v14;
	v29 =	vld [tilespmem:s31+$0xA0]  }
0x732: {  	v16 =	vand.u32 $0xF, v16;
	v49 =	vperm.xlane v5, v46;
	v20 =	vperm.xlane v4, v20  }
0x733: {  	v19 =	vmul.f32 v19, v48;
	v13 =	vadd.f32 v13, v23;
	v12 =	vadd.f32 $1.258291200e+07, v12  }
0x734: {  	v9 =	vmin.f32 v7, $1.500000000e+01;
	v10 =	vmul.f32 v10, v49;
	v23 =	vperm.xlane v4, v46  }
0x735: {  	v50 =	vperm.xlane v5, v16;
	v19 =	vadd.f32 v19, v20;
	[tilespmem:s30+$0xFFFFFF10] =	vst v13;
	v12 =	vand.u32 $0xF, v12  }
0x736: {  	v10 =	vadd.f32 v10, v23;
	v20 =	vld [tilespmem:s31+$0xFFFFFF20];
	v7 =	vperm.xlane v5, v12;
	v13 =	vmul.f32 $1.500000000e+01, v29  }
0x737: {  	v18 =	vperm.xlane v4, v18;
	v23 =	vmul.f32 v11, v50;
	[tilespmem:s30+$0xFFFFFF90] =	vst v19  }
0x738: {  	v11 =	vperm.xlane v4, v12;
	[tilespmem:s30+$0x10] =	vst v10;
	v12 =	vld [tilespmem:s31+$0xFFFFFFA0];
	v7 =	vmul.f32 v14, v7;
	v10 =	vmax.f32 v13, $0.0e+00  }
0x739: {  	v15 =	vmul.f32 v15, v45;
	v17 =	vadd.f32 v22, v17;
	v13 =	vld [tilespmem:s31+$0x20];
	v51 =	vmin.f32 v10, $1.500000000e+01  }
0x73a: {  	v16 =	vperm.xlane v4, v16;
	v10 =	vadd.f32 v7, v11;
	v7 =	vadd.f32 $-5.000000000e-01, v51  }
0x73b: {  	v15 =	vadd.f32 v15, v18;
	v19 =	vadd.f32 $-5.000000000e-01, v6;
	v18 =	vmul.f32 $1.500000000e+01, v20  }
0x73c: {  	v16 =	vadd.f32 v23, v16;
	v7 =	vadd.f32 $1.258291200e+07, v7  }
0x73d: {  	[tilespmem:s29+$0xFFFFFFC0] =	vst v15;
	v11 =	vmin.f32 v21, $1.500000000e+01;
	v12 =	vmul.f32 $1.500000000e+01, v12;
	v18 =	vmax.f32 v18, $0.0e+00  }
0x73e: {  	v22 =	vld [tilespmem:s1+$0xFFFFFFD0];
	v13 =	vmul.f32 $1.500000000e+01, v13;
	v18 =	vmin.f32 v18, $1.500000000e+01;
	v7 =	vand.u32 $0xF, v7  }
0x73f: {  	[tilespmem:s29+$0xFFFFFF40] =	vst v17;
	v12 =	vmax.f32 v12, $0.0e+00;
	v15 =	vadd.f32 $-5.000000000e-01, v18;
	v21 =	vperm.xlane v5, v7  }
0x740: {  	v20 =	vld [tilespmem:s1+$0xFFFFFF50];
	v13 =	vmax.f32 v13, $0.0e+00;
	v12 =	vmin.f32 v12, $1.500000000e+01;
	v7 =	vperm.xlane v4, v7  }
0x741: {  	v13 =	vmin.f32 v13, $1.500000000e+01;
	v23 =	vadd.f32 $-5.000000000e-01, v12;
	v21 =	vmul.f32 v51, v21  }
0x742: {  	[tilespmem:s29+$0x40] =	vst v16;
	v15 =	vadd.f32 $1.258291200e+07, v15;
	v16 =	vadd.f32 $-5.000000000e-01, v13  }
0x743: {  	v22 =	vmul.f32 $1.500000000e+01, v22;
	v14 =	vadd.f32 $-5.000000000e-01, v9;
	v7 =	vadd.f32 v21, v7  }
0x744: {  	v52 =	vld [tilespmem:s1+$0x50];
	v15 =	vand.u32 $0xF, v15;
	v21 =	vadd.f32 $1.258291200e+07, v23;
	v16 =	vadd.f32 $1.258291200e+07, v16  }
0x745: {  	v19 =	vadd.f32 $1.258291200e+07, v19;
	v20 =	vmul.f32 $1.500000000e+01, v20;
	[tilespmem:s30+$0xA0] =	vst v7;
	v7 =	vperm.xlane v5, v15  }
0x746: {  	v21 =	vand.u32 $0xF, v21;
	v16 =	vand.u32 $0xF, v16;
	v15 =	vperm.xlane v4, v15;
	v23 =	vld [tilespmem:s31+$0xB0]  }
0x747: {  	v14 =	vadd.f32 $1.258291200e+07, v14;
	v53 =	vperm.xlane v5, v21;
	v54 =	vperm.xlane v5, v16  }
0x748: {  	v20 =	vmax.f32 v20, $0.0e+00;
	v16 =	vperm.xlane v4, v16;
	v7 =	vmul.f32 v18, v7  }
0x749: {  	v20 =	vmin.f32 v20, $1.500000000e+01;
	v18 =	vmul.f32 $1.500000000e+01, v52;
	v13 =	vmul.f32 v13, v54  }
0x74a: {  	v12 =	vmul.f32 v12, v53;
	v7 =	vadd.f32 v7, v15;
	v15 =	vperm.xlane v4, v21  }
0x74b: {  	v21 =	vmax.f32 v22, $0.0e+00;
	v13 =	vadd.f32 v13, v16;
	v22 =	vmul.f32 $1.500000000e+01, v23  }
0x74c: {  	[tilespmem:s30+$0xFFFFFF20] =	vst v7;
	v7 =	vadd.f32 v12, v15;
	v12 =	vmax.f32 v18, $0.0e+00;
	v18 =	vadd.f32 $-5.000000000e-01, v20  }
0x74d: {  	v17 =	vadd.f32 $-5.000000000e-01, v11;
	v15 =	vmin.f32 v21, $1.500000000e+01;
	v21 =	vld [tilespmem:s31+$0xFFFFFF30];
	v12 =	vmin.f32 v12, $1.500000000e+01;
	[tilespmem:s30+$0x20] =	vst v13  }
0x74e: {  	v16 =	vmax.f32 v22, $0.0e+00;
	[tilespmem:s30+$0xFFFFFFA0] =	vst v7;
	v7 =	vadd.f32 $-5.000000000e-01, v15;
	v18 =	vadd.f32 $1.258291200e+07, v18;
	v55 =	vld [tilespmem:s31+$0x30]  }
0x74f: {  	v14 =	vand.u32 $0xF, v14;
	v22 =	vadd.f32 $-5.000000000e-01, v12;
	v16 =	vmin.f32 v16, $1.500000000e+01  }
0x750: {  	v13 =	vadd.f32 $-5.000000000e-01, v16;
	v7 =	vadd.f32 $1.258291200e+07, v7;
	v18 =	vand.u32 $0xF, v18  }
0x751: {  	v17 =	vadd.f32 $1.258291200e+07, v17;
	v23 =	vld [tilespmem:s31+$0xFFFFFFB0];
	v22 =	vadd.f32 $1.258291200e+07, v22;
	v56 =	vperm.xlane v5, v18  }
0x752: {  	v13 =	vadd.f32 $1.258291200e+07, v13;
	v21 =	vmul.f32 $1.500000000e+01, v21;
	v7 =	vand.u32 $0xF, v7  }
0x753: {  	v22 =	vand.u32 $0xF, v22;
	v57 =	vperm.xlane v5, v7;
	v24 =	vmul.f32 $1.500000000e+01, v55  }
0x754: {  	v20 =	vmul.f32 v20, v56;
	v61 =	vperm.xlane v5, v22;
	v13 =	vand.u32 $0xF, v13  }
0x755: {  	v7 =	vperm.xlane v4, v7;
	v21 =	vmax.f32 v21, $0.0e+00;
	v58 =	vperm.xlane v5, v13  }
0x756: {  	v23 =	vmul.f32 $1.500000000e+01, v23;
	v21 =	vmin.f32 v21, $1.500000000e+01;
	v15 =	vmul.f32 v15, v57  }
0x757: {  	v13 =	vperm.xlane v4, v13;
	v24 =	vmax.f32 v24, $0.0e+00;
	v16 =	vmul.f32 v16, v58  }
0x758: {  	v23 =	vmax.f32 v23, $0.0e+00;
	v59 =	vadd.f32 $-5.000000000e-01, v21;
	v7 =	vadd.f32 v15, v7  }
0x759: {  	v12 =	vmul.f32 v12, v61;
	v23 =	vmin.f32 v23, $1.500000000e+01;
	v13 =	vadd.f32 v16, v13  }
0x75a: {  	v24 =	vmin.f32 v24, $1.500000000e+01;
	v60 =	vadd.f32 $-5.000000000e-01, v23;
	v16 =	vadd.f32 $1.258291200e+07, v59;
	[tilespmem:s29+$0xFFFFFFD0] =	vst v7  }
0x75b: {  	v62 =	vadd.f32 $-5.000000000e-01, v24;
	v7 =	vand.u32 $0xF, v17;
	v17 =	vperm.xlane v4, v22;
	[tilespmem:s30+$0xB0] =	vst v13  }
0x75c: {  	v25 =	vadd.f32 $1.258291200e+07, v60;
	v13 =	vand.u32 $0xF, v16;
	v16 =	vperm.xlane v4, v18;
	v18 =	vld [tilespmem:s31+$0xC0]  }
0x75d: {  	v26 =	vadd.f32 $1.258291200e+07, v62;
	v17 =	vadd.f32 v12, v17;
	v63 =	vperm.xlane v5, v13  }
0x75e: {  	v12 =	vperm.xlane v5, v14;
	v25 =	vand.u32 $0xF, v25;
	v13 =	vperm.xlane v4, v13  }
0x75f: {  	v15 =	vand.u32 $0xF, v26;
	v32 =	vperm.xlane v5, v25;
	v21 =	vmul.f32 v21, v63  }
0x760: {  	s0 =	simm.s32 $0x700;
	v16 =	vadd.f32 v20, v16;
	v20 =	vperm.xlane v4, v25;
	v9 =	vmul.f32 v9, v12  }
0x761: {  	v34 =	vld [tilespmem:s0+$0x80];
	v12 =	vperm.xlane v4, v14;
	v13 =	vadd.f32 v21, v13;
	v18 =	vmul.f32 $1.500000000e+01, v18  }
0x762: {  	v19 =	vand.u32 $0xF, v19;
	v14 =	vld [tilespmem:s0+$0x0];
	v23 =	vmul.f32 v23, v32;
	[tilespmem:s29+$0xFFFFFF50] =	vst v16;
	v16 =	vperm.xlane v5, v15  }
0x763: {  	v22 =	vperm.xlane v5, v19;
	v15 =	vperm.xlane v4, v15;
	[tilespmem:s30+$0xFFFFFF30] =	vst v13;
	v13 =	vld [tilespmem:s1+$0xFFFFFFD4];
	v18 =	vmax.f32 v18, $0.0e+00  }
0x764: {  	v21 =	vld [tilespmem:s1+$0xFFFFFF54];
	v20 =	vadd.f32 v23, v20;
	v16 =	vmul.f32 v24, v16;
	v18 =	vmin.f32 v18, $1.500000000e+01  }
0x765: {  	v22 =	vmul.f32 v6, v22;
	v6 =	vperm.xlane v5, v7;
	v23 =	vld [tilespmem:s31+$0xFFFFFF40];
	v33 =	vadd.f32 $-5.000000000e-01, v18  }
0x766: {  	[tilespmem:s30+$0xFFFFFFB0] =	vst v20;
	v15 =	vadd.f32 v16, v15;
	v16 =	vperm.xlane v4, v19;
	v19 =	vld [tilespmem:s0+$0xFFFFFF80]  }
0x767: {  	v6 =	vmul.f32 v11, v6;
	v20 =	vld [tilespmem:s31+$0xFFFFFFC0];
	v11 =	vadd.f32 $1.258291200e+07, v33  }
0x768: {  	v14 =	vmul.f32 $1.500000000e+01, v14;
	v35 =	vmul.f32 $1.500000000e+01, v13;
	v13 =	vadd.f32 v22, v16;
	v16 =	vld [tilespmem:s0+$0xFFFFFF00]  }
0x769: {  	v25 =	vmul.f32 $1.500000000e+01, v34;
	v12 =	vadd.f32 v9, v12;
	v11 =	vand.u32 $0xF, v11  }
0x76a: {  	v14 =	vmax.f32 v14, $0.0e+00;
	v22 =	vmul.f32 $1.500000000e+01, v23;
	v23 =	vperm.xlane v5, v11  }
0x76b: {  	v21 =	vmul.f32 $1.500000000e+01, v21;
	v36 =	vmin.f32 v14, $1.500000000e+01;
	v19 =	vmul.f32 $1.500000000e+01, v19  }
0x76c: {  	v11 =	vperm.xlane v4, v11;
	v18 =	vmul.f32 v18, v23;
	v23 =	vmax.f32 v25, $0.0e+00  }
0x76d: {  	v20 =	vmul.f32 $1.500000000e+01, v20;
	v16 =	vmul.f32 $1.500000000e+01, v16;
	v23 =	vmin.f32 v23, $1.500000000e+01  }
0x76e: {  	v11 =	vadd.f32 v18, v11;
	v18 =	vmax.f32 v19, $0.0e+00;
	v19 =	vadd.f32 $-5.000000000e-01, v23  }
0x76f: {  	[tilespmem:s30+$0x30] =	vst v15;
	v39 =	vadd.f32 $-5.000000000e-01, v36;
	v21 =	vmax.f32 v21, $0.0e+00;
	v16 =	vmax.f32 v16, $0.0e+00  }
0x770: {  	v15 =	vmax.f32 v20, $0.0e+00;
	[tilespmem:s30+$0xC0] =	vst v11;
	v11 =	vmin.f32 v16, $1.500000000e+01;
	v19 =	vadd.f32 $1.258291200e+07, v19  }
0x771: {  	v20 =	vadd.f32 $1.258291200e+07, v39;
	v18 =	vmin.f32 v18, $1.500000000e+01;
	v37 =	vld [tilespmem:s31+$0xD0];
	v38 =	vadd.f32 $-5.000000000e-01, v11  }
0x772: {  	v14 =	vmin.f32 v21, $1.500000000e+01;
	v16 =	vadd.f32 $-5.000000000e-01, v18;
	v19 =	vand.u32 $0xF, v19  }
0x773: {  	v20 =	vand.u32 $0xF, v20;
	v21 =	vadd.f32 $1.258291200e+07, v38;
	v40 =	vperm.xlane v5, v19  }
0x774: {  	v44 =	vperm.xlane v5, v20;
	v20 =	vperm.xlane v4, v20;
	v16 =	vadd.f32 $1.258291200e+07, v16  }
0x775: {  	v41 =	vld [tilespmem:s31+$0x40];
	v19 =	vperm.xlane v4, v19;
	v21 =	vand.u32 $0xF, v21;
	v23 =	vmul.f32 v23, v40  }
0x776: {  	v16 =	vand.u32 $0xF, v16;
	v25 =	vmul.f32 $1.500000000e+01, v37;
	v42 =	vperm.xlane v5, v21  }
0x777: {  	[tilespmem:s29+$0x50] =	vst v17;
	v22 =	vmax.f32 v22, $0.0e+00;
	v43 =	vperm.xlane v5, v16;
	v21 =	vperm.xlane v4, v21  }
0x778: {  	v19 =	vadd.f32 v23, v19;
	v23 =	vld [tilespmem:s1+$0x54];
	v17 =	vmax.f32 v25, $0.0e+00;
	v11 =	vmul.f32 v11, v42  }
0x779: {  	s3 =	simm.s32 $0xC700;
	v16 =	vperm.xlane v4, v16;
	v18 =	vmul.f32 v18, v43;
	v17 =	vmin.f32 v17, $1.500000000e+01  }
0x77a: {  	[tilespmem:s3+$0x80] =	vst v19;
	v19 =	vmul.f32 $1.500000000e+01, v41;
	v45 =	vadd.f32 $-5.000000000e-01, v17;
	v11 =	vadd.f32 v11, v21  }
0x77b: {  	v16 =	vadd.f32 v18, v16;
	v18 =	vmin.f32 v22, $1.500000000e+01;
	v46 =	vld [tilespmem:s0+$0x90];
	v21 =	vmul.f32 v36, v44  }
0x77c: {  	v19 =	vmax.f32 v19, $0.0e+00;
	v22 =	vadd.f32 $1.258291200e+07, v45;
	[tilespmem:s3+$0xFFFFFF00] =	vst v11;
	v11 =	vmin.f32 v15, $1.500000000e+01  }
0x77d: {  	[tilespmem:s3+$0xFFFFFF80] =	vst v16;
	v15 =	vmin.f32 v19, $1.500000000e+01;
	v19 =	vadd.f32 v21, v20;
	v16 =	vmul.f32 $1.500000000e+01, v23  }
0x77e: {  	v9 =	vmax.f32 v35, $0.0e+00;
	v21 =	vadd.f32 $-5.000000000e-01, v18;
	v23 =	vld [tilespmem:s0+$0xFFFFFF90];
	v47 =	vadd.f32 $-5.000000000e-01, v11  }
0x77f: {  	v20 =	vld [tilespmem:s0+$0xFFFFFF10];
	v49 =	vadd.f32 $-5.000000000e-01, v15;
	v22 =	vand.u32 $0xF, v22;
	v50 =	vmax.f32 v16, $0.0e+00  }
0x780: {  	[tilespmem:s3+$0x0] =	vst v19;
	v16 =	vadd.f32 $1.258291200e+07, v21;
	v48 =	vperm.xlane v5, v22;
	v19 =	vmul.f32 $1.500000000e+01, v46  }
0x781: {  	v21 =	vld [tilespmem:s0+$0x10];
	v22 =	vperm.xlane v4, v22;
	v24 =	vadd.f32 $1.258291200e+07, v47;
	v51 =	vadd.f32 $1.258291200e+07, v49  }
0x782: {  	v52 =	vand.u32 $0xF, v16;
	v17 =	vmul.f32 v17, v48;
	v19 =	vmax.f32 v19, $0.0e+00  }
0x783: {  	v23 =	vmul.f32 $1.500000000e+01, v23;
	v25 =	vand.u32 $0xF, v51;
	v19 =	vmin.f32 v19, $1.500000000e+01  }
0x784: {  	v20 =	vmul.f32 $1.500000000e+01, v20;
	v61 =	vperm.xlane v5, v25;
	v17 =	vadd.f32 v17, v22  }
0x785: {  	v30 =	vperm.xlane v5, v52;
	v25 =	vperm.xlane v4, v25;
	v22 =	vadd.f32 $-5.000000000e-01, v19  }
0x786: {  	v16 =	vmax.f32 v20, $0.0e+00;
	v15 =	vmul.f32 v15, v61;
	[tilespmem:s30+$0xD0] =	vst v17;
	v17 =	vmul.f32 $1.500000000e+01, v21  }
0x787: {  	v20 =	vadd.f32 $1.258291200e+07, v22;
	v21 =	vmax.f32 v23, $0.0e+00;
	v16 =	vmin.f32 v16, $1.500000000e+01  }
0x788: {  	v22 =	vand.u32 $0xF, v24;
	v23 =	vld [tilespmem:s31+$0xD4];
	v21 =	vmin.f32 v21, $1.500000000e+01;
	v53 =	vadd.f32 $-5.000000000e-01, v16  }
0x789: {  	v17 =	vmax.f32 v17, $0.0e+00;
	v20 =	vand.u32 $0xF, v20;
	v55 =	vadd.f32 $-5.000000000e-01, v21  }
0x78a: {  	v17 =	vmin.f32 v17, $1.500000000e+01;
	v54 =	vperm.xlane v5, v20;
	v24 =	vadd.f32 $1.258291200e+07, v53  }
0x78b: {  	v15 =	vadd.f32 v15, v25;
	v20 =	vperm.xlane v4, v20;
	v31 =	vadd.f32 $-5.000000000e-01, v17  }
0x78c: {  	v56 =	vadd.f32 $1.258291200e+07, v55;
	v19 =	vmul.f32 v19, v54;
	v24 =	vand.u32 $0xF, v24  }
0x78d: {  	v23 =	vmul.f32 $1.500000000e+01, v23;
	v57 =	vadd.f32 $1.258291200e+07, v31;
	v58 =	vperm.xlane v5, v24  }
0x78e: {  	v24 =	vperm.xlane v4, v24;
	v19 =	vadd.f32 v19, v20;
	v20 =	vand.u32 $0xF, v56  }
0x78f: {  	v23 =	vmax.f32 v23, $0.0e+00;
	v29 =	vand.u32 $0xF, v57;
	v59 =	vperm.xlane v5, v20  }
0x790: {  	v28 =	vmul.f32 v16, v58;
	v23 =	vmin.f32 v23, $1.500000000e+01;
	v16 =	vperm.xlane v5, v29;
	[tilespmem:s3+$0x90] =	vst v19  }
0x791: {  	[tilespmem:s30+$0x40] =	vst v15;
	v20 =	vperm.xlane v4, v20;
	v19 =	vperm.xlane v5, v22;
	v60 =	vadd.f32 $-5.000000000e-01, v23;
	v32 =	vld [tilespmem:s0+$0xA0]  }
0x792: {  	v37 =	vld [tilespmem:s31+$0x50];
	v29 =	vperm.xlane v4, v29;
	v24 =	vadd.f32 v28, v24;
	v17 =	vmul.f32 v17, v16  }
0x793: {  	v21 =	vmul.f32 v21, v59;
	v16 =	vmin.f32 v9, $1.500000000e+01;
	v9 =	vadd.f32 $1.258291200e+07, v60  }
0x794: {  	v7 =	vperm.xlane v4, v7;
	v18 =	vmul.f32 v18, v30;
	[tilespmem:s3+$0xFFFFFF10] =	vst v24;
	v17 =	vadd.f32 v17, v29  }
0x795: {  	v11 =	vmul.f32 v11, v19;
	v20 =	vadd.f32 v21, v20;
	v63 =	vld [tilespmem:s0+$0xFFFFFF20];
	v9 =	vand.u32 $0xF, v9  }
0x796: {  	v19 =	vperm.xlane v5, v9;
	v62 =	vmul.f32 $1.500000000e+01, v32;
	[tilespmem:s3+$0x10] =	vst v17  }
0x797: {  	v22 =	vperm.xlane v4, v22;
	v26 =	vmul.f32 $1.500000000e+01, v37;
	v21 =	vadd.f32 $-5.000000000e-01, v14;
	[tilespmem:s3+$0xFFFFFF90] =	vst v20;
	v33 =	vld [tilespmem:s0+$0x20]  }
0x798: {  	v9 =	vperm.xlane v4, v9;
	v19 =	vmul.f32 v23, v19;
	v23 =	vld [tilespmem:s0+$0xFFFFFFA0];
	v17 =	vmax.f32 v62, $0.0e+00  }
0x799: {  	v11 =	vadd.f32 v11, v22;
	v20 =	vadd.f32 $-5.000000000e-01, v16;
	v34 =	vmin.f32 v17, $1.500000000e+01  }
0x79a: {  	v22 =	vmul.f32 $1.500000000e+01, v63;
	v17 =	vadd.f32 v19, v9;
	v19 =	vadd.f32 $-5.000000000e-01, v34  }
0x79b: {  	v26 =	vmax.f32 v26, $0.0e+00;
	v32 =	vperm.xlane v4, v52;
	[tilespmem:s30+$0xFFFFFFC0] =	vst v11;
	v11 =	vadd.f32 $1.258291200e+07, v21  }
0x79c: {  	v20 =	vadd.f32 $1.258291200e+07, v20;
	v21 =	vmax.f32 v22, $0.0e+00;
	v19 =	vadd.f32 $1.258291200e+07, v19  }
0x79d: {  	v22 =	vmul.f32 $1.500000000e+01, v33;
	v15 =	vmin.f32 v21, $1.500000000e+01;
	v23 =	vmul.f32 $1.500000000e+01, v23  }
0x79e: {  	v18 =	vadd.f32 v18, v32;
	v38 =	vadd.f32 $-5.000000000e-01, v15;
	v19 =	vand.u32 $0xF, v19  }
0x79f: {  	v22 =	vmax.f32 v22, $0.0e+00;
	v21 =	vmax.f32 v23, $0.0e+00;
	v23 =	vperm.xlane v5, v19  }
0x7a0: {  	v22 =	vmin.f32 v22, $1.500000000e+01;
	v19 =	vperm.xlane v4, v19;
	v27 =	vadd.f32 $1.258291200e+07, v38  }
0x7a1: {  	v36 =	vld [tilespmem:s31+$0xFFFFFFD0];
	[tilespmem:s30+$0xFFFFFF40] =	vst v18;
	v21 =	vmin.f32 v21, $1.500000000e+01;
	v40 =	vadd.f32 $-5.000000000e-01, v22;
	v23 =	vmul.f32 v34, v23  }
0x7a2: {  	v9 =	vmin.f32 v50, $1.500000000e+01;
	v35 =	vld [tilespmem:s31+$0xFFFFFF50];
	v39 =	vadd.f32 $-5.000000000e-01, v21;
	v27 =	vand.u32 $0xF, v27  }
0x7a3: {  	v41 =	vadd.f32 $1.258291200e+07, v40;
	v42 =	vperm.xlane v5, v27;
	v19 =	vadd.f32 v23, v19  }
0x7a4: {  	v50 =	vand.u32 $0xF, v11;
	v18 =	vadd.f32 $-5.000000000e-01, v9;
	v23 =	vadd.f32 $1.258291200e+07, v39  }
0x7a5: {  	v27 =	vperm.xlane v4, v27;
	v28 =	vand.u32 $0xF, v41;
	v15 =	vmul.f32 v15, v42;
	[tilespmem:s3+$0xA0] =	vst v19  }
0x7a6: {  	v25 =	vmul.f32 $1.500000000e+01, v36;
	v23 =	vand.u32 $0xF, v23;
	v45 =	vperm.xlane v5, v28;
	v43 =	vld [tilespmem:s0+$0xB0]  }
0x7a7: {  	v24 =	vmul.f32 $1.500000000e+01, v35;
	v44 =	vperm.xlane v5, v23;
	v15 =	vadd.f32 v15, v27  }
0x7a8: {  	v25 =	vmax.f32 v25, $0.0e+00;
	v47 =	vperm.xlane v4, v28;
	v22 =	vmul.f32 v22, v45  }
0x7a9: {  	v46 =	vmin.f32 v25, $1.500000000e+01;
	v23 =	vperm.xlane v4, v23;
	v21 =	vmul.f32 v21, v44;
	[tilespmem:s3+$0xFFFFFF20] =	vst v15  }
0x7aa: {  	v51 =	vadd.f32 $-5.000000000e-01, v46;
	v19 =	vmax.f32 v24, $0.0e+00;
	v15 =	vadd.f32 v22, v47;
	v22 =	vld [tilespmem:s0+$0xFFFFFF30]  }
0x7ab: {  	v19 =	vmin.f32 v19, $1.500000000e+01;
	v21 =	vadd.f32 v21, v23;
	v48 =	vmul.f32 $1.500000000e+01, v43  }
0x7ac: {  	v18 =	vadd.f32 $1.258291200e+07, v18;
	v49 =	vadd.f32 $-5.000000000e-01, v19;
	v23 =	vmin.f32 v26, $1.500000000e+01;
	[tilespmem:s3+$0x20] =	vst v15  }
0x7ad: {  	v26 =	vadd.f32 $1.258291200e+07, v51;
	v15 =	vand.u32 $0xF, v20;
	[tilespmem:s3+$0xFFFFFFA0] =	vst v21;
	v20 =	vld [tilespmem:s0+$0x30];
	v11 =	vmax.f32 v48, $0.0e+00  }
0x7ae: {  	v52 =	vadd.f32 $-5.000000000e-01, v23;
	v53 =	vld [tilespmem:s0+$0xFFFFFFB0];
	v21 =	vmin.f32 v11, $1.500000000e+01;
	v11 =	vadd.f32 $1.258291200e+07, v49  }
0x7af: {  	v26 =	vand.u32 $0xF, v26;
	v22 =	vmul.f32 $1.500000000e+01, v22;
	v54 =	vadd.f32 $-5.000000000e-01, v21  }
0x7b0: {  	v27 =	vadd.f32 $1.258291200e+07, v52;
	v57 =	vperm.xlane v5, v26;
	v55 =	vand.u32 $0xF, v11  }
0x7b1: {  	v11 =	vand.u32 $0xF, v18;
	v22 =	vmax.f32 v22, $0.0e+00;
	v18 =	vadd.f32 $1.258291200e+07, v54  }
0x7b2: {  	v26 =	vperm.xlane v4, v26;
	v27 =	vand.u32 $0xF, v27;
	v22 =	vmin.f32 v22, $1.500000000e+01  }
0x7b3: {  	v20 =	vmul.f32 $1.500000000e+01, v20;
	v28 =	vmul.f32 $1.500000000e+01, v53;
	v18 =	vand.u32 $0xF, v18  }
0x7b4: {  	v24 =	vmul.f32 v46, v57;
	v60 =	vadd.f32 $-5.000000000e-01, v22;
	v58 =	vperm.xlane v5, v18  }
0x7b5: {  	v20 =	vmax.f32 v20, $0.0e+00;
	v28 =	vmax.f32 v28, $0.0e+00;
	v18 =	vperm.xlane v4, v18  }
0x7b6: {  	v20 =	vmin.f32 v20, $1.500000000e+01;
	v29 =	vadd.f32 $1.258291200e+07, v60;
	v21 =	vmul.f32 v21, v58  }
0x7b7: {  	v56 =	vperm.xlane v5, v55;
	v28 =	vmin.f32 v28, $1.500000000e+01;
	v61 =	vadd.f32 $-5.000000000e-01, v20  }
0x7b8: {  	[tilespmem:s28+$0xD4] =	vst v8;
	v8 =	vand.u32 $0xF, v29;
	v18 =	vadd.f32 v21, v18;
	v21 =	vadd.f32 $-5.000000000e-01, v28  }
0x7b9: {  	[tilespmem:s29+$0xD4] =	vst v10;
	v62 =	vadd.f32 $1.258291200e+07, v61;
	v10 =	vperm.xlane v4, v8;
	v8 =	vperm.xlane v5, v8  }
0x7ba: {  	v59 =	vperm.xlane v5, v27;
	v27 =	vperm.xlane v4, v27;
	[tilespmem:s3+$0xB0] =	vst v18;
	v18 =	vadd.f32 $1.258291200e+07, v21  }
0x7bb: {  	v19 =	vmul.f32 v19, v56;
	v29 =	vand.u32 $0xF, v62;
	v8 =	vmul.f32 v22, v8;
	v63 =	vld [tilespmem:s0+$0xC0]  }
0x7bc: {  	[tilespmem:s28+$0xFFFFFFD4] =	vst v12;
	v21 =	vperm.xlane v4, v55;
	v12 =	vperm.xlane v5, v29;
	v18 =	vand.u32 $0xF, v18  }
0x7bd: {  	[tilespmem:s28+$0xFFFFFF54] =	vst v13;
	v13 =	vperm.xlane v4, v18;
	v18 =	vperm.xlane v5, v18  }
0x7be: {  	v23 =	vmul.f32 v23, v59;
	v8 =	vadd.f32 v8, v10;
	v19 =	vadd.f32 v19, v21  }
0x7bf: {  	[tilespmem:s30+$0xD4] =	vst v17;
	v21 =	vadd.f32 v24, v26;
	v10 =	vmul.f32 v20, v12;
	v17 =	vmul.f32 v28, v18  }
0x7c0: {  	[tilespmem:s30+$0xFFFFFF50] =	vst v19;
	v18 =	vperm.xlane v4, v29;
	v12 =	vmul.f32 $1.500000000e+01, v63  }
0x7c1: {  	[tilespmem:s30+$0xFFFFFFD0] =	vst v21;
	v21 =	vperm.xlane v5, v50;
	v19 =	vadd.f32 v17, v13;
	v17 =	vld [tilespmem:s31+$0xFFFFFF54];
	v13 =	vadd.f32 v23, v27  }
0x7c2: {  	[tilespmem:s3+$0xFFFFFF30] =	vst v8;
	v10 =	vadd.f32 v10, v18;
	v23 =	vperm.xlane v5, v15;
	v8 =	vmax.f32 v12, $0.0e+00;
	v12 =	vld [tilespmem:s31+$0xFFFFFFD4]  }
0x7c3: {  	v20 =	vld [tilespmem:s0+$0xFFFFFF40];
	v14 =	vmul.f32 v14, v21;
	[tilespmem:s3+$0xFFFFFFB0] =	vst v19;
	v19 =	vmin.f32 v8, $1.500000000e+01;
	v8 =	vperm.xlane v5, v11  }
0x7c4: {  	s13 =	simm.s32 $0x900;
	s1 =	simm.s32 $0xC;
	v18 =	vperm.xlane v4, v50;
	[tilespmem:s3+$0x30] =	vst v10;
	v10 =	vmul.f32 v16, v23;
	v21 =	vld [tilespmem:s0+$0xFFFFFFC0];
	v22 =	vadd.f32 $-5.000000000e-01, v19  }
.LBB2_8:
0x7c5: {  	v16 =	vld [tilespmem:s13+$0x80];
	s1 =	sadd.s32 $0x4, s1;
	[tilespmem:s30+$0x50] =	vst v13;
	v13 =	vperm.xlane v4, v15;
	v15 =	vadd.f32 v6, v7;
	v6 =	vmul.f32 v9, v8  }
0x7c6: {  	v7 =	vperm.xlane v4, v11;
	v9 =	vld [tilespmem:s13+$0xFFFFFF80];
	p0 =	slt.u32 s1, $0x7C;
	v8 =	vadd.f32 $1.258291200e+07, v22;
	v17 =	vmul.f32 $1.500000000e+01, v17  }
0x7c7: {  	v14 =	vadd.f32 v14, v18;
	v11 =	vld [tilespmem:s13+$0x0];
	v12 =	vmul.f32 $1.500000000e+01, v12;
	v10 =	vadd.f32 v10, v13;
	[tilespmem:s28+$0x54] =	vst v15;
	s28 =	smov.u32 s29;
	s29 =	smov.u32 s30;
	s30 =	smov.u32 s3  }
0x7c8: {  	v13 =	vld [tilespmem:s13+$0xFFFFFF00];
	v15 =	vmul.f32 $1.500000000e+01, v20;
	v18 =	vand.u32 $0xF, v8;
	v8 =	vmax.f32 v17, $0.0e+00  }
0x7c9: {  	v17 =	vmul.f32 $1.500000000e+01, v21;
	v20 =	vld [tilespmem:s0+$0x40];
	v21 =	vperm.xlane v5, v18;
	v12 =	vmax.f32 v12, $0.0e+00;
	[tilespmem:s28+$0xFFFFFF54] =	vst v14  }
0x7ca: {  	v8 =	vmin.f32 v8, $1.500000000e+01;
	v14 =	vmul.f32 $1.500000000e+01, v16;
	v15 =	vmax.f32 v15, $0.0e+00;
	v16 =	vld [tilespmem:s31+$0x54];
	[tilespmem:s28+$0xFFFFFFD4] =	vst v10;
	s31 =	smov.u32 s0;
	s0 =	smov.u32 s13  }
0x7cb: {  	v10 =	vmax.f32 v17, $0.0e+00;
	v17 =	vperm.xlane v4, v18;
	v18 =	vmul.f32 v19, v21  }
0x7cc: {  	v9 =	vmul.f32 $1.500000000e+01, v9;
	v11 =	vmul.f32 $1.500000000e+01, v11;
	v14 =	vmax.f32 v14, $0.0e+00  }
0x7cd: {  	v13 =	vmul.f32 $1.500000000e+01, v13;
	v14 =	vmin.f32 v14, $1.500000000e+01;
	v17 =	vadd.f32 v18, v17  }
0x7ce: {  	v9 =	vmax.f32 v9, $0.0e+00;
	v11 =	vmax.f32 v11, $0.0e+00;
	v18 =	vadd.f32 $-5.000000000e-01, v14  }
0x7cf: {  	v9 =	vmin.f32 v9, $1.500000000e+01;
	v13 =	vmax.f32 v13, $0.0e+00;
	v11 =	vmin.f32 v11, $1.500000000e+01;
	[tilespmem:s3+$0xC0] =	vst v17  }
0x7d0: {  	v17 =	vadd.f32 $-5.000000000e-01, v9;
	v13 =	vmin.f32 v13, $1.500000000e+01;
	v18 =	vadd.f32 $1.258291200e+07, v18;
	v19 =	vld [tilespmem:s31+$0xD0]  }
0x7d1: {  	v20 =	vmul.f32 $1.500000000e+01, v20;
	v22 =	vadd.f32 $-5.000000000e-01, v11;
	v21 =	vadd.f32 $-5.000000000e-01, v13  }
0x7d2: {  	v15 =	vmin.f32 v15, $1.500000000e+01;
	v17 =	vadd.f32 $1.258291200e+07, v17;
	v18 =	vand.u32 $0xF, v18  }
0x7d3: {  	v22 =	vadd.f32 $1.258291200e+07, v22;
	v21 =	vadd.f32 $1.258291200e+07, v21;
	v23 =	vperm.xlane v5, v18  }
0x7d4: {  	v20 =	vmax.f32 v20, $0.0e+00;
	v17 =	vand.u32 $0xF, v17;
	v18 =	vperm.xlane v4, v18  }
0x7d5: {  	v21 =	vand.u32 $0xF, v21;
	v14 =	vmul.f32 v14, v23;
	v19 =	vmul.f32 $1.500000000e+01, v19  }
0x7d6: {  	v24 =	vperm.xlane v5, v17;
	v22 =	vand.u32 $0xF, v22;
	v23 =	vperm.xlane v5, v21  }
0x7d7: {  	v25 =	vperm.xlane v5, v22;
	v14 =	vadd.f32 v14, v18;
	v18 =	vmax.f32 v19, $0.0e+00  }
0x7d8: {  	s3 =	sadd.s32 $0x200, s3;
	v9 =	vmul.f32 v9, v24;
	v13 =	vmul.f32 v13, v23;
	v18 =	vmin.f32 v18, $1.500000000e+01  }
0x7d9: {  	v19 =	vperm.xlane v4, v21;
	v11 =	vmul.f32 v11, v25;
	[tilespmem:s3+$0x80] =	vst v14;
	v14 =	vadd.f32 $-5.000000000e-01, v18  }
0x7da: {  	v17 =	vperm.xlane v4, v17;
	v21 =	vperm.xlane v4, v22;
	v23 =	vmin.f32 v10, $1.500000000e+01;
	v22 =	vld [tilespmem:s13+$0x90]  }
0x7db: {  	v10 =	vadd.f32 v13, v19;
	v13 =	vmin.f32 v20, $1.500000000e+01;
	v14 =	vadd.f32 $1.258291200e+07, v14  }
0x7dc: {  	v16 =	vmul.f32 $1.500000000e+01, v16;
	v9 =	vadd.f32 v9, v17;
	v11 =	vadd.f32 v11, v21  }
0x7dd: {  	v17 =	vadd.f32 $-5.000000000e-01, v23;
	[tilespmem:s3+$0xFFFFFF00] =	vst v10;
	v10 =	vadd.f32 $-5.000000000e-01, v15;
	v14 =	vand.u32 $0xF, v14  }
0x7de: {  	v16 =	vmax.f32 v16, $0.0e+00;
	v19 =	vld [tilespmem:s13+$0xFFFFFF10];
	[tilespmem:s3+$0xFFFFFF80] =	vst v9;
	v9 =	vadd.f32 $-5.000000000e-01, v13;
	v20 =	vperm.xlane v5, v14  }
0x7df: {  	v17 =	vadd.f32 $1.258291200e+07, v17;
	v21 =	vld [tilespmem:s13+$0xFFFFFF90];
	[tilespmem:s3+$0x0] =	vst v11;
	v11 =	vmul.f32 $1.500000000e+01, v22;
	v10 =	vadd.f32 $1.258291200e+07, v10  }
0x7e0: {  	v14 =	vperm.xlane v4, v14;
	v22 =	vld [tilespmem:s13+$0x10];
	v9 =	vadd.f32 $1.258291200e+07, v9;
	v18 =	vmul.f32 v18, v20  }
0x7e1: {  	v17 =	vand.u32 $0xF, v17;
	v11 =	vmax.f32 v11, $0.0e+00;
	v20 =	vand.u32 $0xF, v10  }
0x7e2: {  	v11 =	vmin.f32 v11, $1.500000000e+01;
	v24 =	vand.u32 $0xF, v9;
	v9 =	vadd.f32 v18, v14  }
0x7e3: {  	v14 =	vmul.f32 $1.500000000e+01, v19;
	v18 =	vadd.f32 $-5.000000000e-01, v11;
	v19 =	vperm.xlane v5, v20  }
0x7e4: {  	v25 =	vperm.xlane v5, v17;
	v10 =	vmin.f32 v12, $1.500000000e+01;
	v21 =	vmul.f32 $1.500000000e+01, v21;
	[tilespmem:s30+$0xD0] =	vst v9  }
0x7e5: {  	v9 =	vmax.f32 v14, $0.0e+00;
	v12 =	vmul.f32 $1.500000000e+01, v22;
	v14 =	vadd.f32 $1.258291200e+07, v18;
	v18 =	vld [tilespmem:s31+$0xD4]  }
0x7e6: {  	v22 =	vmin.f32 v9, $1.500000000e+01;
	v9 =	vmax.f32 v21, $0.0e+00;
	v21 =	vperm.xlane v5, v24  }
0x7e7: {  	v26 =	vmin.f32 v9, $1.500000000e+01;
	v9 =	vmax.f32 v12, $0.0e+00;
	v12 =	vand.u32 $0xF, v14  }
0x7e8: {  	v14 =	vadd.f32 $-5.000000000e-01, v22;
	v27 =	vmin.f32 v9, $1.500000000e+01;
	v9 =	vperm.xlane v5, v12  }
0x7e9: {  	v28 =	vadd.f32 $-5.000000000e-01, v26;
	v12 =	vperm.xlane v4, v12;
	v29 =	vadd.f32 $-5.000000000e-01, v27  }
0x7ea: {  	v14 =	vadd.f32 $1.258291200e+07, v14;
	v9 =	vmul.f32 v11, v9;
	v11 =	vmul.f32 $1.500000000e+01, v18  }
0x7eb: {  	v15 =	vmul.f32 v15, v19;
	v18 =	vadd.f32 $1.258291200e+07, v28;
	v28 =	vadd.f32 $1.258291200e+07, v29  }
0x7ec: {  	v14 =	vand.u32 $0xF, v14;
	v9 =	vadd.f32 v9, v12;
	v11 =	vmax.f32 v11, $0.0e+00  }
0x7ed: {  	v12 =	vand.u32 $0xF, v18;
	v18 =	vand.u32 $0xF, v28;
	v11 =	vmin.f32 v11, $1.500000000e+01  }
0x7ee: {  	v19 =	vperm.xlane v5, v14;
	v28 =	vperm.xlane v5, v12;
	[tilespmem:s3+$0x90] =	vst v9;
	v29 =	vadd.f32 $-5.000000000e-01, v11  }
0x7ef: {  	v14 =	vperm.xlane v4, v14;
	v30 =	vperm.xlane v5, v18;
	v9 =	vmin.f32 v16, $1.500000000e+01;
	v31 =	vld [tilespmem:s13+$0xA0]  }
0x7f0: {  	v16 =	vmul.f32 v22, v19;
	v19 =	vmul.f32 v26, v28;
	v22 =	vadd.f32 $1.258291200e+07, v29  }
0x7f1: {  	v12 =	vperm.xlane v4, v12;
	v26 =	vmul.f32 v27, v30;
	v27 =	vadd.f32 $-5.000000000e-01, v8  }
0x7f2: {  	v14 =	vadd.f32 v16, v14;
	v16 =	vperm.xlane v4, v18;
	v18 =	vand.u32 $0xF, v22  }
0x7f3: {  	v12 =	vadd.f32 v19, v12;
	v19 =	vmul.f32 v23, v25;
	v22 =	vperm.xlane v5, v18  }
0x7f4: {  	v13 =	vmul.f32 v13, v21;
	[tilespmem:s3+$0xFFFFFF10] =	vst v14;
	v14 =	vadd.f32 v26, v16;
	v16 =	vmul.f32 $1.500000000e+01, v31  }
0x7f5: {  	v21 =	vld [tilespmem:s13+$0xFFFFFF20];
	[tilespmem:s3+$0xFFFFFF90] =	vst v12;
	v12 =	vperm.xlane v4, v18;
	v11 =	vmul.f32 v11, v22;
	v18 =	vadd.f32 $-5.000000000e-01, v10  }
0x7f6: {  	v17 =	vperm.xlane v4, v17;
	v22 =	vld [tilespmem:s13+$0xFFFFFFA0];
	[tilespmem:s3+$0x10] =	vst v14;
	v14 =	vmax.f32 v16, $0.0e+00;
	v16 =	vperm.xlane v4, v20  }
0x7f7: {  	v23 =	vperm.xlane v4, v24;
	v20 =	vld [tilespmem:s13+$0x20];
	v14 =	vmin.f32 v14, $1.500000000e+01;
	v11 =	vadd.f32 v11, v12  }
0x7f8: {  	v12 =	vadd.f32 $-5.000000000e-01, v14;
	v15 =	vadd.f32 v15, v16  }
0x7f9: {  	v13 =	vadd.f32 v13, v23;
	v16 =	vadd.f32 v19, v17;
	[tilespmem:s30+$0xD4] =	vst v11  }
0x7fa: {  	v11 =	vmul.f32 $1.500000000e+01, v21;
	v12 =	vadd.f32 $1.258291200e+07, v12;
	[tilespmem:s30+$0xFFFFFF40] =	vst v15;
	v15 =	vadd.f32 $-5.000000000e-01, v9  }
0x7fb: {  	v18 =	vadd.f32 $1.258291200e+07, v18;
	v17 =	vmul.f32 $1.500000000e+01, v22;
	v19 =	vld [tilespmem:s31+$0xFFFFFF50];
	[tilespmem:s30+$0xFFFFFFC0] =	vst v16;
	v16 =	vadd.f32 $1.258291200e+07, v27  }
0x7fc: {  	v11 =	vmax.f32 v11, $0.0e+00;
	v20 =	vmul.f32 $1.500000000e+01, v20;
	v12 =	vand.u32 $0xF, v12;
	v21 =	vld [tilespmem:s31+$0xFFFFFFD0];
	[tilespmem:s30+$0x40] =	vst v13  }
0x7fd: {  	v11 =	vmin.f32 v11, $1.500000000e+01;
	v13 =	vmax.f32 v17, $0.0e+00;
	v17 =	vperm.xlane v5, v12;
	v22 =	vld [tilespmem:s31+$0x50]  }
0x7fe: {  	v23 =	vadd.f32 $-5.000000000e-01, v11;
	v13 =	vmin.f32 v13, $1.500000000e+01;
	v20 =	vmax.f32 v20, $0.0e+00  }
0x7ff: {  	v12 =	vperm.xlane v4, v12;
	v20 =	vmin.f32 v20, $1.500000000e+01;
	v14 =	vmul.f32 v14, v17  }
0x800: {  	v17 =	vadd.f32 $-5.000000000e-01, v13;
	v24 =	vadd.f32 $-5.000000000e-01, v20;
	v19 =	vmul.f32 $1.500000000e+01, v19  }
0x801: {  	v23 =	vadd.f32 $1.258291200e+07, v23;
	v12 =	vadd.f32 v14, v12;
	v14 =	vmul.f32 $1.500000000e+01, v21  }
0x802: {  	v17 =	vadd.f32 $1.258291200e+07, v17;
	v21 =	vadd.f32 $1.258291200e+07, v24;
	v22 =	vmul.f32 $1.500000000e+01, v22  }
0x803: {  	v23 =	vand.u32 $0xF, v23;
	[tilespmem:s3+$0xA0] =	vst v12;
	v12 =	vmax.f32 v19, $0.0e+00;
	v14 =	vmax.f32 v14, $0.0e+00  }
0x804: {  	v19 =	vperm.xlane v5, v23;
	v17 =	vand.u32 $0xF, v17;
	v21 =	vand.u32 $0xF, v21;
	v24 =	vld [tilespmem:s13+$0xB0]  }
0x805: {  	v25 =	vperm.xlane v5, v17;
	v22 =	vmax.f32 v22, $0.0e+00;
	v26 =	vperm.xlane v5, v21  }
0x806: {  	v23 =	vperm.xlane v4, v23;
	v12 =	vmin.f32 v12, $1.500000000e+01;
	v11 =	vmul.f32 v11, v19  }
0x807: {  	v14 =	vmin.f32 v14, $1.500000000e+01;
	v13 =	vmul.f32 v13, v25;
	v19 =	vmul.f32 v20, v26  }
0x808: {  	v17 =	vperm.xlane v4, v17;
	v11 =	vadd.f32 v11, v23;
	v20 =	vperm.xlane v4, v21  }
0x809: {  	v22 =	vmin.f32 v22, $1.500000000e+01;
	v23 =	vadd.f32 $-5.000000000e-01, v12;
	v21 =	vmul.f32 $1.500000000e+01, v24  }
0x80a: {  	v16 =	vand.u32 $0xF, v16;
	[tilespmem:s3+$0xFFFFFF20] =	vst v11;
	v11 =	vadd.f32 v13, v17;
	v13 =	vadd.f32 v19, v20  }
0x80b: {  	v20 =	vadd.f32 $-5.000000000e-01, v14;
	v17 =	vld [tilespmem:s13+$0xFFFFFF30];
	v19 =	vmax.f32 v21, $0.0e+00;
	v21 =	vadd.f32 $-5.000000000e-01, v22  }
0x80c: {  	[tilespmem:s3+$0xFFFFFFA0] =	vst v11;
	v19 =	vmin.f32 v19, $1.500000000e+01;
	v11 =	vadd.f32 $1.258291200e+07, v23;
	v23 =	vadd.f32 $1.258291200e+07, v15  }
0x80d: {  	v20 =	vadd.f32 $1.258291200e+07, v20;
	v15 =	vand.u32 $0xF, v18;
	v24 =	vld [tilespmem:s13+$0xFFFFFFB0];
	[tilespmem:s3+$0x20] =	vst v13;
	v13 =	vadd.f32 $-5.000000000e-01, v19  }
0x80e: {  	v21 =	vadd.f32 $1.258291200e+07, v21;
	v18 =	vld [tilespmem:s13+$0x30];
	v25 =	vand.u32 $0xF, v11;
	v11 =	vand.u32 $0xF, v23  }
0x80f: {  	v20 =	vand.u32 $0xF, v20;
	v13 =	vadd.f32 $1.258291200e+07, v13;
	v23 =	vperm.xlane v5, v25  }
0x810: {  	v26 =	vperm.xlane v5, v20;
	v21 =	vand.u32 $0xF, v21;
	v17 =	vmul.f32 $1.500000000e+01, v17  }
0x811: {  	v13 =	vand.u32 $0xF, v13;
	v12 =	vmul.f32 v12, v23;
	v23 =	vperm.xlane v5, v21  }
0x812: {  	v17 =	vmax.f32 v17, $0.0e+00;
	v24 =	vmul.f32 $1.500000000e+01, v24;
	v27 =	vperm.xlane v5, v13  }
0x813: {  	v14 =	vmul.f32 v14, v26;
	v17 =	vmin.f32 v17, $1.500000000e+01;
	v18 =	vmul.f32 $1.500000000e+01, v18  }
0x814: {  	v13 =	vperm.xlane v4, v13;
	v24 =	vmax.f32 v24, $0.0e+00;
	v19 =	vmul.f32 v19, v27  }
0x815: {  	v26 =	vadd.f32 $-5.000000000e-01, v17;
	v24 =	vmin.f32 v24, $1.500000000e+01;
	v18 =	vmax.f32 v18, $0.0e+00  }
0x816: {  	v27 =	vadd.f32 $-5.000000000e-01, v24;
	v18 =	vmin.f32 v18, $1.500000000e+01;
	v13 =	vadd.f32 v19, v13  }
0x817: {  	v22 =	vmul.f32 v22, v23;
	v19 =	vadd.f32 $1.258291200e+07, v26;
	v26 =	vadd.f32 $-5.000000000e-01, v18  }
0x818: {  	v20 =	vperm.xlane v4, v20;
	v23 =	vadd.f32 $1.258291200e+07, v27;
	[tilespmem:s3+$0xB0] =	vst v13;
	v13 =	vperm.xlane v4, v25  }
0x819: {  	v21 =	vperm.xlane v4, v21;
	v19 =	vand.u32 $0xF, v19;
	v25 =	vadd.f32 $1.258291200e+07, v26;
	v26 =	vld [tilespmem:s13+$0xC0]  }
0x81a: {  	v27 =	vperm.xlane v4, v19;
	v19 =	vperm.xlane v5, v19;
	v23 =	vand.u32 $0xF, v23  }
0x81b: {  	v28 =	vperm.xlane v4, v23;
	v23 =	vperm.xlane v5, v23;
	v25 =	vand.u32 $0xF, v25  }
0x81c: {  	v12 =	vadd.f32 v12, v13;
	v17 =	vmul.f32 v17, v19;
	v19 =	vperm.xlane v5, v25  }
0x81d: {  	v14 =	vadd.f32 v14, v20;
	v13 =	vmul.f32 v24, v23;
	v23 =	vperm.xlane v4, v25  }
.Ltmp3:
0x81e: {  	v20 =	vadd.f32 v17, v27;
	v18 =	vmul.f32 v18, v19;
	v19 =	vmul.f32 $1.500000000e+01, v26;
	[tilespmem:s30+$0xFFFFFF50] =	vst v12;
	(pc) =	sbr.rel @p0 .LBB2_8-.Ltmp3, $4  }
0x81f: {  	v24 =	vadd.f32 v13, v28;
	v17 =	vld [tilespmem:s31+$0xFFFFFF54];
	[tilespmem:s30+$0xFFFFFFD0] =	vst v14;
	v13 =	vadd.f32 v22, v21;
	v14 =	vperm.xlane v5, v16  }
0x820: {  	[tilespmem:s3+$0xFFFFFF30] =	vst v20;
	v18 =	vadd.f32 v18, v23;
	v19 =	vmax.f32 v19, $0.0e+00;
	v12 =	vld [tilespmem:s31+$0xFFFFFFD4];
	v23 =	vperm.xlane v5, v15  }
0x821: {  	v20 =	vld [tilespmem:s13+$0xFFFFFF40];
	[tilespmem:s3+$0xFFFFFFB0] =	vst v24;
	v19 =	vmin.f32 v19, $1.500000000e+01;
	v14 =	vmul.f32 v8, v14;
	v8 =	vperm.xlane v5, v11  }
0x822: {  	s13 =	sadd.s32 $0x200, s13;
	v21 =	vld [tilespmem:s0+$0xFFFFFFC0];
	[tilespmem:s3+$0x30] =	vst v18;
	v22 =	vadd.f32 $-5.000000000e-01, v19;
	v18 =	vperm.xlane v4, v16;
	v10 =	vmul.f32 v10, v23  }
0x823: {  	_ = 	snop  }
0x824: {  	v16 =	vadd.f32 $1.258291200e+07, v22;
	_ =	sdelay $0x1  }
0x825: {  	v16 =	vand.u32 $0xF, v16  }
0x826: {  	v50 =	vld [tilespmem:s0+$0x40];
	v49 =	vperm.xlane v5, v16  }
0x827: {  	v16 =	vperm.xlane v4, v16  }
0x828: {  	v21 =	vmul.f32 $1.500000000e+01, v21;
	v19 =	vmul.f32 v19, v49;
	_ =	sdelay $0x1  }
0x829: {  	v51 =	vmul.f32 $1.500000000e+01, v20;
	v21 =	vmax.f32 v21, $0.0e+00;
	v16 =	vadd.f32 v19, v16  }
0x82a: {  	v21 =	vmin.f32 v21, $1.500000000e+01;
	v19 =	vmul.f32 $1.500000000e+01, v50  }
0x82b: {  	v23 =	vadd.f32 $-5.000000000e-01, v21;
	[tilespmem:s3+$0xC0] =	vst v16;
	v16 =	vmax.f32 v51, $0.0e+00  }
0x82c: {  	v19 =	vmax.f32 v19, $0.0e+00;
	v52 =	vld [tilespmem:s0+$0xD0];
	v16 =	vmin.f32 v16, $1.500000000e+01  }
0x82d: {  	v23 =	vadd.f32 $1.258291200e+07, v23;
	v19 =	vmin.f32 v19, $1.500000000e+01;
	v53 =	vadd.f32 $-5.000000000e-01, v16  }
0x82e: {  	v24 =	vadd.f32 $-5.000000000e-01, v19  }
0x82f: {  	v23 =	vand.u32 $0xF, v23;
	v22 =	vadd.f32 $1.258291200e+07, v53  }
0x830: {  	v27 =	vperm.xlane v5, v23;
	v24 =	vadd.f32 $1.258291200e+07, v24  }
0x831: {  	v23 =	vperm.xlane v4, v23;
	v20 =	vmul.f32 $1.500000000e+01, v52;
	v22 =	vand.u32 $0xF, v22  }
0x832: {  	v21 =	vmul.f32 v21, v27;
	v24 =	vand.u32 $0xF, v24;
	v25 =	vperm.xlane v5, v22  }
0x833: {  	v54 =	vperm.xlane v5, v24;
	v22 =	vperm.xlane v4, v22;
	v20 =	vmax.f32 v20, $0.0e+00  }
0x834: {  	v21 =	vadd.f32 v21, v23;
	v20 =	vmin.f32 v20, $1.500000000e+01;
	v16 =	vmul.f32 v16, v25  }
0x835: {  	v56 =	vperm.xlane v4, v24;
	v19 =	vmul.f32 v19, v54;
	v26 =	vadd.f32 $-5.000000000e-01, v20  }
0x836: {  	v16 =	vadd.f32 v16, v22  }
0x837: {  	[tilespmem:s3+$0xFFFFFFC0] =	vst v21;
	v19 =	vadd.f32 v19, v56;
	v26 =	vadd.f32 $1.258291200e+07, v26  }
0x838: {  	v60 =	vld [tilespmem:s0+$0xFFFFFFD0];
	[tilespmem:s3+$0xFFFFFF40] =	vst v16  }
0x839: {  	[tilespmem:s3+$0x40] =	vst v19;
	v55 =	vand.u32 $0xF, v26;
	v58 =	vld [tilespmem:s0+$0xFFFFFF50]  }
0x83a: {  	v19 =	vld [tilespmem:s0+$0x50];
	v57 =	vperm.xlane v5, v55  }
0x83b: {  	v15 =	vperm.xlane v4, v15;
	v8 =	vmul.f32 v9, v8  }
0x83c: {  	v59 =	vperm.xlane v4, v55;
	v16 =	vmul.f32 v20, v57  }
0x83d: {  	v6 =	vadd.f32 v6, v7;
	v11 =	vperm.xlane v4, v11;
	v20 =	vmul.f32 $1.500000000e+01, v60  }
0x83e: {  	v63 =	vmul.f32 $1.500000000e+01, v17;
	v16 =	vadd.f32 v16, v59;
	v61 =	vmul.f32 $1.500000000e+01, v58  }
0x83f: {  	[tilespmem:s30+$0x50] =	vst v13;
	v14 =	vadd.f32 v14, v18;
	v22 =	vmul.f32 $1.500000000e+01, v19;
	v23 =	vmax.f32 v20, $0.0e+00  }
0x840: {  	v12 =	vmul.f32 $1.500000000e+01, v12;
	v24 =	vmin.f32 v23, $1.500000000e+01;
	[tilespmem:s3+$0xD0] =	vst v16;
	v16 =	vmax.f32 v61, $0.0e+00  }
0x841: {  	v30 =	vld [tilespmem:s31+$0x54];
	v26 =	vmax.f32 v22, $0.0e+00;
	v27 =	vadd.f32 $-5.000000000e-01, v24;
	v16 =	vmin.f32 v16, $1.500000000e+01  }
0x842: {  	v10 =	vadd.f32 v10, v15;
	v15 =	vmin.f32 v26, $1.500000000e+01;
	v25 =	vadd.f32 $-5.000000000e-01, v16  }
0x843: {  	v12 =	vmax.f32 v12, $0.0e+00;
	v29 =	vadd.f32 $-5.000000000e-01, v15;
	v17 =	vadd.f32 $1.258291200e+07, v27  }
0x844: {  	v7 =	vmax.f32 v63, $0.0e+00;
	v12 =	vmin.f32 v12, $1.500000000e+01;
	v19 =	vadd.f32 $1.258291200e+07, v25  }
0x845: {  	v41 =	vadd.f32 $-5.000000000e-01, v12;
	v13 =	vadd.f32 $1.258291200e+07, v29;
	v17 =	vand.u32 $0xF, v17  }
0x846: {  	v21 =	vmul.f32 $1.500000000e+01, v30;
	v62 =	vld [tilespmem:s0+$0xD4];
	v32 =	vperm.xlane v5, v17;
	v19 =	vand.u32 $0xF, v19  }
0x847: {  	v17 =	vperm.xlane v4, v17;
	v13 =	vand.u32 $0xF, v13;
	v31 =	vperm.xlane v5, v19  }
0x848: {  	v7 =	vmin.f32 v7, $1.500000000e+01;
	v18 =	vmul.f32 v24, v32;
	v34 =	vperm.xlane v5, v13  }
0x849: {  	v9 =	vadd.f32 $1.258291200e+07, v41;
	v19 =	vperm.xlane v4, v19;
	v16 =	vmul.f32 v16, v31  }
0x84a: {  	v13 =	vperm.xlane v4, v13;
	v15 =	vmul.f32 v15, v34;
	v17 =	vadd.f32 v18, v17  }
0x84b: {  	v9 =	vand.u32 $0xF, v9;
	v28 =	vmul.f32 $1.500000000e+01, v62;
	v16 =	vadd.f32 v16, v19  }
0x84c: {  	v48 =	vperm.xlane v5, v9;
	v21 =	vmax.f32 v21, $0.0e+00;
	v13 =	vadd.f32 v15, v13;
	[tilespmem:s3+$0xFFFFFFD0] =	vst v17  }
0x84d: {  	v39 =	vadd.f32 $-5.000000000e-01, v7;
	v38 =	vmin.f32 v21, $1.500000000e+01;
	v20 =	vmax.f32 v28, $0.0e+00;
	v43 =	vld [tilespmem:s0+$0xFFFFFFD4];
	[tilespmem:s3+$0xFFFFFF50] =	vst v16  }
0x84e: {  	v12 =	vmul.f32 v12, v48;
	v42 =	vadd.f32 $-5.000000000e-01, v38;
	v20 =	vmin.f32 v20, $1.500000000e+01;
	[tilespmem:s3+$0x50] =	vst v13;
	v37 =	vld [tilespmem:s0+$0xFFFFFF54]  }
0x84f: {  	v54 =	vperm.xlane v4, v9;
	v33 =	vadd.f32 $-5.000000000e-01, v20;
	v19 =	vadd.f32 $1.258291200e+07, v39;
	v46 =	vld [tilespmem:s0+$0x54]  }
0x850: {  	v8 =	vadd.f32 v8, v11;
	v17 =	vadd.f32 $1.258291200e+07, v42  }
0x851: {  	[tilespmem:s28+$0x54] =	vst v6;
	v6 =	vadd.f32 v12, v54;
	v35 =	vadd.f32 $1.258291200e+07, v33;
	v47 =	vand.u32 $0xF, v19  }
0x852: {  	v17 =	vand.u32 $0xF, v17;
	v19 =	vperm.xlane v5, v47;
	v22 =	vmul.f32 $1.500000000e+01, v43  }
0x853: {  	v36 =	vand.u32 $0xF, v35;
	v50 =	vperm.xlane v5, v17;
	v18 =	vmul.f32 $1.500000000e+01, v37  }
0x854: {  	v16 =	vperm.xlane v4, v47;
	v49 =	vmul.f32 $1.500000000e+01, v46;
	v22 =	vmax.f32 v22, $0.0e+00  }
0x855: {  	v7 =	vmul.f32 v7, v19;
	v52 =	vmin.f32 v22, $1.500000000e+01;
	v18 =	vmax.f32 v18, $0.0e+00  }
0x856: {  	v19 =	vmax.f32 v49, $0.0e+00;
	v22 =	vadd.f32 $-5.000000000e-01, v52;
	v18 =	vmin.f32 v18, $1.500000000e+01  }
0x857: {  	v59 =	vperm.xlane v4, v17;
	v19 =	vmin.f32 v19, $1.500000000e+01;
	v51 =	vadd.f32 $-5.000000000e-01, v18  }
0x858: {  	v40 =	vperm.xlane v5, v36;
	v53 =	vadd.f32 $-5.000000000e-01, v19;
	v55 =	vadd.f32 $1.258291200e+07, v22  }
0x859: {  	v44 =	vperm.xlane v4, v36;
	v15 =	vmul.f32 v38, v50;
	v23 =	vadd.f32 $1.258291200e+07, v51  }
0x85a: {  	[tilespmem:s29+$0xFFFFFF54] =	vst v14;
	v45 =	vmul.f32 v20, v40;
	v57 =	vadd.f32 $1.258291200e+07, v53;
	v9 =	vand.u32 $0xF, v55  }
0x85b: {  	[tilespmem:s29+$0xFFFFFFD4] =	vst v10;
	v7 =	vadd.f32 v7, v16;
	v60 =	vperm.xlane v5, v9;
	v56 =	vand.u32 $0xF, v23  }
0x85c: {  	[tilespmem:s29+$0x54] =	vst v8;
	v9 =	vperm.xlane v4, v9;
	v11 =	vand.u32 $0xF, v57;
	v58 =	vperm.xlane v5, v56  }
0x85d: {  	[tilespmem:s30+$0xFFFFFFD4] =	vst v6;
	v10 =	vadd.f32 v15, v59;
	v5 =	vperm.xlane v5, v11;
	v62 =	vmul.f32 v52, v60  }
0x85e: {  	v13 =	vadd.f32 v45, v44;
	[tilespmem:s30+$0xFFFFFF54] =	vst v7;
	v61 =	vperm.xlane v4, v56;
	v14 =	vmul.f32 v18, v58  }
0x85f: {  	[tilespmem:s30+$0x54] =	vst v10;
	v4 =	vperm.xlane v4, v11;
	v5 =	vmul.f32 v19, v5;
	v7 =	vadd.f32 v62, v9  }
0x860: {  	[tilespmem:s3+$0xD4] =	vst v13;
	v63 =	vadd.f32 v14, v61  }
0x861: {  	v4 =	vadd.f32 v5, v4;
	[tilespmem:s3+$0xFFFFFFD4] =	vst v7  }
0x862: {  	[tilespmem:s3+$0xFFFFFF54] =	vst v63  }
0x863: {  	[tilespmem:s3+$0x54] =	vst v4  }
0x864: {  	[hbm4b:s11+s2] =	stream.linear.scatter [tilespmem:s18], [sflag:$0x4], $0x4000, $0x38;
	[tilespmem:$0x18080] =	vst v63  }
0x865: {  	_ =	swait.ge [sflag:s24], $0x4000  }
0x866: {  	[sflag:s24] =	ssyncset.done $0x0  }
0x867: {  	s26 =	sadd.s32 $0x1, s26;
	[sflag:s24] =	ssyncadd.s32 $0xFFFFC000  }
0x868: {  	p0 =	sne.s32 s26, s12;
	_ =	swait.ge [sflag:s25], $0x4000  }
.Ltmp4:
0x869: {  	[sflag:s25] =	ssyncset.done $0x0;
	(pc) =	sbr.rel @p0 .LBB2_1-.Ltmp4, $4  }
0x86a: {  	[sflag:s25] =	ssyncadd.s32 $0xFFFFC000  }
0x86b: {  	_ =	swait.ge [sflag:s23], $0x4000  }
0x86c: {  	[sflag:s23] =	ssyncset.done $0x0  }
0x86d: {  	[sflag:s23] =	ssyncadd.s32 $0xFFFFC000  }
0x86e: {  	_ =	sfence.sel $0x180000  }
0x86f: {  	[bflag:$0x0] =	sbarrier.arrive $0xFFFF  }
0x870: {  	_ =	strace $0x90000047  }
0x871: {  	s0 =	stileid.u32;
	[bflag:$0x2] =	sbarrier.arrive $0xFFFF  }
0x872: {  	p0 =	sne.s32 s0, $0x0;
	s0 =	rddreg [dreg:$0x2]  }
0x873: {  	s0 =	sadd.s32 @!p0 $0x100000, s0  }
0x874: {  	[sflag:s0] =	ssyncadd.tile.s32 @!p0 $0x1;
	_ =	shalt  }
.Lfunc_end2:
_tile_overlayer_lowered:
.L_overlay_start_2:
0x875: {  	(tag) =	ssettag $0x2  }
0x876: {  	s0 =	rddreg [dreg:$0x0];
	s2 =	stileid.u32  }
0x877: {  	s1 =	rddreg [dreg:$0x1];
	p0 =	sne.s32 s2, $0x0  }
0x878: {  	s3 =	rddreg [dreg:$0x2];
	[bflag:$0x3] =	sbarrier.arrive $0xFFFF;
	s2 =	simm.s32 @!p0 $0x1C07  }
0x879: {  	[timem:s3], [sflag:s2] =	dma.local @!p0 [hbm:s0], s1  }
0x87a: {  	s0 =	simm.s32 @!p0 $0x7  }
0x87b: {  	_ =	swait.ge @!p0 [sflag:s0], s1  }
0x87c: {  	s1 =	ssub.s32 @!p0 $0x0, s1;
	[sflag:s0] =	ssyncset.done @!p0 $0x0  }
0x87d: {  	[sflag:s0] =	ssyncadd.s32 @!p0 s1  }
0x87e: {  	[bflag:$0x3] =	sbarrier.arrive $0xFFFF  }
0x87f: {  	_ =	shalt  }

</sc_bundles>
